<compile_context>
chip_gen: v7x
topology: tpu7x:2x2x1
jax: 0.10.2.dev20260603
libtpu: 0.0.44.dev20260713+nightly
codegen_flags: <defaults>
</compile_context>

<pallas_src>
import math

import jax
import jax.numpy as jnp
from jax import lax
from jax.experimental import pallas as pl
from jax.experimental.pallas import tpu as pltpu
from jax.experimental.pallas import tpu_sc as plsc

_NC = 2
_NS = 16
_L = 16
_NW = _NC * _NS

_B, _C, _H, _W = 8, 16, 384, 384
_S = _H * _W
_H0 = 192
_TPB = _NW // _B
_RPT = (_H - _H0) // _TPB
_ROWS = 8
_NCHUNK = _RPT // _ROWS
_VPR = _W // _L
_NVEC = _ROWS * _VPR
_HB = 32

_LN2 = 0.6931471805599453
_C0 = 2.0 / _LN2
_C1 = _C0 / 3.0
_C2 = _C0 / 5.0
_C3 = _C0 / 7.0
_LOG2_LO = math.log2(1e-7)
_LOG2_HI = math.log2(0.9999999)


def _log2_f32(p):
    bits = lax.bitcast_convert_type(p, jnp.int32)
    ex = lax.shift_right_arithmetic(bits, 23) - 127
    mbits = lax.bitwise_or(lax.bitwise_and(bits, 0x007FFFFF), 0x3F800000)
    m = lax.bitcast_convert_type(mbits, jnp.float32)
    s = (m - 1.0) / (m + 1.0)
    z = s * s
    poly = _C0 + z * (_C1 + z * (_C2 + z * _C3))
    return ex.astype(jnp.float32) + s * poly


def _tree_loss_body(logits_hbm, targets_hbm, out_hbm,
                    xb, tb, accv, sgath, semx, semt):
    cid = lax.axis_index("c")
    sid = lax.axis_index("s")
    wid = sid * _NC + cid
    batch = wid // _TPB
    base = _H0 + (wid % _TPB) * _RPT

    def start(j, slot):
        row0 = base + j * _ROWS
        cx = pltpu.make_async_copy(
            logits_hbm.at[pl.ds(batch * _C, _C), pl.ds(row0, _ROWS), :],
            xb.at[slot], semx.at[slot])
        ct = pltpu.make_async_copy(
            targets_hbm.at[batch, pl.ds(row0, _ROWS), :],
            tb.at[slot], semt.at[slot])
        cx.start()
        ct.start()
        return cx, ct

    acc0 = jnp.zeros((_L,), jnp.float32)
    acc1 = jnp.zeros((_L,), jnp.float32)
    acc2 = jnp.zeros((_L,), jnp.float32)

    pend = start(0, 0)
    for j in range(_NCHUNK):
        slot = j & 1
        pend[0].wait()
        pend[1].wait()
        if j + 1 < _NCHUNK:
            pend = start(j + 1, 1 - slot)

        lane = lax.iota(jnp.int32, _L)

        def one_pixel_vec(t, x, sg):
            e = [jnp.exp(v) for v in x]
            s2 = [e[2 * k] + e[2 * k + 1] for k in range(8)]
            for k in range(8):
                sg[k, :] = s2[k]
            s1 = [s2[2 * k] + s2[2 * k + 1] for k in range(4)]
            total = (s1[0] + s1[1]) + (s1[2] + s1[3])
            rz = 1.0 / total

            i2 = lax.shift_right_logical(t, 1)
            q2 = lax.bitwise_xor(lax.bitwise_and(i2, ~1), 2)
            p2 = plsc.load_gather(sg, [i2, lane])
            p1 = p2 + plsc.load_gather(sg, [lax.bitwise_xor(i2, 1), lane])
            p0 = (p1 + plsc.load_gather(sg, [q2, lane])
                  + plsc.load_gather(sg, [lax.bitwise_or(q2, 1), lane]))

            l0 = jnp.maximum(_log2_f32(p0 * rz), _LOG2_LO)
            l1 = jnp.maximum(_log2_f32(p1 * rz), _LOG2_LO)
            l2 = jnp.maximum(_log2_f32(p2 * rz), _LOG2_LO)
            return l0, l1, l2

        def ibody(i, carry):
            a0, a1, a2 = carry
            r = i // _VPR
            sl = pl.ds((i % _VPR) * _L, _L)
            t = tb[slot, r, sl]
            x = [xb[slot, c, r, sl] for c in range(_C)]
            l0, l1, l2 = one_pixel_vec(t, x, sgath)
            return (a0 + l0, a1 + l1, a2 + l2)

        acc0, acc1, acc2 = lax.fori_loop(0, _NVEC, ibody, (acc0, acc1, acc2))

    accv[0, :] = acc0
    accv[1, :] = acc1
    accv[2, :] = acc2
    pltpu.sync_copy(accv, out_hbm.at[wid])


@jax.jit
def _tree_loss(logits2, targets2):
    mesh = plsc.VectorSubcoreMesh(core_axis_name="c", subcore_axis_name="s")
    run = pl.kernel(
        _tree_loss_body,
        out_type=jax.ShapeDtypeStruct((_NW, 3, _L), jnp.float32),
        mesh=mesh,
        scratch_types=[
            pltpu.VMEM((2, _C, _ROWS, _W), jnp.float32),
            pltpu.VMEM((2, _ROWS, _W), jnp.int32),
            pltpu.VMEM((3, _L), jnp.float32),
            pltpu.VMEM((8, _L), jnp.float32),
            pltpu.SemaphoreType.DMA((2,)),
            pltpu.SemaphoreType.DMA((2,)),
        ],
        compiler_params=pltpu.CompilerParams(
            use_tc_tiling_on_sc=True, needs_layout_passes=False
        ),
    )
    return run(logits2, targets2)


def _tc_body(lref, tref, oref):
    x = lref[0]
    t = tref[0]
    e = jnp.exp(x)
    s2 = e.reshape(8, 2, _HB, _W).sum(1)
    s1 = s2.reshape(4, 2, _HB, _W).sum(1)
    s0a = s1[0] + s1[1]
    s0b = s1[2] + s1[3]
    rz = 1.0 / (s0a + s0b)

    i2 = lax.shift_right_logical(t, 1)
    i1 = lax.shift_right_logical(t, 2)
    p2 = s2[7]
    for k in range(6, -1, -1):
        p2 = jnp.where(i2 == k, s2[k], p2)
    p1 = s1[3]
    for k in range(2, -1, -1):
        p1 = jnp.where(i1 == k, s1[k], p1)
    p0 = jnp.where(t < 8, s0a, s0b)

    lo, hi = 1e-7, 0.9999999
    sums = [jnp.sum(jnp.log(jnp.clip(p * rz, lo, hi))) for p in (p0, p1, p2)]
    oref[0, 0] = jnp.broadcast_to(jnp.stack(sums)[:, None], (3, 128))


@jax.jit
def _tc_loss(logits4, targets3):
    nrb = _H0 // _HB
    return pl.pallas_call(
        _tc_body,
        grid=(_B, nrb),
        in_specs=[
            pl.BlockSpec((1, _C, _HB, _W), lambda b, r: (b, 0, r, 0)),
            pl.BlockSpec((1, _HB, _W), lambda b, r: (b, r, 0)),
        ],
        out_specs=pl.BlockSpec((1, 1, 3, 128), lambda b, r: (b, r, 0, 0)),
        out_shape=jax.ShapeDtypeStruct((_B, nrb, 3, 128), jnp.float32),
    )(logits4, targets3)


def kernel(logits, targets):
    lg = logits.reshape(_B * _C, _H, _W)
    tg = targets.astype(jnp.int32)
    part_sc = _tree_loss(lg, tg)
    part_tc = _tc_loss(logits, tg)
    sums = (part_sc.sum(axis=(0, 2)) * jnp.float32(_LN2)
            + part_tc[:, :, :, 0].sum(axis=(0, 1)))
    losses = -(sums / jnp.float32(_B * _S))
    return (losses.sum(), losses)

# --- scband reference (transcript-rebuilt; emitter-appended) ---
"""Pipeline reference for scband-tree-cross-entropy-loss-18305150616186 (READ-ONLY COPY).

The authoritative reference and input builder live on the scoring server;
editing this copy changes nothing except your own understanding.
"""

import jax, jax.numpy as jnp
import numpy as np

# Hardcoded tree hierarchy (replaces the `root` tree object / getTreeList(root)).
# Each level maps channel -> branch id; channels in the same branch get their
# probabilities summed at that level (3-level binary tree over 16 classes).
_HIERARCHY = [
    np.array([0]*8 + [1]*8, dtype=np.int32),
    np.array([0]*4 + [1]*4 + [2]*4 + [3]*4, dtype=np.int32),
    np.array([0,0,1,1,2,2,3,3,4,4,5,5,6,6,7,7], dtype=np.int32),
]


def setup_inputs(seed: int = 0) -> dict:
    key = jax.random.key(seed)
    k1, k2 = jax.random.split(key)
    logits = jax.random.normal(k1, (8, 16, 384, 384), dtype=jnp.float32)
    targets = jax.random.randint(k2, (8, 384, 384), 0, 16, dtype=jnp.int32)
    return {"logits": logits, "targets": targets}


def reference(logits, targets):
    # logits: [B, C, H, W]; targets: [B, H, W] (torch version stacks a list of [H,W])
    logits = logits - jnp.max(logits)
    probs = jax.nn.softmax(logits, axis=1)
    losses = []
    for bid_np in _HIERARCHY:
        bid = jnp.asarray(bid_np)
        nb = int(bid_np.max()) + 1
        # sum probabilities within each tree branch at this level (scatter-add over channel axis)
        moved = jnp.moveaxis(probs, 1, 0)                      # [C, B, H, W]
        branch_sums = jax.ops.segment_sum(moved, bid, num_segments=nb)  # [nb, B, H, W]
        summed = jnp.moveaxis(branch_sums[bid], 0, 1)          # gather back: [B, C, H, W]
        logp = jnp.log(jnp.clip(summed, 1e-7, 0.9999999))
        # F.nll_loss with mean reduction over batch and spatial dims
        picked = jnp.take_along_axis(logp, targets[:, None, :, :].astype(jnp.int32), axis=1)[:, 0]
        losses.append(-jnp.mean(picked))
    loss = losses[0]
    for l in losses[1:]:
        loss = loss + l
    return (loss, jnp.stack(losses))

if __name__ == "__main__":
    import jax
    _d = setup_inputs()
    print(jax.jit(kernel)(*tuple(_d.values())))

</pallas_src>

<mosaic_0001>
#map = affine_map<(d0, d1) -> (0, 0, 0)>
module attributes {stable_mosaic.version = 14 : i64} {
  func.func @_tree_loss_body(%arg0: i32, %arg1: i32, %arg2: memref<128x384x384xf32, #tpu.memory_space<hbm>>, %arg3: memref<8x384x384xi32, #tpu.memory_space<hbm>>, %arg4: memref<32x3x16xf32, #tpu.memory_space<hbm>>, %arg5: memref<2x16x8x384xf32, #tpu.memory_space<vmem>>, %arg6: memref<2x8x384xi32, #tpu.memory_space<vmem>>, %arg7: memref<3x16xf32, #tpu.memory_space<vmem>>, %arg8: memref<8x16xf32, #tpu.memory_space<vmem>>, %arg9: memref<2x!tpu.dma_semaphore, #tpu.memory_space<semaphore_mem>>, %arg10: memref<2x!tpu.dma_semaphore, #tpu.memory_space<semaphore_mem>>) attributes {dimension_semantics = [#tpu.dimension_semantics<core_parallel>, #tpu.dimension_semantics<subcore_parallel>], iteration_bounds = array<i64: 2, 16>, scalar_prefetch = 0 : i64, scratch_operands = 6 : i64, tpu.core_type = #tpu.core_type<sc_vector_subcore>, window_params = [{transform_indices = #map}, {transform_indices = #map}, {transform_indices = #map}]} {
    %mul3A = arith.constant 2 : i32
    %mul3A_0 = arith.muli %arg1, %mul3A : i32
    %add3A = arith.addi %mul3A_0, %arg0 : i32
    %jit3A = arith.constant 4 : i32
    %div3A = arith.divsi %add3A, %jit3A : i32
    %sign3A = arith.constant 0 : i32
    %sign3A_1 = arith.cmpi sgt, %add3A, %sign3A : i32
    %sign3A_2 = arith.extui %sign3A_1 : i1 to i32
    %sign3A_3 = arith.constant 0 : i32
    %sign3A_4 = arith.cmpi slt, %add3A, %sign3A_3 : i32
    %sign3A_5 = arith.extui %sign3A_4 : i1 to i32
    %sign3A_6 = arith.subi %sign3A_2, %sign3A_5 : i32
    %sign3A_7 = arith.constant 0 : i32
    %sign3A_8 = arith.cmpi sgt, %jit3A, %sign3A_7 : i32
    %sign3A_9 = arith.extui %sign3A_8 : i1 to i32
    %sign3A_10 = arith.constant 0 : i32
    %sign3A_11 = arith.cmpi slt, %jit3A, %sign3A_10 : i32
    %sign3A_12 = arith.extui %sign3A_11 : i1 to i32
    %sign3A_13 = arith.subi %sign3A_9, %sign3A_12 : i32
    %ne3A = arith.cmpi ne, %sign3A_6, %sign3A_13 : i32
    %rem3A = arith.remsi %add3A, %jit3A : i32
    %ne3A_14 = arith.constant 0 : i32
    %ne3A_15 = arith.cmpi ne, %rem3A, %ne3A_14 : i32
    %and3A = arith.andi %ne3A, %ne3A_15 : i1
    %sub3A = arith.constant 1 : i32
    %sub3A_16 = arith.subi %div3A, %sub3A : i32
    %select_n3A = arith.select %and3A, %sub3A_16, %div3A : i32
    %jit3A_17 = arith.constant 4 : i32
    %eq3A = arith.constant 0 : i32
    %eq3A_18 = arith.cmpi eq, %jit3A_17, %eq3A : i32
    %jit3A_19 = arith.constant 1 : i32
    %select_n3A_20 = arith.select %eq3A_18, %jit3A_19, %jit3A_17 : i32
    %rem3A_21 = arith.remsi %add3A, %select_n3A_20 : i32
    %ne3A_22 = arith.constant 0 : i32
    %ne3A_23 = arith.cmpi ne, %rem3A_21, %ne3A_22 : i32
    %lt3A = arith.constant 0 : i32
    %lt3A_24 = arith.cmpi slt, %rem3A_21, %lt3A : i32
    %lt3A_25 = arith.constant 0 : i32
    %lt3A_26 = arith.cmpi slt, %select_n3A_20, %lt3A_25 : i32
    %ne3A_27 = arith.xori %lt3A_24, %lt3A_26 : i1
    %and3A_28 = arith.andi %ne3A_27, %ne3A_23 : i1
    %add3A_29 = arith.addi %rem3A_21, %select_n3A_20 : i32
    %select_n3A_30 = arith.select %and3A_28, %add3A_29, %rem3A_21 : i32
    %mul3A_31 = arith.constant 48 : i32
    %mul3A_32 = arith.muli %select_n3A_30, %mul3A_31 : i32
    %add3A_33 = arith.constant 192 : i32
    %add3A_34 = arith.addi %add3A_33, %mul3A_32 : i32
    %broadcast_in_dim3A = arith.constant 0.000000e+00 : f32
    %broadcast_in_dim3A_35 = vector.broadcast %broadcast_in_dim3A : f32 to vector<16xf32>
    %broadcast_in_dim3A_36 = arith.constant 0.000000e+00 : f32
    %broadcast_in_dim3A_37 = vector.broadcast %broadcast_in_dim3A_36 : f32 to vector<16xf32>
    %broadcast_in_dim3A_38 = arith.constant 0.000000e+00 : f32
    %broadcast_in_dim3A_39 = vector.broadcast %broadcast_in_dim3A_38 : f32 to vector<16xf32>
    %add3A_40 = arith.constant 0 : i32
    %add3A_41 = arith.addi %add3A_34, %add3A_40 : i32
    %mul3A_42 = arith.constant 16 : i32
    %mul3A_43 = arith.muli %select_n3A, %mul3A_42 : i32
    %dma_start3A = arith.constant 0 : i32
    %dma_start3A_44 = arith.constant 0 : i32
    %dma_start3A_45 = arith.constant 0 : i32
    %dma_start3A_46 = arith.constant 0 : i32
    %dma_start3A_47 = arith.constant 0 : i32
    %dma_start3A_48 = tpu.memref_slice %arg5[%dma_start3A, %dma_start3A_45, %dma_start3A_46, %dma_start3A_47] : memref<2x16x8x384xf32, #tpu.memory_space<vmem>> -> memref<1x16x8x384xf32, #tpu.memory_space<vmem>>
    %dma_start3A_49 = tpu.memref_squeeze %dma_start3A_48 : memref<1x16x8x384xf32, #tpu.memory_space<vmem>> -> memref<16x8x384xf32, #tpu.memory_space<vmem>>
    %dma_start3A_50 = arith.constant 0 : i32
    %dma_start3A_51 = tpu.memref_slice %arg2[%mul3A_43, %add3A_41, %dma_start3A_50] : memref<128x384x384xf32, #tpu.memory_space<hbm>> -> memref<16x8x384xf32, #tpu.memory_space<hbm>>
    %dma_start3A_52 = tpu.memref_slice %arg9[%dma_start3A_44] : memref<2x!tpu.dma_semaphore, #tpu.memory_space<semaphore_mem>> -> memref<1x!tpu.dma_semaphore, #tpu.memory_space<semaphore_mem>>
    %dma_start3A_53 = tpu.memref_squeeze %dma_start3A_52 : memref<1x!tpu.dma_semaphore, #tpu.memory_space<semaphore_mem>> -> memref<!tpu.dma_semaphore, #tpu.memory_space<semaphore_mem>>
    %dma_start3A_54 = arith.constant 0 : i32
    %dma_start3A_55 = arith.constant 0 : i32
    %dma_start3A_56 = arith.constant 0 : i32
    %dma_start3A_57 = tpu.memref_slice %arg5[%dma_start3A, %dma_start3A_54, %dma_start3A_55, %dma_start3A_56] : memref<2x16x8x384xf32, #tpu.memory_space<vmem>> -> memref<1x16x8x384xf32, #tpu.memory_space<vmem>>
    %dma_start3A_58 = tpu.memref_squeeze %dma_start3A_57 : memref<1x16x8x384xf32, #tpu.memory_space<vmem>> -> memref<16x8x384xf32, #tpu.memory_space<vmem>>
    %dma_start3A_59 = arith.constant 0 : i32
    %dma_start3A_60 = tpu.memref_slice %arg2[%mul3A_43, %add3A_41, %dma_start3A_59] : memref<128x384x384xf32, #tpu.memory_space<hbm>> -> memref<16x8x384xf32, #tpu.memory_space<hbm>>
    tpu.enqueue_dma source(%dma_start3A_60 : memref<16x8x384xf32, #tpu.memory_space<hbm>>) target(%dma_start3A_58 : memref<16x8x384xf32, #tpu.memory_space<vmem>>) target_semaphore(%dma_start3A_53 : memref<!tpu.dma_semaphore, #tpu.memory_space<semaphore_mem>>)
    %dma_start3A_61 = arith.constant 0 : i32
    %dma_start3A_62 = arith.constant 0 : i32
    %dma_start3A_63 = arith.constant 0 : i32
    %dma_start3A_64 = arith.constant 0 : i32
    %dma_start3A_65 = tpu.memref_slice %arg6[%dma_start3A_61, %dma_start3A_63, %dma_start3A_64] : memref<2x8x384xi32, #tpu.memory_space<vmem>> -> memref<1x8x384xi32, #tpu.memory_space<vmem>>
    %dma_start3A_66 = tpu.memref_squeeze %dma_start3A_65 : memref<1x8x384xi32, #tpu.memory_space<vmem>> -> memref<8x384xi32, #tpu.memory_space<vmem>>
    %dma_start3A_67 = arith.constant 0 : i32
    %dma_start3A_68 = tpu.memref_slice %arg3[%select_n3A, %add3A_41, %dma_start3A_67] : memref<8x384x384xi32, #tpu.memory_space<hbm>> -> memref<1x8x384xi32, #tpu.memory_space<hbm>>
    %dma_start3A_69 = tpu.memref_squeeze %dma_start3A_68 : memref<1x8x384xi32, #tpu.memory_space<hbm>> -> memref<8x384xi32, #tpu.memory_space<hbm>>
    %dma_start3A_70 = tpu.memref_slice %arg10[%dma_start3A_62] : memref<2x!tpu.dma_semaphore, #tpu.memory_space<semaphore_mem>> -> memref<1x!tpu.dma_semaphore, #tpu.memory_space<semaphore_mem>>
    %dma_start3A_71 = tpu.memref_squeeze %dma_start3A_70 : memref<1x!tpu.dma_semaphore, #tpu.memory_space<semaphore_mem>> -> memref<!tpu.dma_semaphore, #tpu.memory_space<semaphore_mem>>
    %dma_start3A_72 = arith.constant 0 : i32
    %dma_start3A_73 = arith.constant 0 : i32
    %dma_start3A_74 = tpu.memref_slice %arg6[%dma_start3A_61, %dma_start3A_72, %dma_start3A_73] : memref<2x8x384xi32, #tpu.memory_space<vmem>> -> memref<1x8x384xi32, #tpu.memory_space<vmem>>
    %dma_start3A_75 = tpu.memref_squeeze %dma_start3A_74 : memref<1x8x384xi32, #tpu.memory_space<vmem>> -> memref<8x384xi32, #tpu.memory_space<vmem>>
    %dma_start3A_76 = arith.constant 0 : i32
    %dma_start3A_77 = tpu.memref_slice %arg3[%select_n3A, %add3A_41, %dma_start3A_76] : memref<8x384x384xi32, #tpu.memory_space<hbm>> -> memref<1x8x384xi32, #tpu.memory_space<hbm>>
    %dma_start3A_78 = tpu.memref_squeeze %dma_start3A_77 : memref<1x8x384xi32, #tpu.memory_space<hbm>> -> memref<8x384xi32, #tpu.memory_space<hbm>>
    tpu.enqueue_dma source(%dma_start3A_78 : memref<8x384xi32, #tpu.memory_space<hbm>>) target(%dma_start3A_75 : memref<8x384xi32, #tpu.memory_space<vmem>>) target_semaphore(%dma_start3A_71 : memref<!tpu.dma_semaphore, #tpu.memory_space<semaphore_mem>>)
    %dma_wait3A = arith.constant 0 : i32
    %dma_wait3A_79 = arith.constant 0 : i32
    %dma_wait3A_80 = arith.constant 0 : i32
    %dma_wait3A_81 = arith.constant 0 : i32
    %dma_wait3A_82 = arith.constant 0 : i32
    %dma_wait3A_83 = tpu.memref_slice %arg5[%dma_wait3A, %dma_wait3A_80, %dma_wait3A_81, %dma_wait3A_82] : memref<2x16x8x384xf32, #tpu.memory_space<vmem>> -> memref<1x16x8x384xf32, #tpu.memory_space<vmem>>
    %dma_wait3A_84 = tpu.memref_squeeze %dma_wait3A_83 : memref<1x16x8x384xf32, #tpu.memory_space<vmem>> -> memref<16x8x384xf32, #tpu.memory_space<vmem>>
    %dma_wait3A_85 = arith.constant 0 : i32
    %dma_wait3A_86 = tpu.memref_slice %arg2[%mul3A_43, %add3A_41, %dma_wait3A_85] : memref<128x384x384xf32, #tpu.memory_space<hbm>> -> memref<16x8x384xf32, #tpu.memory_space<hbm>>
    %dma_wait3A_87 = tpu.memref_slice %arg9[%dma_wait3A_79] : memref<2x!tpu.dma_semaphore, #tpu.memory_space<semaphore_mem>> -> memref<1x!tpu.dma_semaphore, #tpu.memory_space<semaphore_mem>>
    %dma_wait3A_88 = tpu.memref_squeeze %dma_wait3A_87 : memref<1x!tpu.dma_semaphore, #tpu.memory_space<semaphore_mem>> -> memref<!tpu.dma_semaphore, #tpu.memory_space<semaphore_mem>>
    %dma_wait3A_89 = arith.constant 0 : i32
    %dma_wait3A_90 = arith.constant 0 : i32
    %dma_wait3A_91 = arith.constant 0 : i32
    %dma_wait3A_92 = tpu.memref_slice %arg5[%dma_wait3A, %dma_wait3A_89, %dma_wait3A_90, %dma_wait3A_91] : memref<2x16x8x384xf32, #tpu.memory_space<vmem>> -> memref<1x16x8x384xf32, #tpu.memory_space<vmem>>
    %dma_wait3A_93 = tpu.memref_squeeze %dma_wait3A_92 : memref<1x16x8x384xf32, #tpu.memory_space<vmem>> -> memref<16x8x384xf32, #tpu.memory_space<vmem>>
    %dma_wait3A_94 = arith.constant 0 : i32
    %dma_wait3A_95 = tpu.memref_slice %arg2[%mul3A_43, %add3A_41, %dma_wait3A_94] : memref<128x384x384xf32, #tpu.memory_space<hbm>> -> memref<16x8x384xf32, #tpu.memory_space<hbm>>
    tpu.wait_dma2 semaphore(%dma_wait3A_88 : memref<!tpu.dma_semaphore, #tpu.memory_space<semaphore_mem>>) src(%dma_wait3A_95 : memref<16x8x384xf32, #tpu.memory_space<hbm>>) dst(%dma_wait3A_93 : memref<16x8x384xf32, #tpu.memory_space<vmem>>)
    %dma_wait3A_96 = arith.constant 0 : i32
    %dma_wait3A_97 = arith.constant 0 : i32
    %dma_wait3A_98 = arith.constant 0 : i32
    %dma_wait3A_99 = arith.constant 0 : i32
    %dma_wait3A_100 = tpu.memref_slice %arg6[%dma_wait3A_96, %dma_wait3A_98, %dma_wait3A_99] : memref<2x8x384xi32, #tpu.memory_space<vmem>> -> memref<1x8x384xi32, #tpu.memory_space<vmem>>
    %dma_wait3A_101 = tpu.memref_squeeze %dma_wait3A_100 : memref<1x8x384xi32, #tpu.memory_space<vmem>> -> memref<8x384xi32, #tpu.memory_space<vmem>>
    %dma_wait3A_102 = arith.constant 0 : i32
    %dma_wait3A_103 = tpu.memref_slice %arg3[%select_n3A, %add3A_41, %dma_wait3A_102] : memref<8x384x384xi32, #tpu.memory_space<hbm>> -> memref<1x8x384xi32, #tpu.memory_space<hbm>>
    %dma_wait3A_104 = tpu.memref_squeeze %dma_wait3A_103 : memref<1x8x384xi32, #tpu.memory_space<hbm>> -> memref<8x384xi32, #tpu.memory_space<hbm>>
    %dma_wait3A_105 = tpu.memref_slice %arg10[%dma_wait3A_97] : memref<2x!tpu.dma_semaphore, #tpu.memory_space<semaphore_mem>> -> memref<1x!tpu.dma_semaphore, #tpu.memory_space<semaphore_mem>>
    %dma_wait3A_106 = tpu.memref_squeeze %dma_wait3A_105 : memref<1x!tpu.dma_semaphore, #tpu.memory_space<semaphore_mem>> -> memref<!tpu.dma_semaphore, #tpu.memory_space<semaphore_mem>>
    %dma_wait3A_107 = arith.constant 0 : i32
    %dma_wait3A_108 = arith.constant 0 : i32
    %dma_wait3A_109 = tpu.memref_slice %arg6[%dma_wait3A_96, %dma_wait3A_107, %dma_wait3A_108] : memref<2x8x384xi32, #tpu.memory_space<vmem>> -> memref<1x8x384xi32, #tpu.memory_space<vmem>>
    %dma_wait3A_110 = tpu.memref_squeeze %dma_wait3A_109 : memref<1x8x384xi32, #tpu.memory_space<vmem>> -> memref<8x384xi32, #tpu.memory_space<vmem>>
    %dma_wait3A_111 = arith.constant 0 : i32
    %dma_wait3A_112 = tpu.memref_slice %arg3[%select_n3A, %add3A_41, %dma_wait3A_111] : memref<8x384x384xi32, #tpu.memory_space<hbm>> -> memref<1x8x384xi32, #tpu.memory_space<hbm>>
    %dma_wait3A_113 = tpu.memref_squeeze %dma_wait3A_112 : memref<1x8x384xi32, #tpu.memory_space<hbm>> -> memref<8x384xi32, #tpu.memory_space<hbm>>
    tpu.wait_dma2 semaphore(%dma_wait3A_106 : memref<!tpu.dma_semaphore, #tpu.memory_space<semaphore_mem>>) src(%dma_wait3A_113 : memref<8x384xi32, #tpu.memory_space<hbm>>) dst(%dma_wait3A_110 : memref<8x384xi32, #tpu.memory_space<vmem>>)
    %add3A_114 = arith.constant 8 : i32
    %add3A_115 = arith.addi %add3A_34, %add3A_114 : i32
    %mul3A_116 = arith.constant 16 : i32
    %mul3A_117 = arith.muli %select_n3A, %mul3A_116 : i32
    %dma_start3A_118 = arith.constant 1 : i32
    %dma_start3A_119 = arith.constant 1 : i32
    %dma_start3A_120 = arith.constant 0 : i32
    %dma_start3A_121 = arith.constant 0 : i32
    %dma_start3A_122 = arith.constant 0 : i32
    %dma_start3A_123 = tpu.memref_slice %arg5[%dma_start3A_118, %dma_start3A_120, %dma_start3A_121, %dma_start3A_122] : memref<2x16x8x384xf32, #tpu.memory_space<vmem>> -> memref<1x16x8x384xf32, #tpu.memory_space<vmem>>
    %dma_start3A_124 = tpu.memref_squeeze %dma_start3A_123 : memref<1x16x8x384xf32, #tpu.memory_space<vmem>> -> memref<16x8x384xf32, #tpu.memory_space<vmem>>
    %dma_start3A_125 = arith.constant 0 : i32
    %dma_start3A_126 = tpu.memref_slice %arg2[%mul3A_117, %add3A_115, %dma_start3A_125] : memref<128x384x384xf32, #tpu.memory_space<hbm>> -> memref<16x8x384xf32, #tpu.memory_space<hbm>>
    %dma_start3A_127 = tpu.memref_slice %arg9[%dma_start3A_119] : memref<2x!tpu.dma_semaphore, #tpu.memory_space<semaphore_mem>> -> memref<1x!tpu.dma_semaphore, #tpu.memory_space<semaphore_mem>>
    %dma_start3A_128 = tpu.memref_squeeze %dma_start3A_127 : memref<1x!tpu.dma_semaphore, #tpu.memory_space<semaphore_mem>> -> memref<!tpu.dma_semaphore, #tpu.memory_space<semaphore_mem>>
    %dma_start3A_129 = arith.constant 0 : i32
    %dma_start3A_130 = arith.constant 0 : i32
    %dma_start3A_131 = arith.constant 0 : i32
    %dma_start3A_132 = tpu.memref_slice %arg5[%dma_start3A_118, %dma_start3A_129, %dma_start3A_130, %dma_start3A_131] : memref<2x16x8x384xf32, #tpu.memory_space<vmem>> -> memref<1x16x8x384xf32, #tpu.memory_space<vmem>>
    %dma_start3A_133 = tpu.memref_squeeze %dma_start3A_132 : memref<1x16x8x384xf32, #tpu.memory_space<vmem>> -> memref<16x8x384xf32, #tpu.memory_space<vmem>>
    %dma_start3A_134 = arith.constant 0 : i32
    %dma_start3A_135 = tpu.memref_slice %arg2[%mul3A_117, %add3A_115, %dma_start3A_134] : memref<128x384x384xf32, #tpu.memory_space<hbm>> -> memref<16x8x384xf32, #tpu.memory_space<hbm>>
    tpu.enqueue_dma source(%dma_start3A_135 : memref<16x8x384xf32, #tpu.memory_space<hbm>>) target(%dma_start3A_133 : memref<16x8x384xf32, #tpu.memory_space<vmem>>) target_semaphore(%dma_start3A_128 : memref<!tpu.dma_semaphore, #tpu.memory_space<semaphore_mem>>)
    %dma_start3A_136 = arith.constant 1 : i32
    %dma_start3A_137 = arith.constant 1 : i32
    %dma_start3A_138 = arith.constant 0 : i32
    %dma_start3A_139 = arith.constant 0 : i32
    %dma_start3A_140 = tpu.memref_slice %arg6[%dma_start3A_136, %dma_start3A_138, %dma_start3A_139] : memref<2x8x384xi32, #tpu.memory_space<vmem>> -> memref<1x8x384xi32, #tpu.memory_space<vmem>>
    %dma_start3A_141 = tpu.memref_squeeze %dma_start3A_140 : memref<1x8x384xi32, #tpu.memory_space<vmem>> -> memref<8x384xi32, #tpu.memory_space<vmem>>
    %dma_start3A_142 = arith.constant 0 : i32
    %dma_start3A_143 = tpu.memref_slice %arg3[%select_n3A, %add3A_115, %dma_start3A_142] : memref<8x384x384xi32, #tpu.memory_space<hbm>> -> memref<1x8x384xi32, #tpu.memory_space<hbm>>
    %dma_start3A_144 = tpu.memref_squeeze %dma_start3A_143 : memref<1x8x384xi32, #tpu.memory_space<hbm>> -> memref<8x384xi32, #tpu.memory_space<hbm>>
    %dma_start3A_145 = tpu.memref_slice %arg10[%dma_start3A_137] : memref<2x!tpu.dma_semaphore, #tpu.memory_space<semaphore_mem>> -> memref<1x!tpu.dma_semaphore, #tpu.memory_space<semaphore_mem>>
    %dma_start3A_146 = tpu.memref_squeeze %dma_start3A_145 : memref<1x!tpu.dma_semaphore, #tpu.memory_space<semaphore_mem>> -> memref<!tpu.dma_semaphore, #tpu.memory_space<semaphore_mem>>
    %dma_start3A_147 = arith.constant 0 : i32
    %dma_start3A_148 = arith.constant 0 : i32
    %dma_start3A_149 = tpu.memref_slice %arg6[%dma_start3A_136, %dma_start3A_147, %dma_start3A_148] : memref<2x8x384xi32, #tpu.memory_space<vmem>> -> memref<1x8x384xi32, #tpu.memory_space<vmem>>
    %dma_start3A_150 = tpu.memref_squeeze %dma_start3A_149 : memref<1x8x384xi32, #tpu.memory_space<vmem>> -> memref<8x384xi32, #tpu.memory_space<vmem>>
    %dma_start3A_151 = arith.constant 0 : i32
    %dma_start3A_152 = tpu.memref_slice %arg3[%select_n3A, %add3A_115, %dma_start3A_151] : memref<8x384x384xi32, #tpu.memory_space<hbm>> -> memref<1x8x384xi32, #tpu.memory_space<hbm>>
    %dma_start3A_153 = tpu.memref_squeeze %dma_start3A_152 : memref<1x8x384xi32, #tpu.memory_space<hbm>> -> memref<8x384xi32, #tpu.memory_space<hbm>>
    tpu.enqueue_dma source(%dma_start3A_153 : memref<8x384xi32, #tpu.memory_space<hbm>>) target(%dma_start3A_150 : memref<8x384xi32, #tpu.memory_space<vmem>>) target_semaphore(%dma_start3A_146 : memref<!tpu.dma_semaphore, #tpu.memory_space<semaphore_mem>>)
    %iota3A = tpu.iota {dimensions = array<i32: 0>} : vector<16xi32>
    %scan3A = arith.constant 0 : i32
    %scan3A_154 = arith.constant 192 : i32
    %scan3A_155 = arith.addi %scan3A, %scan3A_154 : i32
    %scan3A_156 = arith.constant 1 : i32
    %scan3A_157:3 = scf.for %scan3A_545 = %scan3A to %scan3A_155 step %scan3A_156 iter_args(%scan3A_546 = %broadcast_in_dim3A_35, %scan3A_547 = %broadcast_in_dim3A_37, %scan3A_548 = %broadcast_in_dim3A_39) -> (vector<16xf32>, vector<16xf32>, vector<16xf32>)  : i32 {
      %jit3A_549 = arith.constant 24 : i32
      %div3A_550 = arith.divsi %scan3A_545, %jit3A_549 : i32
      %sign3A_551 = arith.constant 0 : i32
      %sign3A_552 = arith.cmpi sgt, %scan3A_545, %sign3A_551 : i32
      %sign3A_553 = arith.extui %sign3A_552 : i1 to i32
      %sign3A_554 = arith.constant 0 : i32
      %sign3A_555 = arith.cmpi slt, %scan3A_545, %sign3A_554 : i32
      %sign3A_556 = arith.extui %sign3A_555 : i1 to i32
      %sign3A_557 = arith.subi %sign3A_553, %sign3A_556 : i32
      %sign3A_558 = arith.constant 0 : i32
      %sign3A_559 = arith.cmpi sgt, %jit3A_549, %sign3A_558 : i32
      %sign3A_560 = arith.extui %sign3A_559 : i1 to i32
      %sign3A_561 = arith.constant 0 : i32
      %sign3A_562 = arith.cmpi slt, %jit3A_549, %sign3A_561 : i32
      %sign3A_563 = arith.extui %sign3A_562 : i1 to i32
      %sign3A_564 = arith.subi %sign3A_560, %sign3A_563 : i32
      %ne3A_565 = arith.cmpi ne, %sign3A_557, %sign3A_564 : i32
      %rem3A_566 = arith.remsi %scan3A_545, %jit3A_549 : i32
      %ne3A_567 = arith.constant 0 : i32
      %ne3A_568 = arith.cmpi ne, %rem3A_566, %ne3A_567 : i32
      %and3A_569 = arith.andi %ne3A_565, %ne3A_568 : i1
      %sub3A_570 = arith.constant 1 : i32
      %sub3A_571 = arith.subi %div3A_550, %sub3A_570 : i32
      %select_n3A_572 = arith.select %and3A_569, %sub3A_571, %div3A_550 : i32
      %jit3A_573 = arith.constant 24 : i32
      %eq3A_574 = arith.constant 0 : i32
      %eq3A_575 = arith.cmpi eq, %jit3A_573, %eq3A_574 : i32
      %jit3A_576 = arith.constant 1 : i32
      %select_n3A_577 = arith.select %eq3A_575, %jit3A_576, %jit3A_573 : i32
      %rem3A_578 = arith.remsi %scan3A_545, %select_n3A_577 : i32
      %ne3A_579 = arith.constant 0 : i32
      %ne3A_580 = arith.cmpi ne, %rem3A_578, %ne3A_579 : i32
      %lt3A_581 = arith.constant 0 : i32
      %lt3A_582 = arith.cmpi slt, %rem3A_578, %lt3A_581 : i32
      %lt3A_583 = arith.constant 0 : i32
      %lt3A_584 = arith.cmpi slt, %select_n3A_577, %lt3A_583 : i32
      %ne3A_585 = arith.xori %lt3A_582, %lt3A_584 : i1
      %and3A_586 = arith.andi %ne3A_585, %ne3A_580 : i1
      %add3A_587 = arith.addi %rem3A_578, %select_n3A_577 : i32
      %select_n3A_588 = arith.select %and3A_586, %add3A_587, %rem3A_578 : i32
      %mul3A_589 = arith.constant 16 : i32
      %mul3A_590 = arith.muli %select_n3A_588, %mul3A_589 : i32
      %get3A = arith.constant 0 : i32
      %get3A_591 = arith.index_cast %get3A : i32 to index
      %get3A_592 = arith.index_cast %select_n3A_572 : i32 to index
      %get3A_593 = arith.index_cast %mul3A_590 : i32 to index
      %get3A_594 = tpu.vector_load %arg6[%get3A_591, %get3A_592, %get3A_593] {strides = array<i32>} : memref<2x8x384xi32, #tpu.memory_space<vmem>>, vector<16xi32>,
      %get3A_595 = arith.constant 0 : i32
      %get3A_596 = arith.constant 0 : i32
      %get3A_597 = arith.index_cast %get3A_595 : i32 to index
      %get3A_598 = arith.index_cast %get3A_596 : i32 to index
      %get3A_599 = arith.index_cast %select_n3A_572 : i32 to index
      %get3A_600 = arith.index_cast %mul3A_590 : i32 to index
      %get3A_601 = tpu.vector_load %arg5[%get3A_597, %get3A_598, %get3A_599, %get3A_600] {strides = array<i32>} : memref<2x16x8x384xf32, #tpu.memory_space<vmem>>, vector<16xf32>,
      %get3A_602 = arith.constant 0 : i32
      %get3A_603 = arith.constant 1 : i32
      %get3A_604 = arith.index_cast %get3A_602 : i32 to index
      %get3A_605 = arith.index_cast %get3A_603 : i32 to index
      %get3A_606 = arith.index_cast %select_n3A_572 : i32 to index
      %get3A_607 = arith.index_cast %mul3A_590 : i32 to index
      %get3A_608 = tpu.vector_load %arg5[%get3A_604, %get3A_605, %get3A_606, %get3A_607] {strides = array<i32>} : memref<2x16x8x384xf32, #tpu.memory_space<vmem>>, vector<16xf32>,
      %get3A_609 = arith.constant 0 : i32
      %get3A_610 = arith.constant 2 : i32
      %get3A_611 = arith.index_cast %get3A_609 : i32 to index
      %get3A_612 = arith.index_cast %get3A_610 : i32 to index
      %get3A_613 = arith.index_cast %select_n3A_572 : i32 to index
      %get3A_614 = arith.index_cast %mul3A_590 : i32 to index
      %get3A_615 = tpu.vector_load %arg5[%get3A_611, %get3A_612, %get3A_613, %get3A_614] {strides = array<i32>} : memref<2x16x8x384xf32, #tpu.memory_space<vmem>>, vector<16xf32>,
      %get3A_616 = arith.constant 0 : i32
      %get3A_617 = arith.constant 3 : i32
      %get3A_618 = arith.index_cast %get3A_616 : i32 to index
      %get3A_619 = arith.index_cast %get3A_617 : i32 to index
      %get3A_620 = arith.index_cast %select_n3A_572 : i32 to index
      %get3A_621 = arith.index_cast %mul3A_590 : i32 to index
      %get3A_622 = tpu.vector_load %arg5[%get3A_618, %get3A_619, %get3A_620, %get3A_621] {strides = array<i32>} : memref<2x16x8x384xf32, #tpu.memory_space<vmem>>, vector<16xf32>,
      %get3A_623 = arith.constant 0 : i32
      %get3A_624 = arith.constant 4 : i32
      %get3A_625 = arith.index_cast %get3A_623 : i32 to index
      %get3A_626 = arith.index_cast %get3A_624 : i32 to index
      %get3A_627 = arith.index_cast %select_n3A_572 : i32 to index
      %get3A_628 = arith.index_cast %mul3A_590 : i32 to index
      %get3A_629 = tpu.vector_load %arg5[%get3A_625, %get3A_626, %get3A_627, %get3A_628] {strides = array<i32>} : memref<2x16x8x384xf32, #tpu.memory_space<vmem>>, vector<16xf32>,
      %get3A_630 = arith.constant 0 : i32
      %get3A_631 = arith.constant 5 : i32
      %get3A_632 = arith.index_cast %get3A_630 : i32 to index
      %get3A_633 = arith.index_cast %get3A_631 : i32 to index
      %get3A_634 = arith.index_cast %select_n3A_572 : i32 to index
      %get3A_635 = arith.index_cast %mul3A_590 : i32 to index
      %get3A_636 = tpu.vector_load %arg5[%get3A_632, %get3A_633, %get3A_634, %get3A_635] {strides = array<i32>} : memref<2x16x8x384xf32, #tpu.memory_space<vmem>>, vector<16xf32>,
      %get3A_637 = arith.constant 0 : i32
      %get3A_638 = arith.constant 6 : i32
      %get3A_639 = arith.index_cast %get3A_637 : i32 to index
      %get3A_640 = arith.index_cast %get3A_638 : i32 to index
      %get3A_641 = arith.index_cast %select_n3A_572 : i32 to index
      %get3A_642 = arith.index_cast %mul3A_590 : i32 to index
      %get3A_643 = tpu.vector_load %arg5[%get3A_639, %get3A_640, %get3A_641, %get3A_642] {strides = array<i32>} : memref<2x16x8x384xf32, #tpu.memory_space<vmem>>, vector<16xf32>,
      %get3A_644 = arith.constant 0 : i32
      %get3A_645 = arith.constant 7 : i32
      %get3A_646 = arith.index_cast %get3A_644 : i32 to index
      %get3A_647 = arith.index_cast %get3A_645 : i32 to index
      %get3A_648 = arith.index_cast %select_n3A_572 : i32 to index
      %get3A_649 = arith.index_cast %mul3A_590 : i32 to index
      %get3A_650 = tpu.vector_load %arg5[%get3A_646, %get3A_647, %get3A_648, %get3A_649] {strides = array<i32>} : memref<2x16x8x384xf32, #tpu.memory_space<vmem>>, vector<16xf32>,
      %get3A_651 = arith.constant 0 : i32
      %get3A_652 = arith.constant 8 : i32
      %get3A_653 = arith.index_cast %get3A_651 : i32 to index
      %get3A_654 = arith.index_cast %get3A_652 : i32 to index
      %get3A_655 = arith.index_cast %select_n3A_572 : i32 to index
      %get3A_656 = arith.index_cast %mul3A_590 : i32 to index
      %get3A_657 = tpu.vector_load %arg5[%get3A_653, %get3A_654, %get3A_655, %get3A_656] {strides = array<i32>} : memref<2x16x8x384xf32, #tpu.memory_space<vmem>>, vector<16xf32>,
      %get3A_658 = arith.constant 0 : i32
      %get3A_659 = arith.constant 9 : i32
      %get3A_660 = arith.index_cast %get3A_658 : i32 to index
      %get3A_661 = arith.index_cast %get3A_659 : i32 to index
      %get3A_662 = arith.index_cast %select_n3A_572 : i32 to index
      %get3A_663 = arith.index_cast %mul3A_590 : i32 to index
      %get3A_664 = tpu.vector_load %arg5[%get3A_660, %get3A_661, %get3A_662, %get3A_663] {strides = array<i32>} : memref<2x16x8x384xf32, #tpu.memory_space<vmem>>, vector<16xf32>,
      %get3A_665 = arith.constant 0 : i32
      %get3A_666 = arith.constant 10 : i32
      %get3A_667 = arith.index_cast %get3A_665 : i32 to index
      %get3A_668 = arith.index_cast %get3A_666 : i32 to index
      %get3A_669 = arith.index_cast %select_n3A_572 : i32 to index
      %get3A_670 = arith.index_cast %mul3A_590 : i32 to index
      %get3A_671 = tpu.vector_load %arg5[%get3A_667, %get3A_668, %get3A_669, %get3A_670] {strides = array<i32>} : memref<2x16x8x384xf32, #tpu.memory_space<vmem>>, vector<16xf32>,
      %get3A_672 = arith.constant 0 : i32
      %get3A_673 = arith.constant 11 : i32
      %get3A_674 = arith.index_cast %get3A_672 : i32 to index
      %get3A_675 = arith.index_cast %get3A_673 : i32 to index
      %get3A_676 = arith.index_cast %select_n3A_572 : i32 to index
      %get3A_677 = arith.index_cast %mul3A_590 : i32 to index
      %get3A_678 = tpu.vector_load %arg5[%get3A_674, %get3A_675, %get3A_676, %get3A_677] {strides = array<i32>} : memref<2x16x8x384xf32, #tpu.memory_space<vmem>>, vector<16xf32>,
      %get3A_679 = arith.constant 0 : i32
      %get3A_680 = arith.constant 12 : i32
      %get3A_681 = arith.index_cast %get3A_679 : i32 to index
      %get3A_682 = arith.index_cast %get3A_680 : i32 to index
      %get3A_683 = arith.index_cast %select_n3A_572 : i32 to index
      %get3A_684 = arith.index_cast %mul3A_590 : i32 to index
      %get3A_685 = tpu.vector_load %arg5[%get3A_681, %get3A_682, %get3A_683, %get3A_684] {strides = array<i32>} : memref<2x16x8x384xf32, #tpu.memory_space<vmem>>, vector<16xf32>,
      %get3A_686 = arith.constant 0 : i32
      %get3A_687 = arith.constant 13 : i32
      %get3A_688 = arith.index_cast %get3A_686 : i32 to index
      %get3A_689 = arith.index_cast %get3A_687 : i32 to index
      %get3A_690 = arith.index_cast %select_n3A_572 : i32 to index
      %get3A_691 = arith.index_cast %mul3A_590 : i32 to index
      %get3A_692 = tpu.vector_load %arg5[%get3A_688, %get3A_689, %get3A_690, %get3A_691] {strides = array<i32>} : memref<2x16x8x384xf32, #tpu.memory_space<vmem>>, vector<16xf32>,
      %get3A_693 = arith.constant 0 : i32
      %get3A_694 = arith.constant 14 : i32
      %get3A_695 = arith.index_cast %get3A_693 : i32 to index
      %get3A_696 = arith.index_cast %get3A_694 : i32 to index
      %get3A_697 = arith.index_cast %select_n3A_572 : i32 to index
      %get3A_698 = arith.index_cast %mul3A_590 : i32 to index
      %get3A_699 = tpu.vector_load %arg5[%get3A_695, %get3A_696, %get3A_697, %get3A_698] {strides = array<i32>} : memref<2x16x8x384xf32, #tpu.memory_space<vmem>>, vector<16xf32>,
      %get3A_700 = arith.constant 0 : i32
      %get3A_701 = arith.constant 15 : i32
      %get3A_702 = arith.index_cast %get3A_700 : i32 to index
      %get3A_703 = arith.index_cast %get3A_701 : i32 to index
      %get3A_704 = arith.index_cast %select_n3A_572 : i32 to index
      %get3A_705 = arith.index_cast %mul3A_590 : i32 to index
      %get3A_706 = tpu.vector_load %arg5[%get3A_702, %get3A_703, %get3A_704, %get3A_705] {strides = array<i32>} : memref<2x16x8x384xf32, #tpu.memory_space<vmem>>, vector<16xf32>,
      %exp3A = math.exp %get3A_601 : vector<16xf32>
      %exp3A_707 = math.exp %get3A_608 : vector<16xf32>
      %exp3A_708 = math.exp %get3A_615 : vector<16xf32>
      %exp3A_709 = math.exp %get3A_622 : vector<16xf32>
      %exp3A_710 = math.exp %get3A_629 : vector<16xf32>
      %exp3A_711 = math.exp %get3A_636 : vector<16xf32>
      %exp3A_712 = math.exp %get3A_643 : vector<16xf32>
      %exp3A_713 = math.exp %get3A_650 : vector<16xf32>
      %exp3A_714 = math.exp %get3A_657 : vector<16xf32>
      %exp3A_715 = math.exp %get3A_664 : vector<16xf32>
      %exp3A_716 = math.exp %get3A_671 : vector<16xf32>
      %exp3A_717 = math.exp %get3A_678 : vector<16xf32>
      %exp3A_718 = math.exp %get3A_685 : vector<16xf32>
      %exp3A_719 = math.exp %get3A_692 : vector<16xf32>
      %exp3A_720 = math.exp %get3A_699 : vector<16xf32>
      %exp3A_721 = math.exp %get3A_706 : vector<16xf32>
      %add3A_722 = arith.addf %exp3A, %exp3A_707 : vector<16xf32>
      %add3A_723 = arith.addf %exp3A_708, %exp3A_709 : vector<16xf32>
      %add3A_724 = arith.addf %exp3A_710, %exp3A_711 : vector<16xf32>
      %add3A_725 = arith.addf %exp3A_712, %exp3A_713 : vector<16xf32>
      %add3A_726 = arith.addf %exp3A_714, %exp3A_715 : vector<16xf32>
      %add3A_727 = arith.addf %exp3A_716, %exp3A_717 : vector<16xf32>
      %add3A_728 = arith.addf %exp3A_718, %exp3A_719 : vector<16xf32>
      %add3A_729 = arith.addf %exp3A_720, %exp3A_721 : vector<16xf32>
      %swap3A_730 = arith.constant 0 : i32
      %swap3A_731 = arith.index_cast %swap3A_730 : i32 to index
      %swap3A_732 = arith.constant 0 : index
      %swap3A_733 = tpu.vector_load %arg8[%swap3A_731, %swap3A_732] {strides = array<i32>} : memref<8x16xf32, #tpu.memory_space<vmem>>, vector<16xf32>,
      tpu.vector_store %arg8[%swap3A_731, %swap3A_732], %add3A_722 {strides = array<i32>} : memref<8x16xf32, #tpu.memory_space<vmem>>, vector<16xf32>,
      %swap3A_734 = arith.constant 1 : i32
      %swap3A_735 = arith.index_cast %swap3A_734 : i32 to index
      %swap3A_736 = arith.constant 0 : index
      %swap3A_737 = tpu.vector_load %arg8[%swap3A_735, %swap3A_736] {strides = array<i32>} : memref<8x16xf32, #tpu.memory_space<vmem>>, vector<16xf32>,
      tpu.vector_store %arg8[%swap3A_735, %swap3A_736], %add3A_723 {strides = array<i32>} : memref<8x16xf32, #tpu.memory_space<vmem>>, vector<16xf32>,
      %swap3A_738 = arith.constant 2 : i32
      %swap3A_739 = arith.index_cast %swap3A_738 : i32 to index
      %swap3A_740 = arith.constant 0 : index
      %swap3A_741 = tpu.vector_load %arg8[%swap3A_739, %swap3A_740] {strides = array<i32>} : memref<8x16xf32, #tpu.memory_space<vmem>>, vector<16xf32>,
      tpu.vector_store %arg8[%swap3A_739, %swap3A_740], %add3A_724 {strides = array<i32>} : memref<8x16xf32, #tpu.memory_space<vmem>>, vector<16xf32>,
      %swap3A_742 = arith.constant 3 : i32
      %swap3A_743 = arith.index_cast %swap3A_742 : i32 to index
      %swap3A_744 = arith.constant 0 : index
      %swap3A_745 = tpu.vector_load %arg8[%swap3A_743, %swap3A_744] {strides = array<i32>} : memref<8x16xf32, #tpu.memory_space<vmem>>, vector<16xf32>,
      tpu.vector_store %arg8[%swap3A_743, %swap3A_744], %add3A_725 {strides = array<i32>} : memref<8x16xf32, #tpu.memory_space<vmem>>, vector<16xf32>,
      %swap3A_746 = arith.constant 4 : i32
      %swap3A_747 = arith.index_cast %swap3A_746 : i32 to index
      %swap3A_748 = arith.constant 0 : index
      %swap3A_749 = tpu.vector_load %arg8[%swap3A_747, %swap3A_748] {strides = array<i32>} : memref<8x16xf32, #tpu.memory_space<vmem>>, vector<16xf32>,
      tpu.vector_store %arg8[%swap3A_747, %swap3A_748], %add3A_726 {strides = array<i32>} : memref<8x16xf32, #tpu.memory_space<vmem>>, vector<16xf32>,
      %swap3A_750 = arith.constant 5 : i32
      %swap3A_751 = arith.index_cast %swap3A_750 : i32 to index
      %swap3A_752 = arith.constant 0 : index
      %swap3A_753 = tpu.vector_load %arg8[%swap3A_751, %swap3A_752] {strides = array<i32>} : memref<8x16xf32, #tpu.memory_space<vmem>>, vector<16xf32>,
      tpu.vector_store %arg8[%swap3A_751, %swap3A_752], %add3A_727 {strides = array<i32>} : memref<8x16xf32, #tpu.memory_space<vmem>>, vector<16xf32>,
      %swap3A_754 = arith.constant 6 : i32
      %swap3A_755 = arith.index_cast %swap3A_754 : i32 to index
      %swap3A_756 = arith.constant 0 : index
      %swap3A_757 = tpu.vector_load %arg8[%swap3A_755, %swap3A_756] {strides = array<i32>} : memref<8x16xf32, #tpu.memory_space<vmem>>, vector<16xf32>,
      tpu.vector_store %arg8[%swap3A_755, %swap3A_756], %add3A_728 {strides = array<i32>} : memref<8x16xf32, #tpu.memory_space<vmem>>, vector<16xf32>,
      %swap3A_758 = arith.constant 7 : i32
      %swap3A_759 = arith.index_cast %swap3A_758 : i32 to index
      %swap3A_760 = arith.constant 0 : index
      %swap3A_761 = tpu.vector_load %arg8[%swap3A_759, %swap3A_760] {strides = array<i32>} : memref<8x16xf32, #tpu.memory_space<vmem>>, vector<16xf32>,
      tpu.vector_store %arg8[%swap3A_759, %swap3A_760], %add3A_729 {strides = array<i32>} : memref<8x16xf32, #tpu.memory_space<vmem>>, vector<16xf32>,
      %add3A_762 = arith.addf %add3A_722, %add3A_723 : vector<16xf32>
      %add3A_763 = arith.addf %add3A_724, %add3A_725 : vector<16xf32>
      %add3A_764 = arith.addf %add3A_726, %add3A_727 : vector<16xf32>
      %add3A_765 = arith.addf %add3A_728, %add3A_729 : vector<16xf32>
      %add3A_766 = arith.addf %add3A_762, %add3A_763 : vector<16xf32>
      %add3A_767 = arith.addf %add3A_764, %add3A_765 : vector<16xf32>
      %add3A_768 = arith.addf %add3A_766, %add3A_767 : vector<16xf32>
      %div3A_769 = arith.constant 1.000000e+00 : f32
      %div3A_770 = vector.broadcast %div3A_769 : f32 to vector<16xf32>
      %div3A_771 = arith.divf %div3A_770, %add3A_768 : vector<16xf32>
      %shift_right_logical3A = arith.constant 1 : i32
      %shift_right_logical3A_772 = vector.broadcast %shift_right_logical3A : i32 to vector<16xi32>
      %shift_right_logical3A_773 = arith.shrui %get3A_594, %shift_right_logical3A_772 : vector<16xi32>
      %and3A_774 = arith.constant -2 : i32
      %and3A_775 = vector.broadcast %and3A_774 : i32 to vector<16xi32>
      %and3A_776 = arith.andi %shift_right_logical3A_773, %and3A_775 : vector<16xi32>
      %xor3A = arith.constant 2 : i32
      %xor3A_777 = vector.broadcast %xor3A : i32 to vector<16xi32>
      %xor3A_778 = arith.xori %and3A_776, %xor3A_777 : vector<16xi32>
      %gather3A = tpu.vector_load_idx %arg8[%shift_right_logical3A_773, %iota3A] : memref<8x16xf32, #tpu.memory_space<vmem>>[vector<16xi32>, vector<16xi32>], vector<16xf32>,
      %xor3A_779 = arith.constant 1 : i32
      %xor3A_780 = vector.broadcast %xor3A_779 : i32 to vector<16xi32>
      %xor3A_781 = arith.xori %shift_right_logical3A_773, %xor3A_780 : vector<16xi32>
      %gather3A_782 = tpu.vector_load_idx %arg8[%xor3A_781, %iota3A] : memref<8x16xf32, #tpu.memory_space<vmem>>[vector<16xi32>, vector<16xi32>], vector<16xf32>,
      %add3A_783 = arith.addf %gather3A, %gather3A_782 : vector<16xf32>
      %gather3A_784 = tpu.vector_load_idx %arg8[%xor3A_778, %iota3A] : memref<8x16xf32, #tpu.memory_space<vmem>>[vector<16xi32>, vector<16xi32>], vector<16xf32>,
      %add3A_785 = arith.addf %add3A_783, %gather3A_784 : vector<16xf32>
      %or3A = arith.constant 1 : i32
      %or3A_786 = vector.broadcast %or3A : i32 to vector<16xi32>
      %or3A_787 = arith.ori %xor3A_778, %or3A_786 : vector<16xi32>
      %gather3A_788 = tpu.vector_load_idx %arg8[%or3A_787, %iota3A] : memref<8x16xf32, #tpu.memory_space<vmem>>[vector<16xi32>, vector<16xi32>], vector<16xf32>,
      %add3A_789 = arith.addf %add3A_785, %gather3A_788 : vector<16xf32>
      %mul3A_790 = arith.mulf %add3A_789, %div3A_771 : vector<16xf32>
      %bitcast_convert_type3A = tpu.bitcast %mul3A_790 : vector<16xf32> -> vector<16xi32>
      %shift_right_arithmetic3A = arith.constant 23 : i32
      %shift_right_arithmetic3A_791 = vector.broadcast %shift_right_arithmetic3A : i32 to vector<16xi32>
      %shift_right_arithmetic3A_792 = arith.shrsi %bitcast_convert_type3A, %shift_right_arithmetic3A_791 : vector<16xi32>
      %sub3A_793 = arith.constant 127 : i32
      %sub3A_794 = vector.broadcast %sub3A_793 : i32 to vector<16xi32>
      %sub3A_795 = arith.subi %shift_right_arithmetic3A_792, %sub3A_794 : vector<16xi32>
      %and3A_796 = arith.constant 8388607 : i32
      %and3A_797 = vector.broadcast %and3A_796 : i32 to vector<16xi32>
      %and3A_798 = arith.andi %bitcast_convert_type3A, %and3A_797 : vector<16xi32>
      %or3A_799 = arith.constant 1065353216 : i32
      %or3A_800 = vector.broadcast %or3A_799 : i32 to vector<16xi32>
      %or3A_801 = arith.ori %and3A_798, %or3A_800 : vector<16xi32>
      %bitcast_convert_type3A_802 = tpu.bitcast %or3A_801 : vector<16xi32> -> vector<16xf32>
      %sub3A_803 = arith.constant 1.000000e+00 : f32
      %sub3A_804 = vector.broadcast %sub3A_803 : f32 to vector<16xf32>
      %sub3A_805 = arith.subf %bitcast_convert_type3A_802, %sub3A_804 : vector<16xf32>
      %add3A_806 = arith.constant 1.000000e+00 : f32
      %add3A_807 = vector.broadcast %add3A_806 : f32 to vector<16xf32>
      %add3A_808 = arith.addf %bitcast_convert_type3A_802, %add3A_807 : vector<16xf32>
      %div3A_809 = arith.divf %sub3A_805, %add3A_808 : vector<16xf32>
      %mul3A_810 = arith.mulf %div3A_809, %div3A_809 : vector<16xf32>
      %mul3A_811 = arith.constant 0.412198573 : f32
      %mul3A_812 = vector.broadcast %mul3A_811 : f32 to vector<16xf32>
      %mul3A_813 = arith.mulf %mul3A_810, %mul3A_812 : vector<16xf32>
      %add3A_814 = arith.constant 0.577078044 : f32
      %add3A_815 = vector.broadcast %add3A_814 : f32 to vector<16xf32>
      %add3A_816 = arith.addf %add3A_815, %mul3A_813 : vector<16xf32>
      %mul3A_817 = arith.mulf %mul3A_810, %add3A_816 : vector<16xf32>
      %add3A_818 = arith.constant 0.9617967 : f32
      %add3A_819 = vector.broadcast %add3A_818 : f32 to vector<16xf32>
      %add3A_820 = arith.addf %add3A_819, %mul3A_817 : vector<16xf32>
      %mul3A_821 = arith.mulf %mul3A_810, %add3A_820 : vector<16xf32>
      %add3A_822 = arith.constant 2.885390e+00 : f32
      %add3A_823 = vector.broadcast %add3A_822 : f32 to vector<16xf32>
      %add3A_824 = arith.addf %add3A_823, %mul3A_821 : vector<16xf32>
      %convert_element_type3A = arith.sitofp %sub3A_795 : vector<16xi32> to vector<16xf32>
      %mul3A_825 = arith.mulf %div3A_809, %add3A_824 : vector<16xf32>
      %add3A_826 = arith.addf %convert_element_type3A, %mul3A_825 : vector<16xf32>
      %max3A = arith.constant -23.2534962 : f32
      %max3A_827 = vector.broadcast %max3A : f32 to vector<16xf32>
      %max3A_828 = arith.maximumf %add3A_826, %max3A_827 : vector<16xf32>
      %mul3A_829 = arith.mulf %add3A_783, %div3A_771 : vector<16xf32>
      %bitcast_convert_type3A_830 = tpu.bitcast %mul3A_829 : vector<16xf32> -> vector<16xi32>
      %shift_right_arithmetic3A_831 = arith.constant 23 : i32
      %shift_right_arithmetic3A_832 = vector.broadcast %shift_right_arithmetic3A_831 : i32 to vector<16xi32>
      %shift_right_arithmetic3A_833 = arith.shrsi %bitcast_convert_type3A_830, %shift_right_arithmetic3A_832 : vector<16xi32>
      %sub3A_834 = arith.constant 127 : i32
      %sub3A_835 = vector.broadcast %sub3A_834 : i32 to vector<16xi32>
      %sub3A_836 = arith.subi %shift_right_arithmetic3A_833, %sub3A_835 : vector<16xi32>
      %and3A_837 = arith.constant 8388607 : i32
      %and3A_838 = vector.broadcast %and3A_837 : i32 to vector<16xi32>
      %and3A_839 = arith.andi %bitcast_convert_type3A_830, %and3A_838 : vector<16xi32>
      %or3A_840 = arith.constant 1065353216 : i32
      %or3A_841 = vector.broadcast %or3A_840 : i32 to vector<16xi32>
      %or3A_842 = arith.ori %and3A_839, %or3A_841 : vector<16xi32>
      %bitcast_convert_type3A_843 = tpu.bitcast %or3A_842 : vector<16xi32> -> vector<16xf32>
      %sub3A_844 = arith.constant 1.000000e+00 : f32
      %sub3A_845 = vector.broadcast %sub3A_844 : f32 to vector<16xf32>
      %sub3A_846 = arith.subf %bitcast_convert_type3A_843, %sub3A_845 : vector<16xf32>
      %add3A_847 = arith.constant 1.000000e+00 : f32
      %add3A_848 = vector.broadcast %add3A_847 : f32 to vector<16xf32>
      %add3A_849 = arith.addf %bitcast_convert_type3A_843, %add3A_848 : vector<16xf32>
      %div3A_850 = arith.divf %sub3A_846, %add3A_849 : vector<16xf32>
      %mul3A_851 = arith.mulf %div3A_850, %div3A_850 : vector<16xf32>
      %mul3A_852 = arith.constant 0.412198573 : f32
      %mul3A_853 = vector.broadcast %mul3A_852 : f32 to vector<16xf32>
      %mul3A_854 = arith.mulf %mul3A_851, %mul3A_853 : vector<16xf32>
      %add3A_855 = arith.constant 0.577078044 : f32
      %add3A_856 = vector.broadcast %add3A_855 : f32 to vector<16xf32>
      %add3A_857 = arith.addf %add3A_856, %mul3A_854 : vector<16xf32>
      %mul3A_858 = arith.mulf %mul3A_851, %add3A_857 : vector<16xf32>
      %add3A_859 = arith.constant 0.9617967 : f32
      %add3A_860 = vector.broadcast %add3A_859 : f32 to vector<16xf32>
      %add3A_861 = arith.addf %add3A_860, %mul3A_858 : vector<16xf32>
      %mul3A_862 = arith.mulf %mul3A_851, %add3A_861 : vector<16xf32>
      %add3A_863 = arith.constant 2.885390e+00 : f32
      %add3A_864 = vector.broadcast %add3A_863 : f32 to vector<16xf32>
      %add3A_865 = arith.addf %add3A_864, %mul3A_862 : vector<16xf32>
      %convert_element_type3A_866 = arith.sitofp %sub3A_836 : vector<16xi32> to vector<16xf32>
      %mul3A_867 = arith.mulf %div3A_850, %add3A_865 : vector<16xf32>
      %add3A_868 = arith.addf %convert_element_type3A_866, %mul3A_867 : vector<16xf32>
      %max3A_869 = arith.constant -23.2534962 : f32
      %max3A_870 = vector.broadcast %max3A_869 : f32 to vector<16xf32>
      %max3A_871 = arith.maximumf %add3A_868, %max3A_870 : vector<16xf32>
      %mul3A_872 = arith.mulf %gather3A, %div3A_771 : vector<16xf32>
      %bitcast_convert_type3A_873 = tpu.bitcast %mul3A_872 : vector<16xf32> -> vector<16xi32>
      %shift_right_arithmetic3A_874 = arith.constant 23 : i32
      %shift_right_arithmetic3A_875 = vector.broadcast %shift_right_arithmetic3A_874 : i32 to vector<16xi32>
      %shift_right_arithmetic3A_876 = arith.shrsi %bitcast_convert_type3A_873, %shift_right_arithmetic3A_875 : vector<16xi32>
      %sub3A_877 = arith.constant 127 : i32
      %sub3A_878 = vector.broadcast %sub3A_877 : i32 to vector<16xi32>
      %sub3A_879 = arith.subi %shift_right_arithmetic3A_876, %sub3A_878 : vector<16xi32>
      %and3A_880 = arith.constant 8388607 : i32
      %and3A_881 = vector.broadcast %and3A_880 : i32 to vector<16xi32>
      %and3A_882 = arith.andi %bitcast_convert_type3A_873, %and3A_881 : vector<16xi32>
      %or3A_883 = arith.constant 1065353216 : i32
      %or3A_884 = vector.broadcast %or3A_883 : i32 to vector<16xi32>
      %or3A_885 = arith.ori %and3A_882, %or3A_884 : vector<16xi32>
      %bitcast_convert_type3A_886 = tpu.bitcast %or3A_885 : vector<16xi32> -> vector<16xf32>
      %sub3A_887 = arith.constant 1.000000e+00 : f32
      %sub3A_888 = vector.broadcast %sub3A_887 : f32 to vector<16xf32>
      %sub3A_889 = arith.subf %bitcast_convert_type3A_886, %sub3A_888 : vector<16xf32>
      %add3A_890 = arith.constant 1.000000e+00 : f32
      %add3A_891 = vector.broadcast %add3A_890 : f32 to vector<16xf32>
      %add3A_892 = arith.addf %bitcast_convert_type3A_886, %add3A_891 : vector<16xf32>
      %div3A_893 = arith.divf %sub3A_889, %add3A_892 : vector<16xf32>
      %mul3A_894 = arith.mulf %div3A_893, %div3A_893 : vector<16xf32>
      %mul3A_895 = arith.constant 0.412198573 : f32
      %mul3A_896 = vector.broadcast %mul3A_895 : f32 to vector<16xf32>
      %mul3A_897 = arith.mulf %mul3A_894, %mul3A_896 : vector<16xf32>
      %add3A_898 = arith.constant 0.577078044 : f32
      %add3A_899 = vector.broadcast %add3A_898 : f32 to vector<16xf32>
      %add3A_900 = arith.addf %add3A_899, %mul3A_897 : vector<16xf32>
      %mul3A_901 = arith.mulf %mul3A_894, %add3A_900 : vector<16xf32>
      %add3A_902 = arith.constant 0.9617967 : f32
      %add3A_903 = vector.broadcast %add3A_902 : f32 to vector<16xf32>
      %add3A_904 = arith.addf %add3A_903, %mul3A_901 : vector<16xf32>
      %mul3A_905 = arith.mulf %mul3A_894, %add3A_904 : vector<16xf32>
      %add3A_906 = arith.constant 2.885390e+00 : f32
      %add3A_907 = vector.broadcast %add3A_906 : f32 to vector<16xf32>
      %add3A_908 = arith.addf %add3A_907, %mul3A_905 : vector<16xf32>
      %convert_element_type3A_909 = arith.sitofp %sub3A_879 : vector<16xi32> to vector<16xf32>
      %mul3A_910 = arith.mulf %div3A_893, %add3A_908 : vector<16xf32>
      %add3A_911 = arith.addf %convert_element_type3A_909, %mul3A_910 : vector<16xf32>
      %max3A_912 = arith.constant -23.2534962 : f32
      %max3A_913 = vector.broadcast %max3A_912 : f32 to vector<16xf32>
      %max3A_914 = arith.maximumf %add3A_911, %max3A_913 : vector<16xf32>
      %add3A_915 = arith.addf %scan3A_546, %max3A_828 : vector<16xf32>
      %add3A_916 = arith.addf %scan3A_547, %max3A_871 : vector<16xf32>
      %add3A_917 = arith.addf %scan3A_548, %max3A_914 : vector<16xf32>
      scf.yield %add3A_915, %add3A_916, %add3A_917 : vector<16xf32>, vector<16xf32>, vector<16xf32>
    }
    %scan3A_158 = arith.constant 192 : i32
    %dma_wait3A_159 = arith.constant 1 : i32
    %dma_wait3A_160 = arith.constant 1 : i32
    %dma_wait3A_161 = arith.constant 0 : i32
    %dma_wait3A_162 = arith.constant 0 : i32
    %dma_wait3A_163 = arith.constant 0 : i32
    %dma_wait3A_164 = tpu.memref_slice %arg5[%dma_wait3A_159, %dma_wait3A_161, %dma_wait3A_162, %dma_wait3A_163] : memref<2x16x8x384xf32, #tpu.memory_space<vmem>> -> memref<1x16x8x384xf32, #tpu.memory_space<vmem>>
    %dma_wait3A_165 = tpu.memref_squeeze %dma_wait3A_164 : memref<1x16x8x384xf32, #tpu.memory_space<vmem>> -> memref<16x8x384xf32, #tpu.memory_space<vmem>>
    %dma_wait3A_166 = arith.constant 0 : i32
    %dma_wait3A_167 = tpu.memref_slice %arg2[%mul3A_117, %add3A_115, %dma_wait3A_166] : memref<128x384x384xf32, #tpu.memory_space<hbm>> -> memref<16x8x384xf32, #tpu.memory_space<hbm>>
    %dma_wait3A_168 = tpu.memref_slice %arg9[%dma_wait3A_160] : memref<2x!tpu.dma_semaphore, #tpu.memory_space<semaphore_mem>> -> memref<1x!tpu.dma_semaphore, #tpu.memory_space<semaphore_mem>>
    %dma_wait3A_169 = tpu.memref_squeeze %dma_wait3A_168 : memref<1x!tpu.dma_semaphore, #tpu.memory_space<semaphore_mem>> -> memref<!tpu.dma_semaphore, #tpu.memory_space<semaphore_mem>>
    %dma_wait3A_170 = arith.constant 0 : i32
    %dma_wait3A_171 = arith.constant 0 : i32
    %dma_wait3A_172 = arith.constant 0 : i32
    %dma_wait3A_173 = tpu.memref_slice %arg5[%dma_wait3A_159, %dma_wait3A_170, %dma_wait3A_171, %dma_wait3A_172] : memref<2x16x8x384xf32, #tpu.memory_space<vmem>> -> memref<1x16x8x384xf32, #tpu.memory_space<vmem>>
    %dma_wait3A_174 = tpu.memref_squeeze %dma_wait3A_173 : memref<1x16x8x384xf32, #tpu.memory_space<vmem>> -> memref<16x8x384xf32, #tpu.memory_space<vmem>>
    %dma_wait3A_175 = arith.constant 0 : i32
    %dma_wait3A_176 = tpu.memref_slice %arg2[%mul3A_117, %add3A_115, %dma_wait3A_175] : memref<128x384x384xf32, #tpu.memory_space<hbm>> -> memref<16x8x384xf32, #tpu.memory_space<hbm>>
    tpu.wait_dma2 semaphore(%dma_wait3A_169 : memref<!tpu.dma_semaphore, #tpu.memory_space<semaphore_mem>>) src(%dma_wait3A_176 : memref<16x8x384xf32, #tpu.memory_space<hbm>>) dst(%dma_wait3A_174 : memref<16x8x384xf32, #tpu.memory_space<vmem>>)
    %dma_wait3A_177 = arith.constant 1 : i32
    %dma_wait3A_178 = arith.constant 1 : i32
    %dma_wait3A_179 = arith.constant 0 : i32
    %dma_wait3A_180 = arith.constant 0 : i32
    %dma_wait3A_181 = tpu.memref_slice %arg6[%dma_wait3A_177, %dma_wait3A_179, %dma_wait3A_180] : memref<2x8x384xi32, #tpu.memory_space<vmem>> -> memref<1x8x384xi32, #tpu.memory_space<vmem>>
    %dma_wait3A_182 = tpu.memref_squeeze %dma_wait3A_181 : memref<1x8x384xi32, #tpu.memory_space<vmem>> -> memref<8x384xi32, #tpu.memory_space<vmem>>
    %dma_wait3A_183 = arith.constant 0 : i32
    %dma_wait3A_184 = tpu.memref_slice %arg3[%select_n3A, %add3A_115, %dma_wait3A_183] : memref<8x384x384xi32, #tpu.memory_space<hbm>> -> memref<1x8x384xi32, #tpu.memory_space<hbm>>
    %dma_wait3A_185 = tpu.memref_squeeze %dma_wait3A_184 : memref<1x8x384xi32, #tpu.memory_space<hbm>> -> memref<8x384xi32, #tpu.memory_space<hbm>>
    %dma_wait3A_186 = tpu.memref_slice %arg10[%dma_wait3A_178] : memref<2x!tpu.dma_semaphore, #tpu.memory_space<semaphore_mem>> -> memref<1x!tpu.dma_semaphore, #tpu.memory_space<semaphore_mem>>
    %dma_wait3A_187 = tpu.memref_squeeze %dma_wait3A_186 : memref<1x!tpu.dma_semaphore, #tpu.memory_space<semaphore_mem>> -> memref<!tpu.dma_semaphore, #tpu.memory_space<semaphore_mem>>
    %dma_wait3A_188 = arith.constant 0 : i32
    %dma_wait3A_189 = arith.constant 0 : i32
    %dma_wait3A_190 = tpu.memref_slice %arg6[%dma_wait3A_177, %dma_wait3A_188, %dma_wait3A_189] : memref<2x8x384xi32, #tpu.memory_space<vmem>> -> memref<1x8x384xi32, #tpu.memory_space<vmem>>
    %dma_wait3A_191 = tpu.memref_squeeze %dma_wait3A_190 : memref<1x8x384xi32, #tpu.memory_space<vmem>> -> memref<8x384xi32, #tpu.memory_space<vmem>>
    %dma_wait3A_192 = arith.constant 0 : i32
    %dma_wait3A_193 = tpu.memref_slice %arg3[%select_n3A, %add3A_115, %dma_wait3A_192] : memref<8x384x384xi32, #tpu.memory_space<hbm>> -> memref<1x8x384xi32, #tpu.memory_space<hbm>>
    %dma_wait3A_194 = tpu.memref_squeeze %dma_wait3A_193 : memref<1x8x384xi32, #tpu.memory_space<hbm>> -> memref<8x384xi32, #tpu.memory_space<hbm>>
    tpu.wait_dma2 semaphore(%dma_wait3A_187 : memref<!tpu.dma_semaphore, #tpu.memory_space<semaphore_mem>>) src(%dma_wait3A_194 : memref<8x384xi32, #tpu.memory_space<hbm>>) dst(%dma_wait3A_191 : memref<8x384xi32, #tpu.memory_space<vmem>>)
    %add3A_195 = arith.constant 16 : i32
    %add3A_196 = arith.addi %add3A_34, %add3A_195 : i32
    %mul3A_197 = arith.constant 16 : i32
    %mul3A_198 = arith.muli %select_n3A, %mul3A_197 : i32
    %dma_start3A_199 = arith.constant 0 : i32
    %dma_start3A_200 = arith.constant 0 : i32
    %dma_start3A_201 = arith.constant 0 : i32
    %dma_start3A_202 = arith.constant 0 : i32
    %dma_start3A_203 = arith.constant 0 : i32
    %dma_start3A_204 = tpu.memref_slice %arg5[%dma_start3A_199, %dma_start3A_201, %dma_start3A_202, %dma_start3A_203] : memref<2x16x8x384xf32, #tpu.memory_space<vmem>> -> memref<1x16x8x384xf32, #tpu.memory_space<vmem>>
    %dma_start3A_205 = tpu.memref_squeeze %dma_start3A_204 : memref<1x16x8x384xf32, #tpu.memory_space<vmem>> -> memref<16x8x384xf32, #tpu.memory_space<vmem>>
    %dma_start3A_206 = arith.constant 0 : i32
    %dma_start3A_207 = tpu.memref_slice %arg2[%mul3A_198, %add3A_196, %dma_start3A_206] : memref<128x384x384xf32, #tpu.memory_space<hbm>> -> memref<16x8x384xf32, #tpu.memory_space<hbm>>
    %dma_start3A_208 = tpu.memref_slice %arg9[%dma_start3A_200] : memref<2x!tpu.dma_semaphore, #tpu.memory_space<semaphore_mem>> -> memref<1x!tpu.dma_semaphore, #tpu.memory_space<semaphore_mem>>
    %dma_start3A_209 = tpu.memref_squeeze %dma_start3A_208 : memref<1x!tpu.dma_semaphore, #tpu.memory_space<semaphore_mem>> -> memref<!tpu.dma_semaphore, #tpu.memory_space<semaphore_mem>>
    %dma_start3A_210 = arith.constant 0 : i32
    %dma_start3A_211 = arith.constant 0 : i32
    %dma_start3A_212 = arith.constant 0 : i32
    %dma_start3A_213 = tpu.memref_slice %arg5[%dma_start3A_199, %dma_start3A_210, %dma_start3A_211, %dma_start3A_212] : memref<2x16x8x384xf32, #tpu.memory_space<vmem>> -> memref<1x16x8x384xf32, #tpu.memory_space<vmem>>
    %dma_start3A_214 = tpu.memref_squeeze %dma_start3A_213 : memref<1x16x8x384xf32, #tpu.memory_space<vmem>> -> memref<16x8x384xf32, #tpu.memory_space<vmem>>
    %dma_start3A_215 = arith.constant 0 : i32
    %dma_start3A_216 = tpu.memref_slice %arg2[%mul3A_198, %add3A_196, %dma_start3A_215] : memref<128x384x384xf32, #tpu.memory_space<hbm>> -> memref<16x8x384xf32, #tpu.memory_space<hbm>>
    tpu.enqueue_dma source(%dma_start3A_216 : memref<16x8x384xf32, #tpu.memory_space<hbm>>) target(%dma_start3A_214 : memref<16x8x384xf32, #tpu.memory_space<vmem>>) target_semaphore(%dma_start3A_209 : memref<!tpu.dma_semaphore, #tpu.memory_space<semaphore_mem>>)
    %dma_start3A_217 = arith.constant 0 : i32
    %dma_start3A_218 = arith.constant 0 : i32
    %dma_start3A_219 = arith.constant 0 : i32
    %dma_start3A_220 = arith.constant 0 : i32
    %dma_start3A_221 = tpu.memref_slice %arg6[%dma_start3A_217, %dma_start3A_219, %dma_start3A_220] : memref<2x8x384xi32, #tpu.memory_space<vmem>> -> memref<1x8x384xi32, #tpu.memory_space<vmem>>
    %dma_start3A_222 = tpu.memref_squeeze %dma_start3A_221 : memref<1x8x384xi32, #tpu.memory_space<vmem>> -> memref<8x384xi32, #tpu.memory_space<vmem>>
    %dma_start3A_223 = arith.constant 0 : i32
    %dma_start3A_224 = tpu.memref_slice %arg3[%select_n3A, %add3A_196, %dma_start3A_223] : memref<8x384x384xi32, #tpu.memory_space<hbm>> -> memref<1x8x384xi32, #tpu.memory_space<hbm>>
    %dma_start3A_225 = tpu.memref_squeeze %dma_start3A_224 : memref<1x8x384xi32, #tpu.memory_space<hbm>> -> memref<8x384xi32, #tpu.memory_space<hbm>>
    %dma_start3A_226 = tpu.memref_slice %arg10[%dma_start3A_218] : memref<2x!tpu.dma_semaphore, #tpu.memory_space<semaphore_mem>> -> memref<1x!tpu.dma_semaphore, #tpu.memory_space<semaphore_mem>>
    %dma_start3A_227 = tpu.memref_squeeze %dma_start3A_226 : memref<1x!tpu.dma_semaphore, #tpu.memory_space<semaphore_mem>> -> memref<!tpu.dma_semaphore, #tpu.memory_space<semaphore_mem>>
    %dma_start3A_228 = arith.constant 0 : i32
    %dma_start3A_229 = arith.constant 0 : i32
    %dma_start3A_230 = tpu.memref_slice %arg6[%dma_start3A_217, %dma_start3A_228, %dma_start3A_229] : memref<2x8x384xi32, #tpu.memory_space<vmem>> -> memref<1x8x384xi32, #tpu.memory_space<vmem>>
    %dma_start3A_231 = tpu.memref_squeeze %dma_start3A_230 : memref<1x8x384xi32, #tpu.memory_space<vmem>> -> memref<8x384xi32, #tpu.memory_space<vmem>>
    %dma_start3A_232 = arith.constant 0 : i32
    %dma_start3A_233 = tpu.memref_slice %arg3[%select_n3A, %add3A_196, %dma_start3A_232] : memref<8x384x384xi32, #tpu.memory_space<hbm>> -> memref<1x8x384xi32, #tpu.memory_space<hbm>>
    %dma_start3A_234 = tpu.memref_squeeze %dma_start3A_233 : memref<1x8x384xi32, #tpu.memory_space<hbm>> -> memref<8x384xi32, #tpu.memory_space<hbm>>
    tpu.enqueue_dma source(%dma_start3A_234 : memref<8x384xi32, #tpu.memory_space<hbm>>) target(%dma_start3A_231 : memref<8x384xi32, #tpu.memory_space<vmem>>) target_semaphore(%dma_start3A_227 : memref<!tpu.dma_semaphore, #tpu.memory_space<semaphore_mem>>)
    %iota3A_235 = tpu.iota {dimensions = array<i32: 0>} : vector<16xi32>
    %scan3A_236 = arith.constant 0 : i32
    %scan3A_237 = arith.constant 192 : i32
    %scan3A_238 = arith.addi %scan3A_236, %scan3A_237 : i32
    %scan3A_239 = arith.constant 1 : i32
    %scan3A_240:3 = scf.for %scan3A_545 = %scan3A_236 to %scan3A_238 step %scan3A_239 iter_args(%scan3A_546 = %scan3A_157#0, %scan3A_547 = %scan3A_157#1, %scan3A_548 = %scan3A_157#2) -> (vector<16xf32>, vector<16xf32>, vector<16xf32>)  : i32 {
      %jit3A_549 = arith.constant 24 : i32
      %div3A_550 = arith.divsi %scan3A_545, %jit3A_549 : i32
      %sign3A_551 = arith.constant 0 : i32
      %sign3A_552 = arith.cmpi sgt, %scan3A_545, %sign3A_551 : i32
      %sign3A_553 = arith.extui %sign3A_552 : i1 to i32
      %sign3A_554 = arith.constant 0 : i32
      %sign3A_555 = arith.cmpi slt, %scan3A_545, %sign3A_554 : i32
      %sign3A_556 = arith.extui %sign3A_555 : i1 to i32
      %sign3A_557 = arith.subi %sign3A_553, %sign3A_556 : i32
      %sign3A_558 = arith.constant 0 : i32
      %sign3A_559 = arith.cmpi sgt, %jit3A_549, %sign3A_558 : i32
      %sign3A_560 = arith.extui %sign3A_559 : i1 to i32
      %sign3A_561 = arith.constant 0 : i32
      %sign3A_562 = arith.cmpi slt, %jit3A_549, %sign3A_561 : i32
      %sign3A_563 = arith.extui %sign3A_562 : i1 to i32
      %sign3A_564 = arith.subi %sign3A_560, %sign3A_563 : i32
      %ne3A_565 = arith.cmpi ne, %sign3A_557, %sign3A_564 : i32
      %rem3A_566 = arith.remsi %scan3A_545, %jit3A_549 : i32
      %ne3A_567 = arith.constant 0 : i32
      %ne3A_568 = arith.cmpi ne, %rem3A_566, %ne3A_567 : i32
      %and3A_569 = arith.andi %ne3A_565, %ne3A_568 : i1
      %sub3A_570 = arith.constant 1 : i32
      %sub3A_571 = arith.subi %div3A_550, %sub3A_570 : i32
      %select_n3A_572 = arith.select %and3A_569, %sub3A_571, %div3A_550 : i32
      %jit3A_573 = arith.constant 24 : i32
      %eq3A_574 = arith.constant 0 : i32
      %eq3A_575 = arith.cmpi eq, %jit3A_573, %eq3A_574 : i32
      %jit3A_576 = arith.constant 1 : i32
      %select_n3A_577 = arith.select %eq3A_575, %jit3A_576, %jit3A_573 : i32
      %rem3A_578 = arith.remsi %scan3A_545, %select_n3A_577 : i32
      %ne3A_579 = arith.constant 0 : i32
      %ne3A_580 = arith.cmpi ne, %rem3A_578, %ne3A_579 : i32
      %lt3A_581 = arith.constant 0 : i32
      %lt3A_582 = arith.cmpi slt, %rem3A_578, %lt3A_581 : i32
      %lt3A_583 = arith.constant 0 : i32
      %lt3A_584 = arith.cmpi slt, %select_n3A_577, %lt3A_583 : i32
      %ne3A_585 = arith.xori %lt3A_582, %lt3A_584 : i1
      %and3A_586 = arith.andi %ne3A_585, %ne3A_580 : i1
      %add3A_587 = arith.addi %rem3A_578, %select_n3A_577 : i32
      %select_n3A_588 = arith.select %and3A_586, %add3A_587, %rem3A_578 : i32
      %mul3A_589 = arith.constant 16 : i32
      %mul3A_590 = arith.muli %select_n3A_588, %mul3A_589 : i32
      %get3A = arith.constant 1 : i32
      %get3A_591 = arith.index_cast %get3A : i32 to index
      %get3A_592 = arith.index_cast %select_n3A_572 : i32 to index
      %get3A_593 = arith.index_cast %mul3A_590 : i32 to index
      %get3A_594 = tpu.vector_load %arg6[%get3A_591, %get3A_592, %get3A_593] {strides = array<i32>} : memref<2x8x384xi32, #tpu.memory_space<vmem>>, vector<16xi32>,
      %get3A_595 = arith.constant 1 : i32
      %get3A_596 = arith.constant 0 : i32
      %get3A_597 = arith.index_cast %get3A_595 : i32 to index
      %get3A_598 = arith.index_cast %get3A_596 : i32 to index
      %get3A_599 = arith.index_cast %select_n3A_572 : i32 to index
      %get3A_600 = arith.index_cast %mul3A_590 : i32 to index
      %get3A_601 = tpu.vector_load %arg5[%get3A_597, %get3A_598, %get3A_599, %get3A_600] {strides = array<i32>} : memref<2x16x8x384xf32, #tpu.memory_space<vmem>>, vector<16xf32>,
      %get3A_602 = arith.constant 1 : i32
      %get3A_603 = arith.constant 1 : i32
      %get3A_604 = arith.index_cast %get3A_602 : i32 to index
      %get3A_605 = arith.index_cast %get3A_603 : i32 to index
      %get3A_606 = arith.index_cast %select_n3A_572 : i32 to index
      %get3A_607 = arith.index_cast %mul3A_590 : i32 to index
      %get3A_608 = tpu.vector_load %arg5[%get3A_604, %get3A_605, %get3A_606, %get3A_607] {strides = array<i32>} : memref<2x16x8x384xf32, #tpu.memory_space<vmem>>, vector<16xf32>,
      %get3A_609 = arith.constant 1 : i32
      %get3A_610 = arith.constant 2 : i32
      %get3A_611 = arith.index_cast %get3A_609 : i32 to index
      %get3A_612 = arith.index_cast %get3A_610 : i32 to index
      %get3A_613 = arith.index_cast %select_n3A_572 : i32 to index
      %get3A_614 = arith.index_cast %mul3A_590 : i32 to index
      %get3A_615 = tpu.vector_load %arg5[%get3A_611, %get3A_612, %get3A_613, %get3A_614] {strides = array<i32>} : memref<2x16x8x384xf32, #tpu.memory_space<vmem>>, vector<16xf32>,
      %get3A_616 = arith.constant 1 : i32
      %get3A_617 = arith.constant 3 : i32
      %get3A_618 = arith.index_cast %get3A_616 : i32 to index
      %get3A_619 = arith.index_cast %get3A_617 : i32 to index
      %get3A_620 = arith.index_cast %select_n3A_572 : i32 to index
      %get3A_621 = arith.index_cast %mul3A_590 : i32 to index
      %get3A_622 = tpu.vector_load %arg5[%get3A_618, %get3A_619, %get3A_620, %get3A_621] {strides = array<i32>} : memref<2x16x8x384xf32, #tpu.memory_space<vmem>>, vector<16xf32>,
      %get3A_623 = arith.constant 1 : i32
      %get3A_624 = arith.constant 4 : i32
      %get3A_625 = arith.index_cast %get3A_623 : i32 to index
      %get3A_626 = arith.index_cast %get3A_624 : i32 to index
      %get3A_627 = arith.index_cast %select_n3A_572 : i32 to index
      %get3A_628 = arith.index_cast %mul3A_590 : i32 to index
      %get3A_629 = tpu.vector_load %arg5[%get3A_625, %get3A_626, %get3A_627, %get3A_628] {strides = array<i32>} : memref<2x16x8x384xf32, #tpu.memory_space<vmem>>, vector<16xf32>,
      %get3A_630 = arith.constant 1 : i32
      %get3A_631 = arith.constant 5 : i32
      %get3A_632 = arith.index_cast %get3A_630 : i32 to index
      %get3A_633 = arith.index_cast %get3A_631 : i32 to index
      %get3A_634 = arith.index_cast %select_n3A_572 : i32 to index
      %get3A_635 = arith.index_cast %mul3A_590 : i32 to index
      %get3A_636 = tpu.vector_load %arg5[%get3A_632, %get3A_633, %get3A_634, %get3A_635] {strides = array<i32>} : memref<2x16x8x384xf32, #tpu.memory_space<vmem>>, vector<16xf32>,
      %get3A_637 = arith.constant 1 : i32
      %get3A_638 = arith.constant 6 : i32
      %get3A_639 = arith.index_cast %get3A_637 : i32 to index
      %get3A_640 = arith.index_cast %get3A_638 : i32 to index
      %get3A_641 = arith.index_cast %select_n3A_572 : i32 to index
      %get3A_642 = arith.index_cast %mul3A_590 : i32 to index
      %get3A_643 = tpu.vector_load %arg5[%get3A_639, %get3A_640, %get3A_641, %get3A_642] {strides = array<i32>} : memref<2x16x8x384xf32, #tpu.memory_space<vmem>>, vector<16xf32>,
      %get3A_644 = arith.constant 1 : i32
      %get3A_645 = arith.constant 7 : i32
      %get3A_646 = arith.index_cast %get3A_644 : i32 to index
      %get3A_647 = arith.index_cast %get3A_645 : i32 to index
      %get3A_648 = arith.index_cast %select_n3A_572 : i32 to index
      %get3A_649 = arith.index_cast %mul3A_590 : i32 to index
      %get3A_650 = tpu.vector_load %arg5[%get3A_646, %get3A_647, %get3A_648, %get3A_649] {strides = array<i32>} : memref<2x16x8x384xf32, #tpu.memory_space<vmem>>, vector<16xf32>,
      %get3A_651 = arith.constant 1 : i32
      %get3A_652 = arith.constant 8 : i32
      %get3A_653 = arith.index_cast %get3A_651 : i32 to index
      %get3A_654 = arith.index_cast %get3A_652 : i32 to index
      %get3A_655 = arith.index_cast %select_n3A_572 : i32 to index
      %get3A_656 = arith.index_cast %mul3A_590 : i32 to index
      %get3A_657 = tpu.vector_load %arg5[%get3A_653, %get3A_654, %get3A_655, %get3A_656] {strides = array<i32>} : memref<2x16x8x384xf32, #tpu.memory_space<vmem>>, vector<16xf32>,
      %get3A_658 = arith.constant 1 : i32
      %get3A_659 = arith.constant 9 : i32
      %get3A_660 = arith.index_cast %get3A_658 : i32 to index
      %get3A_661 = arith.index_cast %get3A_659 : i32 to index
      %get3A_662 = arith.index_cast %select_n3A_572 : i32 to index
      %get3A_663 = arith.index_cast %mul3A_590 : i32 to index
      %get3A_664 = tpu.vector_load %arg5[%get3A_660, %get3A_661, %get3A_662, %get3A_663] {strides = array<i32>} : memref<2x16x8x384xf32, #tpu.memory_space<vmem>>, vector<16xf32>,
      %get3A_665 = arith.constant 1 : i32
      %get3A_666 = arith.constant 10 : i32
      %get3A_667 = arith.index_cast %get3A_665 : i32 to index
      %get3A_668 = arith.index_cast %get3A_666 : i32 to index
      %get3A_669 = arith.index_cast %select_n3A_572 : i32 to index
      %get3A_670 = arith.index_cast %mul3A_590 : i32 to index
      %get3A_671 = tpu.vector_load %arg5[%get3A_667, %get3A_668, %get3A_669, %get3A_670] {strides = array<i32>} : memref<2x16x8x384xf32, #tpu.memory_space<vmem>>, vector<16xf32>,
      %get3A_672 = arith.constant 1 : i32
      %get3A_673 = arith.constant 11 : i32
      %get3A_674 = arith.index_cast %get3A_672 : i32 to index
      %get3A_675 = arith.index_cast %get3A_673 : i32 to index
      %get3A_676 = arith.index_cast %select_n3A_572 : i32 to index
      %get3A_677 = arith.index_cast %mul3A_590 : i32 to index
      %get3A_678 = tpu.vector_load %arg5[%get3A_674, %get3A_675, %get3A_676, %get3A_677] {strides = array<i32>} : memref<2x16x8x384xf32, #tpu.memory_space<vmem>>, vector<16xf32>,
      %get3A_679 = arith.constant 1 : i32
      %get3A_680 = arith.constant 12 : i32
      %get3A_681 = arith.index_cast %get3A_679 : i32 to index
      %get3A_682 = arith.index_cast %get3A_680 : i32 to index
      %get3A_683 = arith.index_cast %select_n3A_572 : i32 to index
      %get3A_684 = arith.index_cast %mul3A_590 : i32 to index
      %get3A_685 = tpu.vector_load %arg5[%get3A_681, %get3A_682, %get3A_683, %get3A_684] {strides = array<i32>} : memref<2x16x8x384xf32, #tpu.memory_space<vmem>>, vector<16xf32>,
      %get3A_686 = arith.constant 1 : i32
      %get3A_687 = arith.constant 13 : i32
      %get3A_688 = arith.index_cast %get3A_686 : i32 to index
      %get3A_689 = arith.index_cast %get3A_687 : i32 to index
      %get3A_690 = arith.index_cast %select_n3A_572 : i32 to index
      %get3A_691 = arith.index_cast %mul3A_590 : i32 to index
      %get3A_692 = tpu.vector_load %arg5[%get3A_688, %get3A_689, %get3A_690, %get3A_691] {strides = array<i32>} : memref<2x16x8x384xf32, #tpu.memory_space<vmem>>, vector<16xf32>,
      %get3A_693 = arith.constant 1 : i32
      %get3A_694 = arith.constant 14 : i32
      %get3A_695 = arith.index_cast %get3A_693 : i32 to index
      %get3A_696 = arith.index_cast %get3A_694 : i32 to index
      %get3A_697 = arith.index_cast %select_n3A_572 : i32 to index
      %get3A_698 = arith.index_cast %mul3A_590 : i32 to index
      %get3A_699 = tpu.vector_load %arg5[%get3A_695, %get3A_696, %get3A_697, %get3A_698] {strides = array<i32>} : memref<2x16x8x384xf32, #tpu.memory_space<vmem>>, vector<16xf32>,
      %get3A_700 = arith.constant 1 : i32
      %get3A_701 = arith.constant 15 : i32
      %get3A_702 = arith.index_cast %get3A_700 : i32 to index
      %get3A_703 = arith.index_cast %get3A_701 : i32 to index
      %get3A_704 = arith.index_cast %select_n3A_572 : i32 to index
      %get3A_705 = arith.index_cast %mul3A_590 : i32 to index
      %get3A_706 = tpu.vector_load %arg5[%get3A_702, %get3A_703, %get3A_704, %get3A_705] {strides = array<i32>} : memref<2x16x8x384xf32, #tpu.memory_space<vmem>>, vector<16xf32>,
      %exp3A = math.exp %get3A_601 : vector<16xf32>
      %exp3A_707 = math.exp %get3A_608 : vector<16xf32>
      %exp3A_708 = math.exp %get3A_615 : vector<16xf32>
      %exp3A_709 = math.exp %get3A_622 : vector<16xf32>
      %exp3A_710 = math.exp %get3A_629 : vector<16xf32>
      %exp3A_711 = math.exp %get3A_636 : vector<16xf32>
      %exp3A_712 = math.exp %get3A_643 : vector<16xf32>
      %exp3A_713 = math.exp %get3A_650 : vector<16xf32>
      %exp3A_714 = math.exp %get3A_657 : vector<16xf32>
      %exp3A_715 = math.exp %get3A_664 : vector<16xf32>
      %exp3A_716 = math.exp %get3A_671 : vector<16xf32>
      %exp3A_717 = math.exp %get3A_678 : vector<16xf32>
      %exp3A_718 = math.exp %get3A_685 : vector<16xf32>
      %exp3A_719 = math.exp %get3A_692 : vector<16xf32>
      %exp3A_720 = math.exp %get3A_699 : vector<16xf32>
      %exp3A_721 = math.exp %get3A_706 : vector<16xf32>
      %add3A_722 = arith.addf %exp3A, %exp3A_707 : vector<16xf32>
      %add3A_723 = arith.addf %exp3A_708, %exp3A_709 : vector<16xf32>
      %add3A_724 = arith.addf %exp3A_710, %exp3A_711 : vector<16xf32>
      %add3A_725 = arith.addf %exp3A_712, %exp3A_713 : vector<16xf32>
      %add3A_726 = arith.addf %exp3A_714, %exp3A_715 : vector<16xf32>
      %add3A_727 = arith.addf %exp3A_716, %exp3A_717 : vector<16xf32>
      %add3A_728 = arith.addf %exp3A_718, %exp3A_719 : vector<16xf32>
      %add3A_729 = arith.addf %exp3A_720, %exp3A_721 : vector<16xf32>
      %swap3A_730 = arith.constant 0 : i32
      %swap3A_731 = arith.index_cast %swap3A_730 : i32 to index
      %swap3A_732 = arith.constant 0 : index
      %swap3A_733 = tpu.vector_load %arg8[%swap3A_731, %swap3A_732] {strides = array<i32>} : memref<8x16xf32, #tpu.memory_space<vmem>>, vector<16xf32>,
      tpu.vector_store %arg8[%swap3A_731, %swap3A_732], %add3A_722 {strides = array<i32>} : memref<8x16xf32, #tpu.memory_space<vmem>>, vector<16xf32>,
      %swap3A_734 = arith.constant 1 : i32
      %swap3A_735 = arith.index_cast %swap3A_734 : i32 to index
      %swap3A_736 = arith.constant 0 : index
      %swap3A_737 = tpu.vector_load %arg8[%swap3A_735, %swap3A_736] {strides = array<i32>} : memref<8x16xf32, #tpu.memory_space<vmem>>, vector<16xf32>,
      tpu.vector_store %arg8[%swap3A_735, %swap3A_736], %add3A_723 {strides = array<i32>} : memref<8x16xf32, #tpu.memory_space<vmem>>, vector<16xf32>,
      %swap3A_738 = arith.constant 2 : i32
      %swap3A_739 = arith.index_cast %swap3A_738 : i32 to index
      %swap3A_740 = arith.constant 0 : index
      %swap3A_741 = tpu.vector_load %arg8[%swap3A_739, %swap3A_740] {strides = array<i32>} : memref<8x16xf32, #tpu.memory_space<vmem>>, vector<16xf32>,
      tpu.vector_store %arg8[%swap3A_739, %swap3A_740], %add3A_724 {strides = array<i32>} : memref<8x16xf32, #tpu.memory_space<vmem>>, vector<16xf32>,
      %swap3A_742 = arith.constant 3 : i32
      %swap3A_743 = arith.index_cast %swap3A_742 : i32 to index
      %swap3A_744 = arith.constant 0 : index
      %swap3A_745 = tpu.vector_load %arg8[%swap3A_743, %swap3A_744] {strides = array<i32>} : memref<8x16xf32, #tpu.memory_space<vmem>>, vector<16xf32>,
      tpu.vector_store %arg8[%swap3A_743, %swap3A_744], %add3A_725 {strides = array<i32>} : memref<8x16xf32, #tpu.memory_space<vmem>>, vector<16xf32>,
      %swap3A_746 = arith.constant 4 : i32
      %swap3A_747 = arith.index_cast %swap3A_746 : i32 to index
      %swap3A_748 = arith.constant 0 : index
      %swap3A_749 = tpu.vector_load %arg8[%swap3A_747, %swap3A_748] {strides = array<i32>} : memref<8x16xf32, #tpu.memory_space<vmem>>, vector<16xf32>,
      tpu.vector_store %arg8[%swap3A_747, %swap3A_748], %add3A_726 {strides = array<i32>} : memref<8x16xf32, #tpu.memory_space<vmem>>, vector<16xf32>,
      %swap3A_750 = arith.constant 5 : i32
      %swap3A_751 = arith.index_cast %swap3A_750 : i32 to index
      %swap3A_752 = arith.constant 0 : index
      %swap3A_753 = tpu.vector_load %arg8[%swap3A_751, %swap3A_752] {strides = array<i32>} : memref<8x16xf32, #tpu.memory_space<vmem>>, vector<16xf32>,
      tpu.vector_store %arg8[%swap3A_751, %swap3A_752], %add3A_727 {strides = array<i32>} : memref<8x16xf32, #tpu.memory_space<vmem>>, vector<16xf32>,
      %swap3A_754 = arith.constant 6 : i32
      %swap3A_755 = arith.index_cast %swap3A_754 : i32 to index
      %swap3A_756 = arith.constant 0 : index
      %swap3A_757 = tpu.vector_load %arg8[%swap3A_755, %swap3A_756] {strides = array<i32>} : memref<8x16xf32, #tpu.memory_space<vmem>>, vector<16xf32>,
      tpu.vector_store %arg8[%swap3A_755, %swap3A_756], %add3A_728 {strides = array<i32>} : memref<8x16xf32, #tpu.memory_space<vmem>>, vector<16xf32>,
      %swap3A_758 = arith.constant 7 : i32
      %swap3A_759 = arith.index_cast %swap3A_758 : i32 to index
      %swap3A_760 = arith.constant 0 : index
      %swap3A_761 = tpu.vector_load %arg8[%swap3A_759, %swap3A_760] {strides = array<i32>} : memref<8x16xf32, #tpu.memory_space<vmem>>, vector<16xf32>,
      tpu.vector_store %arg8[%swap3A_759, %swap3A_760], %add3A_729 {strides = array<i32>} : memref<8x16xf32, #tpu.memory_space<vmem>>, vector<16xf32>,
      %add3A_762 = arith.addf %add3A_722, %add3A_723 : vector<16xf32>
      %add3A_763 = arith.addf %add3A_724, %add3A_725 : vector<16xf32>
      %add3A_764 = arith.addf %add3A_726, %add3A_727 : vector<16xf32>
      %add3A_765 = arith.addf %add3A_728, %add3A_729 : vector<16xf32>
      %add3A_766 = arith.addf %add3A_762, %add3A_763 : vector<16xf32>
      %add3A_767 = arith.addf %add3A_764, %add3A_765 : vector<16xf32>
      %add3A_768 = arith.addf %add3A_766, %add3A_767 : vector<16xf32>
      %div3A_769 = arith.constant 1.000000e+00 : f32
      %div3A_770 = vector.broadcast %div3A_769 : f32 to vector<16xf32>
      %div3A_771 = arith.divf %div3A_770, %add3A_768 : vector<16xf32>
      %shift_right_logical3A = arith.constant 1 : i32
      %shift_right_logical3A_772 = vector.broadcast %shift_right_logical3A : i32 to vector<16xi32>
      %shift_right_logical3A_773 = arith.shrui %get3A_594, %shift_right_logical3A_772 : vector<16xi32>
      %and3A_774 = arith.constant -2 : i32
      %and3A_775 = vector.broadcast %and3A_774 : i32 to vector<16xi32>
      %and3A_776 = arith.andi %shift_right_logical3A_773, %and3A_775 : vector<16xi32>
      %xor3A = arith.constant 2 : i32
      %xor3A_777 = vector.broadcast %xor3A : i32 to vector<16xi32>
      %xor3A_778 = arith.xori %and3A_776, %xor3A_777 : vector<16xi32>
      %gather3A = tpu.vector_load_idx %arg8[%shift_right_logical3A_773, %iota3A_235] : memref<8x16xf32, #tpu.memory_space<vmem>>[vector<16xi32>, vector<16xi32>], vector<16xf32>,
      %xor3A_779 = arith.constant 1 : i32
      %xor3A_780 = vector.broadcast %xor3A_779 : i32 to vector<16xi32>
      %xor3A_781 = arith.xori %shift_right_logical3A_773, %xor3A_780 : vector<16xi32>
      %gather3A_782 = tpu.vector_load_idx %arg8[%xor3A_781, %iota3A_235] : memref<8x16xf32, #tpu.memory_space<vmem>>[vector<16xi32>, vector<16xi32>], vector<16xf32>,
      %add3A_783 = arith.addf %gather3A, %gather3A_782 : vector<16xf32>
      %gather3A_784 = tpu.vector_load_idx %arg8[%xor3A_778, %iota3A_235] : memref<8x16xf32, #tpu.memory_space<vmem>>[vector<16xi32>, vector<16xi32>], vector<16xf32>,
      %add3A_785 = arith.addf %add3A_783, %gather3A_784 : vector<16xf32>
      %or3A = arith.constant 1 : i32
      %or3A_786 = vector.broadcast %or3A : i32 to vector<16xi32>
      %or3A_787 = arith.ori %xor3A_778, %or3A_786 : vector<16xi32>
      %gather3A_788 = tpu.vector_load_idx %arg8[%or3A_787, %iota3A_235] : memref<8x16xf32, #tpu.memory_space<vmem>>[vector<16xi32>, vector<16xi32>], vector<16xf32>,
      %add3A_789 = arith.addf %add3A_785, %gather3A_788 : vector<16xf32>
      %mul3A_790 = arith.mulf %add3A_789, %div3A_771 : vector<16xf32>
      %bitcast_convert_type3A = tpu.bitcast %mul3A_790 : vector<16xf32> -> vector<16xi32>
      %shift_right_arithmetic3A = arith.constant 23 : i32
      %shift_right_arithmetic3A_791 = vector.broadcast %shift_right_arithmetic3A : i32 to vector<16xi32>
      %shift_right_arithmetic3A_792 = arith.shrsi %bitcast_convert_type3A, %shift_right_arithmetic3A_791 : vector<16xi32>
      %sub3A_793 = arith.constant 127 : i32
      %sub3A_794 = vector.broadcast %sub3A_793 : i32 to vector<16xi32>
      %sub3A_795 = arith.subi %shift_right_arithmetic3A_792, %sub3A_794 : vector<16xi32>
      %and3A_796 = arith.constant 8388607 : i32
      %and3A_797 = vector.broadcast %and3A_796 : i32 to vector<16xi32>
      %and3A_798 = arith.andi %bitcast_convert_type3A, %and3A_797 : vector<16xi32>
      %or3A_799 = arith.constant 1065353216 : i32
      %or3A_800 = vector.broadcast %or3A_799 : i32 to vector<16xi32>
      %or3A_801 = arith.ori %and3A_798, %or3A_800 : vector<16xi32>
      %bitcast_convert_type3A_802 = tpu.bitcast %or3A_801 : vector<16xi32> -> vector<16xf32>
      %sub3A_803 = arith.constant 1.000000e+00 : f32
      %sub3A_804 = vector.broadcast %sub3A_803 : f32 to vector<16xf32>
      %sub3A_805 = arith.subf %bitcast_convert_type3A_802, %sub3A_804 : vector<16xf32>
      %add3A_806 = arith.constant 1.000000e+00 : f32
      %add3A_807 = vector.broadcast %add3A_806 : f32 to vector<16xf32>
      %add3A_808 = arith.addf %bitcast_convert_type3A_802, %add3A_807 : vector<16xf32>
      %div3A_809 = arith.divf %sub3A_805, %add3A_808 : vector<16xf32>
      %mul3A_810 = arith.mulf %div3A_809, %div3A_809 : vector<16xf32>
      %mul3A_811 = arith.constant 0.412198573 : f32
      %mul3A_812 = vector.broadcast %mul3A_811 : f32 to vector<16xf32>
      %mul3A_813 = arith.mulf %mul3A_810, %mul3A_812 : vector<16xf32>
      %add3A_814 = arith.constant 0.577078044 : f32
      %add3A_815 = vector.broadcast %add3A_814 : f32 to vector<16xf32>
      %add3A_816 = arith.addf %add3A_815, %mul3A_813 : vector<16xf32>
      %mul3A_817 = arith.mulf %mul3A_810, %add3A_816 : vector<16xf32>
      %add3A_818 = arith.constant 0.9617967 : f32
      %add3A_819 = vector.broadcast %add3A_818 : f32 to vector<16xf32>
      %add3A_820 = arith.addf %add3A_819, %mul3A_817 : vector<16xf32>
      %mul3A_821 = arith.mulf %mul3A_810, %add3A_820 : vector<16xf32>
      %add3A_822 = arith.constant 2.885390e+00 : f32
      %add3A_823 = vector.broadcast %add3A_822 : f32 to vector<16xf32>
      %add3A_824 = arith.addf %add3A_823, %mul3A_821 : vector<16xf32>
      %convert_element_type3A = arith.sitofp %sub3A_795 : vector<16xi32> to vector<16xf32>
      %mul3A_825 = arith.mulf %div3A_809, %add3A_824 : vector<16xf32>
      %add3A_826 = arith.addf %convert_element_type3A, %mul3A_825 : vector<16xf32>
      %max3A = arith.constant -23.2534962 : f32
      %max3A_827 = vector.broadcast %max3A : f32 to vector<16xf32>
      %max3A_828 = arith.maximumf %add3A_826, %max3A_827 : vector<16xf32>
      %mul3A_829 = arith.mulf %add3A_783, %div3A_771 : vector<16xf32>
      %bitcast_convert_type3A_830 = tpu.bitcast %mul3A_829 : vector<16xf32> -> vector<16xi32>
      %shift_right_arithmetic3A_831 = arith.constant 23 : i32
      %shift_right_arithmetic3A_832 = vector.broadcast %shift_right_arithmetic3A_831 : i32 to vector<16xi32>
      %shift_right_arithmetic3A_833 = arith.shrsi %bitcast_convert_type3A_830, %shift_right_arithmetic3A_832 : vector<16xi32>
      %sub3A_834 = arith.constant 127 : i32
      %sub3A_835 = vector.broadcast %sub3A_834 : i32 to vector<16xi32>
      %sub3A_836 = arith.subi %shift_right_arithmetic3A_833, %sub3A_835 : vector<16xi32>
      %and3A_837 = arith.constant 8388607 : i32
      %and3A_838 = vector.broadcast %and3A_837 : i32 to vector<16xi32>
      %and3A_839 = arith.andi %bitcast_convert_type3A_830, %and3A_838 : vector<16xi32>
      %or3A_840 = arith.constant 1065353216 : i32
      %or3A_841 = vector.broadcast %or3A_840 : i32 to vector<16xi32>
      %or3A_842 = arith.ori %and3A_839, %or3A_841 : vector<16xi32>
      %bitcast_convert_type3A_843 = tpu.bitcast %or3A_842 : vector<16xi32> -> vector<16xf32>
      %sub3A_844 = arith.constant 1.000000e+00 : f32
      %sub3A_845 = vector.broadcast %sub3A_844 : f32 to vector<16xf32>
      %sub3A_846 = arith.subf %bitcast_convert_type3A_843, %sub3A_845 : vector<16xf32>
      %add3A_847 = arith.constant 1.000000e+00 : f32
      %add3A_848 = vector.broadcast %add3A_847 : f32 to vector<16xf32>
      %add3A_849 = arith.addf %bitcast_convert_type3A_843, %add3A_848 : vector<16xf32>
      %div3A_850 = arith.divf %sub3A_846, %add3A_849 : vector<16xf32>
      %mul3A_851 = arith.mulf %div3A_850, %div3A_850 : vector<16xf32>
      %mul3A_852 = arith.constant 0.412198573 : f32
      %mul3A_853 = vector.broadcast %mul3A_852 : f32 to vector<16xf32>
      %mul3A_854 = arith.mulf %mul3A_851, %mul3A_853 : vector<16xf32>
      %add3A_855 = arith.constant 0.577078044 : f32
      %add3A_856 = vector.broadcast %add3A_855 : f32 to vector<16xf32>
      %add3A_857 = arith.addf %add3A_856, %mul3A_854 : vector<16xf32>
      %mul3A_858 = arith.mulf %mul3A_851, %add3A_857 : vector<16xf32>
      %add3A_859 = arith.constant 0.9617967 : f32
      %add3A_860 = vector.broadcast %add3A_859 : f32 to vector<16xf32>
      %add3A_861 = arith.addf %add3A_860, %mul3A_858 : vector<16xf32>
      %mul3A_862 = arith.mulf %mul3A_851, %add3A_861 : vector<16xf32>
      %add3A_863 = arith.constant 2.885390e+00 : f32
      %add3A_864 = vector.broadcast %add3A_863 : f32 to vector<16xf32>
      %add3A_865 = arith.addf %add3A_864, %mul3A_862 : vector<16xf32>
      %convert_element_type3A_866 = arith.sitofp %sub3A_836 : vector<16xi32> to vector<16xf32>
      %mul3A_867 = arith.mulf %div3A_850, %add3A_865 : vector<16xf32>
      %add3A_868 = arith.addf %convert_element_type3A_866, %mul3A_867 : vector<16xf32>
      %max3A_869 = arith.constant -23.2534962 : f32
      %max3A_870 = vector.broadcast %max3A_869 : f32 to vector<16xf32>
      %max3A_871 = arith.maximumf %add3A_868, %max3A_870 : vector<16xf32>
      %mul3A_872 = arith.mulf %gather3A, %div3A_771 : vector<16xf32>
      %bitcast_convert_type3A_873 = tpu.bitcast %mul3A_872 : vector<16xf32> -> vector<16xi32>
      %shift_right_arithmetic3A_874 = arith.constant 23 : i32
      %shift_right_arithmetic3A_875 = vector.broadcast %shift_right_arithmetic3A_874 : i32 to vector<16xi32>
      %shift_right_arithmetic3A_876 = arith.shrsi %bitcast_convert_type3A_873, %shift_right_arithmetic3A_875 : vector<16xi32>
      %sub3A_877 = arith.constant 127 : i32
      %sub3A_878 = vector.broadcast %sub3A_877 : i32 to vector<16xi32>
      %sub3A_879 = arith.subi %shift_right_arithmetic3A_876, %sub3A_878 : vector<16xi32>
      %and3A_880 = arith.constant 8388607 : i32
      %and3A_881 = vector.broadcast %and3A_880 : i32 to vector<16xi32>
      %and3A_882 = arith.andi %bitcast_convert_type3A_873, %and3A_881 : vector<16xi32>
      %or3A_883 = arith.constant 1065353216 : i32
      %or3A_884 = vector.broadcast %or3A_883 : i32 to vector<16xi32>
      %or3A_885 = arith.ori %and3A_882, %or3A_884 : vector<16xi32>
      %bitcast_convert_type3A_886 = tpu.bitcast %or3A_885 : vector<16xi32> -> vector<16xf32>
      %sub3A_887 = arith.constant 1.000000e+00 : f32
      %sub3A_888 = vector.broadcast %sub3A_887 : f32 to vector<16xf32>
      %sub3A_889 = arith.subf %bitcast_convert_type3A_886, %sub3A_888 : vector<16xf32>
      %add3A_890 = arith.constant 1.000000e+00 : f32
      %add3A_891 = vector.broadcast %add3A_890 : f32 to vector<16xf32>
      %add3A_892 = arith.addf %bitcast_convert_type3A_886, %add3A_891 : vector<16xf32>
      %div3A_893 = arith.divf %sub3A_889, %add3A_892 : vector<16xf32>
      %mul3A_894 = arith.mulf %div3A_893, %div3A_893 : vector<16xf32>
      %mul3A_895 = arith.constant 0.412198573 : f32
      %mul3A_896 = vector.broadcast %mul3A_895 : f32 to vector<16xf32>
      %mul3A_897 = arith.mulf %mul3A_894, %mul3A_896 : vector<16xf32>
      %add3A_898 = arith.constant 0.577078044 : f32
      %add3A_899 = vector.broadcast %add3A_898 : f32 to vector<16xf32>
      %add3A_900 = arith.addf %add3A_899, %mul3A_897 : vector<16xf32>
      %mul3A_901 = arith.mulf %mul3A_894, %add3A_900 : vector<16xf32>
      %add3A_902 = arith.constant 0.9617967 : f32
      %add3A_903 = vector.broadcast %add3A_902 : f32 to vector<16xf32>
      %add3A_904 = arith.addf %add3A_903, %mul3A_901 : vector<16xf32>
      %mul3A_905 = arith.mulf %mul3A_894, %add3A_904 : vector<16xf32>
      %add3A_906 = arith.constant 2.885390e+00 : f32
      %add3A_907 = vector.broadcast %add3A_906 : f32 to vector<16xf32>
      %add3A_908 = arith.addf %add3A_907, %mul3A_905 : vector<16xf32>
      %convert_element_type3A_909 = arith.sitofp %sub3A_879 : vector<16xi32> to vector<16xf32>
      %mul3A_910 = arith.mulf %div3A_893, %add3A_908 : vector<16xf32>
      %add3A_911 = arith.addf %convert_element_type3A_909, %mul3A_910 : vector<16xf32>
      %max3A_912 = arith.constant -23.2534962 : f32
      %max3A_913 = vector.broadcast %max3A_912 : f32 to vector<16xf32>
      %max3A_914 = arith.maximumf %add3A_911, %max3A_913 : vector<16xf32>
      %add3A_915 = arith.addf %scan3A_546, %max3A_828 : vector<16xf32>
      %add3A_916 = arith.addf %scan3A_547, %max3A_871 : vector<16xf32>
      %add3A_917 = arith.addf %scan3A_548, %max3A_914 : vector<16xf32>
      scf.yield %add3A_915, %add3A_916, %add3A_917 : vector<16xf32>, vector<16xf32>, vector<16xf32>
    }
    %scan3A_241 = arith.constant 192 : i32
    %dma_wait3A_242 = arith.constant 0 : i32
    %dma_wait3A_243 = arith.constant 0 : i32
    %dma_wait3A_244 = arith.constant 0 : i32
    %dma_wait3A_245 = arith.constant 0 : i32
    %dma_wait3A_246 = arith.constant 0 : i32
    %dma_wait3A_247 = tpu.memref_slice %arg5[%dma_wait3A_242, %dma_wait3A_244, %dma_wait3A_245, %dma_wait3A_246] : memref<2x16x8x384xf32, #tpu.memory_space<vmem>> -> memref<1x16x8x384xf32, #tpu.memory_space<vmem>>
    %dma_wait3A_248 = tpu.memref_squeeze %dma_wait3A_247 : memref<1x16x8x384xf32, #tpu.memory_space<vmem>> -> memref<16x8x384xf32, #tpu.memory_space<vmem>>
    %dma_wait3A_249 = arith.constant 0 : i32
    %dma_wait3A_250 = tpu.memref_slice %arg2[%mul3A_198, %add3A_196, %dma_wait3A_249] : memref<128x384x384xf32, #tpu.memory_space<hbm>> -> memref<16x8x384xf32, #tpu.memory_space<hbm>>
    %dma_wait3A_251 = tpu.memref_slice %arg9[%dma_wait3A_243] : memref<2x!tpu.dma_semaphore, #tpu.memory_space<semaphore_mem>> -> memref<1x!tpu.dma_semaphore, #tpu.memory_space<semaphore_mem>>
    %dma_wait3A_252 = tpu.memref_squeeze %dma_wait3A_251 : memref<1x!tpu.dma_semaphore, #tpu.memory_space<semaphore_mem>> -> memref<!tpu.dma_semaphore, #tpu.memory_space<semaphore_mem>>
    %dma_wait3A_253 = arith.constant 0 : i32
    %dma_wait3A_254 = arith.constant 0 : i32
    %dma_wait3A_255 = arith.constant 0 : i32
    %dma_wait3A_256 = tpu.memref_slice %arg5[%dma_wait3A_242, %dma_wait3A_253, %dma_wait3A_254, %dma_wait3A_255] : memref<2x16x8x384xf32, #tpu.memory_space<vmem>> -> memref<1x16x8x384xf32, #tpu.memory_space<vmem>>
    %dma_wait3A_257 = tpu.memref_squeeze %dma_wait3A_256 : memref<1x16x8x384xf32, #tpu.memory_space<vmem>> -> memref<16x8x384xf32, #tpu.memory_space<vmem>>
    %dma_wait3A_258 = arith.constant 0 : i32
    %dma_wait3A_259 = tpu.memref_slice %arg2[%mul3A_198, %add3A_196, %dma_wait3A_258] : memref<128x384x384xf32, #tpu.memory_space<hbm>> -> memref<16x8x384xf32, #tpu.memory_space<hbm>>
    tpu.wait_dma2 semaphore(%dma_wait3A_252 : memref<!tpu.dma_semaphore, #tpu.memory_space<semaphore_mem>>) src(%dma_wait3A_259 : memref<16x8x384xf32, #tpu.memory_space<hbm>>) dst(%dma_wait3A_257 : memref<16x8x384xf32, #tpu.memory_space<vmem>>)
    %dma_wait3A_260 = arith.constant 0 : i32
    %dma_wait3A_261 = arith.constant 0 : i32
    %dma_wait3A_262 = arith.constant 0 : i32
    %dma_wait3A_263 = arith.constant 0 : i32
    %dma_wait3A_264 = tpu.memref_slice %arg6[%dma_wait3A_260, %dma_wait3A_262, %dma_wait3A_263] : memref<2x8x384xi32, #tpu.memory_space<vmem>> -> memref<1x8x384xi32, #tpu.memory_space<vmem>>
    %dma_wait3A_265 = tpu.memref_squeeze %dma_wait3A_264 : memref<1x8x384xi32, #tpu.memory_space<vmem>> -> memref<8x384xi32, #tpu.memory_space<vmem>>
    %dma_wait3A_266 = arith.constant 0 : i32
    %dma_wait3A_267 = tpu.memref_slice %arg3[%select_n3A, %add3A_196, %dma_wait3A_266] : memref<8x384x384xi32, #tpu.memory_space<hbm>> -> memref<1x8x384xi32, #tpu.memory_space<hbm>>
    %dma_wait3A_268 = tpu.memref_squeeze %dma_wait3A_267 : memref<1x8x384xi32, #tpu.memory_space<hbm>> -> memref<8x384xi32, #tpu.memory_space<hbm>>
    %dma_wait3A_269 = tpu.memref_slice %arg10[%dma_wait3A_261] : memref<2x!tpu.dma_semaphore, #tpu.memory_space<semaphore_mem>> -> memref<1x!tpu.dma_semaphore, #tpu.memory_space<semaphore_mem>>
    %dma_wait3A_270 = tpu.memref_squeeze %dma_wait3A_269 : memref<1x!tpu.dma_semaphore, #tpu.memory_space<semaphore_mem>> -> memref<!tpu.dma_semaphore, #tpu.memory_space<semaphore_mem>>
    %dma_wait3A_271 = arith.constant 0 : i32
    %dma_wait3A_272 = arith.constant 0 : i32
    %dma_wait3A_273 = tpu.memref_slice %arg6[%dma_wait3A_260, %dma_wait3A_271, %dma_wait3A_272] : memref<2x8x384xi32, #tpu.memory_space<vmem>> -> memref<1x8x384xi32, #tpu.memory_space<vmem>>
    %dma_wait3A_274 = tpu.memref_squeeze %dma_wait3A_273 : memref<1x8x384xi32, #tpu.memory_space<vmem>> -> memref<8x384xi32, #tpu.memory_space<vmem>>
    %dma_wait3A_275 = arith.constant 0 : i32
    %dma_wait3A_276 = tpu.memref_slice %arg3[%select_n3A, %add3A_196, %dma_wait3A_275] : memref<8x384x384xi32, #tpu.memory_space<hbm>> -> memref<1x8x384xi32, #tpu.memory_space<hbm>>
    %dma_wait3A_277 = tpu.memref_squeeze %dma_wait3A_276 : memref<1x8x384xi32, #tpu.memory_space<hbm>> -> memref<8x384xi32, #tpu.memory_space<hbm>>
    tpu.wait_dma2 semaphore(%dma_wait3A_270 : memref<!tpu.dma_semaphore, #tpu.memory_space<semaphore_mem>>) src(%dma_wait3A_277 : memref<8x384xi32, #tpu.memory_space<hbm>>) dst(%dma_wait3A_274 : memref<8x384xi32, #tpu.memory_space<vmem>>)
    %add3A_278 = arith.constant 24 : i32
    %add3A_279 = arith.addi %add3A_34, %add3A_278 : i32
    %mul3A_280 = arith.constant 16 : i32
    %mul3A_281 = arith.muli %select_n3A, %mul3A_280 : i32
    %dma_start3A_282 = arith.constant 1 : i32
    %dma_start3A_283 = arith.constant 1 : i32
    %dma_start3A_284 = arith.constant 0 : i32
    %dma_start3A_285 = arith.constant 0 : i32
    %dma_start3A_286 = arith.constant 0 : i32
    %dma_start3A_287 = tpu.memref_slice %arg5[%dma_start3A_282, %dma_start3A_284, %dma_start3A_285, %dma_start3A_286] : memref<2x16x8x384xf32, #tpu.memory_space<vmem>> -> memref<1x16x8x384xf32, #tpu.memory_space<vmem>>
    %dma_start3A_288 = tpu.memref_squeeze %dma_start3A_287 : memref<1x16x8x384xf32, #tpu.memory_space<vmem>> -> memref<16x8x384xf32, #tpu.memory_space<vmem>>
    %dma_start3A_289 = arith.constant 0 : i32
    %dma_start3A_290 = tpu.memref_slice %arg2[%mul3A_281, %add3A_279, %dma_start3A_289] : memref<128x384x384xf32, #tpu.memory_space<hbm>> -> memref<16x8x384xf32, #tpu.memory_space<hbm>>
    %dma_start3A_291 = tpu.memref_slice %arg9[%dma_start3A_283] : memref<2x!tpu.dma_semaphore, #tpu.memory_space<semaphore_mem>> -> memref<1x!tpu.dma_semaphore, #tpu.memory_space<semaphore_mem>>
    %dma_start3A_292 = tpu.memref_squeeze %dma_start3A_291 : memref<1x!tpu.dma_semaphore, #tpu.memory_space<semaphore_mem>> -> memref<!tpu.dma_semaphore, #tpu.memory_space<semaphore_mem>>
    %dma_start3A_293 = arith.constant 0 : i32
    %dma_start3A_294 = arith.constant 0 : i32
    %dma_start3A_295 = arith.constant 0 : i32
    %dma_start3A_296 = tpu.memref_slice %arg5[%dma_start3A_282, %dma_start3A_293, %dma_start3A_294, %dma_start3A_295] : memref<2x16x8x384xf32, #tpu.memory_space<vmem>> -> memref<1x16x8x384xf32, #tpu.memory_space<vmem>>
    %dma_start3A_297 = tpu.memref_squeeze %dma_start3A_296 : memref<1x16x8x384xf32, #tpu.memory_space<vmem>> -> memref<16x8x384xf32, #tpu.memory_space<vmem>>
    %dma_start3A_298 = arith.constant 0 : i32
    %dma_start3A_299 = tpu.memref_slice %arg2[%mul3A_281, %add3A_279, %dma_start3A_298] : memref<128x384x384xf32, #tpu.memory_space<hbm>> -> memref<16x8x384xf32, #tpu.memory_space<hbm>>
    tpu.enqueue_dma source(%dma_start3A_299 : memref<16x8x384xf32, #tpu.memory_space<hbm>>) target(%dma_start3A_297 : memref<16x8x384xf32, #tpu.memory_space<vmem>>) target_semaphore(%dma_start3A_292 : memref<!tpu.dma_semaphore, #tpu.memory_space<semaphore_mem>>)
    %dma_start3A_300 = arith.constant 1 : i32
    %dma_start3A_301 = arith.constant 1 : i32
    %dma_start3A_302 = arith.constant 0 : i32
    %dma_start3A_303 = arith.constant 0 : i32
    %dma_start3A_304 = tpu.memref_slice %arg6[%dma_start3A_300, %dma_start3A_302, %dma_start3A_303] : memref<2x8x384xi32, #tpu.memory_space<vmem>> -> memref<1x8x384xi32, #tpu.memory_space<vmem>>
    %dma_start3A_305 = tpu.memref_squeeze %dma_start3A_304 : memref<1x8x384xi32, #tpu.memory_space<vmem>> -> memref<8x384xi32, #tpu.memory_space<vmem>>
    %dma_start3A_306 = arith.constant 0 : i32
    %dma_start3A_307 = tpu.memref_slice %arg3[%select_n3A, %add3A_279, %dma_start3A_306] : memref<8x384x384xi32, #tpu.memory_space<hbm>> -> memref<1x8x384xi32, #tpu.memory_space<hbm>>
    %dma_start3A_308 = tpu.memref_squeeze %dma_start3A_307 : memref<1x8x384xi32, #tpu.memory_space<hbm>> -> memref<8x384xi32, #tpu.memory_space<hbm>>
    %dma_start3A_309 = tpu.memref_slice %arg10[%dma_start3A_301] : memref<2x!tpu.dma_semaphore, #tpu.memory_space<semaphore_mem>> -> memref<1x!tpu.dma_semaphore, #tpu.memory_space<semaphore_mem>>
    %dma_start3A_310 = tpu.memref_squeeze %dma_start3A_309 : memref<1x!tpu.dma_semaphore, #tpu.memory_space<semaphore_mem>> -> memref<!tpu.dma_semaphore, #tpu.memory_space<semaphore_mem>>
    %dma_start3A_311 = arith.constant 0 : i32
    %dma_start3A_312 = arith.constant 0 : i32
    %dma_start3A_313 = tpu.memref_slice %arg6[%dma_start3A_300, %dma_start3A_311, %dma_start3A_312] : memref<2x8x384xi32, #tpu.memory_space<vmem>> -> memref<1x8x384xi32, #tpu.memory_space<vmem>>
    %dma_start3A_314 = tpu.memref_squeeze %dma_start3A_313 : memref<1x8x384xi32, #tpu.memory_space<vmem>> -> memref<8x384xi32, #tpu.memory_space<vmem>>
    %dma_start3A_315 = arith.constant 0 : i32
    %dma_start3A_316 = tpu.memref_slice %arg3[%select_n3A, %add3A_279, %dma_start3A_315] : memref<8x384x384xi32, #tpu.memory_space<hbm>> -> memref<1x8x384xi32, #tpu.memory_space<hbm>>
    %dma_start3A_317 = tpu.memref_squeeze %dma_start3A_316 : memref<1x8x384xi32, #tpu.memory_space<hbm>> -> memref<8x384xi32, #tpu.memory_space<hbm>>
    tpu.enqueue_dma source(%dma_start3A_317 : memref<8x384xi32, #tpu.memory_space<hbm>>) target(%dma_start3A_314 : memref<8x384xi32, #tpu.memory_space<vmem>>) target_semaphore(%dma_start3A_310 : memref<!tpu.dma_semaphore, #tpu.memory_space<semaphore_mem>>)
    %iota3A_318 = tpu.iota {dimensions = array<i32: 0>} : vector<16xi32>
    %scan3A_319 = arith.constant 0 : i32
    %scan3A_320 = arith.constant 192 : i32
    %scan3A_321 = arith.addi %scan3A_319, %scan3A_320 : i32
    %scan3A_322 = arith.constant 1 : i32
    %scan3A_323:3 = scf.for %scan3A_545 = %scan3A_319 to %scan3A_321 step %scan3A_322 iter_args(%scan3A_546 = %scan3A_240#0, %scan3A_547 = %scan3A_240#1, %scan3A_548 = %scan3A_240#2) -> (vector<16xf32>, vector<16xf32>, vector<16xf32>)  : i32 {
      %jit3A_549 = arith.constant 24 : i32
      %div3A_550 = arith.divsi %scan3A_545, %jit3A_549 : i32
      %sign3A_551 = arith.constant 0 : i32
      %sign3A_552 = arith.cmpi sgt, %scan3A_545, %sign3A_551 : i32
      %sign3A_553 = arith.extui %sign3A_552 : i1 to i32
      %sign3A_554 = arith.constant 0 : i32
      %sign3A_555 = arith.cmpi slt, %scan3A_545, %sign3A_554 : i32
      %sign3A_556 = arith.extui %sign3A_555 : i1 to i32
      %sign3A_557 = arith.subi %sign3A_553, %sign3A_556 : i32
      %sign3A_558 = arith.constant 0 : i32
      %sign3A_559 = arith.cmpi sgt, %jit3A_549, %sign3A_558 : i32
      %sign3A_560 = arith.extui %sign3A_559 : i1 to i32
      %sign3A_561 = arith.constant 0 : i32
      %sign3A_562 = arith.cmpi slt, %jit3A_549, %sign3A_561 : i32
      %sign3A_563 = arith.extui %sign3A_562 : i1 to i32
      %sign3A_564 = arith.subi %sign3A_560, %sign3A_563 : i32
      %ne3A_565 = arith.cmpi ne, %sign3A_557, %sign3A_564 : i32
      %rem3A_566 = arith.remsi %scan3A_545, %jit3A_549 : i32
      %ne3A_567 = arith.constant 0 : i32
      %ne3A_568 = arith.cmpi ne, %rem3A_566, %ne3A_567 : i32
      %and3A_569 = arith.andi %ne3A_565, %ne3A_568 : i1
      %sub3A_570 = arith.constant 1 : i32
      %sub3A_571 = arith.subi %div3A_550, %sub3A_570 : i32
      %select_n3A_572 = arith.select %and3A_569, %sub3A_571, %div3A_550 : i32
      %jit3A_573 = arith.constant 24 : i32
      %eq3A_574 = arith.constant 0 : i32
      %eq3A_575 = arith.cmpi eq, %jit3A_573, %eq3A_574 : i32
      %jit3A_576 = arith.constant 1 : i32
      %select_n3A_577 = arith.select %eq3A_575, %jit3A_576, %jit3A_573 : i32
      %rem3A_578 = arith.remsi %scan3A_545, %select_n3A_577 : i32
      %ne3A_579 = arith.constant 0 : i32
      %ne3A_580 = arith.cmpi ne, %rem3A_578, %ne3A_579 : i32
      %lt3A_581 = arith.constant 0 : i32
      %lt3A_582 = arith.cmpi slt, %rem3A_578, %lt3A_581 : i32
      %lt3A_583 = arith.constant 0 : i32
      %lt3A_584 = arith.cmpi slt, %select_n3A_577, %lt3A_583 : i32
      %ne3A_585 = arith.xori %lt3A_582, %lt3A_584 : i1
      %and3A_586 = arith.andi %ne3A_585, %ne3A_580 : i1
      %add3A_587 = arith.addi %rem3A_578, %select_n3A_577 : i32
      %select_n3A_588 = arith.select %and3A_586, %add3A_587, %rem3A_578 : i32
      %mul3A_589 = arith.constant 16 : i32
      %mul3A_590 = arith.muli %select_n3A_588, %mul3A_589 : i32
      %get3A = arith.constant 0 : i32
      %get3A_591 = arith.index_cast %get3A : i32 to index
      %get3A_592 = arith.index_cast %select_n3A_572 : i32 to index
      %get3A_593 = arith.index_cast %mul3A_590 : i32 to index
      %get3A_594 = tpu.vector_load %arg6[%get3A_591, %get3A_592, %get3A_593] {strides = array<i32>} : memref<2x8x384xi32, #tpu.memory_space<vmem>>, vector<16xi32>,
      %get3A_595 = arith.constant 0 : i32
      %get3A_596 = arith.constant 0 : i32
      %get3A_597 = arith.index_cast %get3A_595 : i32 to index
      %get3A_598 = arith.index_cast %get3A_596 : i32 to index
      %get3A_599 = arith.index_cast %select_n3A_572 : i32 to index
      %get3A_600 = arith.index_cast %mul3A_590 : i32 to index
      %get3A_601 = tpu.vector_load %arg5[%get3A_597, %get3A_598, %get3A_599, %get3A_600] {strides = array<i32>} : memref<2x16x8x384xf32, #tpu.memory_space<vmem>>, vector<16xf32>,
      %get3A_602 = arith.constant 0 : i32
      %get3A_603 = arith.constant 1 : i32
      %get3A_604 = arith.index_cast %get3A_602 : i32 to index
      %get3A_605 = arith.index_cast %get3A_603 : i32 to index
      %get3A_606 = arith.index_cast %select_n3A_572 : i32 to index
      %get3A_607 = arith.index_cast %mul3A_590 : i32 to index
      %get3A_608 = tpu.vector_load %arg5[%get3A_604, %get3A_605, %get3A_606, %get3A_607] {strides = array<i32>} : memref<2x16x8x384xf32, #tpu.memory_space<vmem>>, vector<16xf32>,
      %get3A_609 = arith.constant 0 : i32
      %get3A_610 = arith.constant 2 : i32
      %get3A_611 = arith.index_cast %get3A_609 : i32 to index
      %get3A_612 = arith.index_cast %get3A_610 : i32 to index
      %get3A_613 = arith.index_cast %select_n3A_572 : i32 to index
      %get3A_614 = arith.index_cast %mul3A_590 : i32 to index
      %get3A_615 = tpu.vector_load %arg5[%get3A_611, %get3A_612, %get3A_613, %get3A_614] {strides = array<i32>} : memref<2x16x8x384xf32, #tpu.memory_space<vmem>>, vector<16xf32>,
      %get3A_616 = arith.constant 0 : i32
      %get3A_617 = arith.constant 3 : i32
      %get3A_618 = arith.index_cast %get3A_616 : i32 to index
      %get3A_619 = arith.index_cast %get3A_617 : i32 to index
      %get3A_620 = arith.index_cast %select_n3A_572 : i32 to index
      %get3A_621 = arith.index_cast %mul3A_590 : i32 to index
      %get3A_622 = tpu.vector_load %arg5[%get3A_618, %get3A_619, %get3A_620, %get3A_621] {strides = array<i32>} : memref<2x16x8x384xf32, #tpu.memory_space<vmem>>, vector<16xf32>,
      %get3A_623 = arith.constant 0 : i32
      %get3A_624 = arith.constant 4 : i32
      %get3A_625 = arith.index_cast %get3A_623 : i32 to index
      %get3A_626 = arith.index_cast %get3A_624 : i32 to index
      %get3A_627 = arith.index_cast %select_n3A_572 : i32 to index
      %get3A_628 = arith.index_cast %mul3A_590 : i32 to index
      %get3A_629 = tpu.vector_load %arg5[%get3A_625, %get3A_626, %get3A_627, %get3A_628] {strides = array<i32>} : memref<2x16x8x384xf32, #tpu.memory_space<vmem>>, vector<16xf32>,
      %get3A_630 = arith.constant 0 : i32
      %get3A_631 = arith.constant 5 : i32
      %get3A_632 = arith.index_cast %get3A_630 : i32 to index
      %get3A_633 = arith.index_cast %get3A_631 : i32 to index
      %get3A_634 = arith.index_cast %select_n3A_572 : i32 to index
      %get3A_635 = arith.index_cast %mul3A_590 : i32 to index
      %get3A_636 = tpu.vector_load %arg5[%get3A_632, %get3A_633, %get3A_634, %get3A_635] {strides = array<i32>} : memref<2x16x8x384xf32, #tpu.memory_space<vmem>>, vector<16xf32>,
      %get3A_637 = arith.constant 0 : i32
      %get3A_638 = arith.constant 6 : i32
      %get3A_639 = arith.index_cast %get3A_637 : i32 to index
      %get3A_640 = arith.index_cast %get3A_638 : i32 to index
      %get3A_641 = arith.index_cast %select_n3A_572 : i32 to index
      %get3A_642 = arith.index_cast %mul3A_590 : i32 to index
      %get3A_643 = tpu.vector_load %arg5[%get3A_639, %get3A_640, %get3A_641, %get3A_642] {strides = array<i32>} : memref<2x16x8x384xf32, #tpu.memory_space<vmem>>, vector<16xf32>,
      %get3A_644 = arith.constant 0 : i32
      %get3A_645 = arith.constant 7 : i32
      %get3A_646 = arith.index_cast %get3A_644 : i32 to index
      %get3A_647 = arith.index_cast %get3A_645 : i32 to index
      %get3A_648 = arith.index_cast %select_n3A_572 : i32 to index
      %get3A_649 = arith.index_cast %mul3A_590 : i32 to index
      %get3A_650 = tpu.vector_load %arg5[%get3A_646, %get3A_647, %get3A_648, %get3A_649] {strides = array<i32>} : memref<2x16x8x384xf32, #tpu.memory_space<vmem>>, vector<16xf32>,
      %get3A_651 = arith.constant 0 : i32
      %get3A_652 = arith.constant 8 : i32
      %get3A_653 = arith.index_cast %get3A_651 : i32 to index
      %get3A_654 = arith.index_cast %get3A_652 : i32 to index
      %get3A_655 = arith.index_cast %select_n3A_572 : i32 to index
      %get3A_656 = arith.index_cast %mul3A_590 : i32 to index
      %get3A_657 = tpu.vector_load %arg5[%get3A_653, %get3A_654, %get3A_655, %get3A_656] {strides = array<i32>} : memref<2x16x8x384xf32, #tpu.memory_space<vmem>>, vector<16xf32>,
      %get3A_658 = arith.constant 0 : i32
      %get3A_659 = arith.constant 9 : i32
      %get3A_660 = arith.index_cast %get3A_658 : i32 to index
      %get3A_661 = arith.index_cast %get3A_659 : i32 to index
      %get3A_662 = arith.index_cast %select_n3A_572 : i32 to index
      %get3A_663 = arith.index_cast %mul3A_590 : i32 to index
      %get3A_664 = tpu.vector_load %arg5[%get3A_660, %get3A_661, %get3A_662, %get3A_663] {strides = array<i32>} : memref<2x16x8x384xf32, #tpu.memory_space<vmem>>, vector<16xf32>,
      %get3A_665 = arith.constant 0 : i32
      %get3A_666 = arith.constant 10 : i32
      %get3A_667 = arith.index_cast %get3A_665 : i32 to index
      %get3A_668 = arith.index_cast %get3A_666 : i32 to index
      %get3A_669 = arith.index_cast %select_n3A_572 : i32 to index
      %get3A_670 = arith.index_cast %mul3A_590 : i32 to index
      %get3A_671 = tpu.vector_load %arg5[%get3A_667, %get3A_668, %get3A_669, %get3A_670] {strides = array<i32>} : memref<2x16x8x384xf32, #tpu.memory_space<vmem>>, vector<16xf32>,
      %get3A_672 = arith.constant 0 : i32
      %get3A_673 = arith.constant 11 : i32
      %get3A_674 = arith.index_cast %get3A_672 : i32 to index
      %get3A_675 = arith.index_cast %get3A_673 : i32 to index
      %get3A_676 = arith.index_cast %select_n3A_572 : i32 to index
      %get3A_677 = arith.index_cast %mul3A_590 : i32 to index
      %get3A_678 = tpu.vector_load %arg5[%get3A_674, %get3A_675, %get3A_676, %get3A_677] {strides = array<i32>} : memref<2x16x8x384xf32, #tpu.memory_space<vmem>>, vector<16xf32>,
      %get3A_679 = arith.constant 0 : i32
      %get3A_680 = arith.constant 12 : i32
      %get3A_681 = arith.index_cast %get3A_679 : i32 to index
      %get3A_682 = arith.index_cast %get3A_680 : i32 to index
      %get3A_683 = arith.index_cast %select_n3A_572 : i32 to index
      %get3A_684 = arith.index_cast %mul3A_590 : i32 to index
      %get3A_685 = tpu.vector_load %arg5[%get3A_681, %get3A_682, %get3A_683, %get3A_684] {strides = array<i32>} : memref<2x16x8x384xf32, #tpu.memory_space<vmem>>, vector<16xf32>,
      %get3A_686 = arith.constant 0 : i32
      %get3A_687 = arith.constant 13 : i32
      %get3A_688 = arith.index_cast %get3A_686 : i32 to index
      %get3A_689 = arith.index_cast %get3A_687 : i32 to index
      %get3A_690 = arith.index_cast %select_n3A_572 : i32 to index
      %get3A_691 = arith.index_cast %mul3A_590 : i32 to index
      %get3A_692 = tpu.vector_load %arg5[%get3A_688, %get3A_689, %get3A_690, %get3A_691] {strides = array<i32>} : memref<2x16x8x384xf32, #tpu.memory_space<vmem>>, vector<16xf32>,
      %get3A_693 = arith.constant 0 : i32
      %get3A_694 = arith.constant 14 : i32
      %get3A_695 = arith.index_cast %get3A_693 : i32 to index
      %get3A_696 = arith.index_cast %get3A_694 : i32 to index
      %get3A_697 = arith.index_cast %select_n3A_572 : i32 to index
      %get3A_698 = arith.index_cast %mul3A_590 : i32 to index
      %get3A_699 = tpu.vector_load %arg5[%get3A_695, %get3A_696, %get3A_697, %get3A_698] {strides = array<i32>} : memref<2x16x8x384xf32, #tpu.memory_space<vmem>>, vector<16xf32>,
      %get3A_700 = arith.constant 0 : i32
      %get3A_701 = arith.constant 15 : i32
      %get3A_702 = arith.index_cast %get3A_700 : i32 to index
      %get3A_703 = arith.index_cast %get3A_701 : i32 to index
      %get3A_704 = arith.index_cast %select_n3A_572 : i32 to index
      %get3A_705 = arith.index_cast %mul3A_590 : i32 to index
      %get3A_706 = tpu.vector_load %arg5[%get3A_702, %get3A_703, %get3A_704, %get3A_705] {strides = array<i32>} : memref<2x16x8x384xf32, #tpu.memory_space<vmem>>, vector<16xf32>,
      %exp3A = math.exp %get3A_601 : vector<16xf32>
      %exp3A_707 = math.exp %get3A_608 : vector<16xf32>
      %exp3A_708 = math.exp %get3A_615 : vector<16xf32>
      %exp3A_709 = math.exp %get3A_622 : vector<16xf32>
      %exp3A_710 = math.exp %get3A_629 : vector<16xf32>
      %exp3A_711 = math.exp %get3A_636 : vector<16xf32>
      %exp3A_712 = math.exp %get3A_643 : vector<16xf32>
      %exp3A_713 = math.exp %get3A_650 : vector<16xf32>
      %exp3A_714 = math.exp %get3A_657 : vector<16xf32>
      %exp3A_715 = math.exp %get3A_664 : vector<16xf32>
      %exp3A_716 = math.exp %get3A_671 : vector<16xf32>
      %exp3A_717 = math.exp %get3A_678 : vector<16xf32>
      %exp3A_718 = math.exp %get3A_685 : vector<16xf32>
      %exp3A_719 = math.exp %get3A_692 : vector<16xf32>
      %exp3A_720 = math.exp %get3A_699 : vector<16xf32>
      %exp3A_721 = math.exp %get3A_706 : vector<16xf32>
      %add3A_722 = arith.addf %exp3A, %exp3A_707 : vector<16xf32>
      %add3A_723 = arith.addf %exp3A_708, %exp3A_709 : vector<16xf32>
      %add3A_724 = arith.addf %exp3A_710, %exp3A_711 : vector<16xf32>
      %add3A_725 = arith.addf %exp3A_712, %exp3A_713 : vector<16xf32>
      %add3A_726 = arith.addf %exp3A_714, %exp3A_715 : vector<16xf32>
      %add3A_727 = arith.addf %exp3A_716, %exp3A_717 : vector<16xf32>
      %add3A_728 = arith.addf %exp3A_718, %exp3A_719 : vector<16xf32>
      %add3A_729 = arith.addf %exp3A_720, %exp3A_721 : vector<16xf32>
      %swap3A_730 = arith.constant 0 : i32
      %swap3A_731 = arith.index_cast %swap3A_730 : i32 to index
      %swap3A_732 = arith.constant 0 : index
      %swap3A_733 = tpu.vector_load %arg8[%swap3A_731, %swap3A_732] {strides = array<i32>} : memref<8x16xf32, #tpu.memory_space<vmem>>, vector<16xf32>,
      tpu.vector_store %arg8[%swap3A_731, %swap3A_732], %add3A_722 {strides = array<i32>} : memref<8x16xf32, #tpu.memory_space<vmem>>, vector<16xf32>,
      %swap3A_734 = arith.constant 1 : i32
      %swap3A_735 = arith.index_cast %swap3A_734 : i32 to index
      %swap3A_736 = arith.constant 0 : index
      %swap3A_737 = tpu.vector_load %arg8[%swap3A_735, %swap3A_736] {strides = array<i32>} : memref<8x16xf32, #tpu.memory_space<vmem>>, vector<16xf32>,
      tpu.vector_store %arg8[%swap3A_735, %swap3A_736], %add3A_723 {strides = array<i32>} : memref<8x16xf32, #tpu.memory_space<vmem>>, vector<16xf32>,
      %swap3A_738 = arith.constant 2 : i32
      %swap3A_739 = arith.index_cast %swap3A_738 : i32 to index
      %swap3A_740 = arith.constant 0 : index
      %swap3A_741 = tpu.vector_load %arg8[%swap3A_739, %swap3A_740] {strides = array<i32>} : memref<8x16xf32, #tpu.memory_space<vmem>>, vector<16xf32>,
      tpu.vector_store %arg8[%swap3A_739, %swap3A_740], %add3A_724 {strides = array<i32>} : memref<8x16xf32, #tpu.memory_space<vmem>>, vector<16xf32>,
      %swap3A_742 = arith.constant 3 : i32
      %swap3A_743 = arith.index_cast %swap3A_742 : i32 to index
      %swap3A_744 = arith.constant 0 : index
      %swap3A_745 = tpu.vector_load %arg8[%swap3A_743, %swap3A_744] {strides = array<i32>} : memref<8x16xf32, #tpu.memory_space<vmem>>, vector<16xf32>,
      tpu.vector_store %arg8[%swap3A_743, %swap3A_744], %add3A_725 {strides = array<i32>} : memref<8x16xf32, #tpu.memory_space<vmem>>, vector<16xf32>,
      %swap3A_746 = arith.constant 4 : i32
      %swap3A_747 = arith.index_cast %swap3A_746 : i32 to index
      %swap3A_748 = arith.constant 0 : index
      %swap3A_749 = tpu.vector_load %arg8[%swap3A_747, %swap3A_748] {strides = array<i32>} : memref<8x16xf32, #tpu.memory_space<vmem>>, vector<16xf32>,
      tpu.vector_store %arg8[%swap3A_747, %swap3A_748], %add3A_726 {strides = array<i32>} : memref<8x16xf32, #tpu.memory_space<vmem>>, vector<16xf32>,
      %swap3A_750 = arith.constant 5 : i32
      %swap3A_751 = arith.index_cast %swap3A_750 : i32 to index
      %swap3A_752 = arith.constant 0 : index
      %swap3A_753 = tpu.vector_load %arg8[%swap3A_751, %swap3A_752] {strides = array<i32>} : memref<8x16xf32, #tpu.memory_space<vmem>>, vector<16xf32>,
      tpu.vector_store %arg8[%swap3A_751, %swap3A_752], %add3A_727 {strides = array<i32>} : memref<8x16xf32, #tpu.memory_space<vmem>>, vector<16xf32>,
      %swap3A_754 = arith.constant 6 : i32
      %swap3A_755 = arith.index_cast %swap3A_754 : i32 to index
      %swap3A_756 = arith.constant 0 : index
      %swap3A_757 = tpu.vector_load %arg8[%swap3A_755, %swap3A_756] {strides = array<i32>} : memref<8x16xf32, #tpu.memory_space<vmem>>, vector<16xf32>,
      tpu.vector_store %arg8[%swap3A_755, %swap3A_756], %add3A_728 {strides = array<i32>} : memref<8x16xf32, #tpu.memory_space<vmem>>, vector<16xf32>,
      %swap3A_758 = arith.constant 7 : i32
      %swap3A_759 = arith.index_cast %swap3A_758 : i32 to index
      %swap3A_760 = arith.constant 0 : index
      %swap3A_761 = tpu.vector_load %arg8[%swap3A_759, %swap3A_760] {strides = array<i32>} : memref<8x16xf32, #tpu.memory_space<vmem>>, vector<16xf32>,
      tpu.vector_store %arg8[%swap3A_759, %swap3A_760], %add3A_729 {strides = array<i32>} : memref<8x16xf32, #tpu.memory_space<vmem>>, vector<16xf32>,
      %add3A_762 = arith.addf %add3A_722, %add3A_723 : vector<16xf32>
      %add3A_763 = arith.addf %add3A_724, %add3A_725 : vector<16xf32>
      %add3A_764 = arith.addf %add3A_726, %add3A_727 : vector<16xf32>
      %add3A_765 = arith.addf %add3A_728, %add3A_729 : vector<16xf32>
      %add3A_766 = arith.addf %add3A_762, %add3A_763 : vector<16xf32>
      %add3A_767 = arith.addf %add3A_764, %add3A_765 : vector<16xf32>
      %add3A_768 = arith.addf %add3A_766, %add3A_767 : vector<16xf32>
      %div3A_769 = arith.constant 1.000000e+00 : f32
      %div3A_770 = vector.broadcast %div3A_769 : f32 to vector<16xf32>
      %div3A_771 = arith.divf %div3A_770, %add3A_768 : vector<16xf32>
      %shift_right_logical3A = arith.constant 1 : i32
      %shift_right_logical3A_772 = vector.broadcast %shift_right_logical3A : i32 to vector<16xi32>
      %shift_right_logical3A_773 = arith.shrui %get3A_594, %shift_right_logical3A_772 : vector<16xi32>
      %and3A_774 = arith.constant -2 : i32
      %and3A_775 = vector.broadcast %and3A_774 : i32 to vector<16xi32>
      %and3A_776 = arith.andi %shift_right_logical3A_773, %and3A_775 : vector<16xi32>
      %xor3A = arith.constant 2 : i32
      %xor3A_777 = vector.broadcast %xor3A : i32 to vector<16xi32>
      %xor3A_778 = arith.xori %and3A_776, %xor3A_777 : vector<16xi32>
      %gather3A = tpu.vector_load_idx %arg8[%shift_right_logical3A_773, %iota3A_318] : memref<8x16xf32, #tpu.memory_space<vmem>>[vector<16xi32>, vector<16xi32>], vector<16xf32>,
      %xor3A_779 = arith.constant 1 : i32
      %xor3A_780 = vector.broadcast %xor3A_779 : i32 to vector<16xi32>
      %xor3A_781 = arith.xori %shift_right_logical3A_773, %xor3A_780 : vector<16xi32>
      %gather3A_782 = tpu.vector_load_idx %arg8[%xor3A_781, %iota3A_318] : memref<8x16xf32, #tpu.memory_space<vmem>>[vector<16xi32>, vector<16xi32>], vector<16xf32>,
      %add3A_783 = arith.addf %gather3A, %gather3A_782 : vector<16xf32>
      %gather3A_784 = tpu.vector_load_idx %arg8[%xor3A_778, %iota3A_318] : memref<8x16xf32, #tpu.memory_space<vmem>>[vector<16xi32>, vector<16xi32>], vector<16xf32>,
      %add3A_785 = arith.addf %add3A_783, %gather3A_784 : vector<16xf32>
      %or3A = arith.constant 1 : i32
      %or3A_786 = vector.broadcast %or3A : i32 to vector<16xi32>
      %or3A_787 = arith.ori %xor3A_778, %or3A_786 : vector<16xi32>
      %gather3A_788 = tpu.vector_load_idx %arg8[%or3A_787, %iota3A_318] : memref<8x16xf32, #tpu.memory_space<vmem>>[vector<16xi32>, vector<16xi32>], vector<16xf32>,
      %add3A_789 = arith.addf %add3A_785, %gather3A_788 : vector<16xf32>
      %mul3A_790 = arith.mulf %add3A_789, %div3A_771 : vector<16xf32>
      %bitcast_convert_type3A = tpu.bitcast %mul3A_790 : vector<16xf32> -> vector<16xi32>
      %shift_right_arithmetic3A = arith.constant 23 : i32
      %shift_right_arithmetic3A_791 = vector.broadcast %shift_right_arithmetic3A : i32 to vector<16xi32>
      %shift_right_arithmetic3A_792 = arith.shrsi %bitcast_convert_type3A, %shift_right_arithmetic3A_791 : vector<16xi32>
      %sub3A_793 = arith.constant 127 : i32
      %sub3A_794 = vector.broadcast %sub3A_793 : i32 to vector<16xi32>
      %sub3A_795 = arith.subi %shift_right_arithmetic3A_792, %sub3A_794 : vector<16xi32>
      %and3A_796 = arith.constant 8388607 : i32
      %and3A_797 = vector.broadcast %and3A_796 : i32 to vector<16xi32>
      %and3A_798 = arith.andi %bitcast_convert_type3A, %and3A_797 : vector<16xi32>
      %or3A_799 = arith.constant 1065353216 : i32
      %or3A_800 = vector.broadcast %or3A_799 : i32 to vector<16xi32>
      %or3A_801 = arith.ori %and3A_798, %or3A_800 : vector<16xi32>
      %bitcast_convert_type3A_802 = tpu.bitcast %or3A_801 : vector<16xi32> -> vector<16xf32>
      %sub3A_803 = arith.constant 1.000000e+00 : f32
      %sub3A_804 = vector.broadcast %sub3A_803 : f32 to vector<16xf32>
      %sub3A_805 = arith.subf %bitcast_convert_type3A_802, %sub3A_804 : vector<16xf32>
      %add3A_806 = arith.constant 1.000000e+00 : f32
      %add3A_807 = vector.broadcast %add3A_806 : f32 to vector<16xf32>
      %add3A_808 = arith.addf %bitcast_convert_type3A_802, %add3A_807 : vector<16xf32>
      %div3A_809 = arith.divf %sub3A_805, %add3A_808 : vector<16xf32>
      %mul3A_810 = arith.mulf %div3A_809, %div3A_809 : vector<16xf32>
      %mul3A_811 = arith.constant 0.412198573 : f32
      %mul3A_812 = vector.broadcast %mul3A_811 : f32 to vector<16xf32>
      %mul3A_813 = arith.mulf %mul3A_810, %mul3A_812 : vector<16xf32>
      %add3A_814 = arith.constant 0.577078044 : f32
      %add3A_815 = vector.broadcast %add3A_814 : f32 to vector<16xf32>
      %add3A_816 = arith.addf %add3A_815, %mul3A_813 : vector<16xf32>
      %mul3A_817 = arith.mulf %mul3A_810, %add3A_816 : vector<16xf32>
      %add3A_818 = arith.constant 0.9617967 : f32
      %add3A_819 = vector.broadcast %add3A_818 : f32 to vector<16xf32>
      %add3A_820 = arith.addf %add3A_819, %mul3A_817 : vector<16xf32>
      %mul3A_821 = arith.mulf %mul3A_810, %add3A_820 : vector<16xf32>
      %add3A_822 = arith.constant 2.885390e+00 : f32
      %add3A_823 = vector.broadcast %add3A_822 : f32 to vector<16xf32>
      %add3A_824 = arith.addf %add3A_823, %mul3A_821 : vector<16xf32>
      %convert_element_type3A = arith.sitofp %sub3A_795 : vector<16xi32> to vector<16xf32>
      %mul3A_825 = arith.mulf %div3A_809, %add3A_824 : vector<16xf32>
      %add3A_826 = arith.addf %convert_element_type3A, %mul3A_825 : vector<16xf32>
      %max3A = arith.constant -23.2534962 : f32
      %max3A_827 = vector.broadcast %max3A : f32 to vector<16xf32>
      %max3A_828 = arith.maximumf %add3A_826, %max3A_827 : vector<16xf32>
      %mul3A_829 = arith.mulf %add3A_783, %div3A_771 : vector<16xf32>
      %bitcast_convert_type3A_830 = tpu.bitcast %mul3A_829 : vector<16xf32> -> vector<16xi32>
      %shift_right_arithmetic3A_831 = arith.constant 23 : i32
      %shift_right_arithmetic3A_832 = vector.broadcast %shift_right_arithmetic3A_831 : i32 to vector<16xi32>
      %shift_right_arithmetic3A_833 = arith.shrsi %bitcast_convert_type3A_830, %shift_right_arithmetic3A_832 : vector<16xi32>
      %sub3A_834 = arith.constant 127 : i32
      %sub3A_835 = vector.broadcast %sub3A_834 : i32 to vector<16xi32>
      %sub3A_836 = arith.subi %shift_right_arithmetic3A_833, %sub3A_835 : vector<16xi32>
      %and3A_837 = arith.constant 8388607 : i32
      %and3A_838 = vector.broadcast %and3A_837 : i32 to vector<16xi32>
      %and3A_839 = arith.andi %bitcast_convert_type3A_830, %and3A_838 : vector<16xi32>
      %or3A_840 = arith.constant 1065353216 : i32
      %or3A_841 = vector.broadcast %or3A_840 : i32 to vector<16xi32>
      %or3A_842 = arith.ori %and3A_839, %or3A_841 : vector<16xi32>
      %bitcast_convert_type3A_843 = tpu.bitcast %or3A_842 : vector<16xi32> -> vector<16xf32>
      %sub3A_844 = arith.constant 1.000000e+00 : f32
      %sub3A_845 = vector.broadcast %sub3A_844 : f32 to vector<16xf32>
      %sub3A_846 = arith.subf %bitcast_convert_type3A_843, %sub3A_845 : vector<16xf32>
      %add3A_847 = arith.constant 1.000000e+00 : f32
      %add3A_848 = vector.broadcast %add3A_847 : f32 to vector<16xf32>
      %add3A_849 = arith.addf %bitcast_convert_type3A_843, %add3A_848 : vector<16xf32>
      %div3A_850 = arith.divf %sub3A_846, %add3A_849 : vector<16xf32>
      %mul3A_851 = arith.mulf %div3A_850, %div3A_850 : vector<16xf32>
      %mul3A_852 = arith.constant 0.412198573 : f32
      %mul3A_853 = vector.broadcast %mul3A_852 : f32 to vector<16xf32>
      %mul3A_854 = arith.mulf %mul3A_851, %mul3A_853 : vector<16xf32>
      %add3A_855 = arith.constant 0.577078044 : f32
      %add3A_856 = vector.broadcast %add3A_855 : f32 to vector<16xf32>
      %add3A_857 = arith.addf %add3A_856, %mul3A_854 : vector<16xf32>
      %mul3A_858 = arith.mulf %mul3A_851, %add3A_857 : vector<16xf32>
      %add3A_859 = arith.constant 0.9617967 : f32
      %add3A_860 = vector.broadcast %add3A_859 : f32 to vector<16xf32>
      %add3A_861 = arith.addf %add3A_860, %mul3A_858 : vector<16xf32>
      %mul3A_862 = arith.mulf %mul3A_851, %add3A_861 : vector<16xf32>
      %add3A_863 = arith.constant 2.885390e+00 : f32
      %add3A_864 = vector.broadcast %add3A_863 : f32 to vector<16xf32>
      %add3A_865 = arith.addf %add3A_864, %mul3A_862 : vector<16xf32>
      %convert_element_type3A_866 = arith.sitofp %sub3A_836 : vector<16xi32> to vector<16xf32>
      %mul3A_867 = arith.mulf %div3A_850, %add3A_865 : vector<16xf32>
      %add3A_868 = arith.addf %convert_element_type3A_866, %mul3A_867 : vector<16xf32>
      %max3A_869 = arith.constant -23.2534962 : f32
      %max3A_870 = vector.broadcast %max3A_869 : f32 to vector<16xf32>
      %max3A_871 = arith.maximumf %add3A_868, %max3A_870 : vector<16xf32>
      %mul3A_872 = arith.mulf %gather3A, %div3A_771 : vector<16xf32>
      %bitcast_convert_type3A_873 = tpu.bitcast %mul3A_872 : vector<16xf32> -> vector<16xi32>
      %shift_right_arithmetic3A_874 = arith.constant 23 : i32
      %shift_right_arithmetic3A_875 = vector.broadcast %shift_right_arithmetic3A_874 : i32 to vector<16xi32>
      %shift_right_arithmetic3A_876 = arith.shrsi %bitcast_convert_type3A_873, %shift_right_arithmetic3A_875 : vector<16xi32>
      %sub3A_877 = arith.constant 127 : i32
      %sub3A_878 = vector.broadcast %sub3A_877 : i32 to vector<16xi32>
      %sub3A_879 = arith.subi %shift_right_arithmetic3A_876, %sub3A_878 : vector<16xi32>
      %and3A_880 = arith.constant 8388607 : i32
      %and3A_881 = vector.broadcast %and3A_880 : i32 to vector<16xi32>
      %and3A_882 = arith.andi %bitcast_convert_type3A_873, %and3A_881 : vector<16xi32>
      %or3A_883 = arith.constant 1065353216 : i32
      %or3A_884 = vector.broadcast %or3A_883 : i32 to vector<16xi32>
      %or3A_885 = arith.ori %and3A_882, %or3A_884 : vector<16xi32>
      %bitcast_convert_type3A_886 = tpu.bitcast %or3A_885 : vector<16xi32> -> vector<16xf32>
      %sub3A_887 = arith.constant 1.000000e+00 : f32
      %sub3A_888 = vector.broadcast %sub3A_887 : f32 to vector<16xf32>
      %sub3A_889 = arith.subf %bitcast_convert_type3A_886, %sub3A_888 : vector<16xf32>
      %add3A_890 = arith.constant 1.000000e+00 : f32
      %add3A_891 = vector.broadcast %add3A_890 : f32 to vector<16xf32>
      %add3A_892 = arith.addf %bitcast_convert_type3A_886, %add3A_891 : vector<16xf32>
      %div3A_893 = arith.divf %sub3A_889, %add3A_892 : vector<16xf32>
      %mul3A_894 = arith.mulf %div3A_893, %div3A_893 : vector<16xf32>
      %mul3A_895 = arith.constant 0.412198573 : f32
      %mul3A_896 = vector.broadcast %mul3A_895 : f32 to vector<16xf32>
      %mul3A_897 = arith.mulf %mul3A_894, %mul3A_896 : vector<16xf32>
      %add3A_898 = arith.constant 0.577078044 : f32
      %add3A_899 = vector.broadcast %add3A_898 : f32 to vector<16xf32>
      %add3A_900 = arith.addf %add3A_899, %mul3A_897 : vector<16xf32>
      %mul3A_901 = arith.mulf %mul3A_894, %add3A_900 : vector<16xf32>
      %add3A_902 = arith.constant 0.9617967 : f32
      %add3A_903 = vector.broadcast %add3A_902 : f32 to vector<16xf32>
      %add3A_904 = arith.addf %add3A_903, %mul3A_901 : vector<16xf32>
      %mul3A_905 = arith.mulf %mul3A_894, %add3A_904 : vector<16xf32>
      %add3A_906 = arith.constant 2.885390e+00 : f32
      %add3A_907 = vector.broadcast %add3A_906 : f32 to vector<16xf32>
      %add3A_908 = arith.addf %add3A_907, %mul3A_905 : vector<16xf32>
      %convert_element_type3A_909 = arith.sitofp %sub3A_879 : vector<16xi32> to vector<16xf32>
      %mul3A_910 = arith.mulf %div3A_893, %add3A_908 : vector<16xf32>
      %add3A_911 = arith.addf %convert_element_type3A_909, %mul3A_910 : vector<16xf32>
      %max3A_912 = arith.constant -23.2534962 : f32
      %max3A_913 = vector.broadcast %max3A_912 : f32 to vector<16xf32>
      %max3A_914 = arith.maximumf %add3A_911, %max3A_913 : vector<16xf32>
      %add3A_915 = arith.addf %scan3A_546, %max3A_828 : vector<16xf32>
      %add3A_916 = arith.addf %scan3A_547, %max3A_871 : vector<16xf32>
      %add3A_917 = arith.addf %scan3A_548, %max3A_914 : vector<16xf32>
      scf.yield %add3A_915, %add3A_916, %add3A_917 : vector<16xf32>, vector<16xf32>, vector<16xf32>
    }
    %scan3A_324 = arith.constant 192 : i32
    %dma_wait3A_325 = arith.constant 1 : i32
    %dma_wait3A_326 = arith.constant 1 : i32
    %dma_wait3A_327 = arith.constant 0 : i32
    %dma_wait3A_328 = arith.constant 0 : i32
    %dma_wait3A_329 = arith.constant 0 : i32
    %dma_wait3A_330 = tpu.memref_slice %arg5[%dma_wait3A_325, %dma_wait3A_327, %dma_wait3A_328, %dma_wait3A_329] : memref<2x16x8x384xf32, #tpu.memory_space<vmem>> -> memref<1x16x8x384xf32, #tpu.memory_space<vmem>>
    %dma_wait3A_331 = tpu.memref_squeeze %dma_wait3A_330 : memref<1x16x8x384xf32, #tpu.memory_space<vmem>> -> memref<16x8x384xf32, #tpu.memory_space<vmem>>
    %dma_wait3A_332 = arith.constant 0 : i32
    %dma_wait3A_333 = tpu.memref_slice %arg2[%mul3A_281, %add3A_279, %dma_wait3A_332] : memref<128x384x384xf32, #tpu.memory_space<hbm>> -> memref<16x8x384xf32, #tpu.memory_space<hbm>>
    %dma_wait3A_334 = tpu.memref_slice %arg9[%dma_wait3A_326] : memref<2x!tpu.dma_semaphore, #tpu.memory_space<semaphore_mem>> -> memref<1x!tpu.dma_semaphore, #tpu.memory_space<semaphore_mem>>
    %dma_wait3A_335 = tpu.memref_squeeze %dma_wait3A_334 : memref<1x!tpu.dma_semaphore, #tpu.memory_space<semaphore_mem>> -> memref<!tpu.dma_semaphore, #tpu.memory_space<semaphore_mem>>
    %dma_wait3A_336 = arith.constant 0 : i32
    %dma_wait3A_337 = arith.constant 0 : i32
    %dma_wait3A_338 = arith.constant 0 : i32
    %dma_wait3A_339 = tpu.memref_slice %arg5[%dma_wait3A_325, %dma_wait3A_336, %dma_wait3A_337, %dma_wait3A_338] : memref<2x16x8x384xf32, #tpu.memory_space<vmem>> -> memref<1x16x8x384xf32, #tpu.memory_space<vmem>>
    %dma_wait3A_340 = tpu.memref_squeeze %dma_wait3A_339 : memref<1x16x8x384xf32, #tpu.memory_space<vmem>> -> memref<16x8x384xf32, #tpu.memory_space<vmem>>
    %dma_wait3A_341 = arith.constant 0 : i32
    %dma_wait3A_342 = tpu.memref_slice %arg2[%mul3A_281, %add3A_279, %dma_wait3A_341] : memref<128x384x384xf32, #tpu.memory_space<hbm>> -> memref<16x8x384xf32, #tpu.memory_space<hbm>>
    tpu.wait_dma2 semaphore(%dma_wait3A_335 : memref<!tpu.dma_semaphore, #tpu.memory_space<semaphore_mem>>) src(%dma_wait3A_342 : memref<16x8x384xf32, #tpu.memory_space<hbm>>) dst(%dma_wait3A_340 : memref<16x8x384xf32, #tpu.memory_space<vmem>>)
    %dma_wait3A_343 = arith.constant 1 : i32
    %dma_wait3A_344 = arith.constant 1 : i32
    %dma_wait3A_345 = arith.constant 0 : i32
    %dma_wait3A_346 = arith.constant 0 : i32
    %dma_wait3A_347 = tpu.memref_slice %arg6[%dma_wait3A_343, %dma_wait3A_345, %dma_wait3A_346] : memref<2x8x384xi32, #tpu.memory_space<vmem>> -> memref<1x8x384xi32, #tpu.memory_space<vmem>>
    %dma_wait3A_348 = tpu.memref_squeeze %dma_wait3A_347 : memref<1x8x384xi32, #tpu.memory_space<vmem>> -> memref<8x384xi32, #tpu.memory_space<vmem>>
    %dma_wait3A_349 = arith.constant 0 : i32
    %dma_wait3A_350 = tpu.memref_slice %arg3[%select_n3A, %add3A_279, %dma_wait3A_349] : memref<8x384x384xi32, #tpu.memory_space<hbm>> -> memref<1x8x384xi32, #tpu.memory_space<hbm>>
    %dma_wait3A_351 = tpu.memref_squeeze %dma_wait3A_350 : memref<1x8x384xi32, #tpu.memory_space<hbm>> -> memref<8x384xi32, #tpu.memory_space<hbm>>
    %dma_wait3A_352 = tpu.memref_slice %arg10[%dma_wait3A_344] : memref<2x!tpu.dma_semaphore, #tpu.memory_space<semaphore_mem>> -> memref<1x!tpu.dma_semaphore, #tpu.memory_space<semaphore_mem>>
    %dma_wait3A_353 = tpu.memref_squeeze %dma_wait3A_352 : memref<1x!tpu.dma_semaphore, #tpu.memory_space<semaphore_mem>> -> memref<!tpu.dma_semaphore, #tpu.memory_space<semaphore_mem>>
    %dma_wait3A_354 = arith.constant 0 : i32
    %dma_wait3A_355 = arith.constant 0 : i32
    %dma_wait3A_356 = tpu.memref_slice %arg6[%dma_wait3A_343, %dma_wait3A_354, %dma_wait3A_355] : memref<2x8x384xi32, #tpu.memory_space<vmem>> -> memref<1x8x384xi32, #tpu.memory_space<vmem>>
    %dma_wait3A_357 = tpu.memref_squeeze %dma_wait3A_356 : memref<1x8x384xi32, #tpu.memory_space<vmem>> -> memref<8x384xi32, #tpu.memory_space<vmem>>
    %dma_wait3A_358 = arith.constant 0 : i32
    %dma_wait3A_359 = tpu.memref_slice %arg3[%select_n3A, %add3A_279, %dma_wait3A_358] : memref<8x384x384xi32, #tpu.memory_space<hbm>> -> memref<1x8x384xi32, #tpu.memory_space<hbm>>
    %dma_wait3A_360 = tpu.memref_squeeze %dma_wait3A_359 : memref<1x8x384xi32, #tpu.memory_space<hbm>> -> memref<8x384xi32, #tpu.memory_space<hbm>>
    tpu.wait_dma2 semaphore(%dma_wait3A_353 : memref<!tpu.dma_semaphore, #tpu.memory_space<semaphore_mem>>) src(%dma_wait3A_360 : memref<8x384xi32, #tpu.memory_space<hbm>>) dst(%dma_wait3A_357 : memref<8x384xi32, #tpu.memory_space<vmem>>)
    %add3A_361 = arith.constant 32 : i32
    %add3A_362 = arith.addi %add3A_34, %add3A_361 : i32
    %mul3A_363 = arith.constant 16 : i32
    %mul3A_364 = arith.muli %select_n3A, %mul3A_363 : i32
    %dma_start3A_365 = arith.constant 0 : i32
    %dma_start3A_366 = arith.constant 0 : i32
    %dma_start3A_367 = arith.constant 0 : i32
    %dma_start3A_368 = arith.constant 0 : i32
    %dma_start3A_369 = arith.constant 0 : i32
    %dma_start3A_370 = tpu.memref_slice %arg5[%dma_start3A_365, %dma_start3A_367, %dma_start3A_368, %dma_start3A_369] : memref<2x16x8x384xf32, #tpu.memory_space<vmem>> -> memref<1x16x8x384xf32, #tpu.memory_space<vmem>>
    %dma_start3A_371 = tpu.memref_squeeze %dma_start3A_370 : memref<1x16x8x384xf32, #tpu.memory_space<vmem>> -> memref<16x8x384xf32, #tpu.memory_space<vmem>>
    %dma_start3A_372 = arith.constant 0 : i32
    %dma_start3A_373 = tpu.memref_slice %arg2[%mul3A_364, %add3A_362, %dma_start3A_372] : memref<128x384x384xf32, #tpu.memory_space<hbm>> -> memref<16x8x384xf32, #tpu.memory_space<hbm>>
    %dma_start3A_374 = tpu.memref_slice %arg9[%dma_start3A_366] : memref<2x!tpu.dma_semaphore, #tpu.memory_space<semaphore_mem>> -> memref<1x!tpu.dma_semaphore, #tpu.memory_space<semaphore_mem>>
    %dma_start3A_375 = tpu.memref_squeeze %dma_start3A_374 : memref<1x!tpu.dma_semaphore, #tpu.memory_space<semaphore_mem>> -> memref<!tpu.dma_semaphore, #tpu.memory_space<semaphore_mem>>
    %dma_start3A_376 = arith.constant 0 : i32
    %dma_start3A_377 = arith.constant 0 : i32
    %dma_start3A_378 = arith.constant 0 : i32
    %dma_start3A_379 = tpu.memref_slice %arg5[%dma_start3A_365, %dma_start3A_376, %dma_start3A_377, %dma_start3A_378] : memref<2x16x8x384xf32, #tpu.memory_space<vmem>> -> memref<1x16x8x384xf32, #tpu.memory_space<vmem>>
    %dma_start3A_380 = tpu.memref_squeeze %dma_start3A_379 : memref<1x16x8x384xf32, #tpu.memory_space<vmem>> -> memref<16x8x384xf32, #tpu.memory_space<vmem>>
    %dma_start3A_381 = arith.constant 0 : i32
    %dma_start3A_382 = tpu.memref_slice %arg2[%mul3A_364, %add3A_362, %dma_start3A_381] : memref<128x384x384xf32, #tpu.memory_space<hbm>> -> memref<16x8x384xf32, #tpu.memory_space<hbm>>
    tpu.enqueue_dma source(%dma_start3A_382 : memref<16x8x384xf32, #tpu.memory_space<hbm>>) target(%dma_start3A_380 : memref<16x8x384xf32, #tpu.memory_space<vmem>>) target_semaphore(%dma_start3A_375 : memref<!tpu.dma_semaphore, #tpu.memory_space<semaphore_mem>>)
    %dma_start3A_383 = arith.constant 0 : i32
    %dma_start3A_384 = arith.constant 0 : i32
    %dma_start3A_385 = arith.constant 0 : i32
    %dma_start3A_386 = arith.constant 0 : i32
    %dma_start3A_387 = tpu.memref_slice %arg6[%dma_start3A_383, %dma_start3A_385, %dma_start3A_386] : memref<2x8x384xi32, #tpu.memory_space<vmem>> -> memref<1x8x384xi32, #tpu.memory_space<vmem>>
    %dma_start3A_388 = tpu.memref_squeeze %dma_start3A_387 : memref<1x8x384xi32, #tpu.memory_space<vmem>> -> memref<8x384xi32, #tpu.memory_space<vmem>>
    %dma_start3A_389 = arith.constant 0 : i32
    %dma_start3A_390 = tpu.memref_slice %arg3[%select_n3A, %add3A_362, %dma_start3A_389] : memref<8x384x384xi32, #tpu.memory_space<hbm>> -> memref<1x8x384xi32, #tpu.memory_space<hbm>>
    %dma_start3A_391 = tpu.memref_squeeze %dma_start3A_390 : memref<1x8x384xi32, #tpu.memory_space<hbm>> -> memref<8x384xi32, #tpu.memory_space<hbm>>
    %dma_start3A_392 = tpu.memref_slice %arg10[%dma_start3A_384] : memref<2x!tpu.dma_semaphore, #tpu.memory_space<semaphore_mem>> -> memref<1x!tpu.dma_semaphore, #tpu.memory_space<semaphore_mem>>
    %dma_start3A_393 = tpu.memref_squeeze %dma_start3A_392 : memref<1x!tpu.dma_semaphore, #tpu.memory_space<semaphore_mem>> -> memref<!tpu.dma_semaphore, #tpu.memory_space<semaphore_mem>>
    %dma_start3A_394 = arith.constant 0 : i32
    %dma_start3A_395 = arith.constant 0 : i32
    %dma_start3A_396 = tpu.memref_slice %arg6[%dma_start3A_383, %dma_start3A_394, %dma_start3A_395] : memref<2x8x384xi32, #tpu.memory_space<vmem>> -> memref<1x8x384xi32, #tpu.memory_space<vmem>>
    %dma_start3A_397 = tpu.memref_squeeze %dma_start3A_396 : memref<1x8x384xi32, #tpu.memory_space<vmem>> -> memref<8x384xi32, #tpu.memory_space<vmem>>
    %dma_start3A_398 = arith.constant 0 : i32
    %dma_start3A_399 = tpu.memref_slice %arg3[%select_n3A, %add3A_362, %dma_start3A_398] : memref<8x384x384xi32, #tpu.memory_space<hbm>> -> memref<1x8x384xi32, #tpu.memory_space<hbm>>
    %dma_start3A_400 = tpu.memref_squeeze %dma_start3A_399 : memref<1x8x384xi32, #tpu.memory_space<hbm>> -> memref<8x384xi32, #tpu.memory_space<hbm>>
    tpu.enqueue_dma source(%dma_start3A_400 : memref<8x384xi32, #tpu.memory_space<hbm>>) target(%dma_start3A_397 : memref<8x384xi32, #tpu.memory_space<vmem>>) target_semaphore(%dma_start3A_393 : memref<!tpu.dma_semaphore, #tpu.memory_space<semaphore_mem>>)
    %iota3A_401 = tpu.iota {dimensions = array<i32: 0>} : vector<16xi32>
    %scan3A_402 = arith.constant 0 : i32
    %scan3A_403 = arith.constant 192 : i32
    %scan3A_404 = arith.addi %scan3A_402, %scan3A_403 : i32
    %scan3A_405 = arith.constant 1 : i32
    %scan3A_406:3 = scf.for %scan3A_545 = %scan3A_402 to %scan3A_404 step %scan3A_405 iter_args(%scan3A_546 = %scan3A_323#0, %scan3A_547 = %scan3A_323#1, %scan3A_548 = %scan3A_323#2) -> (vector<16xf32>, vector<16xf32>, vector<16xf32>)  : i32 {
      %jit3A_549 = arith.constant 24 : i32
      %div3A_550 = arith.divsi %scan3A_545, %jit3A_549 : i32
      %sign3A_551 = arith.constant 0 : i32
      %sign3A_552 = arith.cmpi sgt, %scan3A_545, %sign3A_551 : i32
      %sign3A_553 = arith.extui %sign3A_552 : i1 to i32
      %sign3A_554 = arith.constant 0 : i32
      %sign3A_555 = arith.cmpi slt, %scan3A_545, %sign3A_554 : i32
      %sign3A_556 = arith.extui %sign3A_555 : i1 to i32
      %sign3A_557 = arith.subi %sign3A_553, %sign3A_556 : i32
      %sign3A_558 = arith.constant 0 : i32
      %sign3A_559 = arith.cmpi sgt, %jit3A_549, %sign3A_558 : i32
      %sign3A_560 = arith.extui %sign3A_559 : i1 to i32
      %sign3A_561 = arith.constant 0 : i32
      %sign3A_562 = arith.cmpi slt, %jit3A_549, %sign3A_561 : i32
      %sign3A_563 = arith.extui %sign3A_562 : i1 to i32
      %sign3A_564 = arith.subi %sign3A_560, %sign3A_563 : i32
      %ne3A_565 = arith.cmpi ne, %sign3A_557, %sign3A_564 : i32
      %rem3A_566 = arith.remsi %scan3A_545, %jit3A_549 : i32
      %ne3A_567 = arith.constant 0 : i32
      %ne3A_568 = arith.cmpi ne, %rem3A_566, %ne3A_567 : i32
      %and3A_569 = arith.andi %ne3A_565, %ne3A_568 : i1
      %sub3A_570 = arith.constant 1 : i32
      %sub3A_571 = arith.subi %div3A_550, %sub3A_570 : i32
      %select_n3A_572 = arith.select %and3A_569, %sub3A_571, %div3A_550 : i32
      %jit3A_573 = arith.constant 24 : i32
      %eq3A_574 = arith.constant 0 : i32
      %eq3A_575 = arith.cmpi eq, %jit3A_573, %eq3A_574 : i32
      %jit3A_576 = arith.constant 1 : i32
      %select_n3A_577 = arith.select %eq3A_575, %jit3A_576, %jit3A_573 : i32
      %rem3A_578 = arith.remsi %scan3A_545, %select_n3A_577 : i32
      %ne3A_579 = arith.constant 0 : i32
      %ne3A_580 = arith.cmpi ne, %rem3A_578, %ne3A_579 : i32
      %lt3A_581 = arith.constant 0 : i32
      %lt3A_582 = arith.cmpi slt, %rem3A_578, %lt3A_581 : i32
      %lt3A_583 = arith.constant 0 : i32
      %lt3A_584 = arith.cmpi slt, %select_n3A_577, %lt3A_583 : i32
      %ne3A_585 = arith.xori %lt3A_582, %lt3A_584 : i1
      %and3A_586 = arith.andi %ne3A_585, %ne3A_580 : i1
      %add3A_587 = arith.addi %rem3A_578, %select_n3A_577 : i32
      %select_n3A_588 = arith.select %and3A_586, %add3A_587, %rem3A_578 : i32
      %mul3A_589 = arith.constant 16 : i32
      %mul3A_590 = arith.muli %select_n3A_588, %mul3A_589 : i32
      %get3A = arith.constant 1 : i32
      %get3A_591 = arith.index_cast %get3A : i32 to index
      %get3A_592 = arith.index_cast %select_n3A_572 : i32 to index
      %get3A_593 = arith.index_cast %mul3A_590 : i32 to index
      %get3A_594 = tpu.vector_load %arg6[%get3A_591, %get3A_592, %get3A_593] {strides = array<i32>} : memref<2x8x384xi32, #tpu.memory_space<vmem>>, vector<16xi32>,
      %get3A_595 = arith.constant 1 : i32
      %get3A_596 = arith.constant 0 : i32
      %get3A_597 = arith.index_cast %get3A_595 : i32 to index
      %get3A_598 = arith.index_cast %get3A_596 : i32 to index
      %get3A_599 = arith.index_cast %select_n3A_572 : i32 to index
      %get3A_600 = arith.index_cast %mul3A_590 : i32 to index
      %get3A_601 = tpu.vector_load %arg5[%get3A_597, %get3A_598, %get3A_599, %get3A_600] {strides = array<i32>} : memref<2x16x8x384xf32, #tpu.memory_space<vmem>>, vector<16xf32>,
      %get3A_602 = arith.constant 1 : i32
      %get3A_603 = arith.constant 1 : i32
      %get3A_604 = arith.index_cast %get3A_602 : i32 to index
      %get3A_605 = arith.index_cast %get3A_603 : i32 to index
      %get3A_606 = arith.index_cast %select_n3A_572 : i32 to index
      %get3A_607 = arith.index_cast %mul3A_590 : i32 to index
      %get3A_608 = tpu.vector_load %arg5[%get3A_604, %get3A_605, %get3A_606, %get3A_607] {strides = array<i32>} : memref<2x16x8x384xf32, #tpu.memory_space<vmem>>, vector<16xf32>,
      %get3A_609 = arith.constant 1 : i32
      %get3A_610 = arith.constant 2 : i32
      %get3A_611 = arith.index_cast %get3A_609 : i32 to index
      %get3A_612 = arith.index_cast %get3A_610 : i32 to index
      %get3A_613 = arith.index_cast %select_n3A_572 : i32 to index
      %get3A_614 = arith.index_cast %mul3A_590 : i32 to index
      %get3A_615 = tpu.vector_load %arg5[%get3A_611, %get3A_612, %get3A_613, %get3A_614] {strides = array<i32>} : memref<2x16x8x384xf32, #tpu.memory_space<vmem>>, vector<16xf32>,
      %get3A_616 = arith.constant 1 : i32
      %get3A_617 = arith.constant 3 : i32
      %get3A_618 = arith.index_cast %get3A_616 : i32 to index
      %get3A_619 = arith.index_cast %get3A_617 : i32 to index
      %get3A_620 = arith.index_cast %select_n3A_572 : i32 to index
      %get3A_621 = arith.index_cast %mul3A_590 : i32 to index
      %get3A_622 = tpu.vector_load %arg5[%get3A_618, %get3A_619, %get3A_620, %get3A_621] {strides = array<i32>} : memref<2x16x8x384xf32, #tpu.memory_space<vmem>>, vector<16xf32>,
      %get3A_623 = arith.constant 1 : i32
      %get3A_624 = arith.constant 4 : i32
      %get3A_625 = arith.index_cast %get3A_623 : i32 to index
      %get3A_626 = arith.index_cast %get3A_624 : i32 to index
      %get3A_627 = arith.index_cast %select_n3A_572 : i32 to index
      %get3A_628 = arith.index_cast %mul3A_590 : i32 to index
      %get3A_629 = tpu.vector_load %arg5[%get3A_625, %get3A_626, %get3A_627, %get3A_628] {strides = array<i32>} : memref<2x16x8x384xf32, #tpu.memory_space<vmem>>, vector<16xf32>,
      %get3A_630 = arith.constant 1 : i32
      %get3A_631 = arith.constant 5 : i32
      %get3A_632 = arith.index_cast %get3A_630 : i32 to index
      %get3A_633 = arith.index_cast %get3A_631 : i32 to index
      %get3A_634 = arith.index_cast %select_n3A_572 : i32 to index
      %get3A_635 = arith.index_cast %mul3A_590 : i32 to index
      %get3A_636 = tpu.vector_load %arg5[%get3A_632, %get3A_633, %get3A_634, %get3A_635] {strides = array<i32>} : memref<2x16x8x384xf32, #tpu.memory_space<vmem>>, vector<16xf32>,
      %get3A_637 = arith.constant 1 : i32
      %get3A_638 = arith.constant 6 : i32
      %get3A_639 = arith.index_cast %get3A_637 : i32 to index
      %get3A_640 = arith.index_cast %get3A_638 : i32 to index
      %get3A_641 = arith.index_cast %select_n3A_572 : i32 to index
      %get3A_642 = arith.index_cast %mul3A_590 : i32 to index
      %get3A_643 = tpu.vector_load %arg5[%get3A_639, %get3A_640, %get3A_641, %get3A_642] {strides = array<i32>} : memref<2x16x8x384xf32, #tpu.memory_space<vmem>>, vector<16xf32>,
      %get3A_644 = arith.constant 1 : i32
      %get3A_645 = arith.constant 7 : i32
      %get3A_646 = arith.index_cast %get3A_644 : i32 to index
      %get3A_647 = arith.index_cast %get3A_645 : i32 to index
      %get3A_648 = arith.index_cast %select_n3A_572 : i32 to index
      %get3A_649 = arith.index_cast %mul3A_590 : i32 to index
      %get3A_650 = tpu.vector_load %arg5[%get3A_646, %get3A_647, %get3A_648, %get3A_649] {strides = array<i32>} : memref<2x16x8x384xf32, #tpu.memory_space<vmem>>, vector<16xf32>,
      %get3A_651 = arith.constant 1 : i32
      %get3A_652 = arith.constant 8 : i32
      %get3A_653 = arith.index_cast %get3A_651 : i32 to index
      %get3A_654 = arith.index_cast %get3A_652 : i32 to index
      %get3A_655 = arith.index_cast %select_n3A_572 : i32 to index
      %get3A_656 = arith.index_cast %mul3A_590 : i32 to index
      %get3A_657 = tpu.vector_load %arg5[%get3A_653, %get3A_654, %get3A_655, %get3A_656] {strides = array<i32>} : memref<2x16x8x384xf32, #tpu.memory_space<vmem>>, vector<16xf32>,
      %get3A_658 = arith.constant 1 : i32
      %get3A_659 = arith.constant 9 : i32
      %get3A_660 = arith.index_cast %get3A_658 : i32 to index
      %get3A_661 = arith.index_cast %get3A_659 : i32 to index
      %get3A_662 = arith.index_cast %select_n3A_572 : i32 to index
      %get3A_663 = arith.index_cast %mul3A_590 : i32 to index
      %get3A_664 = tpu.vector_load %arg5[%get3A_660, %get3A_661, %get3A_662, %get3A_663] {strides = array<i32>} : memref<2x16x8x384xf32, #tpu.memory_space<vmem>>, vector<16xf32>,
      %get3A_665 = arith.constant 1 : i32
      %get3A_666 = arith.constant 10 : i32
      %get3A_667 = arith.index_cast %get3A_665 : i32 to index
      %get3A_668 = arith.index_cast %get3A_666 : i32 to index
      %get3A_669 = arith.index_cast %select_n3A_572 : i32 to index
      %get3A_670 = arith.index_cast %mul3A_590 : i32 to index
      %get3A_671 = tpu.vector_load %arg5[%get3A_667, %get3A_668, %get3A_669, %get3A_670] {strides = array<i32>} : memref<2x16x8x384xf32, #tpu.memory_space<vmem>>, vector<16xf32>,
      %get3A_672 = arith.constant 1 : i32
      %get3A_673 = arith.constant 11 : i32
      %get3A_674 = arith.index_cast %get3A_672 : i32 to index
      %get3A_675 = arith.index_cast %get3A_673 : i32 to index
      %get3A_676 = arith.index_cast %select_n3A_572 : i32 to index
      %get3A_677 = arith.index_cast %mul3A_590 : i32 to index
      %get3A_678 = tpu.vector_load %arg5[%get3A_674, %get3A_675, %get3A_676, %get3A_677] {strides = array<i32>} : memref<2x16x8x384xf32, #tpu.memory_space<vmem>>, vector<16xf32>,
      %get3A_679 = arith.constant 1 : i32
      %get3A_680 = arith.constant 12 : i32
      %get3A_681 = arith.index_cast %get3A_679 : i32 to index
      %get3A_682 = arith.index_cast %get3A_680 : i32 to index
      %get3A_683 = arith.index_cast %select_n3A_572 : i32 to index
      %get3A_684 = arith.index_cast %mul3A_590 : i32 to index
      %get3A_685 = tpu.vector_load %arg5[%get3A_681, %get3A_682, %get3A_683, %get3A_684] {strides = array<i32>} : memref<2x16x8x384xf32, #tpu.memory_space<vmem>>, vector<16xf32>,
      %get3A_686 = arith.constant 1 : i32
      %get3A_687 = arith.constant 13 : i32
      %get3A_688 = arith.index_cast %get3A_686 : i32 to index
      %get3A_689 = arith.index_cast %get3A_687 : i32 to index
      %get3A_690 = arith.index_cast %select_n3A_572 : i32 to index
      %get3A_691 = arith.index_cast %mul3A_590 : i32 to index
      %get3A_692 = tpu.vector_load %arg5[%get3A_688, %get3A_689, %get3A_690, %get3A_691] {strides = array<i32>} : memref<2x16x8x384xf32, #tpu.memory_space<vmem>>, vector<16xf32>,
      %get3A_693 = arith.constant 1 : i32
      %get3A_694 = arith.constant 14 : i32
      %get3A_695 = arith.index_cast %get3A_693 : i32 to index
      %get3A_696 = arith.index_cast %get3A_694 : i32 to index
      %get3A_697 = arith.index_cast %select_n3A_572 : i32 to index
      %get3A_698 = arith.index_cast %mul3A_590 : i32 to index
      %get3A_699 = tpu.vector_load %arg5[%get3A_695, %get3A_696, %get3A_697, %get3A_698] {strides = array<i32>} : memref<2x16x8x384xf32, #tpu.memory_space<vmem>>, vector<16xf32>,
      %get3A_700 = arith.constant 1 : i32
      %get3A_701 = arith.constant 15 : i32
      %get3A_702 = arith.index_cast %get3A_700 : i32 to index
      %get3A_703 = arith.index_cast %get3A_701 : i32 to index
      %get3A_704 = arith.index_cast %select_n3A_572 : i32 to index
      %get3A_705 = arith.index_cast %mul3A_590 : i32 to index
      %get3A_706 = tpu.vector_load %arg5[%get3A_702, %get3A_703, %get3A_704, %get3A_705] {strides = array<i32>} : memref<2x16x8x384xf32, #tpu.memory_space<vmem>>, vector<16xf32>,
      %exp3A = math.exp %get3A_601 : vector<16xf32>
      %exp3A_707 = math.exp %get3A_608 : vector<16xf32>
      %exp3A_708 = math.exp %get3A_615 : vector<16xf32>
      %exp3A_709 = math.exp %get3A_622 : vector<16xf32>
      %exp3A_710 = math.exp %get3A_629 : vector<16xf32>
      %exp3A_711 = math.exp %get3A_636 : vector<16xf32>
      %exp3A_712 = math.exp %get3A_643 : vector<16xf32>
      %exp3A_713 = math.exp %get3A_650 : vector<16xf32>
      %exp3A_714 = math.exp %get3A_657 : vector<16xf32>
      %exp3A_715 = math.exp %get3A_664 : vector<16xf32>
      %exp3A_716 = math.exp %get3A_671 : vector<16xf32>
      %exp3A_717 = math.exp %get3A_678 : vector<16xf32>
      %exp3A_718 = math.exp %get3A_685 : vector<16xf32>
      %exp3A_719 = math.exp %get3A_692 : vector<16xf32>
      %exp3A_720 = math.exp %get3A_699 : vector<16xf32>
      %exp3A_721 = math.exp %get3A_706 : vector<16xf32>
      %add3A_722 = arith.addf %exp3A, %exp3A_707 : vector<16xf32>
      %add3A_723 = arith.addf %exp3A_708, %exp3A_709 : vector<16xf32>
      %add3A_724 = arith.addf %exp3A_710, %exp3A_711 : vector<16xf32>
      %add3A_725 = arith.addf %exp3A_712, %exp3A_713 : vector<16xf32>
      %add3A_726 = arith.addf %exp3A_714, %exp3A_715 : vector<16xf32>
      %add3A_727 = arith.addf %exp3A_716, %exp3A_717 : vector<16xf32>
      %add3A_728 = arith.addf %exp3A_718, %exp3A_719 : vector<16xf32>
      %add3A_729 = arith.addf %exp3A_720, %exp3A_721 : vector<16xf32>
      %swap3A_730 = arith.constant 0 : i32
      %swap3A_731 = arith.index_cast %swap3A_730 : i32 to index
      %swap3A_732 = arith.constant 0 : index
      %swap3A_733 = tpu.vector_load %arg8[%swap3A_731, %swap3A_732] {strides = array<i32>} : memref<8x16xf32, #tpu.memory_space<vmem>>, vector<16xf32>,
      tpu.vector_store %arg8[%swap3A_731, %swap3A_732], %add3A_722 {strides = array<i32>} : memref<8x16xf32, #tpu.memory_space<vmem>>, vector<16xf32>,
      %swap3A_734 = arith.constant 1 : i32
      %swap3A_735 = arith.index_cast %swap3A_734 : i32 to index
      %swap3A_736 = arith.constant 0 : index
      %swap3A_737 = tpu.vector_load %arg8[%swap3A_735, %swap3A_736] {strides = array<i32>} : memref<8x16xf32, #tpu.memory_space<vmem>>, vector<16xf32>,
      tpu.vector_store %arg8[%swap3A_735, %swap3A_736], %add3A_723 {strides = array<i32>} : memref<8x16xf32, #tpu.memory_space<vmem>>, vector<16xf32>,
      %swap3A_738 = arith.constant 2 : i32
      %swap3A_739 = arith.index_cast %swap3A_738 : i32 to index
      %swap3A_740 = arith.constant 0 : index
      %swap3A_741 = tpu.vector_load %arg8[%swap3A_739, %swap3A_740] {strides = array<i32>} : memref<8x16xf32, #tpu.memory_space<vmem>>, vector<16xf32>,
      tpu.vector_store %arg8[%swap3A_739, %swap3A_740], %add3A_724 {strides = array<i32>} : memref<8x16xf32, #tpu.memory_space<vmem>>, vector<16xf32>,
      %swap3A_742 = arith.constant 3 : i32
      %swap3A_743 = arith.index_cast %swap3A_742 : i32 to index
      %swap3A_744 = arith.constant 0 : index
      %swap3A_745 = tpu.vector_load %arg8[%swap3A_743, %swap3A_744] {strides = array<i32>} : memref<8x16xf32, #tpu.memory_space<vmem>>, vector<16xf32>,
      tpu.vector_store %arg8[%swap3A_743, %swap3A_744], %add3A_725 {strides = array<i32>} : memref<8x16xf32, #tpu.memory_space<vmem>>, vector<16xf32>,
      %swap3A_746 = arith.constant 4 : i32
      %swap3A_747 = arith.index_cast %swap3A_746 : i32 to index
      %swap3A_748 = arith.constant 0 : index
      %swap3A_749 = tpu.vector_load %arg8[%swap3A_747, %swap3A_748] {strides = array<i32>} : memref<8x16xf32, #tpu.memory_space<vmem>>, vector<16xf32>,
      tpu.vector_store %arg8[%swap3A_747, %swap3A_748], %add3A_726 {strides = array<i32>} : memref<8x16xf32, #tpu.memory_space<vmem>>, vector<16xf32>,
      %swap3A_750 = arith.constant 5 : i32
      %swap3A_751 = arith.index_cast %swap3A_750 : i32 to index
      %swap3A_752 = arith.constant 0 : index
      %swap3A_753 = tpu.vector_load %arg8[%swap3A_751, %swap3A_752] {strides = array<i32>} : memref<8x16xf32, #tpu.memory_space<vmem>>, vector<16xf32>,
      tpu.vector_store %arg8[%swap3A_751, %swap3A_752], %add3A_727 {strides = array<i32>} : memref<8x16xf32, #tpu.memory_space<vmem>>, vector<16xf32>,
      %swap3A_754 = arith.constant 6 : i32
      %swap3A_755 = arith.index_cast %swap3A_754 : i32 to index
      %swap3A_756 = arith.constant 0 : index
      %swap3A_757 = tpu.vector_load %arg8[%swap3A_755, %swap3A_756] {strides = array<i32>} : memref<8x16xf32, #tpu.memory_space<vmem>>, vector<16xf32>,
      tpu.vector_store %arg8[%swap3A_755, %swap3A_756], %add3A_728 {strides = array<i32>} : memref<8x16xf32, #tpu.memory_space<vmem>>, vector<16xf32>,
      %swap3A_758 = arith.constant 7 : i32
      %swap3A_759 = arith.index_cast %swap3A_758 : i32 to index
      %swap3A_760 = arith.constant 0 : index
      %swap3A_761 = tpu.vector_load %arg8[%swap3A_759, %swap3A_760] {strides = array<i32>} : memref<8x16xf32, #tpu.memory_space<vmem>>, vector<16xf32>,
      tpu.vector_store %arg8[%swap3A_759, %swap3A_760], %add3A_729 {strides = array<i32>} : memref<8x16xf32, #tpu.memory_space<vmem>>, vector<16xf32>,
      %add3A_762 = arith.addf %add3A_722, %add3A_723 : vector<16xf32>
      %add3A_763 = arith.addf %add3A_724, %add3A_725 : vector<16xf32>
      %add3A_764 = arith.addf %add3A_726, %add3A_727 : vector<16xf32>
      %add3A_765 = arith.addf %add3A_728, %add3A_729 : vector<16xf32>
      %add3A_766 = arith.addf %add3A_762, %add3A_763 : vector<16xf32>
      %add3A_767 = arith.addf %add3A_764, %add3A_765 : vector<16xf32>
      %add3A_768 = arith.addf %add3A_766, %add3A_767 : vector<16xf32>
      %div3A_769 = arith.constant 1.000000e+00 : f32
      %div3A_770 = vector.broadcast %div3A_769 : f32 to vector<16xf32>
      %div3A_771 = arith.divf %div3A_770, %add3A_768 : vector<16xf32>
      %shift_right_logical3A = arith.constant 1 : i32
      %shift_right_logical3A_772 = vector.broadcast %shift_right_logical3A : i32 to vector<16xi32>
      %shift_right_logical3A_773 = arith.shrui %get3A_594, %shift_right_logical3A_772 : vector<16xi32>
      %and3A_774 = arith.constant -2 : i32
      %and3A_775 = vector.broadcast %and3A_774 : i32 to vector<16xi32>
      %and3A_776 = arith.andi %shift_right_logical3A_773, %and3A_775 : vector<16xi32>
      %xor3A = arith.constant 2 : i32
      %xor3A_777 = vector.broadcast %xor3A : i32 to vector<16xi32>
      %xor3A_778 = arith.xori %and3A_776, %xor3A_777 : vector<16xi32>
      %gather3A = tpu.vector_load_idx %arg8[%shift_right_logical3A_773, %iota3A_401] : memref<8x16xf32, #tpu.memory_space<vmem>>[vector<16xi32>, vector<16xi32>], vector<16xf32>,
      %xor3A_779 = arith.constant 1 : i32
      %xor3A_780 = vector.broadcast %xor3A_779 : i32 to vector<16xi32>
      %xor3A_781 = arith.xori %shift_right_logical3A_773, %xor3A_780 : vector<16xi32>
      %gather3A_782 = tpu.vector_load_idx %arg8[%xor3A_781, %iota3A_401] : memref<8x16xf32, #tpu.memory_space<vmem>>[vector<16xi32>, vector<16xi32>], vector<16xf32>,
      %add3A_783 = arith.addf %gather3A, %gather3A_782 : vector<16xf32>
      %gather3A_784 = tpu.vector_load_idx %arg8[%xor3A_778, %iota3A_401] : memref<8x16xf32, #tpu.memory_space<vmem>>[vector<16xi32>, vector<16xi32>], vector<16xf32>,
      %add3A_785 = arith.addf %add3A_783, %gather3A_784 : vector<16xf32>
      %or3A = arith.constant 1 : i32
      %or3A_786 = vector.broadcast %or3A : i32 to vector<16xi32>
      %or3A_787 = arith.ori %xor3A_778, %or3A_786 : vector<16xi32>
      %gather3A_788 = tpu.vector_load_idx %arg8[%or3A_787, %iota3A_401] : memref<8x16xf32, #tpu.memory_space<vmem>>[vector<16xi32>, vector<16xi32>], vector<16xf32>,
      %add3A_789 = arith.addf %add3A_785, %gather3A_788 : vector<16xf32>
      %mul3A_790 = arith.mulf %add3A_789, %div3A_771 : vector<16xf32>
      %bitcast_convert_type3A = tpu.bitcast %mul3A_790 : vector<16xf32> -> vector<16xi32>
      %shift_right_arithmetic3A = arith.constant 23 : i32
      %shift_right_arithmetic3A_791 = vector.broadcast %shift_right_arithmetic3A : i32 to vector<16xi32>
      %shift_right_arithmetic3A_792 = arith.shrsi %bitcast_convert_type3A, %shift_right_arithmetic3A_791 : vector<16xi32>
      %sub3A_793 = arith.constant 127 : i32
      %sub3A_794 = vector.broadcast %sub3A_793 : i32 to vector<16xi32>
      %sub3A_795 = arith.subi %shift_right_arithmetic3A_792, %sub3A_794 : vector<16xi32>
      %and3A_796 = arith.constant 8388607 : i32
      %and3A_797 = vector.broadcast %and3A_796 : i32 to vector<16xi32>
      %and3A_798 = arith.andi %bitcast_convert_type3A, %and3A_797 : vector<16xi32>
      %or3A_799 = arith.constant 1065353216 : i32
      %or3A_800 = vector.broadcast %or3A_799 : i32 to vector<16xi32>
      %or3A_801 = arith.ori %and3A_798, %or3A_800 : vector<16xi32>
      %bitcast_convert_type3A_802 = tpu.bitcast %or3A_801 : vector<16xi32> -> vector<16xf32>
      %sub3A_803 = arith.constant 1.000000e+00 : f32
      %sub3A_804 = vector.broadcast %sub3A_803 : f32 to vector<16xf32>
      %sub3A_805 = arith.subf %bitcast_convert_type3A_802, %sub3A_804 : vector<16xf32>
      %add3A_806 = arith.constant 1.000000e+00 : f32
      %add3A_807 = vector.broadcast %add3A_806 : f32 to vector<16xf32>
      %add3A_808 = arith.addf %bitcast_convert_type3A_802, %add3A_807 : vector<16xf32>
      %div3A_809 = arith.divf %sub3A_805, %add3A_808 : vector<16xf32>
      %mul3A_810 = arith.mulf %div3A_809, %div3A_809 : vector<16xf32>
      %mul3A_811 = arith.constant 0.412198573 : f32
      %mul3A_812 = vector.broadcast %mul3A_811 : f32 to vector<16xf32>
      %mul3A_813 = arith.mulf %mul3A_810, %mul3A_812 : vector<16xf32>
      %add3A_814 = arith.constant 0.577078044 : f32
      %add3A_815 = vector.broadcast %add3A_814 : f32 to vector<16xf32>
      %add3A_816 = arith.addf %add3A_815, %mul3A_813 : vector<16xf32>
      %mul3A_817 = arith.mulf %mul3A_810, %add3A_816 : vector<16xf32>
      %add3A_818 = arith.constant 0.9617967 : f32
      %add3A_819 = vector.broadcast %add3A_818 : f32 to vector<16xf32>
      %add3A_820 = arith.addf %add3A_819, %mul3A_817 : vector<16xf32>
      %mul3A_821 = arith.mulf %mul3A_810, %add3A_820 : vector<16xf32>
      %add3A_822 = arith.constant 2.885390e+00 : f32
      %add3A_823 = vector.broadcast %add3A_822 : f32 to vector<16xf32>
      %add3A_824 = arith.addf %add3A_823, %mul3A_821 : vector<16xf32>
      %convert_element_type3A = arith.sitofp %sub3A_795 : vector<16xi32> to vector<16xf32>
      %mul3A_825 = arith.mulf %div3A_809, %add3A_824 : vector<16xf32>
      %add3A_826 = arith.addf %convert_element_type3A, %mul3A_825 : vector<16xf32>
      %max3A = arith.constant -23.2534962 : f32
      %max3A_827 = vector.broadcast %max3A : f32 to vector<16xf32>
      %max3A_828 = arith.maximumf %add3A_826, %max3A_827 : vector<16xf32>
      %mul3A_829 = arith.mulf %add3A_783, %div3A_771 : vector<16xf32>
      %bitcast_convert_type3A_830 = tpu.bitcast %mul3A_829 : vector<16xf32> -> vector<16xi32>
      %shift_right_arithmetic3A_831 = arith.constant 23 : i32
      %shift_right_arithmetic3A_832 = vector.broadcast %shift_right_arithmetic3A_831 : i32 to vector<16xi32>
      %shift_right_arithmetic3A_833 = arith.shrsi %bitcast_convert_type3A_830, %shift_right_arithmetic3A_832 : vector<16xi32>
      %sub3A_834 = arith.constant 127 : i32
      %sub3A_835 = vector.broadcast %sub3A_834 : i32 to vector<16xi32>
      %sub3A_836 = arith.subi %shift_right_arithmetic3A_833, %sub3A_835 : vector<16xi32>
      %and3A_837 = arith.constant 8388607 : i32
      %and3A_838 = vector.broadcast %and3A_837 : i32 to vector<16xi32>
      %and3A_839 = arith.andi %bitcast_convert_type3A_830, %and3A_838 : vector<16xi32>
      %or3A_840 = arith.constant 1065353216 : i32
      %or3A_841 = vector.broadcast %or3A_840 : i32 to vector<16xi32>
      %or3A_842 = arith.ori %and3A_839, %or3A_841 : vector<16xi32>
      %bitcast_convert_type3A_843 = tpu.bitcast %or3A_842 : vector<16xi32> -> vector<16xf32>
      %sub3A_844 = arith.constant 1.000000e+00 : f32
      %sub3A_845 = vector.broadcast %sub3A_844 : f32 to vector<16xf32>
      %sub3A_846 = arith.subf %bitcast_convert_type3A_843, %sub3A_845 : vector<16xf32>
      %add3A_847 = arith.constant 1.000000e+00 : f32
      %add3A_848 = vector.broadcast %add3A_847 : f32 to vector<16xf32>
      %add3A_849 = arith.addf %bitcast_convert_type3A_843, %add3A_848 : vector<16xf32>
      %div3A_850 = arith.divf %sub3A_846, %add3A_849 : vector<16xf32>
      %mul3A_851 = arith.mulf %div3A_850, %div3A_850 : vector<16xf32>
      %mul3A_852 = arith.constant 0.412198573 : f32
      %mul3A_853 = vector.broadcast %mul3A_852 : f32 to vector<16xf32>
      %mul3A_854 = arith.mulf %mul3A_851, %mul3A_853 : vector<16xf32>
      %add3A_855 = arith.constant 0.577078044 : f32
      %add3A_856 = vector.broadcast %add3A_855 : f32 to vector<16xf32>
      %add3A_857 = arith.addf %add3A_856, %mul3A_854 : vector<16xf32>
      %mul3A_858 = arith.mulf %mul3A_851, %add3A_857 : vector<16xf32>
      %add3A_859 = arith.constant 0.9617967 : f32
      %add3A_860 = vector.broadcast %add3A_859 : f32 to vector<16xf32>
      %add3A_861 = arith.addf %add3A_860, %mul3A_858 : vector<16xf32>
      %mul3A_862 = arith.mulf %mul3A_851, %add3A_861 : vector<16xf32>
      %add3A_863 = arith.constant 2.885390e+00 : f32
      %add3A_864 = vector.broadcast %add3A_863 : f32 to vector<16xf32>
      %add3A_865 = arith.addf %add3A_864, %mul3A_862 : vector<16xf32>
      %convert_element_type3A_866 = arith.sitofp %sub3A_836 : vector<16xi32> to vector<16xf32>
      %mul3A_867 = arith.mulf %div3A_850, %add3A_865 : vector<16xf32>
      %add3A_868 = arith.addf %convert_element_type3A_866, %mul3A_867 : vector<16xf32>
      %max3A_869 = arith.constant -23.2534962 : f32
      %max3A_870 = vector.broadcast %max3A_869 : f32 to vector<16xf32>
      %max3A_871 = arith.maximumf %add3A_868, %max3A_870 : vector<16xf32>
      %mul3A_872 = arith.mulf %gather3A, %div3A_771 : vector<16xf32>
      %bitcast_convert_type3A_873 = tpu.bitcast %mul3A_872 : vector<16xf32> -> vector<16xi32>
      %shift_right_arithmetic3A_874 = arith.constant 23 : i32
      %shift_right_arithmetic3A_875 = vector.broadcast %shift_right_arithmetic3A_874 : i32 to vector<16xi32>
      %shift_right_arithmetic3A_876 = arith.shrsi %bitcast_convert_type3A_873, %shift_right_arithmetic3A_875 : vector<16xi32>
      %sub3A_877 = arith.constant 127 : i32
      %sub3A_878 = vector.broadcast %sub3A_877 : i32 to vector<16xi32>
      %sub3A_879 = arith.subi %shift_right_arithmetic3A_876, %sub3A_878 : vector<16xi32>
      %and3A_880 = arith.constant 8388607 : i32
      %and3A_881 = vector.broadcast %and3A_880 : i32 to vector<16xi32>
      %and3A_882 = arith.andi %bitcast_convert_type3A_873, %and3A_881 : vector<16xi32>
      %or3A_883 = arith.constant 1065353216 : i32
      %or3A_884 = vector.broadcast %or3A_883 : i32 to vector<16xi32>
      %or3A_885 = arith.ori %and3A_882, %or3A_884 : vector<16xi32>
      %bitcast_convert_type3A_886 = tpu.bitcast %or3A_885 : vector<16xi32> -> vector<16xf32>
      %sub3A_887 = arith.constant 1.000000e+00 : f32
      %sub3A_888 = vector.broadcast %sub3A_887 : f32 to vector<16xf32>
      %sub3A_889 = arith.subf %bitcast_convert_type3A_886, %sub3A_888 : vector<16xf32>
      %add3A_890 = arith.constant 1.000000e+00 : f32
      %add3A_891 = vector.broadcast %add3A_890 : f32 to vector<16xf32>
      %add3A_892 = arith.addf %bitcast_convert_type3A_886, %add3A_891 : vector<16xf32>
      %div3A_893 = arith.divf %sub3A_889, %add3A_892 : vector<16xf32>
      %mul3A_894 = arith.mulf %div3A_893, %div3A_893 : vector<16xf32>
      %mul3A_895 = arith.constant 0.412198573 : f32
      %mul3A_896 = vector.broadcast %mul3A_895 : f32 to vector<16xf32>
      %mul3A_897 = arith.mulf %mul3A_894, %mul3A_896 : vector<16xf32>
      %add3A_898 = arith.constant 0.577078044 : f32
      %add3A_899 = vector.broadcast %add3A_898 : f32 to vector<16xf32>
      %add3A_900 = arith.addf %add3A_899, %mul3A_897 : vector<16xf32>
      %mul3A_901 = arith.mulf %mul3A_894, %add3A_900 : vector<16xf32>
      %add3A_902 = arith.constant 0.9617967 : f32
      %add3A_903 = vector.broadcast %add3A_902 : f32 to vector<16xf32>
      %add3A_904 = arith.addf %add3A_903, %mul3A_901 : vector<16xf32>
      %mul3A_905 = arith.mulf %mul3A_894, %add3A_904 : vector<16xf32>
      %add3A_906 = arith.constant 2.885390e+00 : f32
      %add3A_907 = vector.broadcast %add3A_906 : f32 to vector<16xf32>
      %add3A_908 = arith.addf %add3A_907, %mul3A_905 : vector<16xf32>
      %convert_element_type3A_909 = arith.sitofp %sub3A_879 : vector<16xi32> to vector<16xf32>
      %mul3A_910 = arith.mulf %div3A_893, %add3A_908 : vector<16xf32>
      %add3A_911 = arith.addf %convert_element_type3A_909, %mul3A_910 : vector<16xf32>
      %max3A_912 = arith.constant -23.2534962 : f32
      %max3A_913 = vector.broadcast %max3A_912 : f32 to vector<16xf32>
      %max3A_914 = arith.maximumf %add3A_911, %max3A_913 : vector<16xf32>
      %add3A_915 = arith.addf %scan3A_546, %max3A_828 : vector<16xf32>
      %add3A_916 = arith.addf %scan3A_547, %max3A_871 : vector<16xf32>
      %add3A_917 = arith.addf %scan3A_548, %max3A_914 : vector<16xf32>
      scf.yield %add3A_915, %add3A_916, %add3A_917 : vector<16xf32>, vector<16xf32>, vector<16xf32>
    }
    %scan3A_407 = arith.constant 192 : i32
    %dma_wait3A_408 = arith.constant 0 : i32
    %dma_wait3A_409 = arith.constant 0 : i32
    %dma_wait3A_410 = arith.constant 0 : i32
    %dma_wait3A_411 = arith.constant 0 : i32
    %dma_wait3A_412 = arith.constant 0 : i32
    %dma_wait3A_413 = tpu.memref_slice %arg5[%dma_wait3A_408, %dma_wait3A_410, %dma_wait3A_411, %dma_wait3A_412] : memref<2x16x8x384xf32, #tpu.memory_space<vmem>> -> memref<1x16x8x384xf32, #tpu.memory_space<vmem>>
    %dma_wait3A_414 = tpu.memref_squeeze %dma_wait3A_413 : memref<1x16x8x384xf32, #tpu.memory_space<vmem>> -> memref<16x8x384xf32, #tpu.memory_space<vmem>>
    %dma_wait3A_415 = arith.constant 0 : i32
    %dma_wait3A_416 = tpu.memref_slice %arg2[%mul3A_364, %add3A_362, %dma_wait3A_415] : memref<128x384x384xf32, #tpu.memory_space<hbm>> -> memref<16x8x384xf32, #tpu.memory_space<hbm>>
    %dma_wait3A_417 = tpu.memref_slice %arg9[%dma_wait3A_409] : memref<2x!tpu.dma_semaphore, #tpu.memory_space<semaphore_mem>> -> memref<1x!tpu.dma_semaphore, #tpu.memory_space<semaphore_mem>>
    %dma_wait3A_418 = tpu.memref_squeeze %dma_wait3A_417 : memref<1x!tpu.dma_semaphore, #tpu.memory_space<semaphore_mem>> -> memref<!tpu.dma_semaphore, #tpu.memory_space<semaphore_mem>>
    %dma_wait3A_419 = arith.constant 0 : i32
    %dma_wait3A_420 = arith.constant 0 : i32
    %dma_wait3A_421 = arith.constant 0 : i32
    %dma_wait3A_422 = tpu.memref_slice %arg5[%dma_wait3A_408, %dma_wait3A_419, %dma_wait3A_420, %dma_wait3A_421] : memref<2x16x8x384xf32, #tpu.memory_space<vmem>> -> memref<1x16x8x384xf32, #tpu.memory_space<vmem>>
    %dma_wait3A_423 = tpu.memref_squeeze %dma_wait3A_422 : memref<1x16x8x384xf32, #tpu.memory_space<vmem>> -> memref<16x8x384xf32, #tpu.memory_space<vmem>>
    %dma_wait3A_424 = arith.constant 0 : i32
    %dma_wait3A_425 = tpu.memref_slice %arg2[%mul3A_364, %add3A_362, %dma_wait3A_424] : memref<128x384x384xf32, #tpu.memory_space<hbm>> -> memref<16x8x384xf32, #tpu.memory_space<hbm>>
    tpu.wait_dma2 semaphore(%dma_wait3A_418 : memref<!tpu.dma_semaphore, #tpu.memory_space<semaphore_mem>>) src(%dma_wait3A_425 : memref<16x8x384xf32, #tpu.memory_space<hbm>>) dst(%dma_wait3A_423 : memref<16x8x384xf32, #tpu.memory_space<vmem>>)
    %dma_wait3A_426 = arith.constant 0 : i32
    %dma_wait3A_427 = arith.constant 0 : i32
    %dma_wait3A_428 = arith.constant 0 : i32
    %dma_wait3A_429 = arith.constant 0 : i32
    %dma_wait3A_430 = tpu.memref_slice %arg6[%dma_wait3A_426, %dma_wait3A_428, %dma_wait3A_429] : memref<2x8x384xi32, #tpu.memory_space<vmem>> -> memref<1x8x384xi32, #tpu.memory_space<vmem>>
    %dma_wait3A_431 = tpu.memref_squeeze %dma_wait3A_430 : memref<1x8x384xi32, #tpu.memory_space<vmem>> -> memref<8x384xi32, #tpu.memory_space<vmem>>
    %dma_wait3A_432 = arith.constant 0 : i32
    %dma_wait3A_433 = tpu.memref_slice %arg3[%select_n3A, %add3A_362, %dma_wait3A_432] : memref<8x384x384xi32, #tpu.memory_space<hbm>> -> memref<1x8x384xi32, #tpu.memory_space<hbm>>
    %dma_wait3A_434 = tpu.memref_squeeze %dma_wait3A_433 : memref<1x8x384xi32, #tpu.memory_space<hbm>> -> memref<8x384xi32, #tpu.memory_space<hbm>>
    %dma_wait3A_435 = tpu.memref_slice %arg10[%dma_wait3A_427] : memref<2x!tpu.dma_semaphore, #tpu.memory_space<semaphore_mem>> -> memref<1x!tpu.dma_semaphore, #tpu.memory_space<semaphore_mem>>
    %dma_wait3A_436 = tpu.memref_squeeze %dma_wait3A_435 : memref<1x!tpu.dma_semaphore, #tpu.memory_space<semaphore_mem>> -> memref<!tpu.dma_semaphore, #tpu.memory_space<semaphore_mem>>
    %dma_wait3A_437 = arith.constant 0 : i32
    %dma_wait3A_438 = arith.constant 0 : i32
    %dma_wait3A_439 = tpu.memref_slice %arg6[%dma_wait3A_426, %dma_wait3A_437, %dma_wait3A_438] : memref<2x8x384xi32, #tpu.memory_space<vmem>> -> memref<1x8x384xi32, #tpu.memory_space<vmem>>
    %dma_wait3A_440 = tpu.memref_squeeze %dma_wait3A_439 : memref<1x8x384xi32, #tpu.memory_space<vmem>> -> memref<8x384xi32, #tpu.memory_space<vmem>>
    %dma_wait3A_441 = arith.constant 0 : i32
    %dma_wait3A_442 = tpu.memref_slice %arg3[%select_n3A, %add3A_362, %dma_wait3A_441] : memref<8x384x384xi32, #tpu.memory_space<hbm>> -> memref<1x8x384xi32, #tpu.memory_space<hbm>>
    %dma_wait3A_443 = tpu.memref_squeeze %dma_wait3A_442 : memref<1x8x384xi32, #tpu.memory_space<hbm>> -> memref<8x384xi32, #tpu.memory_space<hbm>>
    tpu.wait_dma2 semaphore(%dma_wait3A_436 : memref<!tpu.dma_semaphore, #tpu.memory_space<semaphore_mem>>) src(%dma_wait3A_443 : memref<8x384xi32, #tpu.memory_space<hbm>>) dst(%dma_wait3A_440 : memref<8x384xi32, #tpu.memory_space<vmem>>)
    %add3A_444 = arith.constant 40 : i32
    %add3A_445 = arith.addi %add3A_34, %add3A_444 : i32
    %mul3A_446 = arith.constant 16 : i32
    %mul3A_447 = arith.muli %select_n3A, %mul3A_446 : i32
    %dma_start3A_448 = arith.constant 1 : i32
    %dma_start3A_449 = arith.constant 1 : i32
    %dma_start3A_450 = arith.constant 0 : i32
    %dma_start3A_451 = arith.constant 0 : i32
    %dma_start3A_452 = arith.constant 0 : i32
    %dma_start3A_453 = tpu.memref_slice %arg5[%dma_start3A_448, %dma_start3A_450, %dma_start3A_451, %dma_start3A_452] : memref<2x16x8x384xf32, #tpu.memory_space<vmem>> -> memref<1x16x8x384xf32, #tpu.memory_space<vmem>>
    %dma_start3A_454 = tpu.memref_squeeze %dma_start3A_453 : memref<1x16x8x384xf32, #tpu.memory_space<vmem>> -> memref<16x8x384xf32, #tpu.memory_space<vmem>>
    %dma_start3A_455 = arith.constant 0 : i32
    %dma_start3A_456 = tpu.memref_slice %arg2[%mul3A_447, %add3A_445, %dma_start3A_455] : memref<128x384x384xf32, #tpu.memory_space<hbm>> -> memref<16x8x384xf32, #tpu.memory_space<hbm>>
    %dma_start3A_457 = tpu.memref_slice %arg9[%dma_start3A_449] : memref<2x!tpu.dma_semaphore, #tpu.memory_space<semaphore_mem>> -> memref<1x!tpu.dma_semaphore, #tpu.memory_space<semaphore_mem>>
    %dma_start3A_458 = tpu.memref_squeeze %dma_start3A_457 : memref<1x!tpu.dma_semaphore, #tpu.memory_space<semaphore_mem>> -> memref<!tpu.dma_semaphore, #tpu.memory_space<semaphore_mem>>
    %dma_start3A_459 = arith.constant 0 : i32
    %dma_start3A_460 = arith.constant 0 : i32
    %dma_start3A_461 = arith.constant 0 : i32
    %dma_start3A_462 = tpu.memref_slice %arg5[%dma_start3A_448, %dma_start3A_459, %dma_start3A_460, %dma_start3A_461] : memref<2x16x8x384xf32, #tpu.memory_space<vmem>> -> memref<1x16x8x384xf32, #tpu.memory_space<vmem>>
    %dma_start3A_463 = tpu.memref_squeeze %dma_start3A_462 : memref<1x16x8x384xf32, #tpu.memory_space<vmem>> -> memref<16x8x384xf32, #tpu.memory_space<vmem>>
    %dma_start3A_464 = arith.constant 0 : i32
    %dma_start3A_465 = tpu.memref_slice %arg2[%mul3A_447, %add3A_445, %dma_start3A_464] : memref<128x384x384xf32, #tpu.memory_space<hbm>> -> memref<16x8x384xf32, #tpu.memory_space<hbm>>
    tpu.enqueue_dma source(%dma_start3A_465 : memref<16x8x384xf32, #tpu.memory_space<hbm>>) target(%dma_start3A_463 : memref<16x8x384xf32, #tpu.memory_space<vmem>>) target_semaphore(%dma_start3A_458 : memref<!tpu.dma_semaphore, #tpu.memory_space<semaphore_mem>>)
    %dma_start3A_466 = arith.constant 1 : i32
    %dma_start3A_467 = arith.constant 1 : i32
    %dma_start3A_468 = arith.constant 0 : i32
    %dma_start3A_469 = arith.constant 0 : i32
    %dma_start3A_470 = tpu.memref_slice %arg6[%dma_start3A_466, %dma_start3A_468, %dma_start3A_469] : memref<2x8x384xi32, #tpu.memory_space<vmem>> -> memref<1x8x384xi32, #tpu.memory_space<vmem>>
    %dma_start3A_471 = tpu.memref_squeeze %dma_start3A_470 : memref<1x8x384xi32, #tpu.memory_space<vmem>> -> memref<8x384xi32, #tpu.memory_space<vmem>>
    %dma_start3A_472 = arith.constant 0 : i32
    %dma_start3A_473 = tpu.memref_slice %arg3[%select_n3A, %add3A_445, %dma_start3A_472] : memref<8x384x384xi32, #tpu.memory_space<hbm>> -> memref<1x8x384xi32, #tpu.memory_space<hbm>>
    %dma_start3A_474 = tpu.memref_squeeze %dma_start3A_473 : memref<1x8x384xi32, #tpu.memory_space<hbm>> -> memref<8x384xi32, #tpu.memory_space<hbm>>
    %dma_start3A_475 = tpu.memref_slice %arg10[%dma_start3A_467] : memref<2x!tpu.dma_semaphore, #tpu.memory_space<semaphore_mem>> -> memref<1x!tpu.dma_semaphore, #tpu.memory_space<semaphore_mem>>
    %dma_start3A_476 = tpu.memref_squeeze %dma_start3A_475 : memref<1x!tpu.dma_semaphore, #tpu.memory_space<semaphore_mem>> -> memref<!tpu.dma_semaphore, #tpu.memory_space<semaphore_mem>>
    %dma_start3A_477 = arith.constant 0 : i32
    %dma_start3A_478 = arith.constant 0 : i32
    %dma_start3A_479 = tpu.memref_slice %arg6[%dma_start3A_466, %dma_start3A_477, %dma_start3A_478] : memref<2x8x384xi32, #tpu.memory_space<vmem>> -> memref<1x8x384xi32, #tpu.memory_space<vmem>>
    %dma_start3A_480 = tpu.memref_squeeze %dma_start3A_479 : memref<1x8x384xi32, #tpu.memory_space<vmem>> -> memref<8x384xi32, #tpu.memory_space<vmem>>
    %dma_start3A_481 = arith.constant 0 : i32
    %dma_start3A_482 = tpu.memref_slice %arg3[%select_n3A, %add3A_445, %dma_start3A_481] : memref<8x384x384xi32, #tpu.memory_space<hbm>> -> memref<1x8x384xi32, #tpu.memory_space<hbm>>
    %dma_start3A_483 = tpu.memref_squeeze %dma_start3A_482 : memref<1x8x384xi32, #tpu.memory_space<hbm>> -> memref<8x384xi32, #tpu.memory_space<hbm>>
    tpu.enqueue_dma source(%dma_start3A_483 : memref<8x384xi32, #tpu.memory_space<hbm>>) target(%dma_start3A_480 : memref<8x384xi32, #tpu.memory_space<vmem>>) target_semaphore(%dma_start3A_476 : memref<!tpu.dma_semaphore, #tpu.memory_space<semaphore_mem>>)
    %iota3A_484 = tpu.iota {dimensions = array<i32: 0>} : vector<16xi32>
    %scan3A_485 = arith.constant 0 : i32
    %scan3A_486 = arith.constant 192 : i32
    %scan3A_487 = arith.addi %scan3A_485, %scan3A_486 : i32
    %scan3A_488 = arith.constant 1 : i32
    %scan3A_489:3 = scf.for %scan3A_545 = %scan3A_485 to %scan3A_487 step %scan3A_488 iter_args(%scan3A_546 = %scan3A_406#0, %scan3A_547 = %scan3A_406#1, %scan3A_548 = %scan3A_406#2) -> (vector<16xf32>, vector<16xf32>, vector<16xf32>)  : i32 {
      %jit3A_549 = arith.constant 24 : i32
      %div3A_550 = arith.divsi %scan3A_545, %jit3A_549 : i32
      %sign3A_551 = arith.constant 0 : i32
      %sign3A_552 = arith.cmpi sgt, %scan3A_545, %sign3A_551 : i32
      %sign3A_553 = arith.extui %sign3A_552 : i1 to i32
      %sign3A_554 = arith.constant 0 : i32
      %sign3A_555 = arith.cmpi slt, %scan3A_545, %sign3A_554 : i32
      %sign3A_556 = arith.extui %sign3A_555 : i1 to i32
      %sign3A_557 = arith.subi %sign3A_553, %sign3A_556 : i32
      %sign3A_558 = arith.constant 0 : i32
      %sign3A_559 = arith.cmpi sgt, %jit3A_549, %sign3A_558 : i32
      %sign3A_560 = arith.extui %sign3A_559 : i1 to i32
      %sign3A_561 = arith.constant 0 : i32
      %sign3A_562 = arith.cmpi slt, %jit3A_549, %sign3A_561 : i32
      %sign3A_563 = arith.extui %sign3A_562 : i1 to i32
      %sign3A_564 = arith.subi %sign3A_560, %sign3A_563 : i32
      %ne3A_565 = arith.cmpi ne, %sign3A_557, %sign3A_564 : i32
      %rem3A_566 = arith.remsi %scan3A_545, %jit3A_549 : i32
      %ne3A_567 = arith.constant 0 : i32
      %ne3A_568 = arith.cmpi ne, %rem3A_566, %ne3A_567 : i32
      %and3A_569 = arith.andi %ne3A_565, %ne3A_568 : i1
      %sub3A_570 = arith.constant 1 : i32
      %sub3A_571 = arith.subi %div3A_550, %sub3A_570 : i32
      %select_n3A_572 = arith.select %and3A_569, %sub3A_571, %div3A_550 : i32
      %jit3A_573 = arith.constant 24 : i32
      %eq3A_574 = arith.constant 0 : i32
      %eq3A_575 = arith.cmpi eq, %jit3A_573, %eq3A_574 : i32
      %jit3A_576 = arith.constant 1 : i32
      %select_n3A_577 = arith.select %eq3A_575, %jit3A_576, %jit3A_573 : i32
      %rem3A_578 = arith.remsi %scan3A_545, %select_n3A_577 : i32
      %ne3A_579 = arith.constant 0 : i32
      %ne3A_580 = arith.cmpi ne, %rem3A_578, %ne3A_579 : i32
      %lt3A_581 = arith.constant 0 : i32
      %lt3A_582 = arith.cmpi slt, %rem3A_578, %lt3A_581 : i32
      %lt3A_583 = arith.constant 0 : i32
      %lt3A_584 = arith.cmpi slt, %select_n3A_577, %lt3A_583 : i32
      %ne3A_585 = arith.xori %lt3A_582, %lt3A_584 : i1
      %and3A_586 = arith.andi %ne3A_585, %ne3A_580 : i1
      %add3A_587 = arith.addi %rem3A_578, %select_n3A_577 : i32
      %select_n3A_588 = arith.select %and3A_586, %add3A_587, %rem3A_578 : i32
      %mul3A_589 = arith.constant 16 : i32
      %mul3A_590 = arith.muli %select_n3A_588, %mul3A_589 : i32
      %get3A = arith.constant 0 : i32
      %get3A_591 = arith.index_cast %get3A : i32 to index
      %get3A_592 = arith.index_cast %select_n3A_572 : i32 to index
      %get3A_593 = arith.index_cast %mul3A_590 : i32 to index
      %get3A_594 = tpu.vector_load %arg6[%get3A_591, %get3A_592, %get3A_593] {strides = array<i32>} : memref<2x8x384xi32, #tpu.memory_space<vmem>>, vector<16xi32>,
      %get3A_595 = arith.constant 0 : i32
      %get3A_596 = arith.constant 0 : i32
      %get3A_597 = arith.index_cast %get3A_595 : i32 to index
      %get3A_598 = arith.index_cast %get3A_596 : i32 to index
      %get3A_599 = arith.index_cast %select_n3A_572 : i32 to index
      %get3A_600 = arith.index_cast %mul3A_590 : i32 to index
      %get3A_601 = tpu.vector_load %arg5[%get3A_597, %get3A_598, %get3A_599, %get3A_600] {strides = array<i32>} : memref<2x16x8x384xf32, #tpu.memory_space<vmem>>, vector<16xf32>,
      %get3A_602 = arith.constant 0 : i32
      %get3A_603 = arith.constant 1 : i32
      %get3A_604 = arith.index_cast %get3A_602 : i32 to index
      %get3A_605 = arith.index_cast %get3A_603 : i32 to index
      %get3A_606 = arith.index_cast %select_n3A_572 : i32 to index
      %get3A_607 = arith.index_cast %mul3A_590 : i32 to index
      %get3A_608 = tpu.vector_load %arg5[%get3A_604, %get3A_605, %get3A_606, %get3A_607] {strides = array<i32>} : memref<2x16x8x384xf32, #tpu.memory_space<vmem>>, vector<16xf32>,
      %get3A_609 = arith.constant 0 : i32
      %get3A_610 = arith.constant 2 : i32
      %get3A_611 = arith.index_cast %get3A_609 : i32 to index
      %get3A_612 = arith.index_cast %get3A_610 : i32 to index
      %get3A_613 = arith.index_cast %select_n3A_572 : i32 to index
      %get3A_614 = arith.index_cast %mul3A_590 : i32 to index
      %get3A_615 = tpu.vector_load %arg5[%get3A_611, %get3A_612, %get3A_613, %get3A_614] {strides = array<i32>} : memref<2x16x8x384xf32, #tpu.memory_space<vmem>>, vector<16xf32>,
      %get3A_616 = arith.constant 0 : i32
      %get3A_617 = arith.constant 3 : i32
      %get3A_618 = arith.index_cast %get3A_616 : i32 to index
      %get3A_619 = arith.index_cast %get3A_617 : i32 to index
      %get3A_620 = arith.index_cast %select_n3A_572 : i32 to index
      %get3A_621 = arith.index_cast %mul3A_590 : i32 to index
      %get3A_622 = tpu.vector_load %arg5[%get3A_618, %get3A_619, %get3A_620, %get3A_621] {strides = array<i32>} : memref<2x16x8x384xf32, #tpu.memory_space<vmem>>, vector<16xf32>,
      %get3A_623 = arith.constant 0 : i32
      %get3A_624 = arith.constant 4 : i32
      %get3A_625 = arith.index_cast %get3A_623 : i32 to index
      %get3A_626 = arith.index_cast %get3A_624 : i32 to index
      %get3A_627 = arith.index_cast %select_n3A_572 : i32 to index
      %get3A_628 = arith.index_cast %mul3A_590 : i32 to index
      %get3A_629 = tpu.vector_load %arg5[%get3A_625, %get3A_626, %get3A_627, %get3A_628] {strides = array<i32>} : memref<2x16x8x384xf32, #tpu.memory_space<vmem>>, vector<16xf32>,
      %get3A_630 = arith.constant 0 : i32
      %get3A_631 = arith.constant 5 : i32
      %get3A_632 = arith.index_cast %get3A_630 : i32 to index
      %get3A_633 = arith.index_cast %get3A_631 : i32 to index
      %get3A_634 = arith.index_cast %select_n3A_572 : i32 to index
      %get3A_635 = arith.index_cast %mul3A_590 : i32 to index
      %get3A_636 = tpu.vector_load %arg5[%get3A_632, %get3A_633, %get3A_634, %get3A_635] {strides = array<i32>} : memref<2x16x8x384xf32, #tpu.memory_space<vmem>>, vector<16xf32>,
      %get3A_637 = arith.constant 0 : i32
      %get3A_638 = arith.constant 6 : i32
      %get3A_639 = arith.index_cast %get3A_637 : i32 to index
      %get3A_640 = arith.index_cast %get3A_638 : i32 to index
      %get3A_641 = arith.index_cast %select_n3A_572 : i32 to index
      %get3A_642 = arith.index_cast %mul3A_590 : i32 to index
      %get3A_643 = tpu.vector_load %arg5[%get3A_639, %get3A_640, %get3A_641, %get3A_642] {strides = array<i32>} : memref<2x16x8x384xf32, #tpu.memory_space<vmem>>, vector<16xf32>,
      %get3A_644 = arith.constant 0 : i32
      %get3A_645 = arith.constant 7 : i32
      %get3A_646 = arith.index_cast %get3A_644 : i32 to index
      %get3A_647 = arith.index_cast %get3A_645 : i32 to index
      %get3A_648 = arith.index_cast %select_n3A_572 : i32 to index
      %get3A_649 = arith.index_cast %mul3A_590 : i32 to index
      %get3A_650 = tpu.vector_load %arg5[%get3A_646, %get3A_647, %get3A_648, %get3A_649] {strides = array<i32>} : memref<2x16x8x384xf32, #tpu.memory_space<vmem>>, vector<16xf32>,
      %get3A_651 = arith.constant 0 : i32
      %get3A_652 = arith.constant 8 : i32
      %get3A_653 = arith.index_cast %get3A_651 : i32 to index
      %get3A_654 = arith.index_cast %get3A_652 : i32 to index
      %get3A_655 = arith.index_cast %select_n3A_572 : i32 to index
      %get3A_656 = arith.index_cast %mul3A_590 : i32 to index
      %get3A_657 = tpu.vector_load %arg5[%get3A_653, %get3A_654, %get3A_655, %get3A_656] {strides = array<i32>} : memref<2x16x8x384xf32, #tpu.memory_space<vmem>>, vector<16xf32>,
      %get3A_658 = arith.constant 0 : i32
      %get3A_659 = arith.constant 9 : i32
      %get3A_660 = arith.index_cast %get3A_658 : i32 to index
      %get3A_661 = arith.index_cast %get3A_659 : i32 to index
      %get3A_662 = arith.index_cast %select_n3A_572 : i32 to index
      %get3A_663 = arith.index_cast %mul3A_590 : i32 to index
      %get3A_664 = tpu.vector_load %arg5[%get3A_660, %get3A_661, %get3A_662, %get3A_663] {strides = array<i32>} : memref<2x16x8x384xf32, #tpu.memory_space<vmem>>, vector<16xf32>,
      %get3A_665 = arith.constant 0 : i32
      %get3A_666 = arith.constant 10 : i32
      %get3A_667 = arith.index_cast %get3A_665 : i32 to index
      %get3A_668 = arith.index_cast %get3A_666 : i32 to index
      %get3A_669 = arith.index_cast %select_n3A_572 : i32 to index
      %get3A_670 = arith.index_cast %mul3A_590 : i32 to index
      %get3A_671 = tpu.vector_load %arg5[%get3A_667, %get3A_668, %get3A_669, %get3A_670] {strides = array<i32>} : memref<2x16x8x384xf32, #tpu.memory_space<vmem>>, vector<16xf32>,
      %get3A_672 = arith.constant 0 : i32
      %get3A_673 = arith.constant 11 : i32
      %get3A_674 = arith.index_cast %get3A_672 : i32 to index
      %get3A_675 = arith.index_cast %get3A_673 : i32 to index
      %get3A_676 = arith.index_cast %select_n3A_572 : i32 to index
      %get3A_677 = arith.index_cast %mul3A_590 : i32 to index
      %get3A_678 = tpu.vector_load %arg5[%get3A_674, %get3A_675, %get3A_676, %get3A_677] {strides = array<i32>} : memref<2x16x8x384xf32, #tpu.memory_space<vmem>>, vector<16xf32>,
      %get3A_679 = arith.constant 0 : i32
      %get3A_680 = arith.constant 12 : i32
      %get3A_681 = arith.index_cast %get3A_679 : i32 to index
      %get3A_682 = arith.index_cast %get3A_680 : i32 to index
      %get3A_683 = arith.index_cast %select_n3A_572 : i32 to index
      %get3A_684 = arith.index_cast %mul3A_590 : i32 to index
      %get3A_685 = tpu.vector_load %arg5[%get3A_681, %get3A_682, %get3A_683, %get3A_684] {strides = array<i32>} : memref<2x16x8x384xf32, #tpu.memory_space<vmem>>, vector<16xf32>,
      %get3A_686 = arith.constant 0 : i32
      %get3A_687 = arith.constant 13 : i32
      %get3A_688 = arith.index_cast %get3A_686 : i32 to index
      %get3A_689 = arith.index_cast %get3A_687 : i32 to index
      %get3A_690 = arith.index_cast %select_n3A_572 : i32 to index
      %get3A_691 = arith.index_cast %mul3A_590 : i32 to index
      %get3A_692 = tpu.vector_load %arg5[%get3A_688, %get3A_689, %get3A_690, %get3A_691] {strides = array<i32>} : memref<2x16x8x384xf32, #tpu.memory_space<vmem>>, vector<16xf32>,
      %get3A_693 = arith.constant 0 : i32
      %get3A_694 = arith.constant 14 : i32
      %get3A_695 = arith.index_cast %get3A_693 : i32 to index
      %get3A_696 = arith.index_cast %get3A_694 : i32 to index
      %get3A_697 = arith.index_cast %select_n3A_572 : i32 to index
      %get3A_698 = arith.index_cast %mul3A_590 : i32 to index
      %get3A_699 = tpu.vector_load %arg5[%get3A_695, %get3A_696, %get3A_697, %get3A_698] {strides = array<i32>} : memref<2x16x8x384xf32, #tpu.memory_space<vmem>>, vector<16xf32>,
      %get3A_700 = arith.constant 0 : i32
      %get3A_701 = arith.constant 15 : i32
      %get3A_702 = arith.index_cast %get3A_700 : i32 to index
      %get3A_703 = arith.index_cast %get3A_701 : i32 to index
      %get3A_704 = arith.index_cast %select_n3A_572 : i32 to index
      %get3A_705 = arith.index_cast %mul3A_590 : i32 to index
      %get3A_706 = tpu.vector_load %arg5[%get3A_702, %get3A_703, %get3A_704, %get3A_705] {strides = array<i32>} : memref<2x16x8x384xf32, #tpu.memory_space<vmem>>, vector<16xf32>,
      %exp3A = math.exp %get3A_601 : vector<16xf32>
      %exp3A_707 = math.exp %get3A_608 : vector<16xf32>
      %exp3A_708 = math.exp %get3A_615 : vector<16xf32>
      %exp3A_709 = math.exp %get3A_622 : vector<16xf32>
      %exp3A_710 = math.exp %get3A_629 : vector<16xf32>
      %exp3A_711 = math.exp %get3A_636 : vector<16xf32>
      %exp3A_712 = math.exp %get3A_643 : vector<16xf32>
      %exp3A_713 = math.exp %get3A_650 : vector<16xf32>
      %exp3A_714 = math.exp %get3A_657 : vector<16xf32>
      %exp3A_715 = math.exp %get3A_664 : vector<16xf32>
      %exp3A_716 = math.exp %get3A_671 : vector<16xf32>
      %exp3A_717 = math.exp %get3A_678 : vector<16xf32>
      %exp3A_718 = math.exp %get3A_685 : vector<16xf32>
      %exp3A_719 = math.exp %get3A_692 : vector<16xf32>
      %exp3A_720 = math.exp %get3A_699 : vector<16xf32>
      %exp3A_721 = math.exp %get3A_706 : vector<16xf32>
      %add3A_722 = arith.addf %exp3A, %exp3A_707 : vector<16xf32>
      %add3A_723 = arith.addf %exp3A_708, %exp3A_709 : vector<16xf32>
      %add3A_724 = arith.addf %exp3A_710, %exp3A_711 : vector<16xf32>
      %add3A_725 = arith.addf %exp3A_712, %exp3A_713 : vector<16xf32>
      %add3A_726 = arith.addf %exp3A_714, %exp3A_715 : vector<16xf32>
      %add3A_727 = arith.addf %exp3A_716, %exp3A_717 : vector<16xf32>
      %add3A_728 = arith.addf %exp3A_718, %exp3A_719 : vector<16xf32>
      %add3A_729 = arith.addf %exp3A_720, %exp3A_721 : vector<16xf32>
      %swap3A_730 = arith.constant 0 : i32
      %swap3A_731 = arith.index_cast %swap3A_730 : i32 to index
      %swap3A_732 = arith.constant 0 : index
      %swap3A_733 = tpu.vector_load %arg8[%swap3A_731, %swap3A_732] {strides = array<i32>} : memref<8x16xf32, #tpu.memory_space<vmem>>, vector<16xf32>,
      tpu.vector_store %arg8[%swap3A_731, %swap3A_732], %add3A_722 {strides = array<i32>} : memref<8x16xf32, #tpu.memory_space<vmem>>, vector<16xf32>,
      %swap3A_734 = arith.constant 1 : i32
      %swap3A_735 = arith.index_cast %swap3A_734 : i32 to index
      %swap3A_736 = arith.constant 0 : index
      %swap3A_737 = tpu.vector_load %arg8[%swap3A_735, %swap3A_736] {strides = array<i32>} : memref<8x16xf32, #tpu.memory_space<vmem>>, vector<16xf32>,
      tpu.vector_store %arg8[%swap3A_735, %swap3A_736], %add3A_723 {strides = array<i32>} : memref<8x16xf32, #tpu.memory_space<vmem>>, vector<16xf32>,
      %swap3A_738 = arith.constant 2 : i32
      %swap3A_739 = arith.index_cast %swap3A_738 : i32 to index
      %swap3A_740 = arith.constant 0 : index
      %swap3A_741 = tpu.vector_load %arg8[%swap3A_739, %swap3A_740] {strides = array<i32>} : memref<8x16xf32, #tpu.memory_space<vmem>>, vector<16xf32>,
      tpu.vector_store %arg8[%swap3A_739, %swap3A_740], %add3A_724 {strides = array<i32>} : memref<8x16xf32, #tpu.memory_space<vmem>>, vector<16xf32>,
      %swap3A_742 = arith.constant 3 : i32
      %swap3A_743 = arith.index_cast %swap3A_742 : i32 to index
      %swap3A_744 = arith.constant 0 : index
      %swap3A_745 = tpu.vector_load %arg8[%swap3A_743, %swap3A_744] {strides = array<i32>} : memref<8x16xf32, #tpu.memory_space<vmem>>, vector<16xf32>,
      tpu.vector_store %arg8[%swap3A_743, %swap3A_744], %add3A_725 {strides = array<i32>} : memref<8x16xf32, #tpu.memory_space<vmem>>, vector<16xf32>,
      %swap3A_746 = arith.constant 4 : i32
      %swap3A_747 = arith.index_cast %swap3A_746 : i32 to index
      %swap3A_748 = arith.constant 0 : index
      %swap3A_749 = tpu.vector_load %arg8[%swap3A_747, %swap3A_748] {strides = array<i32>} : memref<8x16xf32, #tpu.memory_space<vmem>>, vector<16xf32>,
      tpu.vector_store %arg8[%swap3A_747, %swap3A_748], %add3A_726 {strides = array<i32>} : memref<8x16xf32, #tpu.memory_space<vmem>>, vector<16xf32>,
      %swap3A_750 = arith.constant 5 : i32
      %swap3A_751 = arith.index_cast %swap3A_750 : i32 to index
      %swap3A_752 = arith.constant 0 : index
      %swap3A_753 = tpu.vector_load %arg8[%swap3A_751, %swap3A_752] {strides = array<i32>} : memref<8x16xf32, #tpu.memory_space<vmem>>, vector<16xf32>,
      tpu.vector_store %arg8[%swap3A_751, %swap3A_752], %add3A_727 {strides = array<i32>} : memref<8x16xf32, #tpu.memory_space<vmem>>, vector<16xf32>,
      %swap3A_754 = arith.constant 6 : i32
      %swap3A_755 = arith.index_cast %swap3A_754 : i32 to index
      %swap3A_756 = arith.constant 0 : index
      %swap3A_757 = tpu.vector_load %arg8[%swap3A_755, %swap3A_756] {strides = array<i32>} : memref<8x16xf32, #tpu.memory_space<vmem>>, vector<16xf32>,
      tpu.vector_store %arg8[%swap3A_755, %swap3A_756], %add3A_728 {strides = array<i32>} : memref<8x16xf32, #tpu.memory_space<vmem>>, vector<16xf32>,
      %swap3A_758 = arith.constant 7 : i32
      %swap3A_759 = arith.index_cast %swap3A_758 : i32 to index
      %swap3A_760 = arith.constant 0 : index
      %swap3A_761 = tpu.vector_load %arg8[%swap3A_759, %swap3A_760] {strides = array<i32>} : memref<8x16xf32, #tpu.memory_space<vmem>>, vector<16xf32>,
      tpu.vector_store %arg8[%swap3A_759, %swap3A_760], %add3A_729 {strides = array<i32>} : memref<8x16xf32, #tpu.memory_space<vmem>>, vector<16xf32>,
      %add3A_762 = arith.addf %add3A_722, %add3A_723 : vector<16xf32>
      %add3A_763 = arith.addf %add3A_724, %add3A_725 : vector<16xf32>
      %add3A_764 = arith.addf %add3A_726, %add3A_727 : vector<16xf32>
      %add3A_765 = arith.addf %add3A_728, %add3A_729 : vector<16xf32>
      %add3A_766 = arith.addf %add3A_762, %add3A_763 : vector<16xf32>
      %add3A_767 = arith.addf %add3A_764, %add3A_765 : vector<16xf32>
      %add3A_768 = arith.addf %add3A_766, %add3A_767 : vector<16xf32>
      %div3A_769 = arith.constant 1.000000e+00 : f32
      %div3A_770 = vector.broadcast %div3A_769 : f32 to vector<16xf32>
      %div3A_771 = arith.divf %div3A_770, %add3A_768 : vector<16xf32>
      %shift_right_logical3A = arith.constant 1 : i32
      %shift_right_logical3A_772 = vector.broadcast %shift_right_logical3A : i32 to vector<16xi32>
      %shift_right_logical3A_773 = arith.shrui %get3A_594, %shift_right_logical3A_772 : vector<16xi32>
      %and3A_774 = arith.constant -2 : i32
      %and3A_775 = vector.broadcast %and3A_774 : i32 to vector<16xi32>
      %and3A_776 = arith.andi %shift_right_logical3A_773, %and3A_775 : vector<16xi32>
      %xor3A = arith.constant 2 : i32
      %xor3A_777 = vector.broadcast %xor3A : i32 to vector<16xi32>
      %xor3A_778 = arith.xori %and3A_776, %xor3A_777 : vector<16xi32>
      %gather3A = tpu.vector_load_idx %arg8[%shift_right_logical3A_773, %iota3A_484] : memref<8x16xf32, #tpu.memory_space<vmem>>[vector<16xi32>, vector<16xi32>], vector<16xf32>,
      %xor3A_779 = arith.constant 1 : i32
      %xor3A_780 = vector.broadcast %xor3A_779 : i32 to vector<16xi32>
      %xor3A_781 = arith.xori %shift_right_logical3A_773, %xor3A_780 : vector<16xi32>
      %gather3A_782 = tpu.vector_load_idx %arg8[%xor3A_781, %iota3A_484] : memref<8x16xf32, #tpu.memory_space<vmem>>[vector<16xi32>, vector<16xi32>], vector<16xf32>,
      %add3A_783 = arith.addf %gather3A, %gather3A_782 : vector<16xf32>
      %gather3A_784 = tpu.vector_load_idx %arg8[%xor3A_778, %iota3A_484] : memref<8x16xf32, #tpu.memory_space<vmem>>[vector<16xi32>, vector<16xi32>], vector<16xf32>,
      %add3A_785 = arith.addf %add3A_783, %gather3A_784 : vector<16xf32>
      %or3A = arith.constant 1 : i32
      %or3A_786 = vector.broadcast %or3A : i32 to vector<16xi32>
      %or3A_787 = arith.ori %xor3A_778, %or3A_786 : vector<16xi32>
      %gather3A_788 = tpu.vector_load_idx %arg8[%or3A_787, %iota3A_484] : memref<8x16xf32, #tpu.memory_space<vmem>>[vector<16xi32>, vector<16xi32>], vector<16xf32>,
      %add3A_789 = arith.addf %add3A_785, %gather3A_788 : vector<16xf32>
      %mul3A_790 = arith.mulf %add3A_789, %div3A_771 : vector<16xf32>
      %bitcast_convert_type3A = tpu.bitcast %mul3A_790 : vector<16xf32> -> vector<16xi32>
      %shift_right_arithmetic3A = arith.constant 23 : i32
      %shift_right_arithmetic3A_791 = vector.broadcast %shift_right_arithmetic3A : i32 to vector<16xi32>
      %shift_right_arithmetic3A_792 = arith.shrsi %bitcast_convert_type3A, %shift_right_arithmetic3A_791 : vector<16xi32>
      %sub3A_793 = arith.constant 127 : i32
      %sub3A_794 = vector.broadcast %sub3A_793 : i32 to vector<16xi32>
      %sub3A_795 = arith.subi %shift_right_arithmetic3A_792, %sub3A_794 : vector<16xi32>
      %and3A_796 = arith.constant 8388607 : i32
      %and3A_797 = vector.broadcast %and3A_796 : i32 to vector<16xi32>
      %and3A_798 = arith.andi %bitcast_convert_type3A, %and3A_797 : vector<16xi32>
      %or3A_799 = arith.constant 1065353216 : i32
      %or3A_800 = vector.broadcast %or3A_799 : i32 to vector<16xi32>
      %or3A_801 = arith.ori %and3A_798, %or3A_800 : vector<16xi32>
      %bitcast_convert_type3A_802 = tpu.bitcast %or3A_801 : vector<16xi32> -> vector<16xf32>
      %sub3A_803 = arith.constant 1.000000e+00 : f32
      %sub3A_804 = vector.broadcast %sub3A_803 : f32 to vector<16xf32>
      %sub3A_805 = arith.subf %bitcast_convert_type3A_802, %sub3A_804 : vector<16xf32>
      %add3A_806 = arith.constant 1.000000e+00 : f32
      %add3A_807 = vector.broadcast %add3A_806 : f32 to vector<16xf32>
      %add3A_808 = arith.addf %bitcast_convert_type3A_802, %add3A_807 : vector<16xf32>
      %div3A_809 = arith.divf %sub3A_805, %add3A_808 : vector<16xf32>
      %mul3A_810 = arith.mulf %div3A_809, %div3A_809 : vector<16xf32>
      %mul3A_811 = arith.constant 0.412198573 : f32
      %mul3A_812 = vector.broadcast %mul3A_811 : f32 to vector<16xf32>
      %mul3A_813 = arith.mulf %mul3A_810, %mul3A_812 : vector<16xf32>
      %add3A_814 = arith.constant 0.577078044 : f32
      %add3A_815 = vector.broadcast %add3A_814 : f32 to vector<16xf32>
      %add3A_816 = arith.addf %add3A_815, %mul3A_813 : vector<16xf32>
      %mul3A_817 = arith.mulf %mul3A_810, %add3A_816 : vector<16xf32>
      %add3A_818 = arith.constant 0.9617967 : f32
      %add3A_819 = vector.broadcast %add3A_818 : f32 to vector<16xf32>
      %add3A_820 = arith.addf %add3A_819, %mul3A_817 : vector<16xf32>
      %mul3A_821 = arith.mulf %mul3A_810, %add3A_820 : vector<16xf32>
      %add3A_822 = arith.constant 2.885390e+00 : f32
      %add3A_823 = vector.broadcast %add3A_822 : f32 to vector<16xf32>
      %add3A_824 = arith.addf %add3A_823, %mul3A_821 : vector<16xf32>
      %convert_element_type3A = arith.sitofp %sub3A_795 : vector<16xi32> to vector<16xf32>
      %mul3A_825 = arith.mulf %div3A_809, %add3A_824 : vector<16xf32>
      %add3A_826 = arith.addf %convert_element_type3A, %mul3A_825 : vector<16xf32>
      %max3A = arith.constant -23.2534962 : f32
      %max3A_827 = vector.broadcast %max3A : f32 to vector<16xf32>
      %max3A_828 = arith.maximumf %add3A_826, %max3A_827 : vector<16xf32>
      %mul3A_829 = arith.mulf %add3A_783, %div3A_771 : vector<16xf32>
      %bitcast_convert_type3A_830 = tpu.bitcast %mul3A_829 : vector<16xf32> -> vector<16xi32>
      %shift_right_arithmetic3A_831 = arith.constant 23 : i32
      %shift_right_arithmetic3A_832 = vector.broadcast %shift_right_arithmetic3A_831 : i32 to vector<16xi32>
      %shift_right_arithmetic3A_833 = arith.shrsi %bitcast_convert_type3A_830, %shift_right_arithmetic3A_832 : vector<16xi32>
      %sub3A_834 = arith.constant 127 : i32
      %sub3A_835 = vector.broadcast %sub3A_834 : i32 to vector<16xi32>
      %sub3A_836 = arith.subi %shift_right_arithmetic3A_833, %sub3A_835 : vector<16xi32>
      %and3A_837 = arith.constant 8388607 : i32
      %and3A_838 = vector.broadcast %and3A_837 : i32 to vector<16xi32>
      %and3A_839 = arith.andi %bitcast_convert_type3A_830, %and3A_838 : vector<16xi32>
      %or3A_840 = arith.constant 1065353216 : i32
      %or3A_841 = vector.broadcast %or3A_840 : i32 to vector<16xi32>
      %or3A_842 = arith.ori %and3A_839, %or3A_841 : vector<16xi32>
      %bitcast_convert_type3A_843 = tpu.bitcast %or3A_842 : vector<16xi32> -> vector<16xf32>
      %sub3A_844 = arith.constant 1.000000e+00 : f32
      %sub3A_845 = vector.broadcast %sub3A_844 : f32 to vector<16xf32>
      %sub3A_846 = arith.subf %bitcast_convert_type3A_843, %sub3A_845 : vector<16xf32>
      %add3A_847 = arith.constant 1.000000e+00 : f32
      %add3A_848 = vector.broadcast %add3A_847 : f32 to vector<16xf32>
      %add3A_849 = arith.addf %bitcast_convert_type3A_843, %add3A_848 : vector<16xf32>
      %div3A_850 = arith.divf %sub3A_846, %add3A_849 : vector<16xf32>
      %mul3A_851 = arith.mulf %div3A_850, %div3A_850 : vector<16xf32>
      %mul3A_852 = arith.constant 0.412198573 : f32
      %mul3A_853 = vector.broadcast %mul3A_852 : f32 to vector<16xf32>
      %mul3A_854 = arith.mulf %mul3A_851, %mul3A_853 : vector<16xf32>
      %add3A_855 = arith.constant 0.577078044 : f32
      %add3A_856 = vector.broadcast %add3A_855 : f32 to vector<16xf32>
      %add3A_857 = arith.addf %add3A_856, %mul3A_854 : vector<16xf32>
      %mul3A_858 = arith.mulf %mul3A_851, %add3A_857 : vector<16xf32>
      %add3A_859 = arith.constant 0.9617967 : f32
      %add3A_860 = vector.broadcast %add3A_859 : f32 to vector<16xf32>
      %add3A_861 = arith.addf %add3A_860, %mul3A_858 : vector<16xf32>
      %mul3A_862 = arith.mulf %mul3A_851, %add3A_861 : vector<16xf32>
      %add3A_863 = arith.constant 2.885390e+00 : f32
      %add3A_864 = vector.broadcast %add3A_863 : f32 to vector<16xf32>
      %add3A_865 = arith.addf %add3A_864, %mul3A_862 : vector<16xf32>
      %convert_element_type3A_866 = arith.sitofp %sub3A_836 : vector<16xi32> to vector<16xf32>
      %mul3A_867 = arith.mulf %div3A_850, %add3A_865 : vector<16xf32>
      %add3A_868 = arith.addf %convert_element_type3A_866, %mul3A_867 : vector<16xf32>
      %max3A_869 = arith.constant -23.2534962 : f32
      %max3A_870 = vector.broadcast %max3A_869 : f32 to vector<16xf32>
      %max3A_871 = arith.maximumf %add3A_868, %max3A_870 : vector<16xf32>
      %mul3A_872 = arith.mulf %gather3A, %div3A_771 : vector<16xf32>
      %bitcast_convert_type3A_873 = tpu.bitcast %mul3A_872 : vector<16xf32> -> vector<16xi32>
      %shift_right_arithmetic3A_874 = arith.constant 23 : i32
      %shift_right_arithmetic3A_875 = vector.broadcast %shift_right_arithmetic3A_874 : i32 to vector<16xi32>
      %shift_right_arithmetic3A_876 = arith.shrsi %bitcast_convert_type3A_873, %shift_right_arithmetic3A_875 : vector<16xi32>
      %sub3A_877 = arith.constant 127 : i32
      %sub3A_878 = vector.broadcast %sub3A_877 : i32 to vector<16xi32>
      %sub3A_879 = arith.subi %shift_right_arithmetic3A_876, %sub3A_878 : vector<16xi32>
      %and3A_880 = arith.constant 8388607 : i32
      %and3A_881 = vector.broadcast %and3A_880 : i32 to vector<16xi32>
      %and3A_882 = arith.andi %bitcast_convert_type3A_873, %and3A_881 : vector<16xi32>
      %or3A_883 = arith.constant 1065353216 : i32
      %or3A_884 = vector.broadcast %or3A_883 : i32 to vector<16xi32>
      %or3A_885 = arith.ori %and3A_882, %or3A_884 : vector<16xi32>
      %bitcast_convert_type3A_886 = tpu.bitcast %or3A_885 : vector<16xi32> -> vector<16xf32>
      %sub3A_887 = arith.constant 1.000000e+00 : f32
      %sub3A_888 = vector.broadcast %sub3A_887 : f32 to vector<16xf32>
      %sub3A_889 = arith.subf %bitcast_convert_type3A_886, %sub3A_888 : vector<16xf32>
      %add3A_890 = arith.constant 1.000000e+00 : f32
      %add3A_891 = vector.broadcast %add3A_890 : f32 to vector<16xf32>
      %add3A_892 = arith.addf %bitcast_convert_type3A_886, %add3A_891 : vector<16xf32>
      %div3A_893 = arith.divf %sub3A_889, %add3A_892 : vector<16xf32>
      %mul3A_894 = arith.mulf %div3A_893, %div3A_893 : vector<16xf32>
      %mul3A_895 = arith.constant 0.412198573 : f32
      %mul3A_896 = vector.broadcast %mul3A_895 : f32 to vector<16xf32>
      %mul3A_897 = arith.mulf %mul3A_894, %mul3A_896 : vector<16xf32>
      %add3A_898 = arith.constant 0.577078044 : f32
      %add3A_899 = vector.broadcast %add3A_898 : f32 to vector<16xf32>
      %add3A_900 = arith.addf %add3A_899, %mul3A_897 : vector<16xf32>
      %mul3A_901 = arith.mulf %mul3A_894, %add3A_900 : vector<16xf32>
      %add3A_902 = arith.constant 0.9617967 : f32
      %add3A_903 = vector.broadcast %add3A_902 : f32 to vector<16xf32>
      %add3A_904 = arith.addf %add3A_903, %mul3A_901 : vector<16xf32>
      %mul3A_905 = arith.mulf %mul3A_894, %add3A_904 : vector<16xf32>
      %add3A_906 = arith.constant 2.885390e+00 : f32
      %add3A_907 = vector.broadcast %add3A_906 : f32 to vector<16xf32>
      %add3A_908 = arith.addf %add3A_907, %mul3A_905 : vector<16xf32>
      %convert_element_type3A_909 = arith.sitofp %sub3A_879 : vector<16xi32> to vector<16xf32>
      %mul3A_910 = arith.mulf %div3A_893, %add3A_908 : vector<16xf32>
      %add3A_911 = arith.addf %convert_element_type3A_909, %mul3A_910 : vector<16xf32>
      %max3A_912 = arith.constant -23.2534962 : f32
      %max3A_913 = vector.broadcast %max3A_912 : f32 to vector<16xf32>
      %max3A_914 = arith.maximumf %add3A_911, %max3A_913 : vector<16xf32>
      %add3A_915 = arith.addf %scan3A_546, %max3A_828 : vector<16xf32>
      %add3A_916 = arith.addf %scan3A_547, %max3A_871 : vector<16xf32>
      %add3A_917 = arith.addf %scan3A_548, %max3A_914 : vector<16xf32>
      scf.yield %add3A_915, %add3A_916, %add3A_917 : vector<16xf32>, vector<16xf32>, vector<16xf32>
    }
    %scan3A_490 = arith.constant 192 : i32
    %dma_wait3A_491 = arith.constant 1 : i32
    %dma_wait3A_492 = arith.constant 1 : i32
    %dma_wait3A_493 = arith.constant 0 : i32
    %dma_wait3A_494 = arith.constant 0 : i32
    %dma_wait3A_495 = arith.constant 0 : i32
    %dma_wait3A_496 = tpu.memref_slice %arg5[%dma_wait3A_491, %dma_wait3A_493, %dma_wait3A_494, %dma_wait3A_495] : memref<2x16x8x384xf32, #tpu.memory_space<vmem>> -> memref<1x16x8x384xf32, #tpu.memory_space<vmem>>
    %dma_wait3A_497 = tpu.memref_squeeze %dma_wait3A_496 : memref<1x16x8x384xf32, #tpu.memory_space<vmem>> -> memref<16x8x384xf32, #tpu.memory_space<vmem>>
    %dma_wait3A_498 = arith.constant 0 : i32
    %dma_wait3A_499 = tpu.memref_slice %arg2[%mul3A_447, %add3A_445, %dma_wait3A_498] : memref<128x384x384xf32, #tpu.memory_space<hbm>> -> memref<16x8x384xf32, #tpu.memory_space<hbm>>
    %dma_wait3A_500 = tpu.memref_slice %arg9[%dma_wait3A_492] : memref<2x!tpu.dma_semaphore, #tpu.memory_space<semaphore_mem>> -> memref<1x!tpu.dma_semaphore, #tpu.memory_space<semaphore_mem>>
    %dma_wait3A_501 = tpu.memref_squeeze %dma_wait3A_500 : memref<1x!tpu.dma_semaphore, #tpu.memory_space<semaphore_mem>> -> memref<!tpu.dma_semaphore, #tpu.memory_space<semaphore_mem>>
    %dma_wait3A_502 = arith.constant 0 : i32
    %dma_wait3A_503 = arith.constant 0 : i32
    %dma_wait3A_504 = arith.constant 0 : i32
    %dma_wait3A_505 = tpu.memref_slice %arg5[%dma_wait3A_491, %dma_wait3A_502, %dma_wait3A_503, %dma_wait3A_504] : memref<2x16x8x384xf32, #tpu.memory_space<vmem>> -> memref<1x16x8x384xf32, #tpu.memory_space<vmem>>
    %dma_wait3A_506 = tpu.memref_squeeze %dma_wait3A_505 : memref<1x16x8x384xf32, #tpu.memory_space<vmem>> -> memref<16x8x384xf32, #tpu.memory_space<vmem>>
    %dma_wait3A_507 = arith.constant 0 : i32
    %dma_wait3A_508 = tpu.memref_slice %arg2[%mul3A_447, %add3A_445, %dma_wait3A_507] : memref<128x384x384xf32, #tpu.memory_space<hbm>> -> memref<16x8x384xf32, #tpu.memory_space<hbm>>
    tpu.wait_dma2 semaphore(%dma_wait3A_501 : memref<!tpu.dma_semaphore, #tpu.memory_space<semaphore_mem>>) src(%dma_wait3A_508 : memref<16x8x384xf32, #tpu.memory_space<hbm>>) dst(%dma_wait3A_506 : memref<16x8x384xf32, #tpu.memory_space<vmem>>)
    %dma_wait3A_509 = arith.constant 1 : i32
    %dma_wait3A_510 = arith.constant 1 : i32
    %dma_wait3A_511 = arith.constant 0 : i32
    %dma_wait3A_512 = arith.constant 0 : i32
    %dma_wait3A_513 = tpu.memref_slice %arg6[%dma_wait3A_509, %dma_wait3A_511, %dma_wait3A_512] : memref<2x8x384xi32, #tpu.memory_space<vmem>> -> memref<1x8x384xi32, #tpu.memory_space<vmem>>
    %dma_wait3A_514 = tpu.memref_squeeze %dma_wait3A_513 : memref<1x8x384xi32, #tpu.memory_space<vmem>> -> memref<8x384xi32, #tpu.memory_space<vmem>>
    %dma_wait3A_515 = arith.constant 0 : i32
    %dma_wait3A_516 = tpu.memref_slice %arg3[%select_n3A, %add3A_445, %dma_wait3A_515] : memref<8x384x384xi32, #tpu.memory_space<hbm>> -> memref<1x8x384xi32, #tpu.memory_space<hbm>>
    %dma_wait3A_517 = tpu.memref_squeeze %dma_wait3A_516 : memref<1x8x384xi32, #tpu.memory_space<hbm>> -> memref<8x384xi32, #tpu.memory_space<hbm>>
    %dma_wait3A_518 = tpu.memref_slice %arg10[%dma_wait3A_510] : memref<2x!tpu.dma_semaphore, #tpu.memory_space<semaphore_mem>> -> memref<1x!tpu.dma_semaphore, #tpu.memory_space<semaphore_mem>>
    %dma_wait3A_519 = tpu.memref_squeeze %dma_wait3A_518 : memref<1x!tpu.dma_semaphore, #tpu.memory_space<semaphore_mem>> -> memref<!tpu.dma_semaphore, #tpu.memory_space<semaphore_mem>>
    %dma_wait3A_520 = arith.constant 0 : i32
    %dma_wait3A_521 = arith.constant 0 : i32
    %dma_wait3A_522 = tpu.memref_slice %arg6[%dma_wait3A_509, %dma_wait3A_520, %dma_wait3A_521] : memref<2x8x384xi32, #tpu.memory_space<vmem>> -> memref<1x8x384xi32, #tpu.memory_space<vmem>>
    %dma_wait3A_523 = tpu.memref_squeeze %dma_wait3A_522 : memref<1x8x384xi32, #tpu.memory_space<vmem>> -> memref<8x384xi32, #tpu.memory_space<vmem>>
    %dma_wait3A_524 = arith.constant 0 : i32
    %dma_wait3A_525 = tpu.memref_slice %arg3[%select_n3A, %add3A_445, %dma_wait3A_524] : memref<8x384x384xi32, #tpu.memory_space<hbm>> -> memref<1x8x384xi32, #tpu.memory_space<hbm>>
    %dma_wait3A_526 = tpu.memref_squeeze %dma_wait3A_525 : memref<1x8x384xi32, #tpu.memory_space<hbm>> -> memref<8x384xi32, #tpu.memory_space<hbm>>
    tpu.wait_dma2 semaphore(%dma_wait3A_519 : memref<!tpu.dma_semaphore, #tpu.memory_space<semaphore_mem>>) src(%dma_wait3A_526 : memref<8x384xi32, #tpu.memory_space<hbm>>) dst(%dma_wait3A_523 : memref<8x384xi32, #tpu.memory_space<vmem>>)
    %iota3A_527 = tpu.iota {dimensions = array<i32: 0>} : vector<16xi32>
    %scan3A_528 = arith.constant 0 : i32
    %scan3A_529 = arith.constant 192 : i32
    %scan3A_530 = arith.addi %scan3A_528, %scan3A_529 : i32
    %scan3A_531 = arith.constant 1 : i32
    %scan3A_532:3 = scf.for %scan3A_545 = %scan3A_528 to %scan3A_530 step %scan3A_531 iter_args(%scan3A_546 = %scan3A_489#0, %scan3A_547 = %scan3A_489#1, %scan3A_548 = %scan3A_489#2) -> (vector<16xf32>, vector<16xf32>, vector<16xf32>)  : i32 {
      %jit3A_549 = arith.constant 24 : i32
      %div3A_550 = arith.divsi %scan3A_545, %jit3A_549 : i32
      %sign3A_551 = arith.constant 0 : i32
      %sign3A_552 = arith.cmpi sgt, %scan3A_545, %sign3A_551 : i32
      %sign3A_553 = arith.extui %sign3A_552 : i1 to i32
      %sign3A_554 = arith.constant 0 : i32
      %sign3A_555 = arith.cmpi slt, %scan3A_545, %sign3A_554 : i32
      %sign3A_556 = arith.extui %sign3A_555 : i1 to i32
      %sign3A_557 = arith.subi %sign3A_553, %sign3A_556 : i32
      %sign3A_558 = arith.constant 0 : i32
      %sign3A_559 = arith.cmpi sgt, %jit3A_549, %sign3A_558 : i32
      %sign3A_560 = arith.extui %sign3A_559 : i1 to i32
      %sign3A_561 = arith.constant 0 : i32
      %sign3A_562 = arith.cmpi slt, %jit3A_549, %sign3A_561 : i32
      %sign3A_563 = arith.extui %sign3A_562 : i1 to i32
      %sign3A_564 = arith.subi %sign3A_560, %sign3A_563 : i32
      %ne3A_565 = arith.cmpi ne, %sign3A_557, %sign3A_564 : i32
      %rem3A_566 = arith.remsi %scan3A_545, %jit3A_549 : i32
      %ne3A_567 = arith.constant 0 : i32
      %ne3A_568 = arith.cmpi ne, %rem3A_566, %ne3A_567 : i32
      %and3A_569 = arith.andi %ne3A_565, %ne3A_568 : i1
      %sub3A_570 = arith.constant 1 : i32
      %sub3A_571 = arith.subi %div3A_550, %sub3A_570 : i32
      %select_n3A_572 = arith.select %and3A_569, %sub3A_571, %div3A_550 : i32
      %jit3A_573 = arith.constant 24 : i32
      %eq3A_574 = arith.constant 0 : i32
      %eq3A_575 = arith.cmpi eq, %jit3A_573, %eq3A_574 : i32
      %jit3A_576 = arith.constant 1 : i32
      %select_n3A_577 = arith.select %eq3A_575, %jit3A_576, %jit3A_573 : i32
      %rem3A_578 = arith.remsi %scan3A_545, %select_n3A_577 : i32
      %ne3A_579 = arith.constant 0 : i32
      %ne3A_580 = arith.cmpi ne, %rem3A_578, %ne3A_579 : i32
      %lt3A_581 = arith.constant 0 : i32
      %lt3A_582 = arith.cmpi slt, %rem3A_578, %lt3A_581 : i32
      %lt3A_583 = arith.constant 0 : i32
      %lt3A_584 = arith.cmpi slt, %select_n3A_577, %lt3A_583 : i32
      %ne3A_585 = arith.xori %lt3A_582, %lt3A_584 : i1
      %and3A_586 = arith.andi %ne3A_585, %ne3A_580 : i1
      %add3A_587 = arith.addi %rem3A_578, %select_n3A_577 : i32
      %select_n3A_588 = arith.select %and3A_586, %add3A_587, %rem3A_578 : i32
      %mul3A_589 = arith.constant 16 : i32
      %mul3A_590 = arith.muli %select_n3A_588, %mul3A_589 : i32
      %get3A = arith.constant 1 : i32
      %get3A_591 = arith.index_cast %get3A : i32 to index
      %get3A_592 = arith.index_cast %select_n3A_572 : i32 to index
      %get3A_593 = arith.index_cast %mul3A_590 : i32 to index
      %get3A_594 = tpu.vector_load %arg6[%get3A_591, %get3A_592, %get3A_593] {strides = array<i32>} : memref<2x8x384xi32, #tpu.memory_space<vmem>>, vector<16xi32>,
      %get3A_595 = arith.constant 1 : i32
      %get3A_596 = arith.constant 0 : i32
      %get3A_597 = arith.index_cast %get3A_595 : i32 to index
      %get3A_598 = arith.index_cast %get3A_596 : i32 to index
      %get3A_599 = arith.index_cast %select_n3A_572 : i32 to index
      %get3A_600 = arith.index_cast %mul3A_590 : i32 to index
      %get3A_601 = tpu.vector_load %arg5[%get3A_597, %get3A_598, %get3A_599, %get3A_600] {strides = array<i32>} : memref<2x16x8x384xf32, #tpu.memory_space<vmem>>, vector<16xf32>,
      %get3A_602 = arith.constant 1 : i32
      %get3A_603 = arith.constant 1 : i32
      %get3A_604 = arith.index_cast %get3A_602 : i32 to index
      %get3A_605 = arith.index_cast %get3A_603 : i32 to index
      %get3A_606 = arith.index_cast %select_n3A_572 : i32 to index
      %get3A_607 = arith.index_cast %mul3A_590 : i32 to index
      %get3A_608 = tpu.vector_load %arg5[%get3A_604, %get3A_605, %get3A_606, %get3A_607] {strides = array<i32>} : memref<2x16x8x384xf32, #tpu.memory_space<vmem>>, vector<16xf32>,
      %get3A_609 = arith.constant 1 : i32
      %get3A_610 = arith.constant 2 : i32
      %get3A_611 = arith.index_cast %get3A_609 : i32 to index
      %get3A_612 = arith.index_cast %get3A_610 : i32 to index
      %get3A_613 = arith.index_cast %select_n3A_572 : i32 to index
      %get3A_614 = arith.index_cast %mul3A_590 : i32 to index
      %get3A_615 = tpu.vector_load %arg5[%get3A_611, %get3A_612, %get3A_613, %get3A_614] {strides = array<i32>} : memref<2x16x8x384xf32, #tpu.memory_space<vmem>>, vector<16xf32>,
      %get3A_616 = arith.constant 1 : i32
      %get3A_617 = arith.constant 3 : i32
      %get3A_618 = arith.index_cast %get3A_616 : i32 to index
      %get3A_619 = arith.index_cast %get3A_617 : i32 to index
      %get3A_620 = arith.index_cast %select_n3A_572 : i32 to index
      %get3A_621 = arith.index_cast %mul3A_590 : i32 to index
      %get3A_622 = tpu.vector_load %arg5[%get3A_618, %get3A_619, %get3A_620, %get3A_621] {strides = array<i32>} : memref<2x16x8x384xf32, #tpu.memory_space<vmem>>, vector<16xf32>,
      %get3A_623 = arith.constant 1 : i32
      %get3A_624 = arith.constant 4 : i32
      %get3A_625 = arith.index_cast %get3A_623 : i32 to index
      %get3A_626 = arith.index_cast %get3A_624 : i32 to index
      %get3A_627 = arith.index_cast %select_n3A_572 : i32 to index
      %get3A_628 = arith.index_cast %mul3A_590 : i32 to index
      %get3A_629 = tpu.vector_load %arg5[%get3A_625, %get3A_626, %get3A_627, %get3A_628] {strides = array<i32>} : memref<2x16x8x384xf32, #tpu.memory_space<vmem>>, vector<16xf32>,
      %get3A_630 = arith.constant 1 : i32
      %get3A_631 = arith.constant 5 : i32
      %get3A_632 = arith.index_cast %get3A_630 : i32 to index
      %get3A_633 = arith.index_cast %get3A_631 : i32 to index
      %get3A_634 = arith.index_cast %select_n3A_572 : i32 to index
      %get3A_635 = arith.index_cast %mul3A_590 : i32 to index
      %get3A_636 = tpu.vector_load %arg5[%get3A_632, %get3A_633, %get3A_634, %get3A_635] {strides = array<i32>} : memref<2x16x8x384xf32, #tpu.memory_space<vmem>>, vector<16xf32>,
      %get3A_637 = arith.constant 1 : i32
      %get3A_638 = arith.constant 6 : i32
      %get3A_639 = arith.index_cast %get3A_637 : i32 to index
      %get3A_640 = arith.index_cast %get3A_638 : i32 to index
      %get3A_641 = arith.index_cast %select_n3A_572 : i32 to index
      %get3A_642 = arith.index_cast %mul3A_590 : i32 to index
      %get3A_643 = tpu.vector_load %arg5[%get3A_639, %get3A_640, %get3A_641, %get3A_642] {strides = array<i32>} : memref<2x16x8x384xf32, #tpu.memory_space<vmem>>, vector<16xf32>,
      %get3A_644 = arith.constant 1 : i32
      %get3A_645 = arith.constant 7 : i32
      %get3A_646 = arith.index_cast %get3A_644 : i32 to index
      %get3A_647 = arith.index_cast %get3A_645 : i32 to index
      %get3A_648 = arith.index_cast %select_n3A_572 : i32 to index
      %get3A_649 = arith.index_cast %mul3A_590 : i32 to index
      %get3A_650 = tpu.vector_load %arg5[%get3A_646, %get3A_647, %get3A_648, %get3A_649] {strides = array<i32>} : memref<2x16x8x384xf32, #tpu.memory_space<vmem>>, vector<16xf32>,
      %get3A_651 = arith.constant 1 : i32
      %get3A_652 = arith.constant 8 : i32
      %get3A_653 = arith.index_cast %get3A_651 : i32 to index
      %get3A_654 = arith.index_cast %get3A_652 : i32 to index
      %get3A_655 = arith.index_cast %select_n3A_572 : i32 to index
      %get3A_656 = arith.index_cast %mul3A_590 : i32 to index
      %get3A_657 = tpu.vector_load %arg5[%get3A_653, %get3A_654, %get3A_655, %get3A_656] {strides = array<i32>} : memref<2x16x8x384xf32, #tpu.memory_space<vmem>>, vector<16xf32>,
      %get3A_658 = arith.constant 1 : i32
      %get3A_659 = arith.constant 9 : i32
      %get3A_660 = arith.index_cast %get3A_658 : i32 to index
      %get3A_661 = arith.index_cast %get3A_659 : i32 to index
      %get3A_662 = arith.index_cast %select_n3A_572 : i32 to index
      %get3A_663 = arith.index_cast %mul3A_590 : i32 to index
      %get3A_664 = tpu.vector_load %arg5[%get3A_660, %get3A_661, %get3A_662, %get3A_663] {strides = array<i32>} : memref<2x16x8x384xf32, #tpu.memory_space<vmem>>, vector<16xf32>,
      %get3A_665 = arith.constant 1 : i32
      %get3A_666 = arith.constant 10 : i32
      %get3A_667 = arith.index_cast %get3A_665 : i32 to index
      %get3A_668 = arith.index_cast %get3A_666 : i32 to index
      %get3A_669 = arith.index_cast %select_n3A_572 : i32 to index
      %get3A_670 = arith.index_cast %mul3A_590 : i32 to index
      %get3A_671 = tpu.vector_load %arg5[%get3A_667, %get3A_668, %get3A_669, %get3A_670] {strides = array<i32>} : memref<2x16x8x384xf32, #tpu.memory_space<vmem>>, vector<16xf32>,
      %get3A_672 = arith.constant 1 : i32
      %get3A_673 = arith.constant 11 : i32
      %get3A_674 = arith.index_cast %get3A_672 : i32 to index
      %get3A_675 = arith.index_cast %get3A_673 : i32 to index
      %get3A_676 = arith.index_cast %select_n3A_572 : i32 to index
      %get3A_677 = arith.index_cast %mul3A_590 : i32 to index
      %get3A_678 = tpu.vector_load %arg5[%get3A_674, %get3A_675, %get3A_676, %get3A_677] {strides = array<i32>} : memref<2x16x8x384xf32, #tpu.memory_space<vmem>>, vector<16xf32>,
      %get3A_679 = arith.constant 1 : i32
      %get3A_680 = arith.constant 12 : i32
      %get3A_681 = arith.index_cast %get3A_679 : i32 to index
      %get3A_682 = arith.index_cast %get3A_680 : i32 to index
      %get3A_683 = arith.index_cast %select_n3A_572 : i32 to index
      %get3A_684 = arith.index_cast %mul3A_590 : i32 to index
      %get3A_685 = tpu.vector_load %arg5[%get3A_681, %get3A_682, %get3A_683, %get3A_684] {strides = array<i32>} : memref<2x16x8x384xf32, #tpu.memory_space<vmem>>, vector<16xf32>,
      %get3A_686 = arith.constant 1 : i32
      %get3A_687 = arith.constant 13 : i32
      %get3A_688 = arith.index_cast %get3A_686 : i32 to index
      %get3A_689 = arith.index_cast %get3A_687 : i32 to index
      %get3A_690 = arith.index_cast %select_n3A_572 : i32 to index
      %get3A_691 = arith.index_cast %mul3A_590 : i32 to index
      %get3A_692 = tpu.vector_load %arg5[%get3A_688, %get3A_689, %get3A_690, %get3A_691] {strides = array<i32>} : memref<2x16x8x384xf32, #tpu.memory_space<vmem>>, vector<16xf32>,
      %get3A_693 = arith.constant 1 : i32
      %get3A_694 = arith.constant 14 : i32
      %get3A_695 = arith.index_cast %get3A_693 : i32 to index
      %get3A_696 = arith.index_cast %get3A_694 : i32 to index
      %get3A_697 = arith.index_cast %select_n3A_572 : i32 to index
      %get3A_698 = arith.index_cast %mul3A_590 : i32 to index
      %get3A_699 = tpu.vector_load %arg5[%get3A_695, %get3A_696, %get3A_697, %get3A_698] {strides = array<i32>} : memref<2x16x8x384xf32, #tpu.memory_space<vmem>>, vector<16xf32>,
      %get3A_700 = arith.constant 1 : i32
      %get3A_701 = arith.constant 15 : i32
      %get3A_702 = arith.index_cast %get3A_700 : i32 to index
      %get3A_703 = arith.index_cast %get3A_701 : i32 to index
      %get3A_704 = arith.index_cast %select_n3A_572 : i32 to index
      %get3A_705 = arith.index_cast %mul3A_590 : i32 to index
      %get3A_706 = tpu.vector_load %arg5[%get3A_702, %get3A_703, %get3A_704, %get3A_705] {strides = array<i32>} : memref<2x16x8x384xf32, #tpu.memory_space<vmem>>, vector<16xf32>,
      %exp3A = math.exp %get3A_601 : vector<16xf32>
      %exp3A_707 = math.exp %get3A_608 : vector<16xf32>
      %exp3A_708 = math.exp %get3A_615 : vector<16xf32>
      %exp3A_709 = math.exp %get3A_622 : vector<16xf32>
      %exp3A_710 = math.exp %get3A_629 : vector<16xf32>
      %exp3A_711 = math.exp %get3A_636 : vector<16xf32>
      %exp3A_712 = math.exp %get3A_643 : vector<16xf32>
      %exp3A_713 = math.exp %get3A_650 : vector<16xf32>
      %exp3A_714 = math.exp %get3A_657 : vector<16xf32>
      %exp3A_715 = math.exp %get3A_664 : vector<16xf32>
      %exp3A_716 = math.exp %get3A_671 : vector<16xf32>
      %exp3A_717 = math.exp %get3A_678 : vector<16xf32>
      %exp3A_718 = math.exp %get3A_685 : vector<16xf32>
      %exp3A_719 = math.exp %get3A_692 : vector<16xf32>
      %exp3A_720 = math.exp %get3A_699 : vector<16xf32>
      %exp3A_721 = math.exp %get3A_706 : vector<16xf32>
      %add3A_722 = arith.addf %exp3A, %exp3A_707 : vector<16xf32>
      %add3A_723 = arith.addf %exp3A_708, %exp3A_709 : vector<16xf32>
      %add3A_724 = arith.addf %exp3A_710, %exp3A_711 : vector<16xf32>
      %add3A_725 = arith.addf %exp3A_712, %exp3A_713 : vector<16xf32>
      %add3A_726 = arith.addf %exp3A_714, %exp3A_715 : vector<16xf32>
      %add3A_727 = arith.addf %exp3A_716, %exp3A_717 : vector<16xf32>
      %add3A_728 = arith.addf %exp3A_718, %exp3A_719 : vector<16xf32>
      %add3A_729 = arith.addf %exp3A_720, %exp3A_721 : vector<16xf32>
      %swap3A_730 = arith.constant 0 : i32
      %swap3A_731 = arith.index_cast %swap3A_730 : i32 to index
      %swap3A_732 = arith.constant 0 : index
      %swap3A_733 = tpu.vector_load %arg8[%swap3A_731, %swap3A_732] {strides = array<i32>} : memref<8x16xf32, #tpu.memory_space<vmem>>, vector<16xf32>,
      tpu.vector_store %arg8[%swap3A_731, %swap3A_732], %add3A_722 {strides = array<i32>} : memref<8x16xf32, #tpu.memory_space<vmem>>, vector<16xf32>,
      %swap3A_734 = arith.constant 1 : i32
      %swap3A_735 = arith.index_cast %swap3A_734 : i32 to index
      %swap3A_736 = arith.constant 0 : index
      %swap3A_737 = tpu.vector_load %arg8[%swap3A_735, %swap3A_736] {strides = array<i32>} : memref<8x16xf32, #tpu.memory_space<vmem>>, vector<16xf32>,
      tpu.vector_store %arg8[%swap3A_735, %swap3A_736], %add3A_723 {strides = array<i32>} : memref<8x16xf32, #tpu.memory_space<vmem>>, vector<16xf32>,
      %swap3A_738 = arith.constant 2 : i32
      %swap3A_739 = arith.index_cast %swap3A_738 : i32 to index
      %swap3A_740 = arith.constant 0 : index
      %swap3A_741 = tpu.vector_load %arg8[%swap3A_739, %swap3A_740] {strides = array<i32>} : memref<8x16xf32, #tpu.memory_space<vmem>>, vector<16xf32>,
      tpu.vector_store %arg8[%swap3A_739, %swap3A_740], %add3A_724 {strides = array<i32>} : memref<8x16xf32, #tpu.memory_space<vmem>>, vector<16xf32>,
      %swap3A_742 = arith.constant 3 : i32
      %swap3A_743 = arith.index_cast %swap3A_742 : i32 to index
      %swap3A_744 = arith.constant 0 : index
      %swap3A_745 = tpu.vector_load %arg8[%swap3A_743, %swap3A_744] {strides = array<i32>} : memref<8x16xf32, #tpu.memory_space<vmem>>, vector<16xf32>,
      tpu.vector_store %arg8[%swap3A_743, %swap3A_744], %add3A_725 {strides = array<i32>} : memref<8x16xf32, #tpu.memory_space<vmem>>, vector<16xf32>,
      %swap3A_746 = arith.constant 4 : i32
      %swap3A_747 = arith.index_cast %swap3A_746 : i32 to index
      %swap3A_748 = arith.constant 0 : index
      %swap3A_749 = tpu.vector_load %arg8[%swap3A_747, %swap3A_748] {strides = array<i32>} : memref<8x16xf32, #tpu.memory_space<vmem>>, vector<16xf32>,
      tpu.vector_store %arg8[%swap3A_747, %swap3A_748], %add3A_726 {strides = array<i32>} : memref<8x16xf32, #tpu.memory_space<vmem>>, vector<16xf32>,
      %swap3A_750 = arith.constant 5 : i32
      %swap3A_751 = arith.index_cast %swap3A_750 : i32 to index
      %swap3A_752 = arith.constant 0 : index
      %swap3A_753 = tpu.vector_load %arg8[%swap3A_751, %swap3A_752] {strides = array<i32>} : memref<8x16xf32, #tpu.memory_space<vmem>>, vector<16xf32>,
      tpu.vector_store %arg8[%swap3A_751, %swap3A_752], %add3A_727 {strides = array<i32>} : memref<8x16xf32, #tpu.memory_space<vmem>>, vector<16xf32>,
      %swap3A_754 = arith.constant 6 : i32
      %swap3A_755 = arith.index_cast %swap3A_754 : i32 to index
      %swap3A_756 = arith.constant 0 : index
      %swap3A_757 = tpu.vector_load %arg8[%swap3A_755, %swap3A_756] {strides = array<i32>} : memref<8x16xf32, #tpu.memory_space<vmem>>, vector<16xf32>,
      tpu.vector_store %arg8[%swap3A_755, %swap3A_756], %add3A_728 {strides = array<i32>} : memref<8x16xf32, #tpu.memory_space<vmem>>, vector<16xf32>,
      %swap3A_758 = arith.constant 7 : i32
      %swap3A_759 = arith.index_cast %swap3A_758 : i32 to index
      %swap3A_760 = arith.constant 0 : index
      %swap3A_761 = tpu.vector_load %arg8[%swap3A_759, %swap3A_760] {strides = array<i32>} : memref<8x16xf32, #tpu.memory_space<vmem>>, vector<16xf32>,
      tpu.vector_store %arg8[%swap3A_759, %swap3A_760], %add3A_729 {strides = array<i32>} : memref<8x16xf32, #tpu.memory_space<vmem>>, vector<16xf32>,
      %add3A_762 = arith.addf %add3A_722, %add3A_723 : vector<16xf32>
      %add3A_763 = arith.addf %add3A_724, %add3A_725 : vector<16xf32>
      %add3A_764 = arith.addf %add3A_726, %add3A_727 : vector<16xf32>
      %add3A_765 = arith.addf %add3A_728, %add3A_729 : vector<16xf32>
      %add3A_766 = arith.addf %add3A_762, %add3A_763 : vector<16xf32>
      %add3A_767 = arith.addf %add3A_764, %add3A_765 : vector<16xf32>
      %add3A_768 = arith.addf %add3A_766, %add3A_767 : vector<16xf32>
      %div3A_769 = arith.constant 1.000000e+00 : f32
      %div3A_770 = vector.broadcast %div3A_769 : f32 to vector<16xf32>
      %div3A_771 = arith.divf %div3A_770, %add3A_768 : vector<16xf32>
      %shift_right_logical3A = arith.constant 1 : i32
      %shift_right_logical3A_772 = vector.broadcast %shift_right_logical3A : i32 to vector<16xi32>
      %shift_right_logical3A_773 = arith.shrui %get3A_594, %shift_right_logical3A_772 : vector<16xi32>
      %and3A_774 = arith.constant -2 : i32
      %and3A_775 = vector.broadcast %and3A_774 : i32 to vector<16xi32>
      %and3A_776 = arith.andi %shift_right_logical3A_773, %and3A_775 : vector<16xi32>
      %xor3A = arith.constant 2 : i32
      %xor3A_777 = vector.broadcast %xor3A : i32 to vector<16xi32>
      %xor3A_778 = arith.xori %and3A_776, %xor3A_777 : vector<16xi32>
      %gather3A = tpu.vector_load_idx %arg8[%shift_right_logical3A_773, %iota3A_527] : memref<8x16xf32, #tpu.memory_space<vmem>>[vector<16xi32>, vector<16xi32>], vector<16xf32>,
      %xor3A_779 = arith.constant 1 : i32
      %xor3A_780 = vector.broadcast %xor3A_779 : i32 to vector<16xi32>
      %xor3A_781 = arith.xori %shift_right_logical3A_773, %xor3A_780 : vector<16xi32>
      %gather3A_782 = tpu.vector_load_idx %arg8[%xor3A_781, %iota3A_527] : memref<8x16xf32, #tpu.memory_space<vmem>>[vector<16xi32>, vector<16xi32>], vector<16xf32>,
      %add3A_783 = arith.addf %gather3A, %gather3A_782 : vector<16xf32>
      %gather3A_784 = tpu.vector_load_idx %arg8[%xor3A_778, %iota3A_527] : memref<8x16xf32, #tpu.memory_space<vmem>>[vector<16xi32>, vector<16xi32>], vector<16xf32>,
      %add3A_785 = arith.addf %add3A_783, %gather3A_784 : vector<16xf32>
      %or3A = arith.constant 1 : i32
      %or3A_786 = vector.broadcast %or3A : i32 to vector<16xi32>
      %or3A_787 = arith.ori %xor3A_778, %or3A_786 : vector<16xi32>
      %gather3A_788 = tpu.vector_load_idx %arg8[%or3A_787, %iota3A_527] : memref<8x16xf32, #tpu.memory_space<vmem>>[vector<16xi32>, vector<16xi32>], vector<16xf32>,
      %add3A_789 = arith.addf %add3A_785, %gather3A_788 : vector<16xf32>
      %mul3A_790 = arith.mulf %add3A_789, %div3A_771 : vector<16xf32>
      %bitcast_convert_type3A = tpu.bitcast %mul3A_790 : vector<16xf32> -> vector<16xi32>
      %shift_right_arithmetic3A = arith.constant 23 : i32
      %shift_right_arithmetic3A_791 = vector.broadcast %shift_right_arithmetic3A : i32 to vector<16xi32>
      %shift_right_arithmetic3A_792 = arith.shrsi %bitcast_convert_type3A, %shift_right_arithmetic3A_791 : vector<16xi32>
      %sub3A_793 = arith.constant 127 : i32
      %sub3A_794 = vector.broadcast %sub3A_793 : i32 to vector<16xi32>
      %sub3A_795 = arith.subi %shift_right_arithmetic3A_792, %sub3A_794 : vector<16xi32>
      %and3A_796 = arith.constant 8388607 : i32
      %and3A_797 = vector.broadcast %and3A_796 : i32 to vector<16xi32>
      %and3A_798 = arith.andi %bitcast_convert_type3A, %and3A_797 : vector<16xi32>
      %or3A_799 = arith.constant 1065353216 : i32
      %or3A_800 = vector.broadcast %or3A_799 : i32 to vector<16xi32>
      %or3A_801 = arith.ori %and3A_798, %or3A_800 : vector<16xi32>
      %bitcast_convert_type3A_802 = tpu.bitcast %or3A_801 : vector<16xi32> -> vector<16xf32>
      %sub3A_803 = arith.constant 1.000000e+00 : f32
      %sub3A_804 = vector.broadcast %sub3A_803 : f32 to vector<16xf32>
      %sub3A_805 = arith.subf %bitcast_convert_type3A_802, %sub3A_804 : vector<16xf32>
      %add3A_806 = arith.constant 1.000000e+00 : f32
      %add3A_807 = vector.broadcast %add3A_806 : f32 to vector<16xf32>
      %add3A_808 = arith.addf %bitcast_convert_type3A_802, %add3A_807 : vector<16xf32>
      %div3A_809 = arith.divf %sub3A_805, %add3A_808 : vector<16xf32>
      %mul3A_810 = arith.mulf %div3A_809, %div3A_809 : vector<16xf32>
      %mul3A_811 = arith.constant 0.412198573 : f32
      %mul3A_812 = vector.broadcast %mul3A_811 : f32 to vector<16xf32>
      %mul3A_813 = arith.mulf %mul3A_810, %mul3A_812 : vector<16xf32>
      %add3A_814 = arith.constant 0.577078044 : f32
      %add3A_815 = vector.broadcast %add3A_814 : f32 to vector<16xf32>
      %add3A_816 = arith.addf %add3A_815, %mul3A_813 : vector<16xf32>
      %mul3A_817 = arith.mulf %mul3A_810, %add3A_816 : vector<16xf32>
      %add3A_818 = arith.constant 0.9617967 : f32
      %add3A_819 = vector.broadcast %add3A_818 : f32 to vector<16xf32>
      %add3A_820 = arith.addf %add3A_819, %mul3A_817 : vector<16xf32>
      %mul3A_821 = arith.mulf %mul3A_810, %add3A_820 : vector<16xf32>
      %add3A_822 = arith.constant 2.885390e+00 : f32
      %add3A_823 = vector.broadcast %add3A_822 : f32 to vector<16xf32>
      %add3A_824 = arith.addf %add3A_823, %mul3A_821 : vector<16xf32>
      %convert_element_type3A = arith.sitofp %sub3A_795 : vector<16xi32> to vector<16xf32>
      %mul3A_825 = arith.mulf %div3A_809, %add3A_824 : vector<16xf32>
      %add3A_826 = arith.addf %convert_element_type3A, %mul3A_825 : vector<16xf32>
      %max3A = arith.constant -23.2534962 : f32
      %max3A_827 = vector.broadcast %max3A : f32 to vector<16xf32>
      %max3A_828 = arith.maximumf %add3A_826, %max3A_827 : vector<16xf32>
      %mul3A_829 = arith.mulf %add3A_783, %div3A_771 : vector<16xf32>
      %bitcast_convert_type3A_830 = tpu.bitcast %mul3A_829 : vector<16xf32> -> vector<16xi32>
      %shift_right_arithmetic3A_831 = arith.constant 23 : i32
      %shift_right_arithmetic3A_832 = vector.broadcast %shift_right_arithmetic3A_831 : i32 to vector<16xi32>
      %shift_right_arithmetic3A_833 = arith.shrsi %bitcast_convert_type3A_830, %shift_right_arithmetic3A_832 : vector<16xi32>
      %sub3A_834 = arith.constant 127 : i32
      %sub3A_835 = vector.broadcast %sub3A_834 : i32 to vector<16xi32>
      %sub3A_836 = arith.subi %shift_right_arithmetic3A_833, %sub3A_835 : vector<16xi32>
      %and3A_837 = arith.constant 8388607 : i32
      %and3A_838 = vector.broadcast %and3A_837 : i32 to vector<16xi32>
      %and3A_839 = arith.andi %bitcast_convert_type3A_830, %and3A_838 : vector<16xi32>
      %or3A_840 = arith.constant 1065353216 : i32
      %or3A_841 = vector.broadcast %or3A_840 : i32 to vector<16xi32>
      %or3A_842 = arith.ori %and3A_839, %or3A_841 : vector<16xi32>
      %bitcast_convert_type3A_843 = tpu.bitcast %or3A_842 : vector<16xi32> -> vector<16xf32>
      %sub3A_844 = arith.constant 1.000000e+00 : f32
      %sub3A_845 = vector.broadcast %sub3A_844 : f32 to vector<16xf32>
      %sub3A_846 = arith.subf %bitcast_convert_type3A_843, %sub3A_845 : vector<16xf32>
      %add3A_847 = arith.constant 1.000000e+00 : f32
      %add3A_848 = vector.broadcast %add3A_847 : f32 to vector<16xf32>
      %add3A_849 = arith.addf %bitcast_convert_type3A_843, %add3A_848 : vector<16xf32>
      %div3A_850 = arith.divf %sub3A_846, %add3A_849 : vector<16xf32>
      %mul3A_851 = arith.mulf %div3A_850, %div3A_850 : vector<16xf32>
      %mul3A_852 = arith.constant 0.412198573 : f32
      %mul3A_853 = vector.broadcast %mul3A_852 : f32 to vector<16xf32>
      %mul3A_854 = arith.mulf %mul3A_851, %mul3A_853 : vector<16xf32>
      %add3A_855 = arith.constant 0.577078044 : f32
      %add3A_856 = vector.broadcast %add3A_855 : f32 to vector<16xf32>
      %add3A_857 = arith.addf %add3A_856, %mul3A_854 : vector<16xf32>
      %mul3A_858 = arith.mulf %mul3A_851, %add3A_857 : vector<16xf32>
      %add3A_859 = arith.constant 0.9617967 : f32
      %add3A_860 = vector.broadcast %add3A_859 : f32 to vector<16xf32>
      %add3A_861 = arith.addf %add3A_860, %mul3A_858 : vector<16xf32>
      %mul3A_862 = arith.mulf %mul3A_851, %add3A_861 : vector<16xf32>
      %add3A_863 = arith.constant 2.885390e+00 : f32
      %add3A_864 = vector.broadcast %add3A_863 : f32 to vector<16xf32>
      %add3A_865 = arith.addf %add3A_864, %mul3A_862 : vector<16xf32>
      %convert_element_type3A_866 = arith.sitofp %sub3A_836 : vector<16xi32> to vector<16xf32>
      %mul3A_867 = arith.mulf %div3A_850, %add3A_865 : vector<16xf32>
      %add3A_868 = arith.addf %convert_element_type3A_866, %mul3A_867 : vector<16xf32>
      %max3A_869 = arith.constant -23.2534962 : f32
      %max3A_870 = vector.broadcast %max3A_869 : f32 to vector<16xf32>
      %max3A_871 = arith.maximumf %add3A_868, %max3A_870 : vector<16xf32>
      %mul3A_872 = arith.mulf %gather3A, %div3A_771 : vector<16xf32>
      %bitcast_convert_type3A_873 = tpu.bitcast %mul3A_872 : vector<16xf32> -> vector<16xi32>
      %shift_right_arithmetic3A_874 = arith.constant 23 : i32
      %shift_right_arithmetic3A_875 = vector.broadcast %shift_right_arithmetic3A_874 : i32 to vector<16xi32>
      %shift_right_arithmetic3A_876 = arith.shrsi %bitcast_convert_type3A_873, %shift_right_arithmetic3A_875 : vector<16xi32>
      %sub3A_877 = arith.constant 127 : i32
      %sub3A_878 = vector.broadcast %sub3A_877 : i32 to vector<16xi32>
      %sub3A_879 = arith.subi %shift_right_arithmetic3A_876, %sub3A_878 : vector<16xi32>
      %and3A_880 = arith.constant 8388607 : i32
      %and3A_881 = vector.broadcast %and3A_880 : i32 to vector<16xi32>
      %and3A_882 = arith.andi %bitcast_convert_type3A_873, %and3A_881 : vector<16xi32>
      %or3A_883 = arith.constant 1065353216 : i32
      %or3A_884 = vector.broadcast %or3A_883 : i32 to vector<16xi32>
      %or3A_885 = arith.ori %and3A_882, %or3A_884 : vector<16xi32>
      %bitcast_convert_type3A_886 = tpu.bitcast %or3A_885 : vector<16xi32> -> vector<16xf32>
      %sub3A_887 = arith.constant 1.000000e+00 : f32
      %sub3A_888 = vector.broadcast %sub3A_887 : f32 to vector<16xf32>
      %sub3A_889 = arith.subf %bitcast_convert_type3A_886, %sub3A_888 : vector<16xf32>
      %add3A_890 = arith.constant 1.000000e+00 : f32
      %add3A_891 = vector.broadcast %add3A_890 : f32 to vector<16xf32>
      %add3A_892 = arith.addf %bitcast_convert_type3A_886, %add3A_891 : vector<16xf32>
      %div3A_893 = arith.divf %sub3A_889, %add3A_892 : vector<16xf32>
      %mul3A_894 = arith.mulf %div3A_893, %div3A_893 : vector<16xf32>
      %mul3A_895 = arith.constant 0.412198573 : f32
      %mul3A_896 = vector.broadcast %mul3A_895 : f32 to vector<16xf32>
      %mul3A_897 = arith.mulf %mul3A_894, %mul3A_896 : vector<16xf32>
      %add3A_898 = arith.constant 0.577078044 : f32
      %add3A_899 = vector.broadcast %add3A_898 : f32 to vector<16xf32>
      %add3A_900 = arith.addf %add3A_899, %mul3A_897 : vector<16xf32>
      %mul3A_901 = arith.mulf %mul3A_894, %add3A_900 : vector<16xf32>
      %add3A_902 = arith.constant 0.9617967 : f32
      %add3A_903 = vector.broadcast %add3A_902 : f32 to vector<16xf32>
      %add3A_904 = arith.addf %add3A_903, %mul3A_901 : vector<16xf32>
      %mul3A_905 = arith.mulf %mul3A_894, %add3A_904 : vector<16xf32>
      %add3A_906 = arith.constant 2.885390e+00 : f32
      %add3A_907 = vector.broadcast %add3A_906 : f32 to vector<16xf32>
      %add3A_908 = arith.addf %add3A_907, %mul3A_905 : vector<16xf32>
      %convert_element_type3A_909 = arith.sitofp %sub3A_879 : vector<16xi32> to vector<16xf32>
      %mul3A_910 = arith.mulf %div3A_893, %add3A_908 : vector<16xf32>
      %add3A_911 = arith.addf %convert_element_type3A_909, %mul3A_910 : vector<16xf32>
      %max3A_912 = arith.constant -23.2534962 : f32
      %max3A_913 = vector.broadcast %max3A_912 : f32 to vector<16xf32>
      %max3A_914 = arith.maximumf %add3A_911, %max3A_913 : vector<16xf32>
      %add3A_915 = arith.addf %scan3A_546, %max3A_828 : vector<16xf32>
      %add3A_916 = arith.addf %scan3A_547, %max3A_871 : vector<16xf32>
      %add3A_917 = arith.addf %scan3A_548, %max3A_914 : vector<16xf32>
      scf.yield %add3A_915, %add3A_916, %add3A_917 : vector<16xf32>, vector<16xf32>, vector<16xf32>
    }
    %scan3A_533 = arith.constant 192 : i32
    %swap3A = arith.constant 0 : i32
    %swap3A_534 = arith.index_cast %swap3A : i32 to index
    %swap3A_535 = arith.constant 0 : index
    %swap3A_536 = tpu.vector_load %arg7[%swap3A_534, %swap3A_535] {strides = array<i32>} : memref<3x16xf32, #tpu.memory_space<vmem>>, vector<16xf32>,
    tpu.vector_store %arg7[%swap3A_534, %swap3A_535], %scan3A_532#0 {strides = array<i32>} : memref<3x16xf32, #tpu.memory_space<vmem>>, vector<16xf32>,
    %swap3A_537 = arith.constant 1 : i32
    %swap3A_538 = arith.index_cast %swap3A_537 : i32 to index
    %swap3A_539 = arith.constant 0 : index
    %swap3A_540 = tpu.vector_load %arg7[%swap3A_538, %swap3A_539] {strides = array<i32>} : memref<3x16xf32, #tpu.memory_space<vmem>>, vector<16xf32>,
    tpu.vector_store %arg7[%swap3A_538, %swap3A_539], %scan3A_532#1 {strides = array<i32>} : memref<3x16xf32, #tpu.memory_space<vmem>>, vector<16xf32>,
    %swap3A_541 = arith.constant 2 : i32
    %swap3A_542 = arith.index_cast %swap3A_541 : i32 to index
    %swap3A_543 = arith.constant 0 : index
    %swap3A_544 = tpu.vector_load %arg7[%swap3A_542, %swap3A_543] {strides = array<i32>} : memref<3x16xf32, #tpu.memory_space<vmem>>, vector<16xf32>,
    tpu.vector_store %arg7[%swap3A_542, %swap3A_543], %scan3A_532#2 {strides = array<i32>} : memref<3x16xf32, #tpu.memory_space<vmem>>, vector<16xf32>,
    "tpu.region"() ({
      %run_scoped3A = tpu.sem_alloc : memref<!tpu.dma_semaphore, #tpu.memory_space<semaphore_mem>>
      %dma_start3A_545 = arith.constant 0 : i32
      %dma_start3A_546 = arith.constant 0 : i32
      %dma_start3A_547 = tpu.memref_slice %arg4[%add3A, %dma_start3A_545, %dma_start3A_546] : memref<32x3x16xf32, #tpu.memory_space<hbm>> -> memref<1x3x16xf32, #tpu.memory_space<hbm>>
      %dma_start3A_548 = tpu.memref_squeeze %dma_start3A_547 : memref<1x3x16xf32, #tpu.memory_space<hbm>> -> memref<3x16xf32, #tpu.memory_space<hbm>>
      %dma_start3A_549 = arith.constant 0 : i32
      %dma_start3A_550 = arith.constant 0 : i32
      %dma_start3A_551 = tpu.memref_slice %arg4[%add3A, %dma_start3A_549, %dma_start3A_550] : memref<32x3x16xf32, #tpu.memory_space<hbm>> -> memref<1x3x16xf32, #tpu.memory_space<hbm>>
      %dma_start3A_552 = tpu.memref_squeeze %dma_start3A_551 : memref<1x3x16xf32, #tpu.memory_space<hbm>> -> memref<3x16xf32, #tpu.memory_space<hbm>>
      tpu.enqueue_dma source(%arg7 : memref<3x16xf32, #tpu.memory_space<vmem>>) target(%dma_start3A_552 : memref<3x16xf32, #tpu.memory_space<hbm>>) target_semaphore(%run_scoped3A : memref<!tpu.dma_semaphore, #tpu.memory_space<semaphore_mem>>)
      %dma_wait3A_553 = arith.constant 0 : i32
      %dma_wait3A_554 = arith.constant 0 : i32
      %dma_wait3A_555 = tpu.memref_slice %arg4[%add3A, %dma_wait3A_553, %dma_wait3A_554] : memref<32x3x16xf32, #tpu.memory_space<hbm>> -> memref<1x3x16xf32, #tpu.memory_space<hbm>>
      %dma_wait3A_556 = tpu.memref_squeeze %dma_wait3A_555 : memref<1x3x16xf32, #tpu.memory_space<hbm>> -> memref<3x16xf32, #tpu.memory_space<hbm>>
      %dma_wait3A_557 = arith.constant 0 : i32
      %dma_wait3A_558 = arith.constant 0 : i32
      %dma_wait3A_559 = tpu.memref_slice %arg4[%add3A, %dma_wait3A_557, %dma_wait3A_558] : memref<32x3x16xf32, #tpu.memory_space<hbm>> -> memref<1x3x16xf32, #tpu.memory_space<hbm>>
      %dma_wait3A_560 = tpu.memref_squeeze %dma_wait3A_559 : memref<1x3x16xf32, #tpu.memory_space<hbm>> -> memref<3x16xf32, #tpu.memory_space<hbm>>
      tpu.wait_dma2 semaphore(%run_scoped3A : memref<!tpu.dma_semaphore, #tpu.memory_space<semaphore_mem>>) src(%arg7 : memref<3x16xf32, #tpu.memory_space<vmem>>) dst(%dma_wait3A_560 : memref<3x16xf32, #tpu.memory_space<hbm>>)
      tpu.yield
    }) : () -> ()
    return
  }
}

</mosaic_0001>

<sc_bundles>
// kernel: _tree_loss.3.cloned.1.call-start
scs
__scs_entry_jumppad:
0x0: {  	(pc) =	sbr.rel $0x88, $3  }
0x1: {  	(tag) =	ssettag $0x0;
	lr =	simm.s32 $0x1  }
0x2: {  	[smem:$0x3F9F] =	sst lr;
	_ =	strace $0xD0000000  }
0x3: {  	_ = 	snop  }
0x4: {  	_ = 	snop  }
0x5: {  	_ = 	snop  }
0x6: {  	_ = 	snop  }
0x7: {  	_ = 	snop  }
__scs_overlays_trampoline_lowered:
0x8: {  	[smem:$0x3FAE] =	sst s0  }
0x9: {  	[smem:$0x3FAF] =	sst s1  }
0xa: {  	[smem:$0x3FB0] =	sst s2  }
0xb: {  	[smem:$0x3FB1] =	sst s3  }
0xc: {  	[smem:$0x3FB2] =	sst s4  }
0xd: {  	[smem:$0x3FB3] =	sst s5  }
0xe: {  	[smem:$0x3FB4] =	sst s6  }
0xf: {  	[smem:$0x3FB5] =	sst s7  }
0x10: {  	[smem:$0x3FB6] =	sst s8  }
0x11: {  	[smem:$0x3FB7] =	sst s9;
	s0 =	simm.s32 @!p0 $0x0  }
0x12: {  	s1 =	sld [smem:$0x3F9D];
	s0 =	simm.s32 @p0 $0x1  }
0x13: {  	[smem:$0x3FB8] =	sst s0;
	s0 =	simm.s32 @!p1 $0x0  }
0x14: {  	s2 =	sld [smem:$0x3F9C];
	s0 =	simm.s32 @p1 $0x1  }
0x15: {  	[smem:$0x3FB9] =	sst s0;
	s0 =	simm.s32 @!p2 $0x0  }
0x16: {  	s3 =	sld [smem:$0x3FDB];
	s0 =	simm.s32 @p2 $0x1  }
0x17: {  	s4 =	simm.s32 $0x1BF5;
	[smem:$0x3FBB] =	sst s0  }
0x18: {  	s0 =	sld [smem:$0x3F9E];
	_ =	swait.ge [sflag:s4], $0x0  }
0x19: {  	s7 =	sld [smem:$0x3F9F]  }
0x1a: {  	s8 =	sadd.s32 $0xFFFFE003, lr  }
0x1b: {  	s9 =	sadd.s32 $0xFFFFFEF7, lr;
	s5 =	simm.s32 $0xFFFFFFFF;
	p2 =	slt.u32 s8, $0xFFFFF086  }
0x1c: {  	p1 =	slt.u32 s9, $0xF7A;
	s5 =	simm.s32 @!p2 $0x0  }
0x1d: {  	s5 =	simm.s32 @p1 $0x1;
	p0 =	seq.s32 s7, s2  }
0x1e: {  	s7 =	smul.u32 @!p0 $0xF7A, s2;
	p2 =	seq.s32 @!p0 s5, $0x0  }
0x1f: {  	s9 =	smul.u32 $0xF7A, s1;
	s8 =	simm.s32 @!p0 $0x1BF5;
	p2 =	por !p2, p0  }
0x20: {  	[sflag:s8] =	ssyncset.s32 @!p0 $0xFFFFF086;
	s6 =	sadd.s32 @!p0 s3, s7;
	s7 =	simm.s32 @!p0 $0x108  }
0x21: {  	s3 =	sadd.s32 s3, s9;
	s6 =	sadd.s32 @!p0 $0x88, s6;
	s7 =	simm.s32 @p2 $0x1082  }
0x22: {  	[simem:s7], [sflag:s8] =	dma.local @!p0 [hbm:s6], $0xF7A  }
0x23: {  	s9 =	sor.u32 $0xD0000000, s2;
	s6 =	simm.s32 $0x108;
	_ =	swait.ge @!p0 [sflag:s8], $0x0  }
0x24: {  	s3 =	sadd.s32 $0x88, s3;
	s6 =	simm.s32 @!p1 $0x1082;
	[sflag:s4] =	ssyncset.s32 $0xFFFFF086  }
0x25: {  	[simem:s6], [sflag:s4] =	dma.local [hbm:s3], $0xF7A  }
0x26: {  	[smem:$0x3F9F] =	sst s1;
	(tag) =	ssettag s2;
	_ =	strace s9  }
0x27: {  	s1 =	sld [smem:$0x3FAF]  }
0x28: {  	s2 =	sld [smem:$0x3FB0]  }
0x29: {  	s4 =	sld [smem:$0x3FB2]  }
0x2a: {  	p0 =	seq.s32 s5, $0x0;
	s5 =	sld [smem:$0x3FB3]  }
0x2b: {  	s6 =	sld [smem:$0x3FB4]  }
0x2c: {  	s7 =	sld [smem:$0x3FB5]  }
0x2d: {  	s3 =	simm.s32 $0x108;
	s8 =	sld [smem:$0x3FB6]  }
0x2e: {  	s3 =	simm.s32 @!p0 $0x1082;
	s9 =	sld [smem:$0x3FB7]  }
0x2f: {  	lr =	sadd.s32 s0, s3;
	s0 =	sld [smem:$0x3FAE]  }
0x30: {  	s3 =	sld [smem:$0x3FB1]  }
0x31: {  	[smem:$0x3FBA] =	sst s10  }
0x32: {  	s10 =	sld [smem:$0x3FB8];
	_ =	sdelay $0x3  }
0x33: {  	p0 =	seq.s32 s10, $0x1;
	s10 =	sld [smem:$0x3FBA];
	_ =	sdelay $0x3  }
0x34: {  	[smem:$0x3FBA] =	sst s10  }
0x35: {  	s10 =	sld [smem:$0x3FB9];
	_ =	sdelay $0x3  }
0x36: {  	p1 =	seq.s32 s10, $0x1;
	s10 =	sld [smem:$0x3FBA];
	_ =	sdelay $0x3  }
0x37: {  	[smem:$0x3FBA] =	sst s10  }
0x38: {  	s10 =	sld [smem:$0x3FBB]  }
0x39: {  	_ = 	snop;
	(pc) =	sbr.ind lr, $3  }
0x3a: {  	_ = 	snop  }
0x3b: {  	_ = 	snop  }
0x3c: {  	p2 =	seq.s32 s10, $0x1;
	s10 =	sld [smem:$0x3FBA]  }
0x3d: {  	_ =	shalt  }
0x3e: {  	_ =	shalt  }
0x3f: {  	_ =	shalt  }
0x40: {  	_ =	shalt  }
0x41: {  	_ =	shalt  }
0x42: {  	_ =	shalt  }
0x43: {  	_ =	shalt  }
0x44: {  	_ =	shalt  }
0x45: {  	_ =	shalt  }
0x46: {  	_ =	shalt  }
0x47: {  	_ =	shalt  }
0x48: {  	_ =	shalt  }
0x49: {  	_ =	shalt  }
0x4a: {  	_ =	shalt  }
0x4b: {  	_ =	shalt  }
0x4c: {  	_ =	shalt  }
0x4d: {  	_ =	shalt  }
0x4e: {  	_ =	shalt  }
0x4f: {  	_ =	shalt  }
0x50: {  	_ =	shalt  }
0x51: {  	_ =	shalt  }
0x52: {  	_ =	shalt  }
0x53: {  	_ =	shalt  }
0x54: {  	_ =	shalt  }
0x55: {  	_ =	shalt  }
0x56: {  	_ =	shalt  }
0x57: {  	_ =	shalt  }
0x58: {  	_ =	shalt  }
0x59: {  	_ =	shalt  }
0x5a: {  	_ =	shalt  }
0x5b: {  	_ =	shalt  }
0x5c: {  	_ =	shalt  }
0x5d: {  	_ =	shalt  }
0x5e: {  	_ =	shalt  }
0x5f: {  	_ =	shalt  }
0x60: {  	_ =	shalt  }
0x61: {  	_ =	shalt  }
0x62: {  	_ =	shalt  }
0x63: {  	_ =	shalt  }
0x64: {  	_ =	shalt  }
0x65: {  	_ =	shalt  }
0x66: {  	_ =	shalt  }
0x67: {  	_ =	shalt  }
0x68: {  	_ =	shalt  }
0x69: {  	_ =	shalt  }
0x6a: {  	_ =	shalt  }
0x6b: {  	_ =	shalt  }
0x6c: {  	_ =	shalt  }
0x6d: {  	_ =	shalt  }
0x6e: {  	_ =	shalt  }
0x6f: {  	_ =	shalt  }
0x70: {  	_ =	shalt  }
0x71: {  	_ =	shalt  }
0x72: {  	_ =	shalt  }
0x73: {  	_ =	shalt  }
0x74: {  	_ =	shalt  }
0x75: {  	_ =	shalt  }
0x76: {  	_ =	shalt  }
0x77: {  	_ =	shalt  }
0x78: {  	_ =	shalt  }
0x79: {  	_ =	shalt  }
0x7a: {  	_ =	shalt  }
0x7b: {  	_ =	shalt  }
0x7c: {  	_ =	shalt  }
0x7d: {  	_ =	shalt  }
0x7e: {  	_ =	shalt  }
0x7f: {  	_ =	shalt  }
0x80: {  	_ =	shalt  }
0x81: {  	_ =	shalt  }
0x82: {  	_ =	shalt  }
0x83: {  	_ =	shalt  }
0x84: {  	_ =	shalt  }
0x85: {  	_ =	shalt  }
0x86: {  	_ =	shalt  }
0x87: {  	_ =	shalt  }
.Lfunc_end0:
.L_simem_size_0:
called_computation_lowered:
.L_overlay_start_0:
0x88: {  	s2 =	sld [smem:$0x3FD9]  }
0x89: {  	s3 =	sld [smem:$0x3FFE];
	_ =	sdelay $0x1  }
0x8a: {  	s1 =	srdreg.scid  }
0x8b: {  	s0 =	sand.u32 $0x1, s1  }
0x8c: {  	s17 =	sshll.u32 s0, $0xA;
	s2 =	sadd.s32 s3, s2  }
0x8d: {  	s2 =	sadd.s32 s2, s17  }
0x8e: {  	[smem:$0x3FC6] =	sst s2  }
0x8f: {  	_ = 	snop  }
0x90: {  	s2 =	sld [smem:$0x3FC9]  }
0x91: {  	s18 =	sld [smem:$0x3FC8];
	(tm) =	ssettm $0x1  }
0x92: {  	s4 =	sld [smem:$0x3FFB];
	_ =	sdelay $0x3  }
0x93: {  	_ =	strace s4  }
0x94: {  	s4 =	sld [smem:$0x3FFC];
	_ =	sdelay $0x3  }
0x95: {  	_ =	strace s4  }
0x96: {  	s4 =	sld [smem:$0x3FFD];
	_ =	sdelay $0x3  }
0x97: {  	_ =	strace s4  }
0x98: {  	_ =	strace $0x8FFFFFFF  }
0x99: {  	s19 =	sld [smem:$0x3FDB];
	_ =	sdelay $0x1  }
0x9a: {  	s5 =	simm.s32 $_scs_section_size  }
0x9b: {  	s6 =	simm.s32 $_size__tile_overlayer_lowered;
	s7 =	simm.s32 $_tile_overlayer_lowered  }
0x9c: {  	s22 =	simm.s32 $0x1BFF;
	s21 =	sshll.u32 s7, $0x1;
	s4 =	sadd.s32 s5, s19  }
0x9d: {  	s8 =	simm.s32 $0x0;
	s20 =	sshll.u32 s6, $0x1;
	s6 =	sadd.s32 s21, s4  }
0x9e: {  	[timem:s8], [sflag:s22] =	dma.local [hbm:s6], s20  }
0x9f: {  	_ =	swait.ge [sflag:s22], s20  }
0xa0: {  	s5 =	ssub.s32 $0x0, s20;
	[sflag:s22] =	ssyncset.done $0x0  }
0xa1: {  	[sflag:s22] =	ssyncadd.s32 s5;
	_ =	sdelay $0x1  }
0xa2: {  	s23 =	simm.s32 $0x1B8B  }
0xa3: {  	_ =	swait.ge [sflag:s23], $0x1  }
0xa4: {  	[sflag:s23] =	ssyncset.done $0x0  }
0xa5: {  	s25 =	simm.s32 $0x1B8E;
	s24 =	sld [smem:$0x3FFE];
	[sflag:s23] =	ssyncadd.s32 $0xFFFFFFFF  }
0xa6: {  	s26 =	simm.s32 $execute0_lowered;
	[smem:$0x3FD2] =	sst s25  }
0xa7: {  	s6 =	sshll.u32 s26, $0x1;
	_ =	strace $0x80000046;
	[dreg:$0x1] =	wrdreg $0xFFFFFFFF  }
0xa8: {  	s28 =	simm.s32 $_size_execute0_lowered;
	s4 =	sadd.s32 s4, s6;
	[dreg:$0x0] =	wrdreg $0x0  }
0xa9: {  	s6 =	sshll.u32 s28, $0x1;
	[dreg:$0x2] =	wrdreg s4  }
0xaa: {  	[dreg:$0x3] =	wrdreg s6  }
0xab: {  	[dreg:$0x4] =	wrdreg $0xC0  }
0xac: {  	_ =	task [dreg:s8], $0x5FFFF  }
0xad: {  	[dreg:$0x1] =	wrdreg $0xFFFFFFFF  }
0xae: {  	[dreg:$0x0] =	wrdreg $0x60  }
0xaf: {  	[dreg:$0x2] =	wrdreg s2  }
0xb0: {  	[dreg:$0x3] =	wrdreg s18  }
0xb1: {  	[dreg:$0x4] =	wrdreg s24  }
0xb2: {  	[dreg:$0x5] =	wrdreg $0x9  }
0xb3: {  	_ =	task.clear_ibuf [dreg:s8], $0x6FFFF;
	_ =	strace $0x90000046  }
0xb4: {  	s29 =	simm.s32 $0x9;
	_ =	strace $0x80000048  }
0xb5: {  	_ =	swait.ge [sflag:s29], $0x1  }
0xb6: {  	[sflag:s29] =	ssyncadd.s32 $0xFFFFFFFF  }
0xb7: {  	_ =	strace $0x90000048  }
0xb8: {  	_ =	sfence  }
0xb9: {  	s30 =	sld [smem:$0x0];
	_ =	sdelay $0x2  }
0xba: {  	s31 =	sshll.u32 s1, $0xD;
	s1 =	sshrl.u32 s1, $0x2  }
0xbb: {  	s3 =	sand.u32 $0x4000, s31;
	s1 =	sadd.s32 s1, s30  }
0xbc: {  	s0 =	sor.u32 s3, s0;
	s1 =	sshll.u32 s1, $0x11  }
0xbd: {  	s0 =	sor.u32 s1, s0  }
0xbe: {  	s0 =	sadd.s32 $0x8F2B, s0  }
0xbf: {  	[sflag:s0] =	ssyncadd.remote.s32 $0x1  }
0xc0: {  	_ =	sfence.sel $0xFFFF  }
0xc1: {  	[dreg:$0x0] =	wrdreg $0xFFFFFFFF;
	(pc) =	sbr.abs _section_cstart, $3  }
0xc2: {  	[dreg:$0x1] =	wrdreg $0xFFFFFFFF  }
0xc3: {  	_ =	task.clear_ibuf [dreg:s8], $0x2FFFF;
	_ =	strace $0x9FFFFFFF  }
0xc4: {  	(tm) =	ssettm $0x7FFFFFFF  }
0xc5: {  	_ =	shalt  }
tec
execute0_lowered:
.L_overlay_start_1:
0x0: {  	(tag) =	ssettag $0x1  }
0x1: {  	s1 =	rddreg [dreg:$0x0]  }
0x2: {  	s2 =	srdreg.scid;
	s14 =	rddreg [dreg:$0x1]  }
0x3: {  	s0 =	stileid.u32;
	s4 =	rddreg [dreg:$0x2]  }
0x4: {  	s29 =	simm.s32 $0x5;
	s3 =	sand.u32 $0x1, s2;
	s31 =	sshll.u32 s0, $0x1  }
0x5: {  	s30 =	simm.s32 $0x0;
	s0 =	sshrl.u32 s0, $0x1;
	s5 =	sor.u32 s3, s31  }
0x6: {  	s2 =	simm.s32 $0x0;
	s12 =	smul.u32 $0x240000, s0;
	s6 =	sand.u32 $0x3, s5  }
0x7: {  	[smem:$0x7FF] =	sst s2;
	s5 =	sshll.u32 s5, $0x6;
	s9 =	smul.u32 $0x30, s6  }
0x8: {  	s3 =	ssub.s32 $0x2, s3;
	s13 =	smul.u32 $0x24000, s0;
	s15 =	sadd.s32 s5, s4  }
0x9: {  	_ =	strace $0x80000047;
	s15 =	sadd.s32 $0x400, s15;
	s7 =	sshrl.u32 s9, $0x3  }
0xa: {  	s5 =	sadd.s32 $0xC8, s9;
	s22 =	sadd.s32 $0xD8, s9;
	s9 =	sadd.s32 $0xE8, s9  }
0xb: {  	s10 =	smul.u32 $0xC00, s7;
	s4 =	sshrl.u32 s5, $0x3;
	s7 =	sshrl.u32 s3, $0x1  }
0xc: {  	s9 =	sshrl.u32 s9, $0x3;
	s11 =	smul.u32 $0xC00, s4;
	s16 =	ssub.s32 s3, s7  }
0xd: {  	s7 =	sshrl.u32 s22, $0x3;
	s22 =	simm.s32 $0xC000;
	s8 =	sadd.s32 $0x12000, s10  }
0xe: {  	s16 =	smax.u32 s16, $0x1;
	s17 =	sor.u32 s12, s8;
	s18 =	sadd.s32 s13, s8  }
0xf: {  	s19 =	sor.u32 s12, s11;
	s21 =	sadd.s32 s13, s11;
	s8 =	sadd.s32 $0x13800, s10  }
0x10: {  	s3 =	sshrl.u32 s17, $0x3;
	s4 =	sshrl.u32 s18, $0x3;
	s5 =	sshrl.u32 s19, $0x3  }
0x11: {  	s6 =	sshrl.u32 s21, $0x3;
	s11 =	sor.u32 s12, s8;
	s17 =	smul.u32 $0xC00, s7  }
0x12: {  	s8 =	sadd.s32 s13, s8;
	s18 =	sadd.s32 $0x15000, s10;
	s19 =	smul.u32 $0xC00, s9  }
0x13: {  	s21 =	simm.s32 $0x3;
	s20 =	sadd.s32 s1, s3;
	s4 =	sadd.s32 s14, s4  }
0x14: {  	s5 =	sadd.s32 s1, s5;
	s6 =	sadd.s32 s14, s6;
	s23 =	sshrl.u32 s11, $0x3  }
0x15: {  	s8 =	sshrl.u32 s8, $0x3;
	s26 =	sor.u32 s12, s18;
	s28 =	sadd.s32 s13, s18  }
0x16: {  	s18 =	simm.s32 $0x24000;
	[dreg:$0x4] =	wrdreg s20;
	s7 =	sadd.s32 s1, s23  }
0x17: {  	s8 =	sadd.s32 s14, s8;
	s24 =	sor.u32 s12, s17;
	s25 =	sadd.s32 s13, s17  }
0x18: {  	s17 =	sshrl.u32 s26, $0x3;
	s12 =	sor.u32 s12, s19;
	s13 =	sadd.s32 s13, s19  }
0x19: {  	s20 =	simm.s32 $0x1;
	s23 =	simm.s32 $0x18C00;
	s26 =	simm.s32 $0x4  }
0x1a: {  	s11 =	sshrl.u32 s24, $0x3;
	s10 =	sshrl.u32 s25, $0x3;
	s31 =	sshrl.u32 s12, $0x3  }
0x1b: {  	s19 =	sshrl.u32 s13, $0x3;
	s24 =	simm.s32 $0x19A00;
	s25 =	simm.s32 $0x2  }
0x1c: {  	s9 =	sadd.s32 s1, s11;
	s11 =	sadd.s32 s1, s17;
	s17 =	sshrl.u32 s28, $0x3  }
0x1d: {  	v0 =	vlaneseq.u32;
	s10 =	sadd.s32 s14, s10;
	s13 =	sadd.s32 s1, s31;
	s12 =	sadd.s32 s14, s17  }
0x1e: {  	v1 =	vor.u32 $0x80, v0;
	s14 =	sadd.s32 s14, s19;
	s17 =	simm.s32 $0xC00;
	s19 =	simm.s32 $0x18000  }
.LBB2_1:
0x1f: {  	s0 =	rddreg [dreg:$0x4];
	s1 =	smul.u32 $0xAB, s2  }
0x20: {  	[tilespmem:s2], [sflag:$0x1] =	stream.strided.gather [hbm4b:s0+s17], $0xC000, s18, s17, $0x38;
	[tilespmem:$0x19E00] =	vst v63  }
0x21: {  	s31 =	sshrl.u32 s1, $0xC  }
0x22: {  	[tilespmem:s19], [sflag:$0x3] =	stream.linear.gather [hbm4b:s4+s2], $0xC00, $0x38;
	[tilespmem:$0x19E00] =	vst v63  }
0x23: {  	s31 =	sand.u32 $0xF, s31  }
0x24: {  	_ =	swait.ge [sflag:s20], $0xC000;
	s3 =	smul.u32 $0x18, s31  }
0x25: {  	s1 =	sshrl.u32 s1, $0x5;
	[sflag:s20] =	ssyncset.done $0x0  }
0x26: {  	s31 =	sshrl.u32 s31, $0x3;
	[sflag:s20] =	ssyncadd.s32 $0xFFFF4000;
	s0 =	ssub.s32 $0x0, s3  }
0x27: {  	s31 =	smul.u32 $0xC00, s31;
	_ =	swait.ge [sflag:s21], $0xC00;
	s28 =	sshll.u32 s0, $0x7  }
0x28: {  	s1 =	sand.u32 $0x380, s1;
	[sflag:s21] =	ssyncset.done $0x0;
	s28 =	sand.u32 $0xC00, s28  }
0x29: {  	s0 =	sshll.u32 s0, $0x4;
	[sflag:s21] =	ssyncadd.s32 $0xFFFFF400;
	s28 =	sadd.s32 s28, s31  }
0x2a: {  	[tilespmem:s22], [sflag:$0x2] =	stream.strided.gather [hbm4b:s5+s17], $0xC000, s18, s17, $0x38;
	[tilespmem:$0x19E00] =	vst v63  }
0x2b: {  	s0 =	sand.u32 $0x70, s0;
	s1 =	sor.u32 s1, s28  }
0x2c: {  	s1 =	sor.u32 s0, s1  }
0x2d: {  	[tilespmem:s23], [sflag:$0x4] =	stream.linear.gather [hbm4b:s6+s2], $0xC00, $0x38;
	[tilespmem:$0x19E00] =	vst v63  }
0x2e: {  	v2 =	vld [tilespmem:s1+$0x6C00]  }
0x2f: {  	v3 =	vld [tilespmem:s1+$0x6000]  }
0x30: {  	v4 =	vld [tilespmem:s1+$0x9000]  }
0x31: {  	v5 =	vld [tilespmem:s1+$0x0]  }
0x32: {  	v7 =	vld [tilespmem:s1+$0x2400]  }
0x33: {  	v6 =	vld [tilespmem:s1+$0xC00];
	v2 =	vmul.f32 $1.442695020e+00, v2  }
0x34: {  	v8 =	vld [tilespmem:s1+$0x3000]  }
0x35: {  	v9 =	vld [tilespmem:s1+$0x9C00];
	v3 =	vmul.f32 $1.442695020e+00, v3;
	(erf) = vpow2.f32 v2  }
0x36: {  	v2 =	vmul.f32 $1.442695020e+00, v4;
	v4 =	vmul.f32 $1.442695020e+00, v5;
	v5 =	vld [tilespmem:s1+$0x1800]  }
0x37: {  	v7 =	vmul.f32 $1.442695020e+00, v7;
	(erf) = vpow2.f32 v3;
	v3 =	vld [tilespmem:s1+$0xA800]  }
0x38: {  	(erf) = vpow2.f32 v2;
	v2 =	vmul.f32 $1.442695020e+00, v6;
	v6 =	vld [tilespmem:s1+$0x4800]  }
0x39: {  	v8 =	vmul.f32 $1.442695020e+00, v8;
	(erf) = vpow2.f32 v4;
	v4 =	vld [tilespmem:s1+$0x5400]  }
0x3a: {  	v9 =	vmul.f32 $1.442695020e+00, v9;
	(erf) = vpow2.f32 v2;
	v2 =	vld [tilespmem:s1+$0xB400]  }
0x3b: {  	(erf) = vpow2.f32 v7;
	v7 =	vld [tilespmem:s1+$0x8400];
	v5 =	vmul.f32 $1.442695020e+00, v5  }
0x3c: {  	(erf) = vpow2.f32 v8;
	v3 =	vmul.f32 $1.442695020e+00, v3;
	v8 =	vld [tilespmem:s1+$0x7800]  }
0x3d: {  	(erf) = vpow2.f32 v9;
	v9 =	vld [tilespmem:s1+$0x3C00];
	v6 =	vmul.f32 $1.442695020e+00, v6  }
0x3e: {  	(erf) = vpow2.f32 v5;
	v4 =	vmul.f32 $1.442695020e+00, v4  }
0x3f: {  	v5 =	vpop (erf);
	(erf) = vpow2.f32 v3;
	v2 =	vmul.f32 $1.442695020e+00, v2  }
0x40: {  	v3 =	vpop (erf);
	(erf) = vpow2.f32 v6;
	v6 =	vmul.f32 $1.442695020e+00, v7  }
0x41: {  	v7 =	vpop (erf);
	(erf) = vpow2.f32 v4;
	v4 =	vmul.f32 $1.442695020e+00, v8  }
0x42: {  	v8 =	vpop (erf);
	(erf) = vpow2.f32 v2;
	v2 =	vmul.f32 $1.442695020e+00, v9  }
0x43: {  	v9 =	vpop (erf);
	(erf) = vpow2.f32 v6  }
0x44: {  	v6 =	vpop (erf);
	(erf) = vpow2.f32 v4  }
0x45: {  	s28 =	simm.s32 $0x1;
	v4 =	vpop (erf);
	(erf) = vpow2.f32 v2  }
0x46: {  	s0 =	smul.u32 $0xAB, s28;
	v2 =	vpop (erf)  }
0x47: {  	v10 =	vpop (erf)  }
0x48: {  	s3 =	sshrl.u32 s0, $0xC;
	v3 =	vadd.f32 v5, v3;
	v11 =	vpop (erf)  }
0x49: {  	s3 =	sand.u32 $0xF, s3;
	v8 =	vadd.f32 v9, v8;
	v5 =	vpop (erf)  }
0x4a: {  	v12 =	vld [tilespmem:s1+$0x18000];
	s28 =	smul.u32 $0x18, s3;
	[tilespmem:$0x19C00] =	vst v3;
	v2 =	vadd.f32 v2, v7;
	v9 =	vpop (erf)  }
0x4b: {  	[tilespmem:$0x19A00] =	vst v8;
	v6 =	vadd.f32 v6, v10;
	v7 =	vpop (erf)  }
0x4c: {  	s28 =	ssub.s32 $0x1, s28;
	s1 =	sshrl.u32 s3, $0x3;
	[tilespmem:$0x19D00] =	vst v2;
	v5 =	vadd.f32 v9, v5;
	v10 =	vpop (erf)  }
0x4d: {  	s31 =	sshll.u32 s28, $0x7;
	s1 =	smul.u32 $0xC00, s1;
	[tilespmem:$0x19A80] =	vst v6;
	v7 =	vadd.f32 v7, v11;
	v9 =	vpop (erf)  }
0x4e: {  	s0 =	sshrl.u32 s0, $0x5;
	s31 =	sand.u32 $0xC00, s31;
	[tilespmem:$0x19B80] =	vst v5;
	v11 =	vpop (erf);
	v9 =	vadd.f32 v10, v9  }
0x4f: {  	s0 =	sand.u32 $0x380, s0;
	s28 =	sshll.u32 s28, $0x4;
	s1 =	sadd.s32 s31, s1;
	[tilespmem:$0x19D80] =	vst v7;
	v4 =	vadd.f32 v11, v4  }
0x50: {  	s28 =	sand.u32 $0x70, s28;
	s0 =	sor.u32 s0, s1;
	[tilespmem:$0x19C80] =	vst v9  }
0x51: {  	s1 =	sor.u32 s28, s0;
	[tilespmem:$0x19B00] =	vst v4  }
0x52: {  	v10 =	vld [tilespmem:s1+$0xB400]  }
0x53: {  	v11 =	vld [tilespmem:s1+$0xA800]  }
0x54: {  	v6 =	vadd.f32 v6, v8;
	v2 =	vadd.f32 v7, v2;
	v13 =	vld [tilespmem:s1+$0x6C00]  }
0x55: {  	v3 =	vadd.f32 v9, v3;
	v4 =	vadd.f32 v5, v4;
	v14 =	vld [tilespmem:s1+$0x4800]  }
0x56: {  	v7 =	vld [tilespmem:s1+$0x6000]  }
0x57: {  	v8 =	vshll.u32 v12, $0x6;
	v5 =	vld [tilespmem:s1+$0x9000];
	v2 =	vadd.f32 v2, v3;
	v3 =	vadd.f32 v4, v6  }
0x58: {  	v9 =	vand.u32 $0xFFFFFF80, v8;
	v8 =	vand.u32 $0xFFFFFF00, v8;
	v4 =	vld [tilespmem:s1+$0x0]  }
0x59: {  	v6 =	vxor.u32 $0x100, v8;
	v2 =	vadd.f32 v2, v3;
	v3 =	vld [tilespmem:s1+$0x2400];
	v8 =	vmul.f32 $1.442695020e+00, v13  }
0x5a: {  	v15 =	vld [tilespmem:s1+$0xC00];
	v16 =	vor.u32 v0, v6;
	v6 =	vor.u32 v1, v6  }
0x5b: {  	v13 =	vxor.u32 v1, v9;
	(erf) = vpow2.f32 v8;
	v8 =	vld [tilespmem:s1+$0x3000]  }
0x5c: {  	v12 =	vld [tilespmem:s1+$0x9C00];
	v7 =	vmul.f32 $1.442695020e+00, v7;
	v9 =	vor.u32 v0, v9;
	v5 =	vmul.f32 $1.442695020e+00, v5  }
0x5d: {  	(erf) = vrcp.f32 v2;
	v2 =	vmul.f32 $1.442695020e+00, v4;
	v4 =	vld [tilespmem:s1+$0x1800]  }
0x5e: {  	v17 =	vld [tilespmem:s1+$0x5400];
	v3 =	vmul.f32 $1.442695020e+00, v3;
	(erf) = vpow2.f32 v7  }
0x5f: {  	v6 =	vld.idx.msk [tilespmem:v6+s24+$0x0], $0xffff;
	(erf) = vpow2.f32 v5;
	v5 =	vmul.f32 $1.442695020e+00, v15  }
0x60: {  	v7 =	vld.idx.msk [tilespmem:v13+s24+$0x0], $0xffff;
	(erf) = vpow2.f32 v2;
	v2 =	vmul.f32 $1.442695020e+00, v8  }
0x61: {  	(erf) = vpow2.f32 v5;
	v5 =	vld.idx.msk [tilespmem:v9+s24+$0x0], $0xffff;
	v8 =	vmul.f32 $1.442695020e+00, v12  }
0x62: {  	v13 =	vld.idx.msk [tilespmem:v16+s24+$0x0], $0xffff;
	(erf) = vpow2.f32 v3;
	v4 =	vmul.f32 $1.442695020e+00, v4  }
0x63: {  	v3 =	vld [tilespmem:s1+$0x8400];
	(erf) = vpow2.f32 v2;
	v2 =	vmul.f32 $1.442695020e+00, v11  }
0x64: {  	v9 =	vld [tilespmem:s1+$0x7800];
	v11 =	vmul.f32 $1.442695020e+00, v14;
	(erf) = vpow2.f32 v8  }
0x65: {  	v8 =	vld [tilespmem:s1+$0x3C00];
	v12 =	vpop (erf);
	(erf) = vpow2.f32 v4  }
0x66: {  	v4 =	vmul.f32 $1.442695020e+00, v17;
	v14 =	vpop (erf);
	(erf) = vpow2.f32 v2;
	v2 =	vadd.f32 v7, v5  }
0x67: {  	v7 =	vmul.f32 $1.442695020e+00, v10;
	v10 =	vpop (erf);
	(erf) = vpow2.f32 v11  }
0x68: {  	v3 =	vmul.f32 $1.442695020e+00, v3;
	v11 =	vpop (erf);
	(erf) = vpow2.f32 v4;
	v4 =	vadd.f32 v13, v2  }
0x69: {  	v9 =	vmul.f32 $1.442695020e+00, v9;
	v13 =	vpop (erf);
	(erf) = vpow2.f32 v7  }
0x6a: {  	v7 =	vmul.f32 $1.442695020e+00, v8;
	v8 =	vpop (erf);
	(erf) = vpow2.f32 v3;
	v3 =	vadd.f32 v6, v4;
	_ =	sdelay $0x1  }
0x6b: {  	v2 =	vmul.f32 v2, v14;
	v4 =	vpop (erf);
	(erf) = vpow2.f32 v9  }
0x6c: {  	s28 =	simm.s32 $0x2;
	v6 =	vpop (erf);
	(erf) = vpow2.f32 v7;
	v7 =	vmul.f32 v3, v14  }
0x6d: {  	s0 =	smul.u32 $0xAB, s28;
	v5 =	vmul.f32 v5, v14;
	v3 =	vpop (erf)  }
0x6e: {  	v10 =	vadd.f32 v12, v10;
	v9 =	vand.u32 $0x7FFFFF, v2;
	v15 =	vpop (erf);
	v16 =	vand.u32 $0x7FFFFF, v7  }
0x6f: {  	s3 =	sshrl.u32 s0, $0xC;
	v8 =	vadd.f32 v8, v13;
	v9 =	vor.u32 $0x3F800000, v9;
	v14 =	vpop (erf);
	v16 =	vor.u32 $0x3F800000, v16  }
0x70: {  	s3 =	sand.u32 $0xF, s3;
	v17 =	vadd.f32 $1.000000000e+00, v9;
	v12 =	vpop (erf);
	v18 =	vadd.f32 $1.000000000e+00, v16  }
0x71: {  	s28 =	smul.u32 $0x18, s3;
	v19 =	vld [tilespmem:s1+$0x18000];
	[tilespmem:$0x19C00] =	vst v10;
	v11 =	vadd.f32 v3, v11;
	v20 =	vpop (erf)  }
0x72: {  	v13 =	vand.u32 $0x7FFFFF, v5;
	[tilespmem:$0x19A00] =	vst v8;
	v4 =	vadd.f32 v4, v15;
	(erf) = vrcp.f32 v17;
	v3 =	vpop (erf)  }
0x73: {  	s28 =	ssub.s32 $0x2, s28;
	s1 =	sshrl.u32 s3, $0x3;
	v13 =	vor.u32 $0x3F800000, v13;
	[tilespmem:$0x19D00] =	vst v11;
	(erf) = vrcp.f32 v18;
	v12 =	vadd.f32 v20, v12;
	v15 =	vpop (erf)  }
0x74: {  	s31 =	sshll.u32 s28, $0x7;
	s1 =	smul.u32 $0xC00, s1;
	v17 =	vadd.f32 $1.000000000e+00, v13;
	[tilespmem:$0x19A80] =	vst v4;
	v14 =	vadd.f32 v3, v14;
	v18 =	vpop (erf)  }
0x75: {  	s0 =	sshrl.u32 s0, $0x5;
	s31 =	sand.u32 $0xC00, s31;
	[tilespmem:$0x19B80] =	vst v12;
	v3 =	vpop (erf);
	v15 =	vadd.f32 v15, v18  }
0x76: {  	s0 =	sand.u32 $0x380, s0;
	s28 =	sshll.u32 s28, $0x4;
	s1 =	sadd.s32 s31, s1;
	(erf) = vrcp.f32 v17;
	[tilespmem:$0x19D80] =	vst v14;
	v6 =	vadd.f32 v3, v6  }
0x77: {  	s28 =	sand.u32 $0x70, s28;
	s0 =	sor.u32 s0, s1;
	[tilespmem:$0x19C80] =	vst v15  }
0x78: {  	s1 =	sor.u32 s28, s0;
	v17 =	vadd.f32 v4, v8;
	v4 =	vshra.s32 v7, $0x17;
	[tilespmem:$0x19B00] =	vst v6  }
0x79: {  	v8 =	vadd.f32 v14, v11;
	v14 =	vld [tilespmem:s1+$0x6C00]  }
0x7a: {  	v5 =	vshra.s32 v5, $0x17;
	v10 =	vadd.f32 v15, v10;
	v15 =	vld [tilespmem:s1+$0xB400]  }
0x7b: {  	v2 =	vshra.s32 v2, $0x17;
	v7 =	vadd.f32 $-1.000000000e+00, v16;
	v11 =	vadd.s32 $0xFFFFFF81, v4;
	v4 =	vpop (erf);
	v18 =	vld [tilespmem:s1+$0x6000]  }
0x7c: {  	v5 =	vadd.s32 $0xFFFFFF81, v5;
	v9 =	vadd.f32 $-1.000000000e+00, v9;
	v6 =	vadd.f32 v12, v6;
	v12 =	vld [tilespmem:s1+$0xA800];
	v16 =	vpop (erf)  }
0x7d: {  	v2 =	vadd.s32 $0xFFFFFF81, v2;
	v5 =	vcvt.s32.f32 v5;
	v24 =	vld [tilespmem:s1+$0x3000];
	v21 =	vmul.f32 v16, v7  }
0x7e: {  	v25 =	vld [tilespmem:s1+$0x1800];
	v7 =	vmul.f32 v4, v9;
	v4 =	vcvt.s32.f32 v2;
	v2 =	vadd.f32 $-1.000000000e+00, v13  }
0x7f: {  	v22 =	vcvt.s32.f32 v11;
	v20 =	vadd.f32 v8, v10;
	v6 =	vadd.f32 v6, v17;
	v13 =	vpop (erf)  }
0x80: {  	v17 =	vshll.u32 v19, $0x6;
	v19 =	vld [tilespmem:s1+$0x5400];
	v16 =	vmul.f32 v21, v21;
	v8 =	vmul.f32 v13, v2  }
0x81: {  	v9 =	vld [tilespmem:s1+$0x9000];
	v13 =	vmul.f32 $1.442695020e+00, v14;
	v18 =	vmul.f32 $1.442695020e+00, v18  }
0x82: {  	v3 =	vimm.f32 $0.0e+00;
	v23 =	vmul.f32 $1.442695020e+00, v12;
	v15 =	vmul.f32 $1.442695020e+00, v15  }
0x83: {  	v6 =	vadd.f32 v20, v6;
	v2 =	vld [tilespmem:s1+$0x0];
	v24 =	vmul.f32 $1.442695020e+00, v24;
	v25 =	vmul.f32 $1.442695020e+00, v25  }
0x84: {  	v12 =	vand.u32 $0xFFFFFF80, v17;
	v11 =	vmul.f32 $4.121985730e-01, v16;
	(erf) = vpow2.f32 v13;
	v13 =	vld [tilespmem:s1+$0xC00]  }
0x85: {  	v20 =	vld [tilespmem:s1+$0x2400];
	v19 =	vmul.f32 $1.442695020e+00, v19;
	v28 =	vxor.u32 v1, v12;
	v10 =	vmul.f32 v8, v8  }
0x86: {  	v14 =	vld [tilespmem:s1+$0x9C00];
	v9 =	vmul.f32 $1.442695020e+00, v9;
	(erf) = vrcp.f32 v6;
	v11 =	vadd.f32 $5.770780440e-01, v11  }
0x87: {  	v27 =	vld [tilespmem:s1+$0x18000];
	v12 =	vor.u32 v0, v12;
	v26 =	vmul.f32 $4.121985730e-01, v10;
	(erf) = vpow2.f32 v18  }
0x88: {  	v6 =	vand.u32 $0xFFFFFF00, v17;
	v17 =	vld [tilespmem:s1+$0x4800];
	v2 =	vmul.f32 $1.442695020e+00, v2;
	v11 =	vmul.f32 v11, v16  }
0x89: {  	v6 =	vxor.u32 $0x100, v6;
	(erf) = vpow2.f32 v9;
	v9 =	vmul.f32 $1.442695020e+00, v13  }
0x8a: {  	v18 =	vmul.f32 $1.442695020e+00, v20;
	v13 =	vld [tilespmem:s1+$0x3C00];
	(erf) = vpow2.f32 v2;
	v2 =	vadd.f32 $9.617967000e-01, v11  }
0x8b: {  	v14 =	vmul.f32 $1.442695020e+00, v14;
	v20 =	vor.u32 v0, v6;
	(erf) = vpow2.f32 v9  }
0x8c: {  	v11 =	vadd.f32 $5.770780440e-01, v26;
	v26 =	vld [tilespmem:s1+$0x8400];
	(erf) = vpow2.f32 v18;
	v2 =	vmul.f32 v2, v16  }
0x8d: {  	v27 =	vshll.u32 v27, $0x6;
	v28 =	vld.idx.msk [tilespmem:v28+s24+$0x0], $0xffff;
	v29 =	vmul.f32 $1.442695020e+00, v17;
	(erf) = vpow2.f32 v24  }
0x8e: {  	v16 =	vmul.f32 v11, v10;
	v24 =	vld [tilespmem:s1+$0x7800];
	(erf) = vpow2.f32 v14;
	v2 =	vadd.f32 $2.885390040e+00, v2  }
0x8f: {  	v6 =	vor.u32 v1, v6;
	v30 =	vpop (erf);
	v14 =	vld.idx.msk [tilespmem:v12+s24+$0x0], $0xffff;
	v17 =	vmul.f32 $1.442695020e+00, v13;
	v12 =	vmul.f32 v7, v7  }
0x90: {  	v9 =	vand.u32 $0xFFFFFF80, v27;
	v18 =	vpop (erf);
	(erf) = vpow2.f32 v25;
	v2 =	vmul.f32 v2, v21  }
0x91: {  	v11 =	vand.u32 $0xFFFFFF00, v27;
	v25 =	vld.idx.msk [tilespmem:v20+s24+$0x0], $0xffff;
	v13 =	vpop (erf);
	(erf) = vpow2.f32 v23;
	v23 =	vmul.f32 $1.442695020e+00, v26  }
0x92: {  	v16 =	vadd.f32 $9.617967000e-01, v16;
	v20 =	vpop (erf);
	v21 =	vmul.f32 $4.121985730e-01, v12;
	(erf) = vpow2.f32 v29  }
0x93: {  	v13 =	vadd.f32 v30, v13;
	(erf) = vpow2.f32 v19;
	v26 =	vmul.f32 $1.442695020e+00, v24;
	v27 =	vpop (erf)  }
0x94: {  	v19 =	vld.idx.msk [tilespmem:v6+s24+$0x0], $0xffff;
	(erf) = vpow2.f32 v15;
	v24 =	vadd.f32 v28, v14;
	v15 =	vadd.f32 v22, v2;
	v2 =	vpop (erf)  }
0x95: {  	v6 =	vimm.f32 $0.0e+00;
	(erf) = vpow2.f32 v23;
	v22 =	vadd.f32 v2, v27  }
0x96: {  	s31 =	simm.s32 $0x3;
	[tilespmem:$0x19C00] =	vst v13;
	(erf) = vpow2.f32 v26;
	v23 =	vpop (erf);
	v25 =	vadd.f32 v25, v24;
	v2 =	vimm.f32 $0.0e+00  }
.LBB2_2:
0x97: {  	s0 =	smul.u32 $0xAB, s31  }
0x98: {  	p0 =	sne.s32 s31, $0xBF;
	v26 =	vpop (erf);
	(erf) = vpow2.f32 v17;
	v14 =	vmul.f32 v14, v18;
	v15 =	vmax.f32 v15, $-2.325349620e+01;
	s1 =	smov.u32 s31;
	s31 =	sadd.s32 $0x1, s31  }
0x99: {  	v24 =	vmul.f32 v24, v18;
	[tilespmem:$0x19A00] =	vst v22;
	v17 =	vpop (erf);
	v19 =	vadd.f32 v19, v25;
	v3 =	vadd.f32 v15, v3  }
0x9a: {  	v10 =	vmul.f32 v16, v10;
	s28 =	sshrl.u32 s0, $0xC;
	s0 =	sshrl.u32 s0, $0x5;
	v15 =	vadd.f32 v17, v20;
	v17 =	vpop (erf);
	v20 =	vand.u32 $0x7FFFFF, v14  }
0x9b: {  	s28 =	sand.u32 $0xF, s28;
	v16 =	vadd.f32 v23, v17;
	v17 =	vpop (erf);
	v18 =	vmul.f32 v19, v18;
	v19 =	vand.u32 $0x7FFFFF, v24  }
0x9c: {  	v21 =	vadd.f32 $5.770780440e-01, v21;
	v20 =	vor.u32 $0x3F800000, v20;
	s3 =	smul.u32 $0x18, s28;
	s28 =	sshrl.u32 s28, $0x3;
	[tilespmem:$0x19D00] =	vst v15;
	v23 =	vpop (erf);
	v19 =	vor.u32 $0x3F800000, v19  }
0x9d: {  	[tilespmem:$0x19A80] =	vst v16;
	v16 =	vadd.f32 v16, v22;
	v22 =	vpop (erf);
	v25 =	vand.u32 $0x7FFFFF, v18;
	v29 =	vadd.f32 $1.000000000e+00, v19  }
0x9e: {  	v21 =	vmul.f32 v21, v12;
	s1 =	ssub.s32 s1, s3;
	v22 =	vadd.f32 v22, v23;
	v23 =	vpop (erf);
	v25 =	vor.u32 $0x3F800000, v25  }
0x9f: {  	s28 =	smul.u32 $0xC00, s28;
	s3 =	sshll.u32 s1, $0x4;
	s1 =	sshll.u32 s1, $0x7;
	v30 =	vadd.f32 v23, v17;
	v23 =	vpop (erf);
	v28 =	vadd.f32 $1.000000000e+00, v25;
	(erf) = vrcp.f32 v29  }
0xa0: {  	v21 =	vadd.f32 $9.617967000e-01, v21;
	v18 =	vshra.s32 v18, $0x17;
	v29 =	vadd.f32 $1.000000000e+00, v20;
	s1 =	sand.u32 $0xC00, s1;
	[tilespmem:$0x19B80] =	vst v22;
	v27 =	vpop (erf)  }
0xa1: {  	v10 =	vadd.f32 $2.885390040e+00, v10;
	s0 =	sand.u32 $0x380, s0;
	s1 =	sadd.s32 s1, s28;
	[tilespmem:$0x19D80] =	vst v30;
	v15 =	vadd.f32 v30, v15;
	v17 =	vpop (erf);
	(erf) = vrcp.f32 v28  }
0xa2: {  	v12 =	vmul.f32 v21, v12;
	s3 =	sand.u32 $0x70, s3;
	v23 =	vadd.f32 v23, v27;
	s0 =	sor.u32 s0, s1;
	v17 =	vadd.f32 v17, v26  }
0xa3: {  	v8 =	vmul.f32 v10, v8;
	v18 =	vadd.s32 $0xFFFFFF81, v18;
	s1 =	sor.u32 s3, s0;
	(erf) = vrcp.f32 v29  }
0xa4: {  	v12 =	vadd.f32 $2.885390040e+00, v12;
	v10 =	vadd.f32 v23, v13;
	v13 =	vshra.s32 v14, $0x17;
	[tilespmem:$0x19B00] =	vst v17  }
0xa5: {  	v5 =	vadd.f32 v5, v8;
	v14 =	vadd.f32 v22, v17;
	v13 =	vadd.s32 $0xFFFFFF81, v13;
	[tilespmem:$0x19C80] =	vst v23  }
0xa6: {  	v7 =	vmul.f32 v12, v7;
	v10 =	vadd.f32 v15, v10;
	v15 =	vshra.s32 v24, $0x17;
	v8 =	vld [tilespmem:s1+$0x18000]  }
0xa7: {  	v5 =	vmax.f32 v5, $-2.325349620e+01;
	v14 =	vadd.f32 v14, v16;
	v16 =	vadd.f32 $-1.000000000e+00, v19;
	v12 =	vld [tilespmem:s1+$0xB400]  }
0xa8: {  	v6 =	vadd.f32 v5, v6;
	v21 =	vadd.f32 v4, v7;
	v23 =	vadd.s32 $0xFFFFFF81, v15;
	v17 =	vld [tilespmem:s1+$0xA800];
	v19 =	vpop (erf)  }
0xa9: {  	v5 =	vadd.f32 $-1.000000000e+00, v25;
	v14 =	vadd.f32 v10, v14;
	v22 =	vld [tilespmem:s1+$0x6C00];
	v7 =	vmul.f32 v19, v16  }
0xaa: {  	v4 =	vcvt.s32.f32 v23;
	v10 =	vadd.f32 $-1.000000000e+00, v20;
	v19 =	vmax.f32 v21, $-2.325349620e+01;
	v16 =	vld [tilespmem:s1+$0x4800];
	v15 =	vpop (erf)  }
0xab: {  	v2 =	vadd.f32 v19, v2;
	v20 =	vld [tilespmem:s1+$0x6000];
	v24 =	vshll.u32 v8, $0x6;
	v15 =	vmul.f32 v15, v5  }
0xac: {  	v5 =	vcvt.s32.f32 v13;
	v19 =	vld [tilespmem:s1+$0x9000];
	v21 =	vand.u32 $0xFFFFFF80, v24;
	v23 =	vand.u32 $0xFFFFFF00, v24;
	v8 =	vpop (erf)  }
0xad: {  	v24 =	vxor.u32 $0x100, v11;
	v13 =	vld [tilespmem:s1+$0x9C00];
	v25 =	vmul.f32 v15, v15;
	v8 =	vmul.f32 v8, v10;
	v11 =	vmovc v23  }
0xae: {  	v27 =	vcvt.s32.f32 v18;
	v26 =	vxor.u32 v1, v9;
	v23 =	vld [tilespmem:s1+$0x0];
	v22 =	vmul.f32 $1.442695020e+00, v22  }
0xaf: {  	v28 =	vor.u32 v1, v24;
	v18 =	vld [tilespmem:s1+$0x2400];
	v29 =	vmul.f32 $4.121985730e-01, v25;
	v10 =	vmul.f32 v8, v8  }
0xb0: {  	v30 =	vld [tilespmem:s1+$0x5400];
	v20 =	vmul.f32 $1.442695020e+00, v20;
	(erf) = vpow2.f32 v22;
	v22 =	vor.u32 v0, v24  }
0xb1: {  	v31 =	vmul.f32 $1.442695020e+00, v17;
	v24 =	vld [tilespmem:s1+$0xC00];
	v19 =	vmul.f32 $1.442695020e+00, v19;
	v17 =	vadd.f32 $5.770780440e-01, v29  }
0xb2: {  	v32 =	vmul.f32 $1.442695020e+00, v12;
	v29 =	vld [tilespmem:s1+$0x3000];
	(erf) = vrcp.f32 v14  }
0xb3: {  	v12 =	vmul.f32 $1.442695020e+00, v23;
	v23 =	vld.idx.msk [tilespmem:v26+s24+$0x0], $0xffff;
	v14 =	vmul.f32 v17, v25  }
0xb4: {  	v33 =	vmul.f32 $4.121985730e-01, v10;
	v13 =	vmul.f32 $1.442695020e+00, v13;
	v26 =	vor.u32 v0, v9;
	v9 =	vmovc v21;
	v17 =	vld [tilespmem:s1+$0x1800]  }
0xb5: {  	v21 =	vmul.f32 $1.442695020e+00, v30;
	(erf) = vpow2.f32 v20;
	v30 =	vld.idx.msk [tilespmem:v22+s24+$0x0], $0xffff;
	v14 =	vadd.f32 $9.617967000e-01, v14  }
0xb6: {  	v18 =	vmul.f32 $1.442695020e+00, v18;
	v20 =	vadd.f32 $5.770780440e-01, v33;
	(erf) = vpow2.f32 v19;
	v19 =	vld.idx.msk [tilespmem:v28+s24+$0x0], $0xffff  }
0xb7: {  	v33 =	vmul.f32 $1.442695020e+00, v24;
	v22 =	vld [tilespmem:s1+$0x3C00];
	v28 =	vmul.f32 $1.442695020e+00, v29  }
0xb8: {  	v29 =	vmul.f32 $1.442695020e+00, v16;
	(erf) = vpow2.f32 v12  }
0xb9: {  	v16 =	vld [tilespmem:s1+$0x8400];
	v12 =	vmul.f32 $1.442695020e+00, v17;
	(erf) = vpow2.f32 v33;
	v24 =	vpop (erf)  }
0xba: {  	v25 =	vmul.f32 v14, v25;
	v33 =	vld [tilespmem:s1+$0x7800];
	(erf) = vpow2.f32 v18  }
0xbb: {  	v20 =	vmul.f32 v20, v10;
	(erf) = vpow2.f32 v28;
	v14 =	vld.idx.msk [tilespmem:v26+s24+$0x0], $0xffff;
	v18 =	vpop (erf)  }
0xbc: {  	v17 =	vmul.f32 $1.442695020e+00, v22;
	(erf) = vpow2.f32 v13  }
0xbd: {  	v22 =	vadd.f32 $2.885390040e+00, v25;
	(erf) = vpow2.f32 v12;
	v12 =	vmul.f32 v7, v7  }
0xbe: {  	v25 =	vmul.f32 $1.442695020e+00, v16;
	v13 =	vpop (erf);
	(erf) = vpow2.f32 v31;
	v16 =	vadd.f32 $9.617967000e-01, v20  }
.Ltmp0:
0xbf: {  	v15 =	vmul.f32 v22, v15;
	v13 =	vadd.f32 v24, v13;
	(erf) = vpow2.f32 v29;
	v20 =	vpop (erf);
	(pc) =	sbr.rel @p0 .LBB2_2-.Ltmp0, $4  }
0xc0: {  	v26 =	vmul.f32 $1.442695020e+00, v33;
	(erf) = vpow2.f32 v21  }
0xc1: {  	v24 =	vadd.f32 v23, v14;
	v15 =	vadd.f32 v27, v15;
	[tilespmem:$0x19C00] =	vst v13;
	v22 =	vpop (erf);
	(erf) = vpow2.f32 v32  }
0xc2: {  	v21 =	vmul.f32 $4.121985730e-01, v12;
	v23 =	vpop (erf);
	(erf) = vpow2.f32 v25  }
0xc3: {  	v25 =	vadd.f32 v30, v24;
	v22 =	vadd.f32 v23, v22;
	v23 =	vpop (erf);
	(erf) = vpow2.f32 v26  }
0xc4: {  	v26 =	vpop (erf);
	(erf) = vpow2.f32 v17  }
0xc5: {  	v27 =	vpop (erf)  }
0xc6: {  	v28 =	vpop (erf)  }
0xc7: {  	v29 =	vpop (erf)  }
0xc8: {  	v30 =	vpop (erf)  }
0xc9: {  	v17 =	vmul.f32 v14, v18;
	v14 =	vmul.f32 v24, v18;
	v24 =	vpop (erf)  }
0xca: {  	v19 =	vadd.f32 v19, v25;
	v25 =	vpop (erf)  }
0xcb: {  	v50 =	vxor.u32 v1, v9;
	v9 =	vor.u32 v0, v9;
	v11 =	vxor.u32 $0x100, v11;
	v33 =	vpop (erf)  }
0xcc: {  	v27 =	vadd.f32 v27, v20;
	v23 =	vadd.f32 v23, v28;
	v20 =	vmul.f32 v19, v18;
	v18 =	vpop (erf)  }
0xcd: {  	v32 =	vand.u32 $0x7FFFFF, v14;
	v19 =	vadd.f32 v24, v30;
	v24 =	vadd.f32 v25, v29;
	v25 =	vpop (erf)  }
0xce: {  	[tilespmem:$0x19A00] =	vst v22;
	v48 =	vor.u32 $0x3F800000, v32;
	v18 =	vadd.f32 v33, v18;
	v25 =	vadd.f32 v25, v26  }
0xcf: {  	[tilespmem:$0x19D00] =	vst v27;
	v49 =	vand.u32 $0x7FFFFF, v20;
	v22 =	vadd.f32 v23, v22;
	v27 =	vadd.f32 v24, v27  }
0xd0: {  	[tilespmem:$0x19A80] =	vst v23;
	v26 =	vor.u32 $0x3F800000, v49;
	v13 =	vadd.f32 v18, v13;
	v23 =	vadd.f32 v19, v25  }
0xd1: {  	v31 =	vand.u32 $0x7FFFFF, v17;
	v51 =	vadd.f32 $1.000000000e+00, v48;
	[tilespmem:$0x19B80] =	vst v19;
	v52 =	vadd.f32 $1.000000000e+00, v26  }
0xd2: {  	v31 =	vor.u32 $0x3F800000, v31;
	[tilespmem:$0x19D80] =	vst v24;
	v13 =	vadd.f32 v27, v13;
	v19 =	vadd.f32 v23, v22  }
0xd3: {  	(erf) = vrcp.f32 v51;
	[tilespmem:$0x19C80] =	vst v18;
	v22 =	vadd.f32 $1.000000000e+00, v31;
	v23 =	vor.u32 v0, v11  }
0xd4: {  	[tilespmem:$0x19B00] =	vst v25;
	(erf) = vrcp.f32 v52;
	v13 =	vadd.f32 v13, v19  }
0xd5: {  	v18 =	vld.idx.msk [tilespmem:v50+s24+$0x0], $0xffff;
	v11 =	vor.u32 v1, v11;
	(erf) = vrcp.f32 v22  }
0xd6: {  	v9 =	vld.idx.msk [tilespmem:v9+s24+$0x0], $0xffff;
	(erf) = vrcp.f32 v13;
	_ =	sdelay $0x1  }
0xd7: {  	v13 =	vld.idx.msk [tilespmem:v23+s24+$0x0], $0xffff;
	_ =	sdelay $0x1  }
0xd8: {  	v11 =	vld.idx.msk [tilespmem:v11+s24+$0x0], $0xffff  }
0xd9: {  	v18 =	vadd.f32 v18, v9  }
0xda: {  	v24 =	vpop (erf)  }
0xdb: {  	v25 =	vpop (erf);
	v13 =	vadd.f32 v13, v18  }
0xdc: {  	v27 =	vpop (erf)  }
0xdd: {  	v13 =	vadd.f32 v11, v13;
	v19 =	vpop (erf)  }
0xde: {  	v11 =	vmul.f32 v18, v19  }
0xdf: {  	v13 =	vmul.f32 v13, v19  }
0xe0: {  	v9 =	vmul.f32 v9, v19;
	v18 =	vand.u32 $0x7FFFFF, v11  }
0xe1: {  	v19 =	vand.u32 $0x7FFFFF, v13;
	v18 =	vor.u32 $0x3F800000, v18  }
0xe2: {  	v22 =	vand.u32 $0x7FFFFF, v9;
	v53 =	vor.u32 $0x3F800000, v19;
	v23 =	vadd.f32 $1.000000000e+00, v18  }
0xe3: {  	v22 =	vor.u32 $0x3F800000, v22;
	v19 =	vadd.f32 $1.000000000e+00, v53  }
0xe4: {  	(erf) = vrcp.f32 v23;
	v23 =	vadd.f32 $1.000000000e+00, v22  }
0xe5: {  	(erf) = vrcp.f32 v19  }
0xe6: {  	(erf) = vrcp.f32 v23;
	_ =	sdelay $0x6  }
0xe7: {  	v19 =	vpop (erf)  }
0xe8: {  	v54 =	vpop (erf)  }
0xe9: {  	v23 =	vpop (erf)  }
0xea: {  	_ =	swait.ge [sflag:s25], $0xC000  }
0xeb: {  	s0 =	simm.s32 $0x0;
	[sflag:s25] =	ssyncset.done $0x0  }
0xec: {  	s1 =	smul.u32 $0xAB, s0;
	[sflag:s25] =	ssyncadd.s32 $0xFFFF4000  }
0xed: {  	_ =	swait.ge [sflag:s26], $0xC00  }
0xee: {  	s3 =	sshrl.u32 s1, $0xC;
	[sflag:s26] =	ssyncset.done $0x0  }
0xef: {  	s3 =	sand.u32 $0xF, s3;
	[sflag:s26] =	ssyncadd.s32 $0xFFFFF400  }
0xf0: {  	[tilespmem:s0], [sflag:$0x1] =	stream.strided.gather [hbm4b:s7+s17], $0xC000, s18, s17, $0x38;
	[tilespmem:$0x19E00] =	vst v63  }
0xf1: {  	s28 =	smul.u32 $0x18, s3  }
0xf2: {  	v21 =	vadd.f32 $5.770780440e-01, v21;
	[tilespmem:s19], [sflag:$0x3] =	stream.linear.gather [hbm4b:s8+s0], $0xC00, $0x38;
	[tilespmem:$0x19E00] =	vst v63  }
0xf3: {  	s0 =	sshrl.u32 s3, $0x3;
	s3 =	ssub.s32 $0x0, s28  }
0xf4: {  	v21 =	vmul.f32 v21, v12;
	s0 =	smul.u32 $0xC00, s0;
	s28 =	sshll.u32 s3, $0x7  }
0xf5: {  	s1 =	sshrl.u32 s1, $0x5;
	s28 =	sand.u32 $0xC00, s28  }
0xf6: {  	v21 =	vadd.f32 $9.617967000e-01, v21;
	s1 =	sand.u32 $0x380, s1;
	s3 =	sshll.u32 s3, $0x4;
	s0 =	sadd.s32 s28, s0  }
0xf7: {  	v10 =	vmul.f32 v16, v10;
	s3 =	sand.u32 $0x70, s3;
	s0 =	sor.u32 s1, s0  }
0xf8: {  	v12 =	vmul.f32 v21, v12;
	s1 =	sor.u32 s3, s0  }
0xf9: {  	v10 =	vadd.f32 $2.885390040e+00, v10;
	v14 =	vshra.s32 v14, $0x17;
	v16 =	vadd.f32 $-1.000000000e+00, v26;
	v21 =	vld [tilespmem:s1+$0x12C00]  }
0xfa: {  	v14 =	vadd.s32 $0xFFFFFF81, v14;
	v12 =	vadd.f32 $2.885390040e+00, v12;
	v26 =	vld [tilespmem:s1+$0x12000]  }
0xfb: {  	v28 =	vadd.f32 $-1.000000000e+00, v48;
	v10 =	vmul.f32 v10, v8;
	v16 =	vmul.f32 v25, v16;
	v25 =	vld [tilespmem:s1+$0x15000]  }
0xfc: {  	v14 =	vcvt.s32.f32 v14;
	v55 =	vmul.f32 v12, v7;
	v7 =	vadd.f32 $-1.000000000e+00, v31;
	v56 =	vld [tilespmem:s1+$0xC000]  }
0xfd: {  	v8 =	vmul.f32 v24, v28;
	v24 =	vmul.f32 v16, v16;
	v57 =	vld [tilespmem:s1+$0xCC00]  }
0xfe: {  	v12 =	vmul.f32 v27, v7;
	v7 =	vmul.f32 $1.442695020e+00, v21  }
0xff: {  	v27 =	vld [tilespmem:s1+$0xE400];
	v21 =	vmul.f32 $4.121985730e-01, v24;
	v26 =	vmul.f32 $1.442695020e+00, v26  }
0x100: {  	(erf) = vpow2.f32 v7;
	v7 =	vmul.f32 $1.442695020e+00, v25;
	v25 =	vld [tilespmem:s1+$0xF000]  }
0x101: {  	v58 =	vld [tilespmem:s1+$0x15C00];
	v31 =	vmul.f32 $1.442695020e+00, v56;
	(erf) = vpow2.f32 v26  }
0x102: {  	v26 =	vld [tilespmem:s1+$0xD800];
	(erf) = vpow2.f32 v7;
	v7 =	vmul.f32 $1.442695020e+00, v57  }
0x103: {  	v59 =	vmul.f32 v12, v12;
	v60 =	vld [tilespmem:s1+$0x16800];
	v21 =	vadd.f32 $5.770780440e-01, v21;
	(erf) = vpow2.f32 v31  }
0x104: {  	v34 =	vld [tilespmem:s1+$0x10800];
	(erf) = vpow2.f32 v7;
	v7 =	vmul.f32 $1.442695020e+00, v27  }
0x105: {  	v21 =	vmul.f32 v21, v24;
	v25 =	vmul.f32 $1.442695020e+00, v25  }
0x106: {  	v27 =	vld [tilespmem:s1+$0x11400];
	(erf) = vpow2.f32 v7;
	v7 =	vmul.f32 $1.442695020e+00, v58  }
0x107: {  	v15 =	vmax.f32 v15, $-2.325349620e+01;
	v26 =	vmul.f32 $1.442695020e+00, v26;
	(erf) = vpow2.f32 v25;
	v25 =	vld [tilespmem:s1+$0x17400]  }
0x108: {  	v31 =	vmul.f32 $1.442695020e+00, v60;
	(erf) = vpow2.f32 v7;
	v7 =	vadd.f32 v15, v3;
	v15 =	vld [tilespmem:s1+$0x13800]  }
0x109: {  	v20 =	vshra.s32 v20, $0x17;
	v3 =	vmul.f32 $1.442695020e+00, v34;
	(erf) = vpow2.f32 v26  }
0x10a: {  	v20 =	vadd.s32 $0xFFFFFF81, v20;
	v61 =	vld [tilespmem:s1+$0x14400];
	v26 =	vmul.f32 $4.121985730e-01, v59;
	(erf) = vpow2.f32 v31  }
0x10b: {  	v5 =	vadd.f32 v5, v10;
	v27 =	vmul.f32 $1.442695020e+00, v27;
	(erf) = vpow2.f32 v3  }
0x10c: {  	v62 =	vld [tilespmem:s1+$0xFC00];
	v3 =	vshra.s32 v17, $0x17;
	v17 =	vmul.f32 v8, v8;
	v25 =	vmul.f32 $1.442695020e+00, v25  }
0x10d: {  	v21 =	vadd.f32 $9.617967000e-01, v21;
	(erf) = vpow2.f32 v27;
	v15 =	vmul.f32 $1.442695020e+00, v15  }
0x10e: {  	v63 =	vpop (erf);
	(erf) = vpow2.f32 v25;
	v25 =	vadd.f32 $5.770780440e-01, v26;
	v26 =	vmul.f32 $4.121985730e-01, v17  }
0x10f: {  	v10 =	vadd.f32 v4, v55;
	v33 =	vmul.f32 $1.442695020e+00, v61;
	v21 =	vmul.f32 v21, v24;
	v4 =	vpop (erf)  }
0x110: {  	v37 =	vadd.s32 $0xFFFFFF81, v3;
	v27 =	vpop (erf);
	v3 =	vmul.f32 v25, v59;
	v25 =	vadd.f32 $5.770780440e-01, v26  }
0x111: {  	v24 =	vadd.f32 $-1.000000000e+00, v53;
	v31 =	vmul.f32 $1.442695020e+00, v62;
	v36 =	vpop (erf);
	(erf) = vpow2.f32 v33  }
0x112: {  	v21 =	vadd.f32 $2.885390040e+00, v21;
	(erf) = vpow2.f32 v15;
	v15 =	vpop (erf);
	v25 =	vmul.f32 v25, v17  }
0x113: {  	v20 =	vcvt.s32.f32 v20;
	v24 =	vmul.f32 v54, v24;
	v26 =	vpop (erf);
	v3 =	vadd.f32 $9.617967000e-01, v3  }
0x114: {  	v5 =	vmax.f32 v5, $-2.325349620e+01;
	s3 =	simm.s32 $0x1;
	v16 =	vmul.f32 v21, v16;
	(erf) = vpow2.f32 v31;
	v38 =	vpop (erf)  }
0x115: {  	s0 =	smul.u32 $0xAB, s3;
	v21 =	vadd.f32 $-1.000000000e+00, v22;
	v22 =	vmul.f32 v24, v24;
	v39 =	vpop (erf);
	v3 =	vmul.f32 v3, v59  }
0x116: {  	v5 =	vadd.f32 v5, v6;
	v13 =	vshra.s32 v13, $0x17;
	v6 =	vadd.f32 $9.617967000e-01, v25;
	v25 =	vpop (erf)  }
0x117: {  	s28 =	sshrl.u32 s0, $0xC;
	v15 =	vadd.f32 v15, v36;
	v41 =	vadd.f32 $2.885390040e+00, v3;
	v3 =	vmul.f32 $4.121985730e-01, v22;
	v40 =	vpop (erf)  }
0x118: {  	v18 =	vadd.f32 $-1.000000000e+00, v18;
	s28 =	sand.u32 $0xF, s28;
	v27 =	vadd.f32 v39, v27;
	v6 =	vmul.f32 v6, v17;
	v42 =	vpop (erf)  }
0x119: {  	s3 =	smul.u32 $0x18, s28;
	v17 =	vadd.f32 v63, v4;
	v4 =	vmul.f32 v23, v21;
	v21 =	vld [tilespmem:s1+$0x18C00];
	[tilespmem:$0x19A00] =	vst v15;
	v44 =	vadd.f32 $5.770780440e-01, v3;
	v23 =	vpop (erf)  }
0x11a: {  	v11 =	vshra.s32 v11, $0x17;
	v9 =	vshra.s32 v9, $0x17;
	v25 =	vadd.f32 v26, v25;
	[tilespmem:$0x19D00] =	vst v27;
	v43 =	vpop (erf)  }
0x11b: {  	s3 =	ssub.s32 $0x1, s3;
	s1 =	sshrl.u32 s28, $0x3;
	[tilespmem:$0x19C00] =	vst v17;
	v3 =	vmul.f32 v19, v18;
	v19 =	vadd.f32 v23, v42;
	v32 =	vmul.f32 v44, v22;
	v26 =	vpop (erf)  }
0x11c: {  	v13 =	vadd.s32 $0xFFFFFF81, v13;
	s0 =	sshrl.u32 s0, $0x5;
	s28 =	sshll.u32 s3, $0x7;
	s1 =	smul.u32 $0xC00, s1;
	v18 =	vmul.f32 v4, v4;
	[tilespmem:$0x19A80] =	vst v25;
	v28 =	vadd.f32 v43, v40;
	v23 =	vpop (erf)  }
0x11d: {  	v13 =	vcvt.s32.f32 v13;
	s0 =	sand.u32 $0x380, s0;
	s28 =	sand.u32 $0xC00, s28;
	[tilespmem:$0x19B80] =	vst v19;
	v32 =	vadd.f32 $9.617967000e-01, v32;
	v45 =	vpop (erf);
	v23 =	vadd.f32 v26, v23  }
0x11e: {  	s3 =	sshll.u32 s3, $0x4;
	v6 =	vadd.f32 $2.885390040e+00, v6;
	s1 =	sadd.s32 s28, s1;
	v46 =	vmul.f32 $4.121985730e-01, v18;
	[tilespmem:$0x19D80] =	vst v28;
	v29 =	vadd.f32 v45, v38  }
0x11f: {  	v9 =	vadd.s32 $0xFFFFFF81, v9;
	s3 =	sand.u32 $0x70, s3;
	s0 =	sor.u32 s0, s1;
	v47 =	vmul.f32 v3, v3;
	v22 =	vmul.f32 v32, v22;
	[tilespmem:$0x19C80] =	vst v23  }
0x120: {  	v9 =	vcvt.s32.f32 v9;
	v8 =	vmul.f32 v6, v8;
	s31 =	sor.u32 s3, s0;
	v26 =	vadd.f32 $5.770780440e-01, v46;
	[tilespmem:$0x19B00] =	vst v29  }
0x121: {  	v6 =	vadd.s32 $0xFFFFFF81, v11;
	v11 =	vadd.f32 $2.885390040e+00, v22;
	v22 =	vmul.f32 $4.121985730e-01, v47;
	v48 =	vld [tilespmem:s31+$0x17400]  }
0x122: {  	v16 =	vadd.f32 v20, v16;
	v33 =	vcvt.s32.f32 v37;
	v15 =	vadd.f32 v25, v15;
	v25 =	vld [tilespmem:s31+$0x12C00]  }
0x123: {  	v27 =	vadd.f32 v28, v27;
	v26 =	vmul.f32 v26, v18;
	v49 =	vld [tilespmem:s31+$0x16800];
	v22 =	vadd.f32 $5.770780440e-01, v22  }
0x124: {  	v12 =	vmul.f32 v41, v12;
	v17 =	vadd.f32 v23, v17;
	v19 =	vadd.f32 v19, v29;
	v23 =	vld [tilespmem:s31+$0x12000]  }
0x125: {  	v21 =	vshll.u32 v21, $0x6;
	v26 =	vadd.f32 $9.617967000e-01, v26;
	v20 =	vmul.f32 v22, v47;
	v22 =	vld [tilespmem:s31+$0x15000]  }
0x126: {  	v17 =	vadd.f32 v27, v17;
	v27 =	vld [tilespmem:s31+$0xE400];
	v11 =	vmul.f32 v11, v24;
	v15 =	vadd.f32 v19, v15  }
0x127: {  	v19 =	vld [tilespmem:s31+$0xC000];
	v24 =	vand.u32 $0xFFFFFF80, v21;
	v21 =	vand.u32 $0xFFFFFF00, v21;
	v25 =	vmul.f32 $1.442695020e+00, v25  }
0x128: {  	v18 =	vmul.f32 v26, v18;
	v26 =	vld [tilespmem:s31+$0xCC00];
	v15 =	vadd.f32 v17, v15;
	v17 =	vxor.u32 $0x100, v21  }
0x129: {  	v51 =	vld [tilespmem:s31+$0xF000];
	v23 =	vmul.f32 $1.442695020e+00, v23;
	(erf) = vpow2.f32 v25;
	v25 =	vor.u32 v0, v17  }
0x12a: {  	v21 =	vxor.u32 v1, v24;
	(erf) = vrcp.f32 v15;
	v15 =	vld [tilespmem:s31+$0x15C00];
	v22 =	vmul.f32 $1.442695020e+00, v22  }
0x12b: {  	v10 =	vmax.f32 v10, $-2.325349620e+01;
	v6 =	vcvt.s32.f32 v6;
	(erf) = vpow2.f32 v23;
	v23 =	vld [tilespmem:s31+$0xD800]  }
0x12c: {  	v50 =	vld [tilespmem:s31+$0x10800];
	v24 =	vor.u32 v0, v24;
	v19 =	vmul.f32 $1.442695020e+00, v19;
	(erf) = vpow2.f32 v22  }
0x12d: {  	v2 =	vadd.f32 v10, v2;
	v10 =	vld [tilespmem:s31+$0x11400];
	v22 =	vmul.f32 $1.442695020e+00, v26;
	v26 =	vmul.f32 $1.442695020e+00, v27  }
0x12e: {  	v16 =	vmax.f32 v16, $-2.325349620e+01;
	(erf) = vpow2.f32 v19;
	v19 =	vld.idx.msk [tilespmem:v25+s24+$0x0], $0xffff;
	v25 =	vmul.f32 $1.442695020e+00, v51  }
0x12f: {  	v7 =	vadd.f32 v16, v7;
	v21 =	vld.idx.msk [tilespmem:v21+s24+$0x0], $0xffff;
	(erf) = vpow2.f32 v22;
	v15 =	vmul.f32 $1.442695020e+00, v15  }
0x130: {  	v17 =	vor.u32 v1, v17;
	v22 =	vld [tilespmem:s31+$0x14400];
	(erf) = vpow2.f32 v26;
	v23 =	vmul.f32 $1.442695020e+00, v23  }
0x131: {  	v12 =	vadd.f32 v33, v12;
	v16 =	vld.idx.msk [tilespmem:v24+s24+$0x0], $0xffff;
	v24 =	vmul.f32 $1.442695020e+00, v49;
	(erf) = vpow2.f32 v25  }
0x132: {  	v26 =	vmul.f32 $1.442695020e+00, v50;
	v25 =	vld [tilespmem:s31+$0x13800];
	(erf) = vpow2.f32 v15  }
0x133: {  	v12 =	vmax.f32 v12, $-2.325349620e+01;
	v10 =	vmul.f32 $1.442695020e+00, v10;
	v15 =	vld [tilespmem:s31+$0xFC00];
	v27 =	vpop (erf);
	(erf) = vpow2.f32 v23  }
0x134: {  	v8 =	vadd.f32 v14, v8;
	(erf) = vpow2.f32 v24;
	v24 =	vmul.f32 $1.442695020e+00, v48;
	v23 =	vpop (erf)  }
0x135: {  	v5 =	vadd.f32 v12, v5;
	v17 =	vld.idx.msk [tilespmem:v17+s24+$0x0], $0xffff;
	v22 =	vmul.f32 $1.442695020e+00, v22;
	(erf) = vpow2.f32 v26;
	v52 =	vpop (erf)  }
0x136: {  	v8 =	vmax.f32 v8, $-2.325349620e+01;
	v21 =	vadd.f32 v21, v16;
	(erf) = vpow2.f32 v10;
	v26 =	vpop (erf)  }
0x137: {  	v20 =	vadd.f32 $9.617967000e-01, v20;
	v10 =	vmul.f32 $1.442695020e+00, v25;
	v25 =	vpop (erf);
	(erf) = vpow2.f32 v24  }
0x138: {  	v19 =	vadd.f32 v19, v21;
	v14 =	vmul.f32 $1.442695020e+00, v15;
	v15 =	vpop (erf);
	(erf) = vpow2.f32 v22  }
0x139: {  	v2 =	vadd.f32 v8, v2;
	v11 =	vadd.f32 v13, v11;
	v22 =	vpop (erf);
	(erf) = vpow2.f32 v10  }
0x13a: {  	s1 =	simm.s32 $0x2;
	v20 =	vmul.f32 v20, v47;
	v10 =	vadd.f32 v17, v19;
	v12 =	vpop (erf);
	(erf) = vpow2.f32 v14  }
0x13b: {  	s0 =	smul.u32 $0xAB, s1;
	v16 =	vmul.f32 v16, v23;
	v17 =	vadd.f32 $2.885390040e+00, v18;
	v14 =	vmul.f32 v21, v23;
	v13 =	vpop (erf)  }
0x13c: {  	v18 =	vadd.f32 $2.885390040e+00, v20;
	v15 =	vadd.f32 v15, v25;
	v10 =	vmul.f32 v10, v23;
	v19 =	vpop (erf)  }
0x13d: {  	s3 =	sshrl.u32 s0, $0xC;
	v21 =	vadd.f32 v27, v52;
	v20 =	vand.u32 $0x7FFFFF, v14;
	v13 =	vadd.f32 v13, v26;
	v24 =	vpop (erf)  }
0x13e: {  	s1 =	sand.u32 $0xF, s3;
	v26 =	vand.u32 $0x7FFFFF, v16;
	v20 =	vor.u32 $0x3F800000, v20;
	v27 =	vand.u32 $0x7FFFFF, v10;
	v23 =	vpop (erf)  }
0x13f: {  	s28 =	smul.u32 $0x18, s1;
	v4 =	vmul.f32 v17, v4;
	v17 =	vld [tilespmem:s31+$0x18C00];
	[tilespmem:$0x19A00] =	vst v15;
	v53 =	vadd.f32 $1.000000000e+00, v20;
	v27 =	vor.u32 $0x3F800000, v27;
	v25 =	vpop (erf)  }
0x140: {  	v3 =	vmul.f32 v18, v3;
	[tilespmem:$0x19C00] =	vst v21;
	v19 =	vadd.f32 v22, v19;
	v54 =	vadd.f32 $1.000000000e+00, v27;
	v55 =	vpop (erf)  }
0x141: {  	s1 =	sshrl.u32 s1, $0x3;
	s3 =	ssub.s32 $0x2, s28;
	v22 =	vor.u32 $0x3F800000, v26;
	[tilespmem:$0x19D00] =	vst v13;
	(erf) = vrcp.f32 v53;
	v18 =	vadd.f32 v25, v23;
	v26 =	vpop (erf)  }
0x142: {  	s1 =	smul.u32 $0xC00, s1;
	s28 =	sshll.u32 s3, $0x7;
	v9 =	vadd.f32 v9, v4;
	[tilespmem:$0x19A80] =	vst v19;
	(erf) = vrcp.f32 v54;
	v24 =	vadd.f32 v55, v24;
	v23 =	vpop (erf)  }
0x143: {  	s0 =	sshrl.u32 s0, $0x5;
	s28 =	sand.u32 $0xC00, s28;
	v25 =	vadd.f32 $1.000000000e+00, v22;
	[tilespmem:$0x19B80] =	vst v18;
	v4 =	vpop (erf);
	v8 =	vadd.f32 v26, v23  }
0x144: {  	s0 =	sand.u32 $0x380, s0;
	s3 =	sshll.u32 s3, $0x4;
	s1 =	sadd.s32 s28, s1;
	v3 =	vadd.f32 v6, v3;
	[tilespmem:$0x19D80] =	vst v24;
	v6 =	vadd.f32 v4, v12  }
0x145: {  	s3 =	sand.u32 $0x70, s3;
	s0 =	sor.u32 s0, s1;
	v16 =	vshra.s32 v16, $0x17;
	(erf) = vrcp.f32 v25;
	v4 =	vmax.f32 v11, $-2.325349620e+01;
	[tilespmem:$0x19C80] =	vst v8  }
0x146: {  	s1 =	sor.u32 s3, s0;
	v11 =	vadd.f32 v19, v15;
	v4 =	vadd.f32 v4, v7;
	v7 =	vmax.f32 v9, $-2.325349620e+01;
	[tilespmem:$0x19B00] =	vst v6  }
0x147: {  	v9 =	vmax.f32 v3, $-2.325349620e+01;
	v3 =	vadd.f32 v7, v5;
	v5 =	vshra.s32 v10, $0x17;
	v15 =	vld [tilespmem:s1+$0x12C00]  }
0x148: {  	v14 =	vshra.s32 v14, $0x17;
	v2 =	vadd.f32 v9, v2;
	v9 =	vshll.u32 v17, $0x6;
	v17 =	vld [tilespmem:s1+$0x17400]  }
0x149: {  	v16 =	vadd.s32 $0xFFFFFF81, v16;
	v19 =	vadd.f32 $-1.000000000e+00, v20;
	v8 =	vadd.f32 v8, v21;
	v21 =	vld [tilespmem:s1+$0x12000]  }
0x14a: {  	v10 =	vadd.f32 v24, v13;
	v7 =	vadd.f32 $-1.000000000e+00, v27;
	v13 =	vadd.s32 $0xFFFFFF81, v5;
	v26 =	vld [tilespmem:s1+$0x11400];
	v5 =	vpop (erf)  }
0x14b: {  	v18 =	vadd.f32 v18, v6;
	v6 =	vcvt.s32.f32 v16;
	v57 =	vld [tilespmem:s1+$0xD800];
	v25 =	vcvt.s32.f32 v13;
	v20 =	vpop (erf)  }
0x14c: {  	v14 =	vadd.s32 $0xFFFFFF81, v14;
	v12 =	vld [tilespmem:s1+$0x18C00];
	v23 =	vmul.f32 v20, v7;
	v7 =	vmul.f32 v5, v19  }
0x14d: {  	v5 =	vcvt.s32.f32 v14;
	v14 =	vadd.f32 $-1.000000000e+00, v22;
	v19 =	vld [tilespmem:s1+$0x15000];
	v15 =	vmul.f32 $1.442695020e+00, v15  }
0x14e: {  	v10 =	vadd.f32 v10, v8;
	v20 =	vld [tilespmem:s1+$0x16800];
	v16 =	vpop (erf);
	v21 =	vmul.f32 $1.442695020e+00, v21;
	v27 =	vmul.f32 $1.442695020e+00, v17  }
0x14f: {  	v17 =	vld [tilespmem:s1+$0xF000];
	v22 =	vmul.f32 v23, v23;
	v8 =	vmul.f32 v16, v14;
	v16 =	vadd.f32 v18, v11  }
0x150: {  	v24 =	vand.u32 $0xFFFFFF80, v9;
	v26 =	vmul.f32 $1.442695020e+00, v26;
	v29 =	vmul.f32 $1.442695020e+00, v57;
	v14 =	vld [tilespmem:s1+$0xC000]  }
0x151: {  	(erf) = vpow2.f32 v15;
	v13 =	vmul.f32 $4.121985730e-01, v22;
	v10 =	vadd.f32 v10, v16;
	v16 =	vld [tilespmem:s1+$0xE400]  }
0x152: {  	v9 =	vand.u32 $0xFFFFFF00, v9;
	v11 =	vmul.f32 v8, v8;
	v15 =	vmul.f32 $1.442695020e+00, v19;
	v19 =	vld [tilespmem:s1+$0xCC00]  }
0x153: {  	v56 =	vxor.u32 v1, v24;
	v18 =	vld [tilespmem:s1+$0x15C00];
	v20 =	vmul.f32 $1.442695020e+00, v20;
	(erf) = vrcp.f32 v10  }
0x154: {  	v13 =	vadd.f32 $5.770780440e-01, v13;
	v58 =	vmul.f32 $4.121985730e-01, v11;
	v17 =	vmul.f32 $1.442695020e+00, v17  }
0x155: {  	v59 =	vxor.u32 $0x100, v9;
	v10 =	vmul.f32 $1.442695020e+00, v14;
	v14 =	vld [tilespmem:s1+$0x10800];
	(erf) = vpow2.f32 v21  }
0x156: {  	v31 =	vor.u32 v1, v59;
	v13 =	vmul.f32 v13, v22;
	(erf) = vpow2.f32 v15  }
0x157: {  	v9 =	vmul.f32 $1.442695020e+00, v16;
	v16 =	vor.u32 v0, v24;
	v15 =	vmul.f32 $1.442695020e+00, v19  }
0x158: {  	v60 =	vld [tilespmem:s1+$0x14400];
	v12 =	vshll.u32 v12, $0x6;
	v18 =	vmul.f32 $1.442695020e+00, v18;
	(erf) = vpow2.f32 v10  }
0x159: {  	v21 =	vld [tilespmem:s1+$0xFC00];
	v19 =	vor.u32 v0, v59;
	v10 =	vadd.f32 $9.617967000e-01, v13;
	(erf) = vpow2.f32 v15  }
0x15a: {  	v61 =	vld [tilespmem:s1+$0x13800];
	v13 =	vmul.f32 $1.442695020e+00, v14;
	v15 =	vadd.f32 $5.770780440e-01, v58;
	(erf) = vpow2.f32 v9  }
0x15b: {  	v24 =	vld.idx.msk [tilespmem:v56+s24+$0x0], $0xffff;
	v22 =	vmul.f32 v10, v22;
	v10 =	vand.u32 $0xFFFFFF00, v12;
	(erf) = vpow2.f32 v17  }
0x15c: {  	v9 =	vand.u32 $0xFFFFFF80, v12;
	v12 =	vmul.f32 v7, v7;
	v14 =	vld.idx.msk [tilespmem:v16+s24+$0x0], $0xffff;
	(erf) = vpow2.f32 v18  }
0x15d: {  	v62 =	vpop (erf);
	v15 =	vmul.f32 v15, v11;
	(erf) = vpow2.f32 v29  }
0x15e: {  	v17 =	vmul.f32 $1.442695020e+00, v21;
	v63 =	vld.idx.msk [tilespmem:v19+s24+$0x0], $0xffff;
	v18 =	vpop (erf);
	v19 =	vadd.f32 $2.885390040e+00, v22;
	(erf) = vpow2.f32 v20  }
0x15f: {  	v21 =	vmul.f32 $1.442695020e+00, v60;
	v16 =	vadd.f32 $9.617967000e-01, v15;
	v20 =	vpop (erf);
	(erf) = vpow2.f32 v13  }
0x160: {  	v15 =	vmul.f32 v19, v23;
	v13 =	vadd.f32 v62, v20;
	v20 =	vpop (erf);
	(erf) = vpow2.f32 v26  }
0x161: {  	v19 =	vld.idx.msk [tilespmem:v31+s24+$0x0], $0xffff;
	v26 =	vmul.f32 $1.442695020e+00, v61;
	v22 =	vpop (erf);
	v24 =	vadd.f32 v24, v14;
	(erf) = vpow2.f32 v27  }
0x162: {  	v15 =	vadd.f32 v25, v15;
	v23 =	vpop (erf);
	(erf) = vpow2.f32 v21;
	v21 =	vmul.f32 $4.121985730e-01, v12  }
0x163: {  	s31 =	simm.s32 $0x3;
	[tilespmem:$0x19C00] =	vst v13;
	v25 =	vadd.f32 v63, v24;
	v22 =	vadd.f32 v23, v22;
	v23 =	vpop (erf);
	(erf) = vpow2.f32 v26  }
.LBB2_4:
0x164: {  	s0 =	smul.u32 $0xAB, s31  }
0x165: {  	p0 =	sne.s32 s31, $0xBF;
	v26 =	vpop (erf);
	(erf) = vpow2.f32 v17;
	v14 =	vmul.f32 v14, v18;
	v15 =	vmax.f32 v15, $-2.325349620e+01;
	s1 =	smov.u32 s31;
	s31 =	sadd.s32 $0x1, s31  }
0x166: {  	v24 =	vmul.f32 v24, v18;
	[tilespmem:$0x19A00] =	vst v22;
	v17 =	vpop (erf);
	v19 =	vadd.f32 v19, v25;
	v4 =	vadd.f32 v15, v4  }
0x167: {  	v11 =	vmul.f32 v16, v11;
	s3 =	sshrl.u32 s0, $0xC;
	s0 =	sshrl.u32 s0, $0x5;
	v15 =	vadd.f32 v17, v20;
	v17 =	vpop (erf);
	v20 =	vand.u32 $0x7FFFFF, v14  }
0x168: {  	s3 =	sand.u32 $0xF, s3;
	v16 =	vadd.f32 v23, v17;
	v17 =	vpop (erf);
	v18 =	vmul.f32 v19, v18;
	v19 =	vand.u32 $0x7FFFFF, v24  }
0x169: {  	v21 =	vadd.f32 $5.770780440e-01, v21;
	v20 =	vor.u32 $0x3F800000, v20;
	s28 =	smul.u32 $0x18, s3;
	s3 =	sshrl.u32 s3, $0x3;
	[tilespmem:$0x19D00] =	vst v15;
	v23 =	vpop (erf);
	v19 =	vor.u32 $0x3F800000, v19  }
0x16a: {  	[tilespmem:$0x19A80] =	vst v16;
	v16 =	vadd.f32 v16, v22;
	v22 =	vpop (erf);
	v25 =	vand.u32 $0x7FFFFF, v18;
	v29 =	vadd.f32 $1.000000000e+00, v19  }
0x16b: {  	v21 =	vmul.f32 v21, v12;
	s1 =	ssub.s32 s1, s28;
	v22 =	vadd.f32 v22, v23;
	v23 =	vpop (erf);
	v25 =	vor.u32 $0x3F800000, v25  }
0x16c: {  	s3 =	smul.u32 $0xC00, s3;
	s28 =	sshll.u32 s1, $0x4;
	s1 =	sshll.u32 s1, $0x7;
	v30 =	vadd.f32 v23, v17;
	v23 =	vpop (erf);
	v28 =	vadd.f32 $1.000000000e+00, v25;
	(erf) = vrcp.f32 v29  }
0x16d: {  	v21 =	vadd.f32 $9.617967000e-01, v21;
	v18 =	vshra.s32 v18, $0x17;
	v29 =	vadd.f32 $1.000000000e+00, v20;
	s1 =	sand.u32 $0xC00, s1;
	[tilespmem:$0x19B80] =	vst v22;
	v27 =	vpop (erf)  }
0x16e: {  	v11 =	vadd.f32 $2.885390040e+00, v11;
	s0 =	sand.u32 $0x380, s0;
	s1 =	sadd.s32 s1, s3;
	[tilespmem:$0x19D80] =	vst v30;
	v15 =	vadd.f32 v30, v15;
	v17 =	vpop (erf);
	(erf) = vrcp.f32 v28  }
0x16f: {  	v12 =	vmul.f32 v21, v12;
	s3 =	sand.u32 $0x70, s28;
	v23 =	vadd.f32 v23, v27;
	s0 =	sor.u32 s0, s1;
	v17 =	vadd.f32 v17, v26  }
0x170: {  	v8 =	vmul.f32 v11, v8;
	v18 =	vadd.s32 $0xFFFFFF81, v18;
	s1 =	sor.u32 s3, s0;
	(erf) = vrcp.f32 v29  }
0x171: {  	v12 =	vadd.f32 $2.885390040e+00, v12;
	v11 =	vadd.f32 v23, v13;
	v13 =	vshra.s32 v14, $0x17;
	[tilespmem:$0x19B00] =	vst v17  }
0x172: {  	v6 =	vadd.f32 v6, v8;
	v14 =	vadd.f32 v22, v17;
	v13 =	vadd.s32 $0xFFFFFF81, v13;
	[tilespmem:$0x19C80] =	vst v23  }
0x173: {  	v7 =	vmul.f32 v12, v7;
	v11 =	vadd.f32 v15, v11;
	v15 =	vshra.s32 v24, $0x17;
	v8 =	vld [tilespmem:s1+$0x18C00]  }
0x174: {  	v6 =	vmax.f32 v6, $-2.325349620e+01;
	v14 =	vadd.f32 v14, v16;
	v16 =	vadd.f32 $-1.000000000e+00, v19;
	v12 =	vld [tilespmem:s1+$0x17400]  }
0x175: {  	v3 =	vadd.f32 v6, v3;
	v21 =	vadd.f32 v5, v7;
	v23 =	vadd.s32 $0xFFFFFF81, v15;
	v17 =	vld [tilespmem:s1+$0x16800];
	v19 =	vpop (erf)  }
0x176: {  	v6 =	vadd.f32 $-1.000000000e+00, v25;
	v14 =	vadd.f32 v11, v14;
	v22 =	vld [tilespmem:s1+$0x12C00];
	v7 =	vmul.f32 v19, v16  }
0x177: {  	v5 =	vcvt.s32.f32 v23;
	v11 =	vadd.f32 $-1.000000000e+00, v20;
	v19 =	vmax.f32 v21, $-2.325349620e+01;
	v16 =	vld [tilespmem:s1+$0x10800];
	v15 =	vpop (erf)  }
0x178: {  	v2 =	vadd.f32 v19, v2;
	v20 =	vld [tilespmem:s1+$0x12000];
	v24 =	vshll.u32 v8, $0x6;
	v15 =	vmul.f32 v15, v6  }
0x179: {  	v6 =	vcvt.s32.f32 v13;
	v19 =	vld [tilespmem:s1+$0x15000];
	v21 =	vand.u32 $0xFFFFFF80, v24;
	v23 =	vand.u32 $0xFFFFFF00, v24;
	v8 =	vpop (erf)  }
0x17a: {  	v24 =	vxor.u32 $0x100, v10;
	v13 =	vld [tilespmem:s1+$0x15C00];
	v25 =	vmul.f32 v15, v15;
	v8 =	vmul.f32 v8, v11;
	v10 =	vmovc v23  }
0x17b: {  	v27 =	vcvt.s32.f32 v18;
	v26 =	vxor.u32 v1, v9;
	v23 =	vld [tilespmem:s1+$0xC000];
	v22 =	vmul.f32 $1.442695020e+00, v22  }
0x17c: {  	v28 =	vor.u32 v1, v24;
	v18 =	vld [tilespmem:s1+$0xE400];
	v29 =	vmul.f32 $4.121985730e-01, v25;
	v11 =	vmul.f32 v8, v8  }
0x17d: {  	v30 =	vld [tilespmem:s1+$0x11400];
	v20 =	vmul.f32 $1.442695020e+00, v20;
	(erf) = vpow2.f32 v22;
	v22 =	vor.u32 v0, v24  }
0x17e: {  	v31 =	vmul.f32 $1.442695020e+00, v17;
	v24 =	vld [tilespmem:s1+$0xCC00];
	v19 =	vmul.f32 $1.442695020e+00, v19;
	v17 =	vadd.f32 $5.770780440e-01, v29  }
0x17f: {  	v32 =	vmul.f32 $1.442695020e+00, v12;
	v29 =	vld [tilespmem:s1+$0xF000];
	(erf) = vrcp.f32 v14  }
0x180: {  	v12 =	vmul.f32 $1.442695020e+00, v23;
	v23 =	vld.idx.msk [tilespmem:v26+s24+$0x0], $0xffff;
	v14 =	vmul.f32 v17, v25  }
0x181: {  	v33 =	vmul.f32 $4.121985730e-01, v11;
	v13 =	vmul.f32 $1.442695020e+00, v13;
	v26 =	vor.u32 v0, v9;
	v9 =	vmovc v21;
	v17 =	vld [tilespmem:s1+$0xD800]  }
0x182: {  	v21 =	vmul.f32 $1.442695020e+00, v30;
	(erf) = vpow2.f32 v20;
	v30 =	vld.idx.msk [tilespmem:v22+s24+$0x0], $0xffff;
	v14 =	vadd.f32 $9.617967000e-01, v14  }
0x183: {  	v18 =	vmul.f32 $1.442695020e+00, v18;
	v20 =	vadd.f32 $5.770780440e-01, v33;
	(erf) = vpow2.f32 v19;
	v19 =	vld.idx.msk [tilespmem:v28+s24+$0x0], $0xffff  }
0x184: {  	v33 =	vmul.f32 $1.442695020e+00, v24;
	v22 =	vld [tilespmem:s1+$0xFC00];
	v28 =	vmul.f32 $1.442695020e+00, v29  }
0x185: {  	v29 =	vmul.f32 $1.442695020e+00, v16;
	(erf) = vpow2.f32 v12  }
0x186: {  	v16 =	vld [tilespmem:s1+$0x14400];
	v12 =	vmul.f32 $1.442695020e+00, v17;
	(erf) = vpow2.f32 v33;
	v24 =	vpop (erf)  }
0x187: {  	v25 =	vmul.f32 v14, v25;
	v33 =	vld [tilespmem:s1+$0x13800];
	(erf) = vpow2.f32 v18  }
0x188: {  	v20 =	vmul.f32 v20, v11;
	(erf) = vpow2.f32 v28;
	v14 =	vld.idx.msk [tilespmem:v26+s24+$0x0], $0xffff;
	v18 =	vpop (erf)  }
0x189: {  	v17 =	vmul.f32 $1.442695020e+00, v22;
	(erf) = vpow2.f32 v13  }
0x18a: {  	v22 =	vadd.f32 $2.885390040e+00, v25;
	(erf) = vpow2.f32 v12;
	v12 =	vmul.f32 v7, v7  }
0x18b: {  	v25 =	vmul.f32 $1.442695020e+00, v16;
	v13 =	vpop (erf);
	(erf) = vpow2.f32 v31;
	v16 =	vadd.f32 $9.617967000e-01, v20  }
.Ltmp1:
0x18c: {  	v15 =	vmul.f32 v22, v15;
	v13 =	vadd.f32 v24, v13;
	(erf) = vpow2.f32 v29;
	v20 =	vpop (erf);
	(pc) =	sbr.rel @p0 .LBB2_4-.Ltmp1, $4  }
0x18d: {  	v26 =	vmul.f32 $1.442695020e+00, v33;
	(erf) = vpow2.f32 v21  }
0x18e: {  	v24 =	vadd.f32 v23, v14;
	v15 =	vadd.f32 v27, v15;
	[tilespmem:$0x19C00] =	vst v13;
	v22 =	vpop (erf);
	(erf) = vpow2.f32 v32  }
0x18f: {  	v21 =	vmul.f32 $4.121985730e-01, v12;
	v23 =	vpop (erf);
	(erf) = vpow2.f32 v25  }
0x190: {  	v25 =	vadd.f32 v30, v24;
	v22 =	vadd.f32 v23, v22;
	v23 =	vpop (erf);
	(erf) = vpow2.f32 v26  }
0x191: {  	v26 =	vpop (erf);
	(erf) = vpow2.f32 v17  }
0x192: {  	v27 =	vpop (erf)  }
0x193: {  	v28 =	vpop (erf)  }
0x194: {  	v29 =	vpop (erf)  }
0x195: {  	v30 =	vpop (erf)  }
0x196: {  	v17 =	vmul.f32 v14, v18;
	v14 =	vmul.f32 v24, v18;
	v24 =	vpop (erf)  }
0x197: {  	v19 =	vadd.f32 v19, v25;
	v25 =	vpop (erf)  }
0x198: {  	v45 =	vxor.u32 v1, v9;
	v9 =	vor.u32 v0, v9;
	v10 =	vxor.u32 $0x100, v10;
	v33 =	vpop (erf)  }
0x199: {  	v27 =	vadd.f32 v27, v20;
	v23 =	vadd.f32 v23, v28;
	v20 =	vmul.f32 v19, v18;
	v18 =	vpop (erf)  }
0x19a: {  	v32 =	vand.u32 $0x7FFFFF, v14;
	v19 =	vadd.f32 v24, v30;
	v24 =	vadd.f32 v25, v29;
	v25 =	vpop (erf)  }
0x19b: {  	[tilespmem:$0x19A00] =	vst v22;
	v43 =	vor.u32 $0x3F800000, v32;
	v18 =	vadd.f32 v33, v18;
	v25 =	vadd.f32 v25, v26  }
0x19c: {  	[tilespmem:$0x19D00] =	vst v27;
	v44 =	vand.u32 $0x7FFFFF, v20;
	v22 =	vadd.f32 v23, v22;
	v27 =	vadd.f32 v24, v27  }
0x19d: {  	[tilespmem:$0x19A80] =	vst v23;
	v26 =	vor.u32 $0x3F800000, v44;
	v13 =	vadd.f32 v18, v13;
	v23 =	vadd.f32 v19, v25  }
0x19e: {  	v31 =	vand.u32 $0x7FFFFF, v17;
	v46 =	vadd.f32 $1.000000000e+00, v43;
	[tilespmem:$0x19B80] =	vst v19;
	v47 =	vadd.f32 $1.000000000e+00, v26  }
0x19f: {  	v31 =	vor.u32 $0x3F800000, v31;
	[tilespmem:$0x19D80] =	vst v24;
	v13 =	vadd.f32 v27, v13;
	v19 =	vadd.f32 v23, v22  }
0x1a0: {  	(erf) = vrcp.f32 v46;
	[tilespmem:$0x19C80] =	vst v18;
	v22 =	vadd.f32 $1.000000000e+00, v31;
	v23 =	vor.u32 v0, v10  }
0x1a1: {  	[tilespmem:$0x19B00] =	vst v25;
	(erf) = vrcp.f32 v47;
	v13 =	vadd.f32 v13, v19  }
0x1a2: {  	v18 =	vld.idx.msk [tilespmem:v45+s24+$0x0], $0xffff;
	v10 =	vor.u32 v1, v10;
	(erf) = vrcp.f32 v22  }
0x1a3: {  	v9 =	vld.idx.msk [tilespmem:v9+s24+$0x0], $0xffff;
	(erf) = vrcp.f32 v13;
	_ =	sdelay $0x1  }
0x1a4: {  	v13 =	vld.idx.msk [tilespmem:v23+s24+$0x0], $0xffff;
	_ =	sdelay $0x1  }
0x1a5: {  	v10 =	vld.idx.msk [tilespmem:v10+s24+$0x0], $0xffff  }
0x1a6: {  	v18 =	vadd.f32 v18, v9  }
0x1a7: {  	v24 =	vpop (erf)  }
0x1a8: {  	v25 =	vpop (erf);
	v13 =	vadd.f32 v13, v18  }
0x1a9: {  	v27 =	vpop (erf)  }
0x1aa: {  	v13 =	vadd.f32 v10, v13;
	v19 =	vpop (erf)  }
0x1ab: {  	v10 =	vmul.f32 v18, v19  }
0x1ac: {  	v13 =	vmul.f32 v13, v19  }
0x1ad: {  	v9 =	vmul.f32 v9, v19;
	v18 =	vand.u32 $0x7FFFFF, v10  }
0x1ae: {  	v19 =	vand.u32 $0x7FFFFF, v13;
	v18 =	vor.u32 $0x3F800000, v18  }
0x1af: {  	v22 =	vand.u32 $0x7FFFFF, v9;
	v48 =	vor.u32 $0x3F800000, v19;
	v23 =	vadd.f32 $1.000000000e+00, v18  }
0x1b0: {  	v22 =	vor.u32 $0x3F800000, v22;
	v19 =	vadd.f32 $1.000000000e+00, v48  }
0x1b1: {  	(erf) = vrcp.f32 v23;
	v23 =	vadd.f32 $1.000000000e+00, v22  }
0x1b2: {  	(erf) = vrcp.f32 v19  }
0x1b3: {  	(erf) = vrcp.f32 v23;
	_ =	sdelay $0x6  }
0x1b4: {  	v19 =	vpop (erf)  }
0x1b5: {  	v49 =	vpop (erf)  }
0x1b6: {  	v23 =	vpop (erf)  }
0x1b7: {  	_ =	swait.ge [sflag:s20], $0xC000  }
0x1b8: {  	s0 =	simm.s32 $0x0;
	[sflag:s20] =	ssyncset.done $0x0  }
0x1b9: {  	s1 =	smul.u32 $0xAB, s0;
	[sflag:s20] =	ssyncadd.s32 $0xFFFF4000  }
0x1ba: {  	_ =	swait.ge [sflag:s21], $0xC00  }
0x1bb: {  	s3 =	sshrl.u32 s1, $0xC;
	[sflag:s21] =	ssyncset.done $0x0  }
0x1bc: {  	s3 =	sand.u32 $0xF, s3;
	[sflag:s21] =	ssyncadd.s32 $0xFFFFF400  }
0x1bd: {  	[tilespmem:s22], [sflag:$0x2] =	stream.strided.gather [hbm4b:s9+s17], $0xC000, s18, s17, $0x38;
	[tilespmem:$0x19E00] =	vst v63  }
0x1be: {  	s28 =	smul.u32 $0x18, s3  }
0x1bf: {  	v21 =	vadd.f32 $5.770780440e-01, v21;
	[tilespmem:s23], [sflag:$0x4] =	stream.linear.gather [hbm4b:s10+s0], $0xC00, $0x38;
	[tilespmem:$0x19E00] =	vst v63  }
0x1c0: {  	s0 =	sshrl.u32 s3, $0x3;
	s3 =	ssub.s32 $0x0, s28  }
0x1c1: {  	v21 =	vmul.f32 v21, v12;
	s0 =	smul.u32 $0xC00, s0;
	s28 =	sshll.u32 s3, $0x7  }
0x1c2: {  	s1 =	sshrl.u32 s1, $0x5;
	s28 =	sand.u32 $0xC00, s28  }
0x1c3: {  	v21 =	vadd.f32 $9.617967000e-01, v21;
	s1 =	sand.u32 $0x380, s1;
	s3 =	sshll.u32 s3, $0x4;
	s0 =	sadd.s32 s28, s0  }
0x1c4: {  	s3 =	sand.u32 $0x70, s3;
	s0 =	sor.u32 s1, s0  }
0x1c5: {  	v11 =	vmul.f32 v16, v11;
	v12 =	vmul.f32 v21, v12;
	s1 =	sor.u32 s3, s0  }
0x1c6: {  	v16 =	vadd.f32 $-1.000000000e+00, v26;
	v21 =	vld [tilespmem:s1+$0x6C00]  }
0x1c7: {  	v11 =	vadd.f32 $2.885390040e+00, v11;
	v12 =	vadd.f32 $2.885390040e+00, v12;
	v26 =	vld [tilespmem:s1+$0x6000]  }
0x1c8: {  	v28 =	vadd.f32 $-1.000000000e+00, v43;
	v16 =	vmul.f32 v25, v16;
	v25 =	vld [tilespmem:s1+$0x9000]  }
0x1c9: {  	v11 =	vmul.f32 v11, v8;
	v50 =	vmul.f32 v12, v7;
	v7 =	vadd.f32 $-1.000000000e+00, v31;
	v51 =	vld [tilespmem:s1+$0x0]  }
0x1ca: {  	v8 =	vmul.f32 v24, v28;
	v24 =	vmul.f32 v16, v16;
	v52 =	vld [tilespmem:s1+$0xC00]  }
0x1cb: {  	v12 =	vmul.f32 v27, v7;
	v27 =	vld [tilespmem:s1+$0x2400];
	v7 =	vmul.f32 $1.442695020e+00, v21  }
0x1cc: {  	v56 =	vld [tilespmem:s1+$0x8400];
	v21 =	vmul.f32 $4.121985730e-01, v24;
	v26 =	vmul.f32 $1.442695020e+00, v26  }
0x1cd: {  	(erf) = vpow2.f32 v7;
	v7 =	vmul.f32 $1.442695020e+00, v25;
	v25 =	vld [tilespmem:s1+$0x3000]  }
0x1ce: {  	v53 =	vld [tilespmem:s1+$0x9C00];
	v31 =	vmul.f32 $1.442695020e+00, v51;
	(erf) = vpow2.f32 v26  }
0x1cf: {  	v55 =	vld [tilespmem:s1+$0xA800];
	(erf) = vpow2.f32 v7;
	v7 =	vmul.f32 $1.442695020e+00, v52  }
0x1d0: {  	v54 =	vmul.f32 v12, v12;
	v26 =	vld [tilespmem:s1+$0x1800];
	(erf) = vpow2.f32 v31  }
0x1d1: {  	v34 =	vld [tilespmem:s1+$0x4800];
	v21 =	vadd.f32 $5.770780440e-01, v21;
	(erf) = vpow2.f32 v7;
	v7 =	vmul.f32 $1.442695020e+00, v27  }
0x1d2: {  	v33 =	vmul.f32 $1.442695020e+00, v56;
	v25 =	vmul.f32 $1.442695020e+00, v25  }
0x1d3: {  	v15 =	vmax.f32 v15, $-2.325349620e+01;
	v21 =	vmul.f32 v21, v24;
	v27 =	vld [tilespmem:s1+$0x5400];
	(erf) = vpow2.f32 v7  }
0x1d4: {  	v14 =	vshra.s32 v14, $0x17;
	v7 =	vmul.f32 $1.442695020e+00, v53;
	(erf) = vpow2.f32 v25;
	v25 =	vld [tilespmem:s1+$0xB400]  }
0x1d5: {  	v14 =	vadd.s32 $0xFFFFFF81, v14;
	v31 =	vmul.f32 $1.442695020e+00, v55;
	v26 =	vmul.f32 $1.442695020e+00, v26  }
0x1d6: {  	(erf) = vpow2.f32 v7;
	v7 =	vadd.f32 v15, v4;
	v4 =	vmul.f32 $1.442695020e+00, v34;
	v15 =	vld [tilespmem:s1+$0x7800]  }
0x1d7: {  	v6 =	vadd.f32 v6, v11;
	(erf) = vpow2.f32 v26;
	v26 =	vmul.f32 $4.121985730e-01, v54  }
0x1d8: {  	v11 =	vadd.f32 v5, v50;
	v27 =	vmul.f32 $1.442695020e+00, v27;
	(erf) = vpow2.f32 v31  }
0x1d9: {  	v21 =	vadd.f32 $9.617967000e-01, v21;
	(erf) = vpow2.f32 v4;
	v25 =	vmul.f32 $1.442695020e+00, v25  }
0x1da: {  	v57 =	vld [tilespmem:s1+$0x3C00];
	v4 =	vshra.s32 v17, $0x17;
	v17 =	vmul.f32 v8, v8;
	(erf) = vpow2.f32 v27  }
0x1db: {  	v58 =	vpop (erf);
	v5 =	vmul.f32 $1.442695020e+00, v15;
	v15 =	vadd.f32 $5.770780440e-01, v26;
	(erf) = vpow2.f32 v25  }
0x1dc: {  	v20 =	vshra.s32 v20, $0x17;
	v27 =	vpop (erf);
	v25 =	vmul.f32 $4.121985730e-01, v17;
	(erf) = vpow2.f32 v33  }
0x1dd: {  	v35 =	vadd.s32 $0xFFFFFF81, v4;
	v26 =	vpop (erf);
	v4 =	vmul.f32 v15, v54;
	v15 =	vmul.f32 v21, v24  }
0x1de: {  	v59 =	vpop (erf);
	v21 =	vadd.f32 $-1.000000000e+00, v48;
	(erf) = vpow2.f32 v5;
	v5 =	vadd.f32 $5.770780440e-01, v25  }
0x1df: {  	v14 =	vcvt.s32.f32 v14;
	v20 =	vadd.s32 $0xFFFFFF81, v20;
	v31 =	vmul.f32 $1.442695020e+00, v57;
	v60 =	vpop (erf)  }
0x1e0: {  	v24 =	vpop (erf);
	v61 =	vmul.f32 v5, v17;
	v5 =	vmax.f32 v6, $-2.325349620e+01;
	v6 =	vadd.f32 $2.885390040e+00, v15  }
0x1e1: {  	s3 =	simm.s32 $0x1;
	(erf) = vpow2.f32 v31;
	v4 =	vadd.f32 $9.617967000e-01, v4;
	v25 =	vpop (erf);
	v15 =	vmul.f32 v49, v21  }
0x1e2: {  	v18 =	vadd.f32 $-1.000000000e+00, v18;
	s0 =	smul.u32 $0xAB, s3;
	v21 =	vpop (erf);
	v16 =	vmul.f32 v6, v16;
	v6 =	vadd.f32 $-1.000000000e+00, v22  }
0x1e3: {  	v5 =	vadd.f32 v5, v3;
	v3 =	vmul.f32 v4, v54;
	v62 =	vpop (erf);
	v22 =	vmul.f32 v15, v15  }
0x1e4: {  	v20 =	vcvt.s32.f32 v20;
	s28 =	sshrl.u32 s0, $0xC;
	v27 =	vadd.f32 v58, v27;
	v4 =	vadd.f32 $9.617967000e-01, v61;
	v63 =	vpop (erf)  }
0x1e5: {  	s28 =	sand.u32 $0xF, s28;
	v32 =	vadd.f32 v60, v59;
	v36 =	vadd.f32 $2.885390040e+00, v3;
	v37 =	vpop (erf);
	v3 =	vmul.f32 $4.121985730e-01, v22  }
0x1e6: {  	s3 =	smul.u32 $0x18, s28;
	v21 =	vadd.f32 v21, v26;
	v17 =	vmul.f32 v4, v17;
	v4 =	vmul.f32 v23, v6;
	v23 =	vld [tilespmem:s1+$0x18000];
	[tilespmem:$0x19C00] =	vst v27;
	v6 =	vpop (erf)  }
0x1e7: {  	v11 =	vmax.f32 v11, $-2.325349620e+01;
	v24 =	vadd.f32 v24, v62;
	[tilespmem:$0x19A00] =	vst v32;
	v38 =	vadd.f32 $5.770780440e-01, v3;
	v26 =	vpop (erf)  }
0x1e8: {  	s3 =	ssub.s32 $0x1, s3;
	s1 =	sshrl.u32 s28, $0x3;
	[tilespmem:$0x19D00] =	vst v21;
	v3 =	vmul.f32 v19, v18;
	v18 =	vmul.f32 v4, v4;
	v19 =	vadd.f32 v6, v37;
	v39 =	vpop (erf)  }
0x1e9: {  	v10 =	vshra.s32 v10, $0x17;
	s28 =	sshll.u32 s3, $0x7;
	[tilespmem:$0x19A80] =	vst v24;
	s1 =	smul.u32 $0xC00, s1;
	v40 =	vmul.f32 v38, v22;
	v26 =	vadd.f32 v26, v63;
	v6 =	vpop (erf)  }
0x1ea: {  	v9 =	vshra.s32 v9, $0x17;
	s0 =	sshrl.u32 s0, $0x5;
	s3 =	sshll.u32 s3, $0x4;
	s28 =	sand.u32 $0xC00, s28;
	v43 =	vmul.f32 $4.121985730e-01, v18;
	[tilespmem:$0x19B80] =	vst v19;
	v41 =	vpop (erf);
	v28 =	vadd.f32 v39, v6  }
0x1eb: {  	v9 =	vadd.s32 $0xFFFFFF81, v9;
	s0 =	sand.u32 $0x380, s0;
	s3 =	sand.u32 $0x70, s3;
	s1 =	sadd.s32 s28, s1;
	v31 =	vadd.f32 $9.617967000e-01, v40;
	[tilespmem:$0x19D80] =	vst v26;
	v25 =	vadd.f32 v41, v25  }
0x1ec: {  	v17 =	vadd.f32 $2.885390040e+00, v17;
	s0 =	sor.u32 s0, s1;
	v6 =	vshra.s32 v13, $0x17;
	v13 =	vadd.f32 $5.770780440e-01, v43;
	[tilespmem:$0x19C80] =	vst v28  }
0x1ed: {  	v9 =	vcvt.s32.f32 v9;
	s31 =	sor.u32 s3, s0;
	v44 =	vadd.s32 $0xFFFFFF81, v6;
	v6 =	vmul.f32 v31, v22;
	[tilespmem:$0x19B00] =	vst v25  }
0x1ee: {  	v10 =	vadd.s32 $0xFFFFFF81, v10;
	v8 =	vmul.f32 v17, v8;
	v13 =	vmul.f32 v13, v18;
	v17 =	vld [tilespmem:s31+$0xB400]  }
0x1ef: {  	v42 =	vcvt.s32.f32 v35;
	v16 =	vadd.f32 v20, v16;
	v45 =	vadd.f32 $2.885390040e+00, v6;
	v47 =	vld [tilespmem:s31+$0xA800]  }
0x1f0: {  	v6 =	vcvt.s32.f32 v10;
	v10 =	vadd.f32 $9.617967000e-01, v13;
	v13 =	vadd.f32 v24, v32;
	v24 =	vld [tilespmem:s31+$0x6C00]  }
0x1f1: {  	v21 =	vadd.f32 v26, v21;
	v22 =	vmul.f32 v3, v3;
	v27 =	vadd.f32 v28, v27;
	v26 =	vld [tilespmem:s31+$0x4800]  }
0x1f2: {  	v12 =	vmul.f32 v36, v12;
	v23 =	vshll.u32 v23, $0x6;
	v19 =	vadd.f32 v19, v25;
	v25 =	vld [tilespmem:s31+$0x6000]  }
0x1f3: {  	v29 =	vcvt.s32.f32 v44;
	v46 =	vmul.f32 $4.121985730e-01, v22;
	v20 =	vld [tilespmem:s31+$0x9000];
	v21 =	vadd.f32 v21, v27  }
0x1f4: {  	v27 =	vand.u32 $0xFFFFFF80, v23;
	v23 =	vand.u32 $0xFFFFFF00, v23;
	v49 =	vld [tilespmem:s31+$0x2400];
	v13 =	vadd.f32 v19, v13  }
0x1f5: {  	v31 =	vadd.f32 $5.770780440e-01, v46;
	v10 =	vmul.f32 v10, v18;
	v19 =	vld [tilespmem:s31+$0x0];
	v24 =	vmul.f32 $1.442695020e+00, v24  }
0x1f6: {  	v48 =	vld [tilespmem:s31+$0xC00];
	v13 =	vadd.f32 v21, v13;
	v21 =	vxor.u32 $0x100, v23;
	v23 =	vxor.u32 v1, v27  }
0x1f7: {  	v50 =	vld [tilespmem:s31+$0x3000];
	v25 =	vmul.f32 $1.442695020e+00, v25;
	(erf) = vpow2.f32 v24;
	v24 =	vor.u32 v0, v21  }
0x1f8: {  	v18 =	vmul.f32 v31, v22;
	v27 =	vor.u32 v0, v27;
	(erf) = vrcp.f32 v13;
	v13 =	vld [tilespmem:s31+$0x9C00]  }
0x1f9: {  	v2 =	vadd.f32 v11, v2;
	v20 =	vmul.f32 $1.442695020e+00, v20;
	(erf) = vpow2.f32 v25;
	v25 =	vld [tilespmem:s31+$0x1800]  }
0x1fa: {  	v16 =	vmax.f32 v16, $-2.325349620e+01;
	v11 =	vld [tilespmem:s31+$0x5400];
	v51 =	vmul.f32 $1.442695020e+00, v49;
	v19 =	vmul.f32 $1.442695020e+00, v19  }
0x1fb: {  	v7 =	vadd.f32 v16, v7;
	v23 =	vld.idx.msk [tilespmem:v23+s24+$0x0], $0xffff;
	(erf) = vpow2.f32 v20;
	v20 =	vmul.f32 $1.442695020e+00, v48  }
0x1fc: {  	(erf) = vpow2.f32 v19;
	v19 =	vor.u32 v1, v21;
	v21 =	vld.idx.msk [tilespmem:v24+s24+$0x0], $0xffff;
	v24 =	vmul.f32 $1.442695020e+00, v50  }
0x1fd: {  	v12 =	vadd.f32 v42, v12;
	v16 =	vld.idx.msk [tilespmem:v27+s24+$0x0], $0xffff;
	(erf) = vpow2.f32 v20;
	v13 =	vmul.f32 $1.442695020e+00, v13  }
0x1fe: {  	v20 =	vld [tilespmem:s31+$0x8400];
	(erf) = vpow2.f32 v51;
	v25 =	vmul.f32 $1.442695020e+00, v25  }
0x1ff: {  	v12 =	vmax.f32 v12, $-2.325349620e+01;
	(erf) = vpow2.f32 v24;
	v24 =	vmul.f32 $1.442695020e+00, v47  }
0x200: {  	v8 =	vadd.f32 v14, v8;
	v26 =	vmul.f32 $1.442695020e+00, v26;
	v27 =	vld [tilespmem:s31+$0x7800];
	(erf) = vpow2.f32 v13  }
0x201: {  	v5 =	vadd.f32 v12, v5;
	v11 =	vmul.f32 $1.442695020e+00, v11;
	v13 =	vld [tilespmem:s31+$0x3C00];
	v52 =	vpop (erf);
	(erf) = vpow2.f32 v25  }
0x202: {  	v8 =	vmax.f32 v8, $-2.325349620e+01;
	v17 =	vmul.f32 $1.442695020e+00, v17;
	(erf) = vpow2.f32 v24;
	v25 =	vpop (erf)  }
0x203: {  	v23 =	vadd.f32 v23, v16;
	v19 =	vld.idx.msk [tilespmem:v19+s24+$0x0], $0xffff;
	v20 =	vmul.f32 $1.442695020e+00, v20;
	(erf) = vpow2.f32 v26;
	v24 =	vpop (erf)  }
0x204: {  	v15 =	vmul.f32 v45, v15;
	v18 =	vadd.f32 $9.617967000e-01, v18;
	(erf) = vpow2.f32 v11;
	v26 =	vpop (erf)  }
0x205: {  	v11 =	vmul.f32 $1.442695020e+00, v27;
	v27 =	vpop (erf);
	(erf) = vpow2.f32 v17;
	v17 =	vadd.f32 v21, v23  }
0x206: {  	v2 =	vadd.f32 v8, v2;
	v13 =	vmul.f32 $1.442695020e+00, v13;
	v14 =	vpop (erf);
	(erf) = vpow2.f32 v20  }
0x207: {  	v10 =	vadd.f32 $2.885390040e+00, v10;
	v18 =	vmul.f32 v18, v22;
	v20 =	vpop (erf);
	(erf) = vpow2.f32 v11  }
0x208: {  	s1 =	simm.s32 $0x2;
	v15 =	vadd.f32 v29, v15;
	v11 =	vadd.f32 v19, v17;
	v12 =	vpop (erf);
	(erf) = vpow2.f32 v13  }
0x209: {  	s0 =	smul.u32 $0xAB, s1;
	v4 =	vmul.f32 v10, v4;
	v18 =	vadd.f32 $2.885390040e+00, v18;
	v13 =	vmul.f32 v23, v25;
	v17 =	vpop (erf)  }
0x20a: {  	v16 =	vmul.f32 v16, v25;
	v22 =	vadd.f32 v52, v24;
	v11 =	vmul.f32 v11, v25;
	v19 =	vpop (erf)  }
0x20b: {  	s3 =	sshrl.u32 s0, $0xC;
	v14 =	vadd.f32 v14, v27;
	v21 =	vand.u32 $0x7FFFFF, v13;
	v17 =	vadd.f32 v17, v26;
	v23 =	vpop (erf)  }
0x20c: {  	s1 =	sand.u32 $0xF, s3;
	v26 =	vand.u32 $0x7FFFFF, v16;
	v21 =	vor.u32 $0x3F800000, v21;
	v24 =	vand.u32 $0x7FFFFF, v11;
	v25 =	vpop (erf)  }
0x20d: {  	s28 =	smul.u32 $0x18, s1;
	v10 =	vld [tilespmem:s31+$0x18000];
	v9 =	vadd.f32 v9, v4;
	[tilespmem:$0x19C00] =	vst v22;
	v53 =	vadd.f32 $1.000000000e+00, v21;
	v24 =	vor.u32 $0x3F800000, v24;
	v27 =	vpop (erf)  }
0x20e: {  	v3 =	vmul.f32 v18, v3;
	[tilespmem:$0x19A00] =	vst v14;
	v19 =	vadd.f32 v20, v19;
	v54 =	vadd.f32 $1.000000000e+00, v24;
	v55 =	vpop (erf)  }
0x20f: {  	s1 =	sshrl.u32 s1, $0x3;
	s3 =	ssub.s32 $0x2, s28;
	v20 =	vor.u32 $0x3F800000, v26;
	[tilespmem:$0x19D00] =	vst v17;
	(erf) = vrcp.f32 v53;
	v18 =	vadd.f32 v27, v25;
	v26 =	vpop (erf)  }
0x210: {  	s1 =	smul.u32 $0xC00, s1;
	s28 =	sshll.u32 s3, $0x7;
	v3 =	vadd.f32 v6, v3;
	[tilespmem:$0x19A80] =	vst v19;
	(erf) = vrcp.f32 v54;
	v23 =	vadd.f32 v55, v23;
	v25 =	vpop (erf)  }
0x211: {  	s0 =	sshrl.u32 s0, $0x5;
	s28 =	sand.u32 $0xC00, s28;
	v27 =	vadd.f32 $1.000000000e+00, v20;
	[tilespmem:$0x19B80] =	vst v18;
	v4 =	vpop (erf);
	v8 =	vadd.f32 v26, v25  }
0x212: {  	s0 =	sand.u32 $0x380, s0;
	s3 =	sshll.u32 s3, $0x4;
	s1 =	sadd.s32 s28, s1;
	v16 =	vshra.s32 v16, $0x17;
	[tilespmem:$0x19D80] =	vst v23;
	v6 =	vadd.f32 v4, v12;
	v4 =	vmax.f32 v15, $-2.325349620e+01  }
0x213: {  	s3 =	sand.u32 $0x70, s3;
	s0 =	sor.u32 s0, s1;
	v13 =	vshra.s32 v13, $0x17;
	(erf) = vrcp.f32 v27;
	v4 =	vadd.f32 v4, v7;
	[tilespmem:$0x19C80] =	vst v8  }
0x214: {  	s1 =	sor.u32 s3, s0;
	v7 =	vmax.f32 v9, $-2.325349620e+01;
	v9 =	vmax.f32 v3, $-2.325349620e+01;
	v8 =	vadd.f32 v8, v22;
	[tilespmem:$0x19B00] =	vst v6  }
0x215: {  	v3 =	vadd.f32 v7, v5;
	v2 =	vadd.f32 v9, v2;
	v5 =	vshra.s32 v11, $0x17;
	v15 =	vld [tilespmem:s1+$0x6C00]  }
0x216: {  	v9 =	vshll.u32 v10, $0x6;
	v10 =	vadd.f32 v19, v14;
	v11 =	vadd.f32 v23, v17;
	v17 =	vld [tilespmem:s1+$0xB400]  }
0x217: {  	v16 =	vadd.s32 $0xFFFFFF81, v16;
	v7 =	vadd.f32 $-1.000000000e+00, v24;
	v18 =	vadd.f32 v18, v6;
	v22 =	vld [tilespmem:s1+$0x6000]  }
0x218: {  	v19 =	vadd.f32 $-1.000000000e+00, v21;
	v6 =	vcvt.s32.f32 v16;
	v14 =	vadd.s32 $0xFFFFFF81, v5;
	v26 =	vld [tilespmem:s1+$0x5400];
	v5 =	vpop (erf)  }
0x219: {  	v57 =	vld [tilespmem:s1+$0x1800];
	v24 =	vadd.f32 v11, v8;
	v10 =	vadd.f32 v18, v10;
	v25 =	vcvt.s32.f32 v14;
	v21 =	vpop (erf)  }
0x21a: {  	v13 =	vadd.s32 $0xFFFFFF81, v13;
	v12 =	vld [tilespmem:s1+$0x18000];
	v21 =	vmul.f32 v21, v7;
	v7 =	vmul.f32 v5, v19  }
0x21b: {  	v10 =	vadd.f32 v24, v10;
	v5 =	vcvt.s32.f32 v13;
	v19 =	vld [tilespmem:s1+$0x9000];
	v15 =	vmul.f32 $1.442695020e+00, v15  }
0x21c: {  	v24 =	vld [tilespmem:s1+$0x2400];
	v13 =	vadd.f32 $-1.000000000e+00, v20;
	v22 =	vmul.f32 $1.442695020e+00, v22;
	v27 =	vmul.f32 $1.442695020e+00, v17  }
0x21d: {  	v20 =	vld [tilespmem:s1+$0xA800];
	v16 =	vpop (erf);
	v26 =	vmul.f32 $1.442695020e+00, v26;
	v23 =	vmul.f32 v21, v21  }
0x21e: {  	v29 =	vmul.f32 $1.442695020e+00, v57;
	v8 =	vmul.f32 v16, v13;
	v13 =	vld [tilespmem:s1+$0x0]  }
0x21f: {  	v18 =	vand.u32 $0xFFFFFF80, v9;
	v17 =	vld [tilespmem:s1+$0x3000];
	(erf) = vpow2.f32 v15;
	v14 =	vmul.f32 $4.121985730e-01, v23  }
0x220: {  	v9 =	vand.u32 $0xFFFFFF00, v9;
	v11 =	vmul.f32 v8, v8;
	v15 =	vmul.f32 $1.442695020e+00, v19;
	v19 =	vld [tilespmem:s1+$0xC00]  }
0x221: {  	v59 =	vxor.u32 $0x100, v9;
	v16 =	vld [tilespmem:s1+$0x9C00];
	(erf) = vrcp.f32 v10;
	v9 =	vmul.f32 $1.442695020e+00, v24  }
0x222: {  	v20 =	vmul.f32 $1.442695020e+00, v20;
	(erf) = vpow2.f32 v22;
	v14 =	vadd.f32 $5.770780440e-01, v14  }
0x223: {  	v56 =	vxor.u32 v1, v18;
	v58 =	vmul.f32 $4.121985730e-01, v11;
	v10 =	vmul.f32 $1.442695020e+00, v13;
	v13 =	vld [tilespmem:s1+$0x4800]  }
0x224: {  	v18 =	vor.u32 v0, v18;
	v17 =	vmul.f32 $1.442695020e+00, v17;
	(erf) = vpow2.f32 v15  }
0x225: {  	v31 =	vor.u32 v1, v59;
	v14 =	vmul.f32 v14, v23;
	v15 =	vmul.f32 $1.442695020e+00, v19  }
0x226: {  	v60 =	vld [tilespmem:s1+$0x8400];
	v12 =	vshll.u32 v12, $0x6;
	v16 =	vmul.f32 $1.442695020e+00, v16;
	(erf) = vpow2.f32 v10  }
0x227: {  	v22 =	vld [tilespmem:s1+$0x3C00];
	v19 =	vor.u32 v0, v59;
	v10 =	vadd.f32 $9.617967000e-01, v14;
	(erf) = vpow2.f32 v15  }
0x228: {  	v61 =	vld [tilespmem:s1+$0x7800];
	v13 =	vmul.f32 $1.442695020e+00, v13;
	v15 =	vadd.f32 $5.770780440e-01, v58;
	(erf) = vpow2.f32 v9  }
0x229: {  	v24 =	vld.idx.msk [tilespmem:v56+s24+$0x0], $0xffff;
	v23 =	vmul.f32 v10, v23;
	v10 =	vand.u32 $0xFFFFFF00, v12;
	(erf) = vpow2.f32 v17  }
0x22a: {  	v14 =	vld.idx.msk [tilespmem:v18+s24+$0x0], $0xffff;
	v9 =	vand.u32 $0xFFFFFF80, v12;
	v12 =	vmul.f32 v7, v7;
	(erf) = vpow2.f32 v16  }
0x22b: {  	v62 =	vpop (erf);
	v15 =	vmul.f32 v15, v11;
	(erf) = vpow2.f32 v29  }
0x22c: {  	v18 =	vpop (erf);
	v17 =	vmul.f32 $1.442695020e+00, v22;
	v63 =	vld.idx.msk [tilespmem:v19+s24+$0x0], $0xffff;
	v19 =	vadd.f32 $2.885390040e+00, v23;
	(erf) = vpow2.f32 v20  }
0x22d: {  	v22 =	vmul.f32 $1.442695020e+00, v60;
	v16 =	vadd.f32 $9.617967000e-01, v15;
	v20 =	vpop (erf);
	(erf) = vpow2.f32 v13  }
0x22e: {  	v15 =	vmul.f32 v19, v21;
	v13 =	vadd.f32 v62, v20;
	v20 =	vpop (erf);
	(erf) = vpow2.f32 v26  }
0x22f: {  	v24 =	vadd.f32 v24, v14;
	v19 =	vld.idx.msk [tilespmem:v31+s24+$0x0], $0xffff;
	v26 =	vmul.f32 $1.442695020e+00, v61;
	v23 =	vpop (erf);
	(erf) = vpow2.f32 v27  }
0x230: {  	v21 =	vmul.f32 $4.121985730e-01, v12;
	v15 =	vadd.f32 v25, v15;
	v25 =	vpop (erf);
	(erf) = vpow2.f32 v22  }
0x231: {  	s31 =	simm.s32 $0x3;
	[tilespmem:$0x19C00] =	vst v13;
	v22 =	vadd.f32 v25, v23;
	v23 =	vpop (erf);
	(erf) = vpow2.f32 v26;
	v25 =	vadd.f32 v63, v24  }
.LBB2_6:
0x232: {  	s0 =	smul.u32 $0xAB, s31  }
0x233: {  	p0 =	sne.s32 s31, $0xBF;
	v26 =	vpop (erf);
	(erf) = vpow2.f32 v17;
	v14 =	vmul.f32 v14, v18;
	v15 =	vmax.f32 v15, $-2.325349620e+01;
	s1 =	smov.u32 s31;
	s31 =	sadd.s32 $0x1, s31  }
0x234: {  	v24 =	vmul.f32 v24, v18;
	[tilespmem:$0x19A00] =	vst v22;
	v17 =	vpop (erf);
	v19 =	vadd.f32 v19, v25;
	v4 =	vadd.f32 v15, v4  }
0x235: {  	v11 =	vmul.f32 v16, v11;
	s3 =	sshrl.u32 s0, $0xC;
	s0 =	sshrl.u32 s0, $0x5;
	v15 =	vadd.f32 v17, v20;
	v17 =	vpop (erf);
	v20 =	vand.u32 $0x7FFFFF, v14  }
0x236: {  	s3 =	sand.u32 $0xF, s3;
	v16 =	vadd.f32 v23, v17;
	v17 =	vpop (erf);
	v18 =	vmul.f32 v19, v18;
	v19 =	vand.u32 $0x7FFFFF, v24  }
0x237: {  	v21 =	vadd.f32 $5.770780440e-01, v21;
	v20 =	vor.u32 $0x3F800000, v20;
	s28 =	smul.u32 $0x18, s3;
	s3 =	sshrl.u32 s3, $0x3;
	[tilespmem:$0x19D00] =	vst v15;
	v23 =	vpop (erf);
	v19 =	vor.u32 $0x3F800000, v19  }
0x238: {  	[tilespmem:$0x19A80] =	vst v16;
	v16 =	vadd.f32 v16, v22;
	v22 =	vpop (erf);
	v25 =	vand.u32 $0x7FFFFF, v18;
	v29 =	vadd.f32 $1.000000000e+00, v19  }
0x239: {  	v21 =	vmul.f32 v21, v12;
	s1 =	ssub.s32 s1, s28;
	v22 =	vadd.f32 v22, v23;
	v23 =	vpop (erf);
	v25 =	vor.u32 $0x3F800000, v25  }
0x23a: {  	s3 =	smul.u32 $0xC00, s3;
	s28 =	sshll.u32 s1, $0x4;
	s1 =	sshll.u32 s1, $0x7;
	v30 =	vadd.f32 v23, v17;
	v23 =	vpop (erf);
	v28 =	vadd.f32 $1.000000000e+00, v25;
	(erf) = vrcp.f32 v29  }
0x23b: {  	v21 =	vadd.f32 $9.617967000e-01, v21;
	v18 =	vshra.s32 v18, $0x17;
	v29 =	vadd.f32 $1.000000000e+00, v20;
	s1 =	sand.u32 $0xC00, s1;
	[tilespmem:$0x19B80] =	vst v22;
	v27 =	vpop (erf)  }
0x23c: {  	v11 =	vadd.f32 $2.885390040e+00, v11;
	s0 =	sand.u32 $0x380, s0;
	s1 =	sadd.s32 s1, s3;
	[tilespmem:$0x19D80] =	vst v30;
	v15 =	vadd.f32 v30, v15;
	v17 =	vpop (erf);
	(erf) = vrcp.f32 v28  }
0x23d: {  	v12 =	vmul.f32 v21, v12;
	s3 =	sand.u32 $0x70, s28;
	v23 =	vadd.f32 v23, v27;
	s0 =	sor.u32 s0, s1;
	v17 =	vadd.f32 v17, v26  }
0x23e: {  	v8 =	vmul.f32 v11, v8;
	v18 =	vadd.s32 $0xFFFFFF81, v18;
	s1 =	sor.u32 s3, s0;
	(erf) = vrcp.f32 v29  }
0x23f: {  	v12 =	vadd.f32 $2.885390040e+00, v12;
	v11 =	vadd.f32 v23, v13;
	v13 =	vshra.s32 v14, $0x17;
	[tilespmem:$0x19B00] =	vst v17  }
0x240: {  	v6 =	vadd.f32 v6, v8;
	v14 =	vadd.f32 v22, v17;
	v13 =	vadd.s32 $0xFFFFFF81, v13;
	[tilespmem:$0x19C80] =	vst v23  }
0x241: {  	v7 =	vmul.f32 v12, v7;
	v11 =	vadd.f32 v15, v11;
	v15 =	vshra.s32 v24, $0x17;
	v8 =	vld [tilespmem:s1+$0x18000]  }
0x242: {  	v6 =	vmax.f32 v6, $-2.325349620e+01;
	v14 =	vadd.f32 v14, v16;
	v16 =	vadd.f32 $-1.000000000e+00, v19;
	v12 =	vld [tilespmem:s1+$0xB400]  }
0x243: {  	v3 =	vadd.f32 v6, v3;
	v21 =	vadd.f32 v5, v7;
	v23 =	vadd.s32 $0xFFFFFF81, v15;
	v17 =	vld [tilespmem:s1+$0xA800];
	v19 =	vpop (erf)  }
0x244: {  	v6 =	vadd.f32 $-1.000000000e+00, v25;
	v14 =	vadd.f32 v11, v14;
	v22 =	vld [tilespmem:s1+$0x6C00];
	v7 =	vmul.f32 v19, v16  }
0x245: {  	v5 =	vcvt.s32.f32 v23;
	v11 =	vadd.f32 $-1.000000000e+00, v20;
	v19 =	vmax.f32 v21, $-2.325349620e+01;
	v16 =	vld [tilespmem:s1+$0x4800];
	v15 =	vpop (erf)  }
0x246: {  	v2 =	vadd.f32 v19, v2;
	v20 =	vld [tilespmem:s1+$0x6000];
	v24 =	vshll.u32 v8, $0x6;
	v15 =	vmul.f32 v15, v6  }
0x247: {  	v6 =	vcvt.s32.f32 v13;
	v19 =	vld [tilespmem:s1+$0x9000];
	v21 =	vand.u32 $0xFFFFFF80, v24;
	v23 =	vand.u32 $0xFFFFFF00, v24;
	v8 =	vpop (erf)  }
0x248: {  	v24 =	vxor.u32 $0x100, v10;
	v13 =	vld [tilespmem:s1+$0x9C00];
	v25 =	vmul.f32 v15, v15;
	v8 =	vmul.f32 v8, v11;
	v10 =	vmovc v23  }
0x249: {  	v27 =	vcvt.s32.f32 v18;
	v26 =	vxor.u32 v1, v9;
	v23 =	vld [tilespmem:s1+$0x0];
	v22 =	vmul.f32 $1.442695020e+00, v22  }
0x24a: {  	v28 =	vor.u32 v1, v24;
	v18 =	vld [tilespmem:s1+$0x2400];
	v29 =	vmul.f32 $4.121985730e-01, v25;
	v11 =	vmul.f32 v8, v8  }
0x24b: {  	v30 =	vld [tilespmem:s1+$0x5400];
	v20 =	vmul.f32 $1.442695020e+00, v20;
	(erf) = vpow2.f32 v22;
	v22 =	vor.u32 v0, v24  }
0x24c: {  	v31 =	vmul.f32 $1.442695020e+00, v17;
	v24 =	vld [tilespmem:s1+$0xC00];
	v19 =	vmul.f32 $1.442695020e+00, v19;
	v17 =	vadd.f32 $5.770780440e-01, v29  }
0x24d: {  	v32 =	vmul.f32 $1.442695020e+00, v12;
	v29 =	vld [tilespmem:s1+$0x3000];
	(erf) = vrcp.f32 v14  }
0x24e: {  	v12 =	vmul.f32 $1.442695020e+00, v23;
	v23 =	vld.idx.msk [tilespmem:v26+s24+$0x0], $0xffff;
	v14 =	vmul.f32 v17, v25  }
0x24f: {  	v33 =	vmul.f32 $4.121985730e-01, v11;
	v13 =	vmul.f32 $1.442695020e+00, v13;
	v26 =	vor.u32 v0, v9;
	v9 =	vmovc v21;
	v17 =	vld [tilespmem:s1+$0x1800]  }
0x250: {  	v21 =	vmul.f32 $1.442695020e+00, v30;
	(erf) = vpow2.f32 v20;
	v30 =	vld.idx.msk [tilespmem:v22+s24+$0x0], $0xffff;
	v14 =	vadd.f32 $9.617967000e-01, v14  }
0x251: {  	v18 =	vmul.f32 $1.442695020e+00, v18;
	v20 =	vadd.f32 $5.770780440e-01, v33;
	(erf) = vpow2.f32 v19;
	v19 =	vld.idx.msk [tilespmem:v28+s24+$0x0], $0xffff  }
0x252: {  	v33 =	vmul.f32 $1.442695020e+00, v24;
	v22 =	vld [tilespmem:s1+$0x3C00];
	v28 =	vmul.f32 $1.442695020e+00, v29  }
0x253: {  	v29 =	vmul.f32 $1.442695020e+00, v16;
	(erf) = vpow2.f32 v12  }
0x254: {  	v16 =	vld [tilespmem:s1+$0x8400];
	v12 =	vmul.f32 $1.442695020e+00, v17;
	(erf) = vpow2.f32 v33;
	v24 =	vpop (erf)  }
0x255: {  	v25 =	vmul.f32 v14, v25;
	v33 =	vld [tilespmem:s1+$0x7800];
	(erf) = vpow2.f32 v18  }
0x256: {  	v20 =	vmul.f32 v20, v11;
	(erf) = vpow2.f32 v28;
	v14 =	vld.idx.msk [tilespmem:v26+s24+$0x0], $0xffff;
	v18 =	vpop (erf)  }
0x257: {  	v17 =	vmul.f32 $1.442695020e+00, v22;
	(erf) = vpow2.f32 v13  }
0x258: {  	v22 =	vadd.f32 $2.885390040e+00, v25;
	(erf) = vpow2.f32 v12;
	v12 =	vmul.f32 v7, v7  }
0x259: {  	v25 =	vmul.f32 $1.442695020e+00, v16;
	v13 =	vpop (erf);
	(erf) = vpow2.f32 v31;
	v16 =	vadd.f32 $9.617967000e-01, v20  }
.Ltmp2:
0x25a: {  	v15 =	vmul.f32 v22, v15;
	v13 =	vadd.f32 v24, v13;
	(erf) = vpow2.f32 v29;
	v20 =	vpop (erf);
	(pc) =	sbr.rel @p0 .LBB2_6-.Ltmp2, $4  }
0x25b: {  	v26 =	vmul.f32 $1.442695020e+00, v33;
	(erf) = vpow2.f32 v21  }
0x25c: {  	v24 =	vadd.f32 v23, v14;
	v15 =	vadd.f32 v27, v15;
	[tilespmem:$0x19C00] =	vst v13;
	v22 =	vpop (erf);
	(erf) = vpow2.f32 v32  }
0x25d: {  	v21 =	vmul.f32 $4.121985730e-01, v12;
	v23 =	vpop (erf);
	(erf) = vpow2.f32 v25  }
0x25e: {  	v25 =	vadd.f32 v30, v24;
	v22 =	vadd.f32 v23, v22;
	v23 =	vpop (erf);
	(erf) = vpow2.f32 v26  }
0x25f: {  	v26 =	vpop (erf);
	(erf) = vpow2.f32 v17  }
0x260: {  	v27 =	vpop (erf)  }
0x261: {  	v28 =	vpop (erf)  }
0x262: {  	v29 =	vpop (erf)  }
0x263: {  	v30 =	vpop (erf)  }
0x264: {  	v17 =	vmul.f32 v14, v18;
	v14 =	vmul.f32 v24, v18;
	v24 =	vpop (erf)  }
0x265: {  	v19 =	vadd.f32 v19, v25;
	v25 =	vpop (erf)  }
0x266: {  	v45 =	vxor.u32 v1, v9;
	v9 =	vor.u32 v0, v9;
	v10 =	vxor.u32 $0x100, v10;
	v33 =	vpop (erf)  }
0x267: {  	v27 =	vadd.f32 v27, v20;
	v23 =	vadd.f32 v23, v28;
	v20 =	vmul.f32 v19, v18;
	v18 =	vpop (erf)  }
0x268: {  	v32 =	vand.u32 $0x7FFFFF, v14;
	v19 =	vadd.f32 v24, v30;
	v24 =	vadd.f32 v25, v29;
	v25 =	vpop (erf)  }
0x269: {  	[tilespmem:$0x19A00] =	vst v22;
	v43 =	vor.u32 $0x3F800000, v32;
	v18 =	vadd.f32 v33, v18;
	v25 =	vadd.f32 v25, v26  }
0x26a: {  	[tilespmem:$0x19D00] =	vst v27;
	v44 =	vand.u32 $0x7FFFFF, v20;
	v22 =	vadd.f32 v23, v22;
	v27 =	vadd.f32 v24, v27  }
0x26b: {  	[tilespmem:$0x19A80] =	vst v23;
	v26 =	vor.u32 $0x3F800000, v44;
	v13 =	vadd.f32 v18, v13;
	v23 =	vadd.f32 v19, v25  }
0x26c: {  	v31 =	vand.u32 $0x7FFFFF, v17;
	v46 =	vadd.f32 $1.000000000e+00, v43;
	[tilespmem:$0x19B80] =	vst v19;
	v47 =	vadd.f32 $1.000000000e+00, v26  }
0x26d: {  	v31 =	vor.u32 $0x3F800000, v31;
	[tilespmem:$0x19D80] =	vst v24;
	v13 =	vadd.f32 v27, v13;
	v19 =	vadd.f32 v23, v22  }
0x26e: {  	(erf) = vrcp.f32 v46;
	[tilespmem:$0x19C80] =	vst v18;
	v22 =	vadd.f32 $1.000000000e+00, v31;
	v23 =	vor.u32 v0, v10  }
0x26f: {  	[tilespmem:$0x19B00] =	vst v25;
	(erf) = vrcp.f32 v47;
	v13 =	vadd.f32 v13, v19  }
0x270: {  	v18 =	vld.idx.msk [tilespmem:v45+s24+$0x0], $0xffff;
	v10 =	vor.u32 v1, v10;
	(erf) = vrcp.f32 v22  }
0x271: {  	v9 =	vld.idx.msk [tilespmem:v9+s24+$0x0], $0xffff;
	(erf) = vrcp.f32 v13;
	_ =	sdelay $0x1  }
0x272: {  	v13 =	vld.idx.msk [tilespmem:v23+s24+$0x0], $0xffff;
	_ =	sdelay $0x1  }
0x273: {  	v10 =	vld.idx.msk [tilespmem:v10+s24+$0x0], $0xffff  }
0x274: {  	v18 =	vadd.f32 v18, v9  }
0x275: {  	v24 =	vpop (erf)  }
0x276: {  	v25 =	vpop (erf);
	v13 =	vadd.f32 v13, v18  }
0x277: {  	v27 =	vpop (erf)  }
0x278: {  	v13 =	vadd.f32 v10, v13;
	v19 =	vpop (erf)  }
0x279: {  	v10 =	vmul.f32 v18, v19  }
0x27a: {  	v13 =	vmul.f32 v13, v19  }
0x27b: {  	v9 =	vmul.f32 v9, v19;
	v18 =	vand.u32 $0x7FFFFF, v10  }
0x27c: {  	v19 =	vand.u32 $0x7FFFFF, v13;
	v18 =	vor.u32 $0x3F800000, v18  }
0x27d: {  	v22 =	vand.u32 $0x7FFFFF, v9;
	v48 =	vor.u32 $0x3F800000, v19;
	v23 =	vadd.f32 $1.000000000e+00, v18  }
0x27e: {  	v22 =	vor.u32 $0x3F800000, v22;
	v19 =	vadd.f32 $1.000000000e+00, v48  }
0x27f: {  	(erf) = vrcp.f32 v23;
	v23 =	vadd.f32 $1.000000000e+00, v22  }
0x280: {  	(erf) = vrcp.f32 v19  }
0x281: {  	(erf) = vrcp.f32 v23;
	_ =	sdelay $0x6  }
0x282: {  	v19 =	vpop (erf)  }
0x283: {  	v49 =	vpop (erf)  }
0x284: {  	v23 =	vpop (erf)  }
0x285: {  	_ =	swait.ge [sflag:s25], $0xC000  }
0x286: {  	s0 =	simm.s32 $0x0;
	[sflag:s25] =	ssyncset.done $0x0  }
0x287: {  	s1 =	smul.u32 $0xAB, s0;
	[sflag:s25] =	ssyncadd.s32 $0xFFFF4000  }
0x288: {  	_ =	swait.ge [sflag:s26], $0xC00  }
0x289: {  	s3 =	sshrl.u32 s1, $0xC;
	[sflag:s26] =	ssyncset.done $0x0  }
0x28a: {  	s3 =	sand.u32 $0xF, s3;
	[sflag:s26] =	ssyncadd.s32 $0xFFFFF400  }
0x28b: {  	[tilespmem:s0], [sflag:$0x1] =	stream.strided.gather [hbm4b:s11+s17], $0xC000, s18, s17, $0x38;
	[tilespmem:$0x19E00] =	vst v63  }
0x28c: {  	s28 =	smul.u32 $0x18, s3  }
0x28d: {  	v21 =	vadd.f32 $5.770780440e-01, v21;
	[tilespmem:s19], [sflag:$0x3] =	stream.linear.gather [hbm4b:s12+s0], $0xC00, $0x38;
	[tilespmem:$0x19E00] =	vst v63  }
0x28e: {  	s0 =	sshrl.u32 s3, $0x3;
	s3 =	ssub.s32 $0x0, s28  }
0x28f: {  	v21 =	vmul.f32 v21, v12;
	s0 =	smul.u32 $0xC00, s0;
	s28 =	sshll.u32 s3, $0x7  }
0x290: {  	s1 =	sshrl.u32 s1, $0x5;
	s28 =	sand.u32 $0xC00, s28  }
0x291: {  	v21 =	vadd.f32 $9.617967000e-01, v21;
	s1 =	sand.u32 $0x380, s1;
	s3 =	sshll.u32 s3, $0x4;
	s0 =	sadd.s32 s28, s0  }
0x292: {  	s3 =	sand.u32 $0x70, s3;
	s0 =	sor.u32 s1, s0  }
0x293: {  	v11 =	vmul.f32 v16, v11;
	v12 =	vmul.f32 v21, v12;
	s1 =	sor.u32 s3, s0  }
0x294: {  	v16 =	vadd.f32 $-1.000000000e+00, v26;
	v21 =	vld [tilespmem:s1+$0x12C00]  }
0x295: {  	v11 =	vadd.f32 $2.885390040e+00, v11;
	v12 =	vadd.f32 $2.885390040e+00, v12;
	v26 =	vld [tilespmem:s1+$0x12000]  }
0x296: {  	v28 =	vadd.f32 $-1.000000000e+00, v43;
	v16 =	vmul.f32 v25, v16;
	v25 =	vld [tilespmem:s1+$0x15000]  }
0x297: {  	v11 =	vmul.f32 v11, v8;
	v50 =	vmul.f32 v12, v7;
	v7 =	vadd.f32 $-1.000000000e+00, v31;
	v51 =	vld [tilespmem:s1+$0xC000]  }
0x298: {  	v8 =	vmul.f32 v24, v28;
	v24 =	vmul.f32 v16, v16;
	v52 =	vld [tilespmem:s1+$0xCC00]  }
0x299: {  	v12 =	vmul.f32 v27, v7;
	v27 =	vld [tilespmem:s1+$0xE400];
	v7 =	vmul.f32 $1.442695020e+00, v21  }
0x29a: {  	v56 =	vld [tilespmem:s1+$0x14400];
	v21 =	vmul.f32 $4.121985730e-01, v24;
	v26 =	vmul.f32 $1.442695020e+00, v26  }
0x29b: {  	(erf) = vpow2.f32 v7;
	v7 =	vmul.f32 $1.442695020e+00, v25;
	v25 =	vld [tilespmem:s1+$0xF000]  }
0x29c: {  	v53 =	vld [tilespmem:s1+$0x15C00];
	v31 =	vmul.f32 $1.442695020e+00, v51;
	(erf) = vpow2.f32 v26  }
0x29d: {  	v55 =	vld [tilespmem:s1+$0x16800];
	(erf) = vpow2.f32 v7;
	v7 =	vmul.f32 $1.442695020e+00, v52  }
0x29e: {  	v54 =	vmul.f32 v12, v12;
	v26 =	vld [tilespmem:s1+$0xD800];
	(erf) = vpow2.f32 v31  }
0x29f: {  	v34 =	vld [tilespmem:s1+$0x10800];
	v21 =	vadd.f32 $5.770780440e-01, v21;
	(erf) = vpow2.f32 v7;
	v7 =	vmul.f32 $1.442695020e+00, v27  }
0x2a0: {  	v33 =	vmul.f32 $1.442695020e+00, v56;
	v25 =	vmul.f32 $1.442695020e+00, v25  }
0x2a1: {  	v15 =	vmax.f32 v15, $-2.325349620e+01;
	v21 =	vmul.f32 v21, v24;
	v27 =	vld [tilespmem:s1+$0x11400];
	(erf) = vpow2.f32 v7  }
0x2a2: {  	v14 =	vshra.s32 v14, $0x17;
	v7 =	vmul.f32 $1.442695020e+00, v53;
	(erf) = vpow2.f32 v25;
	v25 =	vld [tilespmem:s1+$0x17400]  }
0x2a3: {  	v14 =	vadd.s32 $0xFFFFFF81, v14;
	v31 =	vmul.f32 $1.442695020e+00, v55;
	v26 =	vmul.f32 $1.442695020e+00, v26  }
0x2a4: {  	(erf) = vpow2.f32 v7;
	v7 =	vadd.f32 v15, v4;
	v4 =	vmul.f32 $1.442695020e+00, v34;
	v15 =	vld [tilespmem:s1+$0x13800]  }
0x2a5: {  	v6 =	vadd.f32 v6, v11;
	(erf) = vpow2.f32 v26;
	v26 =	vmul.f32 $4.121985730e-01, v54  }
0x2a6: {  	v11 =	vadd.f32 v5, v50;
	v27 =	vmul.f32 $1.442695020e+00, v27;
	(erf) = vpow2.f32 v31  }
0x2a7: {  	v21 =	vadd.f32 $9.617967000e-01, v21;
	(erf) = vpow2.f32 v4;
	v25 =	vmul.f32 $1.442695020e+00, v25  }
0x2a8: {  	v57 =	vld [tilespmem:s1+$0xFC00];
	v4 =	vshra.s32 v17, $0x17;
	v17 =	vmul.f32 v8, v8;
	(erf) = vpow2.f32 v27  }
0x2a9: {  	v58 =	vpop (erf);
	v5 =	vmul.f32 $1.442695020e+00, v15;
	v15 =	vadd.f32 $5.770780440e-01, v26;
	(erf) = vpow2.f32 v25  }
0x2aa: {  	v20 =	vshra.s32 v20, $0x17;
	v27 =	vpop (erf);
	v25 =	vmul.f32 $4.121985730e-01, v17;
	(erf) = vpow2.f32 v33  }
0x2ab: {  	v35 =	vadd.s32 $0xFFFFFF81, v4;
	v26 =	vpop (erf);
	v4 =	vmul.f32 v15, v54;
	v15 =	vmul.f32 v21, v24  }
0x2ac: {  	v59 =	vpop (erf);
	v21 =	vadd.f32 $-1.000000000e+00, v48;
	(erf) = vpow2.f32 v5;
	v5 =	vadd.f32 $5.770780440e-01, v25  }
0x2ad: {  	v14 =	vcvt.s32.f32 v14;
	v20 =	vadd.s32 $0xFFFFFF81, v20;
	v31 =	vmul.f32 $1.442695020e+00, v57;
	v60 =	vpop (erf)  }
0x2ae: {  	v24 =	vpop (erf);
	v61 =	vmul.f32 v5, v17;
	v5 =	vmax.f32 v6, $-2.325349620e+01;
	v6 =	vadd.f32 $2.885390040e+00, v15  }
0x2af: {  	s3 =	simm.s32 $0x1;
	(erf) = vpow2.f32 v31;
	v4 =	vadd.f32 $9.617967000e-01, v4;
	v25 =	vpop (erf);
	v15 =	vmul.f32 v49, v21  }
0x2b0: {  	v18 =	vadd.f32 $-1.000000000e+00, v18;
	s0 =	smul.u32 $0xAB, s3;
	v21 =	vpop (erf);
	v16 =	vmul.f32 v6, v16;
	v6 =	vadd.f32 $-1.000000000e+00, v22  }
0x2b1: {  	v5 =	vadd.f32 v5, v3;
	v3 =	vmul.f32 v4, v54;
	v62 =	vpop (erf);
	v22 =	vmul.f32 v15, v15  }
0x2b2: {  	v20 =	vcvt.s32.f32 v20;
	s28 =	sshrl.u32 s0, $0xC;
	v27 =	vadd.f32 v58, v27;
	v4 =	vadd.f32 $9.617967000e-01, v61;
	v63 =	vpop (erf)  }
0x2b3: {  	s28 =	sand.u32 $0xF, s28;
	v32 =	vadd.f32 v60, v59;
	v36 =	vadd.f32 $2.885390040e+00, v3;
	v37 =	vpop (erf);
	v3 =	vmul.f32 $4.121985730e-01, v22  }
0x2b4: {  	s3 =	smul.u32 $0x18, s28;
	v21 =	vadd.f32 v21, v26;
	v17 =	vmul.f32 v4, v17;
	v4 =	vmul.f32 v23, v6;
	v23 =	vld [tilespmem:s1+$0x18C00];
	[tilespmem:$0x19C00] =	vst v27;
	v6 =	vpop (erf)  }
0x2b5: {  	v11 =	vmax.f32 v11, $-2.325349620e+01;
	v24 =	vadd.f32 v24, v62;
	[tilespmem:$0x19A00] =	vst v32;
	v38 =	vadd.f32 $5.770780440e-01, v3;
	v26 =	vpop (erf)  }
0x2b6: {  	s3 =	ssub.s32 $0x1, s3;
	s1 =	sshrl.u32 s28, $0x3;
	[tilespmem:$0x19D00] =	vst v21;
	v3 =	vmul.f32 v19, v18;
	v18 =	vmul.f32 v4, v4;
	v19 =	vadd.f32 v6, v37;
	v39 =	vpop (erf)  }
0x2b7: {  	v10 =	vshra.s32 v10, $0x17;
	s28 =	sshll.u32 s3, $0x7;
	[tilespmem:$0x19A80] =	vst v24;
	s1 =	smul.u32 $0xC00, s1;
	v40 =	vmul.f32 v38, v22;
	v26 =	vadd.f32 v26, v63;
	v6 =	vpop (erf)  }
0x2b8: {  	v9 =	vshra.s32 v9, $0x17;
	s0 =	sshrl.u32 s0, $0x5;
	s3 =	sshll.u32 s3, $0x4;
	s28 =	sand.u32 $0xC00, s28;
	v43 =	vmul.f32 $4.121985730e-01, v18;
	[tilespmem:$0x19B80] =	vst v19;
	v41 =	vpop (erf);
	v28 =	vadd.f32 v39, v6  }
0x2b9: {  	v9 =	vadd.s32 $0xFFFFFF81, v9;
	s0 =	sand.u32 $0x380, s0;
	s3 =	sand.u32 $0x70, s3;
	s1 =	sadd.s32 s28, s1;
	v31 =	vadd.f32 $9.617967000e-01, v40;
	[tilespmem:$0x19D80] =	vst v26;
	v25 =	vadd.f32 v41, v25  }
0x2ba: {  	v17 =	vadd.f32 $2.885390040e+00, v17;
	s0 =	sor.u32 s0, s1;
	v6 =	vshra.s32 v13, $0x17;
	v13 =	vadd.f32 $5.770780440e-01, v43;
	[tilespmem:$0x19C80] =	vst v28  }
0x2bb: {  	v9 =	vcvt.s32.f32 v9;
	s31 =	sor.u32 s3, s0;
	v44 =	vadd.s32 $0xFFFFFF81, v6;
	v6 =	vmul.f32 v31, v22;
	[tilespmem:$0x19B00] =	vst v25  }
0x2bc: {  	v10 =	vadd.s32 $0xFFFFFF81, v10;
	v8 =	vmul.f32 v17, v8;
	v13 =	vmul.f32 v13, v18;
	v17 =	vld [tilespmem:s31+$0x17400]  }
0x2bd: {  	v42 =	vcvt.s32.f32 v35;
	v16 =	vadd.f32 v20, v16;
	v45 =	vadd.f32 $2.885390040e+00, v6;
	v47 =	vld [tilespmem:s31+$0x16800]  }
0x2be: {  	v6 =	vcvt.s32.f32 v10;
	v10 =	vadd.f32 $9.617967000e-01, v13;
	v13 =	vadd.f32 v24, v32;
	v24 =	vld [tilespmem:s31+$0x12C00]  }
0x2bf: {  	v21 =	vadd.f32 v26, v21;
	v22 =	vmul.f32 v3, v3;
	v27 =	vadd.f32 v28, v27;
	v26 =	vld [tilespmem:s31+$0x10800]  }
0x2c0: {  	v12 =	vmul.f32 v36, v12;
	v23 =	vshll.u32 v23, $0x6;
	v19 =	vadd.f32 v19, v25;
	v25 =	vld [tilespmem:s31+$0x12000]  }
0x2c1: {  	v29 =	vcvt.s32.f32 v44;
	v46 =	vmul.f32 $4.121985730e-01, v22;
	v20 =	vld [tilespmem:s31+$0x15000];
	v21 =	vadd.f32 v21, v27  }
0x2c2: {  	v27 =	vand.u32 $0xFFFFFF80, v23;
	v23 =	vand.u32 $0xFFFFFF00, v23;
	v49 =	vld [tilespmem:s31+$0xE400];
	v13 =	vadd.f32 v19, v13  }
0x2c3: {  	v31 =	vadd.f32 $5.770780440e-01, v46;
	v10 =	vmul.f32 v10, v18;
	v19 =	vld [tilespmem:s31+$0xC000];
	v24 =	vmul.f32 $1.442695020e+00, v24  }
0x2c4: {  	v48 =	vld [tilespmem:s31+$0xCC00];
	v13 =	vadd.f32 v21, v13;
	v21 =	vxor.u32 $0x100, v23;
	v23 =	vxor.u32 v1, v27  }
0x2c5: {  	v50 =	vld [tilespmem:s31+$0xF000];
	v25 =	vmul.f32 $1.442695020e+00, v25;
	(erf) = vpow2.f32 v24;
	v24 =	vor.u32 v0, v21  }
0x2c6: {  	v18 =	vmul.f32 v31, v22;
	v27 =	vor.u32 v0, v27;
	(erf) = vrcp.f32 v13;
	v13 =	vld [tilespmem:s31+$0x15C00]  }
0x2c7: {  	v2 =	vadd.f32 v11, v2;
	v20 =	vmul.f32 $1.442695020e+00, v20;
	(erf) = vpow2.f32 v25;
	v25 =	vld [tilespmem:s31+$0xD800]  }
0x2c8: {  	v16 =	vmax.f32 v16, $-2.325349620e+01;
	v11 =	vld [tilespmem:s31+$0x11400];
	v51 =	vmul.f32 $1.442695020e+00, v49;
	v19 =	vmul.f32 $1.442695020e+00, v19  }
0x2c9: {  	v7 =	vadd.f32 v16, v7;
	v23 =	vld.idx.msk [tilespmem:v23+s24+$0x0], $0xffff;
	(erf) = vpow2.f32 v20;
	v20 =	vmul.f32 $1.442695020e+00, v48  }
0x2ca: {  	(erf) = vpow2.f32 v19;
	v19 =	vor.u32 v1, v21;
	v21 =	vld.idx.msk [tilespmem:v24+s24+$0x0], $0xffff;
	v24 =	vmul.f32 $1.442695020e+00, v50  }
0x2cb: {  	v12 =	vadd.f32 v42, v12;
	v16 =	vld.idx.msk [tilespmem:v27+s24+$0x0], $0xffff;
	(erf) = vpow2.f32 v20;
	v13 =	vmul.f32 $1.442695020e+00, v13  }
0x2cc: {  	v20 =	vld [tilespmem:s31+$0x14400];
	(erf) = vpow2.f32 v51;
	v25 =	vmul.f32 $1.442695020e+00, v25  }
0x2cd: {  	v12 =	vmax.f32 v12, $-2.325349620e+01;
	(erf) = vpow2.f32 v24;
	v24 =	vmul.f32 $1.442695020e+00, v47  }
0x2ce: {  	v8 =	vadd.f32 v14, v8;
	v26 =	vmul.f32 $1.442695020e+00, v26;
	v27 =	vld [tilespmem:s31+$0x13800];
	(erf) = vpow2.f32 v13  }
0x2cf: {  	v5 =	vadd.f32 v12, v5;
	v11 =	vmul.f32 $1.442695020e+00, v11;
	v13 =	vld [tilespmem:s31+$0xFC00];
	v52 =	vpop (erf);
	(erf) = vpow2.f32 v25  }
0x2d0: {  	v8 =	vmax.f32 v8, $-2.325349620e+01;
	v17 =	vmul.f32 $1.442695020e+00, v17;
	(erf) = vpow2.f32 v24;
	v25 =	vpop (erf)  }
0x2d1: {  	v23 =	vadd.f32 v23, v16;
	v19 =	vld.idx.msk [tilespmem:v19+s24+$0x0], $0xffff;
	v20 =	vmul.f32 $1.442695020e+00, v20;
	(erf) = vpow2.f32 v26;
	v24 =	vpop (erf)  }
0x2d2: {  	v15 =	vmul.f32 v45, v15;
	v18 =	vadd.f32 $9.617967000e-01, v18;
	(erf) = vpow2.f32 v11;
	v26 =	vpop (erf)  }
0x2d3: {  	v11 =	vmul.f32 $1.442695020e+00, v27;
	v27 =	vpop (erf);
	(erf) = vpow2.f32 v17;
	v17 =	vadd.f32 v21, v23  }
0x2d4: {  	v2 =	vadd.f32 v8, v2;
	v13 =	vmul.f32 $1.442695020e+00, v13;
	v14 =	vpop (erf);
	(erf) = vpow2.f32 v20  }
0x2d5: {  	v10 =	vadd.f32 $2.885390040e+00, v10;
	v18 =	vmul.f32 v18, v22;
	v20 =	vpop (erf);
	(erf) = vpow2.f32 v11  }
0x2d6: {  	s1 =	simm.s32 $0x2;
	v15 =	vadd.f32 v29, v15;
	v11 =	vadd.f32 v19, v17;
	v12 =	vpop (erf);
	(erf) = vpow2.f32 v13  }
0x2d7: {  	s0 =	smul.u32 $0xAB, s1;
	v4 =	vmul.f32 v10, v4;
	v18 =	vadd.f32 $2.885390040e+00, v18;
	v13 =	vmul.f32 v23, v25;
	v17 =	vpop (erf)  }
0x2d8: {  	v16 =	vmul.f32 v16, v25;
	v22 =	vadd.f32 v52, v24;
	v11 =	vmul.f32 v11, v25;
	v19 =	vpop (erf)  }
0x2d9: {  	s3 =	sshrl.u32 s0, $0xC;
	v14 =	vadd.f32 v14, v27;
	v21 =	vand.u32 $0x7FFFFF, v13;
	v17 =	vadd.f32 v17, v26;
	v23 =	vpop (erf)  }
0x2da: {  	s1 =	sand.u32 $0xF, s3;
	v26 =	vand.u32 $0x7FFFFF, v16;
	v21 =	vor.u32 $0x3F800000, v21;
	v24 =	vand.u32 $0x7FFFFF, v11;
	v25 =	vpop (erf)  }
0x2db: {  	s28 =	smul.u32 $0x18, s1;
	v10 =	vld [tilespmem:s31+$0x18C00];
	v9 =	vadd.f32 v9, v4;
	[tilespmem:$0x19C00] =	vst v22;
	v53 =	vadd.f32 $1.000000000e+00, v21;
	v24 =	vor.u32 $0x3F800000, v24;
	v27 =	vpop (erf)  }
0x2dc: {  	v3 =	vmul.f32 v18, v3;
	[tilespmem:$0x19A00] =	vst v14;
	v19 =	vadd.f32 v20, v19;
	v54 =	vadd.f32 $1.000000000e+00, v24;
	v55 =	vpop (erf)  }
0x2dd: {  	s1 =	sshrl.u32 s1, $0x3;
	s3 =	ssub.s32 $0x2, s28;
	v20 =	vor.u32 $0x3F800000, v26;
	[tilespmem:$0x19D00] =	vst v17;
	(erf) = vrcp.f32 v53;
	v18 =	vadd.f32 v27, v25;
	v26 =	vpop (erf)  }
0x2de: {  	s1 =	smul.u32 $0xC00, s1;
	s28 =	sshll.u32 s3, $0x7;
	v3 =	vadd.f32 v6, v3;
	[tilespmem:$0x19A80] =	vst v19;
	(erf) = vrcp.f32 v54;
	v23 =	vadd.f32 v55, v23;
	v25 =	vpop (erf)  }
0x2df: {  	s0 =	sshrl.u32 s0, $0x5;
	s28 =	sand.u32 $0xC00, s28;
	v27 =	vadd.f32 $1.000000000e+00, v20;
	[tilespmem:$0x19B80] =	vst v18;
	v4 =	vpop (erf);
	v8 =	vadd.f32 v26, v25  }
0x2e0: {  	s0 =	sand.u32 $0x380, s0;
	s3 =	sshll.u32 s3, $0x4;
	s1 =	sadd.s32 s28, s1;
	v16 =	vshra.s32 v16, $0x17;
	[tilespmem:$0x19D80] =	vst v23;
	v6 =	vadd.f32 v4, v12;
	v4 =	vmax.f32 v15, $-2.325349620e+01  }
0x2e1: {  	s3 =	sand.u32 $0x70, s3;
	s0 =	sor.u32 s0, s1;
	v13 =	vshra.s32 v13, $0x17;
	(erf) = vrcp.f32 v27;
	v4 =	vadd.f32 v4, v7;
	[tilespmem:$0x19C80] =	vst v8  }
0x2e2: {  	s1 =	sor.u32 s3, s0;
	v7 =	vmax.f32 v9, $-2.325349620e+01;
	v9 =	vmax.f32 v3, $-2.325349620e+01;
	v8 =	vadd.f32 v8, v22;
	[tilespmem:$0x19B00] =	vst v6  }
0x2e3: {  	v3 =	vadd.f32 v7, v5;
	v2 =	vadd.f32 v9, v2;
	v5 =	vshra.s32 v11, $0x17;
	v15 =	vld [tilespmem:s1+$0x12C00]  }
0x2e4: {  	v9 =	vshll.u32 v10, $0x6;
	v10 =	vadd.f32 v19, v14;
	v11 =	vadd.f32 v23, v17;
	v17 =	vld [tilespmem:s1+$0x17400]  }
0x2e5: {  	v16 =	vadd.s32 $0xFFFFFF81, v16;
	v7 =	vadd.f32 $-1.000000000e+00, v24;
	v18 =	vadd.f32 v18, v6;
	v22 =	vld [tilespmem:s1+$0x12000]  }
0x2e6: {  	v19 =	vadd.f32 $-1.000000000e+00, v21;
	v6 =	vcvt.s32.f32 v16;
	v14 =	vadd.s32 $0xFFFFFF81, v5;
	v26 =	vld [tilespmem:s1+$0x11400];
	v5 =	vpop (erf)  }
0x2e7: {  	v57 =	vld [tilespmem:s1+$0xD800];
	v24 =	vadd.f32 v11, v8;
	v10 =	vadd.f32 v18, v10;
	v25 =	vcvt.s32.f32 v14;
	v21 =	vpop (erf)  }
0x2e8: {  	v13 =	vadd.s32 $0xFFFFFF81, v13;
	v12 =	vld [tilespmem:s1+$0x18C00];
	v21 =	vmul.f32 v21, v7;
	v7 =	vmul.f32 v5, v19  }
0x2e9: {  	v10 =	vadd.f32 v24, v10;
	v5 =	vcvt.s32.f32 v13;
	v19 =	vld [tilespmem:s1+$0x15000];
	v15 =	vmul.f32 $1.442695020e+00, v15  }
0x2ea: {  	v24 =	vld [tilespmem:s1+$0xE400];
	v13 =	vadd.f32 $-1.000000000e+00, v20;
	v22 =	vmul.f32 $1.442695020e+00, v22;
	v27 =	vmul.f32 $1.442695020e+00, v17  }
0x2eb: {  	v20 =	vld [tilespmem:s1+$0x16800];
	v16 =	vpop (erf);
	v26 =	vmul.f32 $1.442695020e+00, v26;
	v23 =	vmul.f32 v21, v21  }
0x2ec: {  	v29 =	vmul.f32 $1.442695020e+00, v57;
	v8 =	vmul.f32 v16, v13;
	v13 =	vld [tilespmem:s1+$0xC000]  }
0x2ed: {  	v18 =	vand.u32 $0xFFFFFF80, v9;
	v17 =	vld [tilespmem:s1+$0xF000];
	(erf) = vpow2.f32 v15;
	v14 =	vmul.f32 $4.121985730e-01, v23  }
0x2ee: {  	v9 =	vand.u32 $0xFFFFFF00, v9;
	v11 =	vmul.f32 v8, v8;
	v15 =	vmul.f32 $1.442695020e+00, v19;
	v19 =	vld [tilespmem:s1+$0xCC00]  }
0x2ef: {  	v59 =	vxor.u32 $0x100, v9;
	v16 =	vld [tilespmem:s1+$0x15C00];
	(erf) = vrcp.f32 v10;
	v9 =	vmul.f32 $1.442695020e+00, v24  }
0x2f0: {  	v20 =	vmul.f32 $1.442695020e+00, v20;
	(erf) = vpow2.f32 v22;
	v14 =	vadd.f32 $5.770780440e-01, v14  }
0x2f1: {  	v56 =	vxor.u32 v1, v18;
	v58 =	vmul.f32 $4.121985730e-01, v11;
	v10 =	vmul.f32 $1.442695020e+00, v13;
	v13 =	vld [tilespmem:s1+$0x10800]  }
0x2f2: {  	v18 =	vor.u32 v0, v18;
	v17 =	vmul.f32 $1.442695020e+00, v17;
	(erf) = vpow2.f32 v15  }
0x2f3: {  	v31 =	vor.u32 v1, v59;
	v14 =	vmul.f32 v14, v23;
	v15 =	vmul.f32 $1.442695020e+00, v19  }
0x2f4: {  	v60 =	vld [tilespmem:s1+$0x14400];
	v12 =	vshll.u32 v12, $0x6;
	v16 =	vmul.f32 $1.442695020e+00, v16;
	(erf) = vpow2.f32 v10  }
0x2f5: {  	v22 =	vld [tilespmem:s1+$0xFC00];
	v19 =	vor.u32 v0, v59;
	v10 =	vadd.f32 $9.617967000e-01, v14;
	(erf) = vpow2.f32 v15  }
0x2f6: {  	v61 =	vld [tilespmem:s1+$0x13800];
	v13 =	vmul.f32 $1.442695020e+00, v13;
	v15 =	vadd.f32 $5.770780440e-01, v58;
	(erf) = vpow2.f32 v9  }
0x2f7: {  	v24 =	vld.idx.msk [tilespmem:v56+s24+$0x0], $0xffff;
	v23 =	vmul.f32 v10, v23;
	v10 =	vand.u32 $0xFFFFFF00, v12;
	(erf) = vpow2.f32 v17  }
0x2f8: {  	v14 =	vld.idx.msk [tilespmem:v18+s24+$0x0], $0xffff;
	v9 =	vand.u32 $0xFFFFFF80, v12;
	v12 =	vmul.f32 v7, v7;
	(erf) = vpow2.f32 v16  }
0x2f9: {  	v62 =	vpop (erf);
	v15 =	vmul.f32 v15, v11;
	(erf) = vpow2.f32 v29  }
0x2fa: {  	v18 =	vpop (erf);
	v17 =	vmul.f32 $1.442695020e+00, v22;
	v63 =	vld.idx.msk [tilespmem:v19+s24+$0x0], $0xffff;
	v19 =	vadd.f32 $2.885390040e+00, v23;
	(erf) = vpow2.f32 v20  }
0x2fb: {  	v22 =	vmul.f32 $1.442695020e+00, v60;
	v16 =	vadd.f32 $9.617967000e-01, v15;
	v20 =	vpop (erf);
	(erf) = vpow2.f32 v13  }
0x2fc: {  	v15 =	vmul.f32 v19, v21;
	v13 =	vadd.f32 v62, v20;
	v20 =	vpop (erf);
	(erf) = vpow2.f32 v26  }
0x2fd: {  	v24 =	vadd.f32 v24, v14;
	v19 =	vld.idx.msk [tilespmem:v31+s24+$0x0], $0xffff;
	v26 =	vmul.f32 $1.442695020e+00, v61;
	v23 =	vpop (erf);
	(erf) = vpow2.f32 v27  }
0x2fe: {  	v21 =	vmul.f32 $4.121985730e-01, v12;
	v15 =	vadd.f32 v25, v15;
	v25 =	vpop (erf);
	(erf) = vpow2.f32 v22  }
0x2ff: {  	s31 =	simm.s32 $0x3;
	[tilespmem:$0x19C00] =	vst v13;
	v22 =	vadd.f32 v25, v23;
	v23 =	vpop (erf);
	(erf) = vpow2.f32 v26;
	v25 =	vadd.f32 v63, v24  }
.LBB2_8:
0x300: {  	s0 =	smul.u32 $0xAB, s31  }
0x301: {  	p0 =	sne.s32 s31, $0xBF;
	v26 =	vpop (erf);
	(erf) = vpow2.f32 v17;
	v14 =	vmul.f32 v14, v18;
	v15 =	vmax.f32 v15, $-2.325349620e+01;
	s1 =	smov.u32 s31;
	s31 =	sadd.s32 $0x1, s31  }
0x302: {  	v24 =	vmul.f32 v24, v18;
	[tilespmem:$0x19A00] =	vst v22;
	v17 =	vpop (erf);
	v19 =	vadd.f32 v19, v25;
	v4 =	vadd.f32 v15, v4  }
0x303: {  	v11 =	vmul.f32 v16, v11;
	s3 =	sshrl.u32 s0, $0xC;
	s0 =	sshrl.u32 s0, $0x5;
	v15 =	vadd.f32 v17, v20;
	v17 =	vpop (erf);
	v20 =	vand.u32 $0x7FFFFF, v14  }
0x304: {  	s3 =	sand.u32 $0xF, s3;
	v16 =	vadd.f32 v23, v17;
	v17 =	vpop (erf);
	v18 =	vmul.f32 v19, v18;
	v19 =	vand.u32 $0x7FFFFF, v24  }
0x305: {  	v21 =	vadd.f32 $5.770780440e-01, v21;
	v20 =	vor.u32 $0x3F800000, v20;
	s28 =	smul.u32 $0x18, s3;
	s3 =	sshrl.u32 s3, $0x3;
	[tilespmem:$0x19D00] =	vst v15;
	v23 =	vpop (erf);
	v19 =	vor.u32 $0x3F800000, v19  }
0x306: {  	[tilespmem:$0x19A80] =	vst v16;
	v16 =	vadd.f32 v16, v22;
	v22 =	vpop (erf);
	v25 =	vand.u32 $0x7FFFFF, v18;
	v29 =	vadd.f32 $1.000000000e+00, v19  }
0x307: {  	v21 =	vmul.f32 v21, v12;
	s1 =	ssub.s32 s1, s28;
	v22 =	vadd.f32 v22, v23;
	v23 =	vpop (erf);
	v25 =	vor.u32 $0x3F800000, v25  }
0x308: {  	s3 =	smul.u32 $0xC00, s3;
	s28 =	sshll.u32 s1, $0x4;
	s1 =	sshll.u32 s1, $0x7;
	v30 =	vadd.f32 v23, v17;
	v23 =	vpop (erf);
	v28 =	vadd.f32 $1.000000000e+00, v25;
	(erf) = vrcp.f32 v29  }
0x309: {  	v21 =	vadd.f32 $9.617967000e-01, v21;
	v18 =	vshra.s32 v18, $0x17;
	v29 =	vadd.f32 $1.000000000e+00, v20;
	s1 =	sand.u32 $0xC00, s1;
	[tilespmem:$0x19B80] =	vst v22;
	v27 =	vpop (erf)  }
0x30a: {  	v11 =	vadd.f32 $2.885390040e+00, v11;
	s0 =	sand.u32 $0x380, s0;
	s1 =	sadd.s32 s1, s3;
	[tilespmem:$0x19D80] =	vst v30;
	v15 =	vadd.f32 v30, v15;
	v17 =	vpop (erf);
	(erf) = vrcp.f32 v28  }
0x30b: {  	v12 =	vmul.f32 v21, v12;
	s3 =	sand.u32 $0x70, s28;
	v23 =	vadd.f32 v23, v27;
	s0 =	sor.u32 s0, s1;
	v17 =	vadd.f32 v17, v26  }
0x30c: {  	v8 =	vmul.f32 v11, v8;
	v18 =	vadd.s32 $0xFFFFFF81, v18;
	s1 =	sor.u32 s3, s0;
	(erf) = vrcp.f32 v29  }
0x30d: {  	v12 =	vadd.f32 $2.885390040e+00, v12;
	v11 =	vadd.f32 v23, v13;
	v13 =	vshra.s32 v14, $0x17;
	[tilespmem:$0x19B00] =	vst v17  }
0x30e: {  	v6 =	vadd.f32 v6, v8;
	v14 =	vadd.f32 v22, v17;
	v13 =	vadd.s32 $0xFFFFFF81, v13;
	[tilespmem:$0x19C80] =	vst v23  }
0x30f: {  	v7 =	vmul.f32 v12, v7;
	v11 =	vadd.f32 v15, v11;
	v15 =	vshra.s32 v24, $0x17;
	v8 =	vld [tilespmem:s1+$0x18C00]  }
0x310: {  	v6 =	vmax.f32 v6, $-2.325349620e+01;
	v14 =	vadd.f32 v14, v16;
	v16 =	vadd.f32 $-1.000000000e+00, v19;
	v12 =	vld [tilespmem:s1+$0x17400]  }
0x311: {  	v3 =	vadd.f32 v6, v3;
	v21 =	vadd.f32 v5, v7;
	v23 =	vadd.s32 $0xFFFFFF81, v15;
	v17 =	vld [tilespmem:s1+$0x16800];
	v19 =	vpop (erf)  }
0x312: {  	v6 =	vadd.f32 $-1.000000000e+00, v25;
	v14 =	vadd.f32 v11, v14;
	v22 =	vld [tilespmem:s1+$0x12C00];
	v7 =	vmul.f32 v19, v16  }
0x313: {  	v5 =	vcvt.s32.f32 v23;
	v11 =	vadd.f32 $-1.000000000e+00, v20;
	v19 =	vmax.f32 v21, $-2.325349620e+01;
	v16 =	vld [tilespmem:s1+$0x10800];
	v15 =	vpop (erf)  }
0x314: {  	v2 =	vadd.f32 v19, v2;
	v20 =	vld [tilespmem:s1+$0x12000];
	v24 =	vshll.u32 v8, $0x6;
	v15 =	vmul.f32 v15, v6  }
0x315: {  	v6 =	vcvt.s32.f32 v13;
	v19 =	vld [tilespmem:s1+$0x15000];
	v21 =	vand.u32 $0xFFFFFF80, v24;
	v23 =	vand.u32 $0xFFFFFF00, v24;
	v8 =	vpop (erf)  }
0x316: {  	v24 =	vxor.u32 $0x100, v10;
	v13 =	vld [tilespmem:s1+$0x15C00];
	v25 =	vmul.f32 v15, v15;
	v8 =	vmul.f32 v8, v11;
	v10 =	vmovc v23  }
0x317: {  	v27 =	vcvt.s32.f32 v18;
	v26 =	vxor.u32 v1, v9;
	v23 =	vld [tilespmem:s1+$0xC000];
	v22 =	vmul.f32 $1.442695020e+00, v22  }
0x318: {  	v28 =	vor.u32 v1, v24;
	v18 =	vld [tilespmem:s1+$0xE400];
	v29 =	vmul.f32 $4.121985730e-01, v25;
	v11 =	vmul.f32 v8, v8  }
0x319: {  	v30 =	vld [tilespmem:s1+$0x11400];
	v20 =	vmul.f32 $1.442695020e+00, v20;
	(erf) = vpow2.f32 v22;
	v22 =	vor.u32 v0, v24  }
0x31a: {  	v31 =	vmul.f32 $1.442695020e+00, v17;
	v24 =	vld [tilespmem:s1+$0xCC00];
	v19 =	vmul.f32 $1.442695020e+00, v19;
	v17 =	vadd.f32 $5.770780440e-01, v29  }
0x31b: {  	v32 =	vmul.f32 $1.442695020e+00, v12;
	v29 =	vld [tilespmem:s1+$0xF000];
	(erf) = vrcp.f32 v14  }
0x31c: {  	v12 =	vmul.f32 $1.442695020e+00, v23;
	v23 =	vld.idx.msk [tilespmem:v26+s24+$0x0], $0xffff;
	v14 =	vmul.f32 v17, v25  }
0x31d: {  	v33 =	vmul.f32 $4.121985730e-01, v11;
	v13 =	vmul.f32 $1.442695020e+00, v13;
	v26 =	vor.u32 v0, v9;
	v9 =	vmovc v21;
	v17 =	vld [tilespmem:s1+$0xD800]  }
0x31e: {  	v21 =	vmul.f32 $1.442695020e+00, v30;
	(erf) = vpow2.f32 v20;
	v30 =	vld.idx.msk [tilespmem:v22+s24+$0x0], $0xffff;
	v14 =	vadd.f32 $9.617967000e-01, v14  }
0x31f: {  	v18 =	vmul.f32 $1.442695020e+00, v18;
	v20 =	vadd.f32 $5.770780440e-01, v33;
	(erf) = vpow2.f32 v19;
	v19 =	vld.idx.msk [tilespmem:v28+s24+$0x0], $0xffff  }
0x320: {  	v33 =	vmul.f32 $1.442695020e+00, v24;
	v22 =	vld [tilespmem:s1+$0xFC00];
	v28 =	vmul.f32 $1.442695020e+00, v29  }
0x321: {  	v29 =	vmul.f32 $1.442695020e+00, v16;
	(erf) = vpow2.f32 v12  }
0x322: {  	v16 =	vld [tilespmem:s1+$0x14400];
	v12 =	vmul.f32 $1.442695020e+00, v17;
	(erf) = vpow2.f32 v33;
	v24 =	vpop (erf)  }
0x323: {  	v25 =	vmul.f32 v14, v25;
	v33 =	vld [tilespmem:s1+$0x13800];
	(erf) = vpow2.f32 v18  }
0x324: {  	v20 =	vmul.f32 v20, v11;
	(erf) = vpow2.f32 v28;
	v14 =	vld.idx.msk [tilespmem:v26+s24+$0x0], $0xffff;
	v18 =	vpop (erf)  }
0x325: {  	v17 =	vmul.f32 $1.442695020e+00, v22;
	(erf) = vpow2.f32 v13  }
0x326: {  	v22 =	vadd.f32 $2.885390040e+00, v25;
	(erf) = vpow2.f32 v12;
	v12 =	vmul.f32 v7, v7  }
0x327: {  	v25 =	vmul.f32 $1.442695020e+00, v16;
	v13 =	vpop (erf);
	(erf) = vpow2.f32 v31;
	v16 =	vadd.f32 $9.617967000e-01, v20  }
.Ltmp3:
0x328: {  	v15 =	vmul.f32 v22, v15;
	v13 =	vadd.f32 v24, v13;
	(erf) = vpow2.f32 v29;
	v20 =	vpop (erf);
	(pc) =	sbr.rel @p0 .LBB2_8-.Ltmp3, $4  }
0x329: {  	v26 =	vmul.f32 $1.442695020e+00, v33;
	(erf) = vpow2.f32 v21  }
0x32a: {  	v24 =	vadd.f32 v23, v14;
	v15 =	vadd.f32 v27, v15;
	[tilespmem:$0x19C00] =	vst v13;
	v22 =	vpop (erf);
	(erf) = vpow2.f32 v32  }
0x32b: {  	v21 =	vmul.f32 $4.121985730e-01, v12;
	v23 =	vpop (erf);
	(erf) = vpow2.f32 v25  }
0x32c: {  	v25 =	vadd.f32 v30, v24;
	v22 =	vadd.f32 v23, v22;
	v23 =	vpop (erf);
	(erf) = vpow2.f32 v26  }
0x32d: {  	v26 =	vpop (erf);
	(erf) = vpow2.f32 v17  }
0x32e: {  	v27 =	vpop (erf)  }
0x32f: {  	v28 =	vpop (erf)  }
0x330: {  	v29 =	vpop (erf)  }
0x331: {  	v30 =	vpop (erf)  }
0x332: {  	v17 =	vmul.f32 v14, v18;
	v14 =	vmul.f32 v24, v18;
	v24 =	vpop (erf)  }
0x333: {  	v19 =	vadd.f32 v19, v25;
	v25 =	vpop (erf)  }
0x334: {  	v45 =	vxor.u32 v1, v9;
	v9 =	vor.u32 v0, v9;
	v10 =	vxor.u32 $0x100, v10;
	v33 =	vpop (erf)  }
0x335: {  	v27 =	vadd.f32 v27, v20;
	v23 =	vadd.f32 v23, v28;
	v20 =	vmul.f32 v19, v18;
	v18 =	vpop (erf)  }
0x336: {  	v32 =	vand.u32 $0x7FFFFF, v14;
	v19 =	vadd.f32 v24, v30;
	v24 =	vadd.f32 v25, v29;
	v25 =	vpop (erf)  }
0x337: {  	[tilespmem:$0x19A00] =	vst v22;
	v43 =	vor.u32 $0x3F800000, v32;
	v18 =	vadd.f32 v33, v18;
	v25 =	vadd.f32 v25, v26  }
0x338: {  	[tilespmem:$0x19D00] =	vst v27;
	v44 =	vand.u32 $0x7FFFFF, v20;
	v22 =	vadd.f32 v23, v22;
	v27 =	vadd.f32 v24, v27  }
0x339: {  	[tilespmem:$0x19A80] =	vst v23;
	v26 =	vor.u32 $0x3F800000, v44;
	v13 =	vadd.f32 v18, v13;
	v23 =	vadd.f32 v19, v25  }
0x33a: {  	v31 =	vand.u32 $0x7FFFFF, v17;
	v46 =	vadd.f32 $1.000000000e+00, v43;
	[tilespmem:$0x19B80] =	vst v19;
	v47 =	vadd.f32 $1.000000000e+00, v26  }
0x33b: {  	v31 =	vor.u32 $0x3F800000, v31;
	[tilespmem:$0x19D80] =	vst v24;
	v13 =	vadd.f32 v27, v13;
	v19 =	vadd.f32 v23, v22  }
0x33c: {  	(erf) = vrcp.f32 v46;
	[tilespmem:$0x19C80] =	vst v18;
	v22 =	vadd.f32 $1.000000000e+00, v31;
	v23 =	vor.u32 v0, v10  }
0x33d: {  	[tilespmem:$0x19B00] =	vst v25;
	(erf) = vrcp.f32 v47;
	v13 =	vadd.f32 v13, v19  }
0x33e: {  	v18 =	vld.idx.msk [tilespmem:v45+s24+$0x0], $0xffff;
	v10 =	vor.u32 v1, v10;
	(erf) = vrcp.f32 v22  }
0x33f: {  	v9 =	vld.idx.msk [tilespmem:v9+s24+$0x0], $0xffff;
	(erf) = vrcp.f32 v13;
	_ =	sdelay $0x1  }
0x340: {  	v13 =	vld.idx.msk [tilespmem:v23+s24+$0x0], $0xffff;
	_ =	sdelay $0x1  }
0x341: {  	v10 =	vld.idx.msk [tilespmem:v10+s24+$0x0], $0xffff  }
0x342: {  	v18 =	vadd.f32 v18, v9  }
0x343: {  	v24 =	vpop (erf)  }
0x344: {  	v25 =	vpop (erf);
	v13 =	vadd.f32 v13, v18  }
0x345: {  	v27 =	vpop (erf)  }
0x346: {  	v13 =	vadd.f32 v10, v13;
	v19 =	vpop (erf)  }
0x347: {  	v10 =	vmul.f32 v18, v19  }
0x348: {  	v13 =	vmul.f32 v13, v19  }
0x349: {  	v9 =	vmul.f32 v9, v19;
	v18 =	vand.u32 $0x7FFFFF, v10  }
0x34a: {  	v19 =	vand.u32 $0x7FFFFF, v13;
	v18 =	vor.u32 $0x3F800000, v18  }
0x34b: {  	v22 =	vand.u32 $0x7FFFFF, v9;
	v48 =	vor.u32 $0x3F800000, v19;
	v23 =	vadd.f32 $1.000000000e+00, v18  }
0x34c: {  	v22 =	vor.u32 $0x3F800000, v22;
	v19 =	vadd.f32 $1.000000000e+00, v48  }
0x34d: {  	(erf) = vrcp.f32 v23;
	v23 =	vadd.f32 $1.000000000e+00, v22  }
0x34e: {  	(erf) = vrcp.f32 v19  }
0x34f: {  	(erf) = vrcp.f32 v23;
	_ =	sdelay $0x6  }
0x350: {  	v19 =	vpop (erf)  }
0x351: {  	v49 =	vpop (erf)  }
0x352: {  	v23 =	vpop (erf)  }
0x353: {  	_ =	swait.ge [sflag:s20], $0xC000  }
0x354: {  	s0 =	simm.s32 $0x0;
	[sflag:s20] =	ssyncset.done $0x0  }
0x355: {  	s1 =	smul.u32 $0xAB, s0;
	[sflag:s20] =	ssyncadd.s32 $0xFFFF4000  }
0x356: {  	_ =	swait.ge [sflag:s21], $0xC00  }
0x357: {  	s3 =	sshrl.u32 s1, $0xC;
	[sflag:s21] =	ssyncset.done $0x0  }
0x358: {  	s3 =	sand.u32 $0xF, s3;
	[sflag:s21] =	ssyncadd.s32 $0xFFFFF400  }
0x359: {  	[tilespmem:s22], [sflag:$0x2] =	stream.strided.gather [hbm4b:s13+s17], $0xC000, s18, s17, $0x38;
	[tilespmem:$0x19E00] =	vst v63  }
0x35a: {  	s28 =	smul.u32 $0x18, s3  }
0x35b: {  	v21 =	vadd.f32 $5.770780440e-01, v21;
	[tilespmem:s23], [sflag:$0x4] =	stream.linear.gather [hbm4b:s14+s0], $0xC00, $0x38;
	[tilespmem:$0x19E00] =	vst v63  }
0x35c: {  	s0 =	sshrl.u32 s3, $0x3;
	s3 =	ssub.s32 $0x0, s28  }
0x35d: {  	v21 =	vmul.f32 v21, v12;
	s0 =	smul.u32 $0xC00, s0;
	s28 =	sshll.u32 s3, $0x7  }
0x35e: {  	s1 =	sshrl.u32 s1, $0x5;
	s28 =	sand.u32 $0xC00, s28  }
0x35f: {  	v21 =	vadd.f32 $9.617967000e-01, v21;
	s1 =	sand.u32 $0x380, s1;
	s3 =	sshll.u32 s3, $0x4;
	s0 =	sadd.s32 s28, s0  }
0x360: {  	s3 =	sand.u32 $0x70, s3;
	s0 =	sor.u32 s1, s0  }
0x361: {  	v11 =	vmul.f32 v16, v11;
	v12 =	vmul.f32 v21, v12;
	s1 =	sor.u32 s3, s0  }
0x362: {  	v16 =	vadd.f32 $-1.000000000e+00, v26;
	v21 =	vld [tilespmem:s1+$0x6C00]  }
0x363: {  	v11 =	vadd.f32 $2.885390040e+00, v11;
	v12 =	vadd.f32 $2.885390040e+00, v12;
	v26 =	vld [tilespmem:s1+$0x6000]  }
0x364: {  	v28 =	vadd.f32 $-1.000000000e+00, v43;
	v16 =	vmul.f32 v25, v16;
	v25 =	vld [tilespmem:s1+$0x9000]  }
0x365: {  	v11 =	vmul.f32 v11, v8;
	v50 =	vmul.f32 v12, v7;
	v7 =	vadd.f32 $-1.000000000e+00, v31;
	v51 =	vld [tilespmem:s1+$0x0]  }
0x366: {  	v8 =	vmul.f32 v24, v28;
	v24 =	vmul.f32 v16, v16;
	v52 =	vld [tilespmem:s1+$0xC00]  }
0x367: {  	v12 =	vmul.f32 v27, v7;
	v27 =	vld [tilespmem:s1+$0x2400];
	v7 =	vmul.f32 $1.442695020e+00, v21  }
0x368: {  	v56 =	vld [tilespmem:s1+$0x8400];
	v21 =	vmul.f32 $4.121985730e-01, v24;
	v26 =	vmul.f32 $1.442695020e+00, v26  }
0x369: {  	(erf) = vpow2.f32 v7;
	v7 =	vmul.f32 $1.442695020e+00, v25;
	v25 =	vld [tilespmem:s1+$0x3000]  }
0x36a: {  	v53 =	vld [tilespmem:s1+$0x9C00];
	v31 =	vmul.f32 $1.442695020e+00, v51;
	(erf) = vpow2.f32 v26  }
0x36b: {  	v55 =	vld [tilespmem:s1+$0xA800];
	(erf) = vpow2.f32 v7;
	v7 =	vmul.f32 $1.442695020e+00, v52  }
0x36c: {  	v54 =	vmul.f32 v12, v12;
	v26 =	vld [tilespmem:s1+$0x1800];
	(erf) = vpow2.f32 v31  }
0x36d: {  	v34 =	vld [tilespmem:s1+$0x4800];
	v21 =	vadd.f32 $5.770780440e-01, v21;
	(erf) = vpow2.f32 v7;
	v7 =	vmul.f32 $1.442695020e+00, v27  }
0x36e: {  	v33 =	vmul.f32 $1.442695020e+00, v56;
	v25 =	vmul.f32 $1.442695020e+00, v25  }
0x36f: {  	v15 =	vmax.f32 v15, $-2.325349620e+01;
	v21 =	vmul.f32 v21, v24;
	v27 =	vld [tilespmem:s1+$0x5400];
	(erf) = vpow2.f32 v7  }
0x370: {  	v14 =	vshra.s32 v14, $0x17;
	v7 =	vmul.f32 $1.442695020e+00, v53;
	(erf) = vpow2.f32 v25;
	v25 =	vld [tilespmem:s1+$0xB400]  }
0x371: {  	v14 =	vadd.s32 $0xFFFFFF81, v14;
	v31 =	vmul.f32 $1.442695020e+00, v55;
	v26 =	vmul.f32 $1.442695020e+00, v26  }
0x372: {  	(erf) = vpow2.f32 v7;
	v7 =	vadd.f32 v15, v4;
	v4 =	vmul.f32 $1.442695020e+00, v34;
	v15 =	vld [tilespmem:s1+$0x7800]  }
0x373: {  	v6 =	vadd.f32 v6, v11;
	(erf) = vpow2.f32 v26;
	v26 =	vmul.f32 $4.121985730e-01, v54  }
0x374: {  	v11 =	vadd.f32 v5, v50;
	v27 =	vmul.f32 $1.442695020e+00, v27;
	(erf) = vpow2.f32 v31  }
0x375: {  	v21 =	vadd.f32 $9.617967000e-01, v21;
	(erf) = vpow2.f32 v4;
	v25 =	vmul.f32 $1.442695020e+00, v25  }
0x376: {  	v57 =	vld [tilespmem:s1+$0x3C00];
	v4 =	vshra.s32 v17, $0x17;
	v17 =	vmul.f32 v8, v8;
	(erf) = vpow2.f32 v27  }
0x377: {  	v58 =	vpop (erf);
	v5 =	vmul.f32 $1.442695020e+00, v15;
	v15 =	vadd.f32 $5.770780440e-01, v26;
	(erf) = vpow2.f32 v25  }
0x378: {  	v20 =	vshra.s32 v20, $0x17;
	v27 =	vpop (erf);
	v25 =	vmul.f32 $4.121985730e-01, v17;
	(erf) = vpow2.f32 v33  }
0x379: {  	v35 =	vadd.s32 $0xFFFFFF81, v4;
	v26 =	vpop (erf);
	v4 =	vmul.f32 v15, v54;
	v15 =	vmul.f32 v21, v24  }
0x37a: {  	v59 =	vpop (erf);
	v21 =	vadd.f32 $-1.000000000e+00, v48;
	(erf) = vpow2.f32 v5;
	v5 =	vadd.f32 $5.770780440e-01, v25  }
0x37b: {  	v14 =	vcvt.s32.f32 v14;
	v20 =	vadd.s32 $0xFFFFFF81, v20;
	v31 =	vmul.f32 $1.442695020e+00, v57;
	v60 =	vpop (erf)  }
0x37c: {  	v24 =	vpop (erf);
	v61 =	vmul.f32 v5, v17;
	v5 =	vmax.f32 v6, $-2.325349620e+01;
	v6 =	vadd.f32 $2.885390040e+00, v15  }
0x37d: {  	s3 =	simm.s32 $0x1;
	(erf) = vpow2.f32 v31;
	v4 =	vadd.f32 $9.617967000e-01, v4;
	v25 =	vpop (erf);
	v15 =	vmul.f32 v49, v21  }
0x37e: {  	v18 =	vadd.f32 $-1.000000000e+00, v18;
	s0 =	smul.u32 $0xAB, s3;
	v21 =	vpop (erf);
	v16 =	vmul.f32 v6, v16;
	v6 =	vadd.f32 $-1.000000000e+00, v22  }
0x37f: {  	v5 =	vadd.f32 v5, v3;
	v3 =	vmul.f32 v4, v54;
	v62 =	vpop (erf);
	v22 =	vmul.f32 v15, v15  }
0x380: {  	v20 =	vcvt.s32.f32 v20;
	s28 =	sshrl.u32 s0, $0xC;
	v27 =	vadd.f32 v58, v27;
	v4 =	vadd.f32 $9.617967000e-01, v61;
	v63 =	vpop (erf)  }
0x381: {  	s28 =	sand.u32 $0xF, s28;
	v32 =	vadd.f32 v60, v59;
	v36 =	vadd.f32 $2.885390040e+00, v3;
	v37 =	vpop (erf);
	v3 =	vmul.f32 $4.121985730e-01, v22  }
0x382: {  	s3 =	smul.u32 $0x18, s28;
	v21 =	vadd.f32 v21, v26;
	v17 =	vmul.f32 v4, v17;
	v4 =	vmul.f32 v23, v6;
	v23 =	vld [tilespmem:s1+$0x18000];
	[tilespmem:$0x19C00] =	vst v27;
	v6 =	vpop (erf)  }
0x383: {  	v11 =	vmax.f32 v11, $-2.325349620e+01;
	v24 =	vadd.f32 v24, v62;
	[tilespmem:$0x19A00] =	vst v32;
	v38 =	vadd.f32 $5.770780440e-01, v3;
	v26 =	vpop (erf)  }
0x384: {  	s3 =	ssub.s32 $0x1, s3;
	s1 =	sshrl.u32 s28, $0x3;
	[tilespmem:$0x19D00] =	vst v21;
	v3 =	vmul.f32 v19, v18;
	v18 =	vmul.f32 v4, v4;
	v19 =	vadd.f32 v6, v37;
	v39 =	vpop (erf)  }
0x385: {  	v10 =	vshra.s32 v10, $0x17;
	s28 =	sshll.u32 s3, $0x7;
	[tilespmem:$0x19A80] =	vst v24;
	s1 =	smul.u32 $0xC00, s1;
	v40 =	vmul.f32 v38, v22;
	v26 =	vadd.f32 v26, v63;
	v6 =	vpop (erf)  }
0x386: {  	v9 =	vshra.s32 v9, $0x17;
	s0 =	sshrl.u32 s0, $0x5;
	s3 =	sshll.u32 s3, $0x4;
	s28 =	sand.u32 $0xC00, s28;
	v43 =	vmul.f32 $4.121985730e-01, v18;
	[tilespmem:$0x19B80] =	vst v19;
	v41 =	vpop (erf);
	v28 =	vadd.f32 v39, v6  }
0x387: {  	v9 =	vadd.s32 $0xFFFFFF81, v9;
	s0 =	sand.u32 $0x380, s0;
	s3 =	sand.u32 $0x70, s3;
	s1 =	sadd.s32 s28, s1;
	v31 =	vadd.f32 $9.617967000e-01, v40;
	[tilespmem:$0x19D80] =	vst v26;
	v25 =	vadd.f32 v41, v25  }
0x388: {  	v17 =	vadd.f32 $2.885390040e+00, v17;
	s0 =	sor.u32 s0, s1;
	v6 =	vshra.s32 v13, $0x17;
	v13 =	vadd.f32 $5.770780440e-01, v43;
	[tilespmem:$0x19C80] =	vst v28  }
0x389: {  	v9 =	vcvt.s32.f32 v9;
	s31 =	sor.u32 s3, s0;
	v44 =	vadd.s32 $0xFFFFFF81, v6;
	v6 =	vmul.f32 v31, v22;
	[tilespmem:$0x19B00] =	vst v25  }
0x38a: {  	v10 =	vadd.s32 $0xFFFFFF81, v10;
	v8 =	vmul.f32 v17, v8;
	v13 =	vmul.f32 v13, v18;
	v17 =	vld [tilespmem:s31+$0xB400]  }
0x38b: {  	v42 =	vcvt.s32.f32 v35;
	v16 =	vadd.f32 v20, v16;
	v45 =	vadd.f32 $2.885390040e+00, v6;
	v47 =	vld [tilespmem:s31+$0xA800]  }
0x38c: {  	v6 =	vcvt.s32.f32 v10;
	v10 =	vadd.f32 $9.617967000e-01, v13;
	v13 =	vadd.f32 v24, v32;
	v24 =	vld [tilespmem:s31+$0x6C00]  }
0x38d: {  	v21 =	vadd.f32 v26, v21;
	v22 =	vmul.f32 v3, v3;
	v27 =	vadd.f32 v28, v27;
	v26 =	vld [tilespmem:s31+$0x4800]  }
0x38e: {  	v12 =	vmul.f32 v36, v12;
	v23 =	vshll.u32 v23, $0x6;
	v19 =	vadd.f32 v19, v25;
	v25 =	vld [tilespmem:s31+$0x6000]  }
0x38f: {  	v29 =	vcvt.s32.f32 v44;
	v46 =	vmul.f32 $4.121985730e-01, v22;
	v20 =	vld [tilespmem:s31+$0x9000];
	v21 =	vadd.f32 v21, v27  }
0x390: {  	v27 =	vand.u32 $0xFFFFFF80, v23;
	v23 =	vand.u32 $0xFFFFFF00, v23;
	v49 =	vld [tilespmem:s31+$0x2400];
	v13 =	vadd.f32 v19, v13  }
0x391: {  	v31 =	vadd.f32 $5.770780440e-01, v46;
	v10 =	vmul.f32 v10, v18;
	v19 =	vld [tilespmem:s31+$0x0];
	v24 =	vmul.f32 $1.442695020e+00, v24  }
0x392: {  	v48 =	vld [tilespmem:s31+$0xC00];
	v13 =	vadd.f32 v21, v13;
	v21 =	vxor.u32 $0x100, v23;
	v23 =	vxor.u32 v1, v27  }
0x393: {  	v50 =	vld [tilespmem:s31+$0x3000];
	v25 =	vmul.f32 $1.442695020e+00, v25;
	(erf) = vpow2.f32 v24;
	v24 =	vor.u32 v0, v21  }
0x394: {  	v18 =	vmul.f32 v31, v22;
	v27 =	vor.u32 v0, v27;
	(erf) = vrcp.f32 v13;
	v13 =	vld [tilespmem:s31+$0x9C00]  }
0x395: {  	v2 =	vadd.f32 v11, v2;
	v20 =	vmul.f32 $1.442695020e+00, v20;
	(erf) = vpow2.f32 v25;
	v25 =	vld [tilespmem:s31+$0x1800]  }
0x396: {  	v16 =	vmax.f32 v16, $-2.325349620e+01;
	v11 =	vld [tilespmem:s31+$0x5400];
	v51 =	vmul.f32 $1.442695020e+00, v49;
	v19 =	vmul.f32 $1.442695020e+00, v19  }
0x397: {  	v7 =	vadd.f32 v16, v7;
	v23 =	vld.idx.msk [tilespmem:v23+s24+$0x0], $0xffff;
	(erf) = vpow2.f32 v20;
	v20 =	vmul.f32 $1.442695020e+00, v48  }
0x398: {  	(erf) = vpow2.f32 v19;
	v19 =	vor.u32 v1, v21;
	v21 =	vld.idx.msk [tilespmem:v24+s24+$0x0], $0xffff;
	v24 =	vmul.f32 $1.442695020e+00, v50  }
0x399: {  	v12 =	vadd.f32 v42, v12;
	v16 =	vld.idx.msk [tilespmem:v27+s24+$0x0], $0xffff;
	(erf) = vpow2.f32 v20;
	v13 =	vmul.f32 $1.442695020e+00, v13  }
0x39a: {  	v20 =	vld [tilespmem:s31+$0x8400];
	(erf) = vpow2.f32 v51;
	v25 =	vmul.f32 $1.442695020e+00, v25  }
0x39b: {  	v12 =	vmax.f32 v12, $-2.325349620e+01;
	(erf) = vpow2.f32 v24;
	v24 =	vmul.f32 $1.442695020e+00, v47  }
0x39c: {  	v8 =	vadd.f32 v14, v8;
	v26 =	vmul.f32 $1.442695020e+00, v26;
	v27 =	vld [tilespmem:s31+$0x7800];
	(erf) = vpow2.f32 v13  }
0x39d: {  	v5 =	vadd.f32 v12, v5;
	v11 =	vmul.f32 $1.442695020e+00, v11;
	v13 =	vld [tilespmem:s31+$0x3C00];
	v52 =	vpop (erf);
	(erf) = vpow2.f32 v25  }
0x39e: {  	v8 =	vmax.f32 v8, $-2.325349620e+01;
	v17 =	vmul.f32 $1.442695020e+00, v17;
	(erf) = vpow2.f32 v24;
	v25 =	vpop (erf)  }
0x39f: {  	v23 =	vadd.f32 v23, v16;
	v19 =	vld.idx.msk [tilespmem:v19+s24+$0x0], $0xffff;
	v20 =	vmul.f32 $1.442695020e+00, v20;
	(erf) = vpow2.f32 v26;
	v24 =	vpop (erf)  }
0x3a0: {  	v15 =	vmul.f32 v45, v15;
	v18 =	vadd.f32 $9.617967000e-01, v18;
	(erf) = vpow2.f32 v11;
	v26 =	vpop (erf)  }
0x3a1: {  	v11 =	vmul.f32 $1.442695020e+00, v27;
	v27 =	vpop (erf);
	(erf) = vpow2.f32 v17;
	v17 =	vadd.f32 v21, v23  }
0x3a2: {  	v2 =	vadd.f32 v8, v2;
	v13 =	vmul.f32 $1.442695020e+00, v13;
	v14 =	vpop (erf);
	(erf) = vpow2.f32 v20  }
0x3a3: {  	v10 =	vadd.f32 $2.885390040e+00, v10;
	v18 =	vmul.f32 v18, v22;
	v20 =	vpop (erf);
	(erf) = vpow2.f32 v11  }
0x3a4: {  	s1 =	simm.s32 $0x2;
	v15 =	vadd.f32 v29, v15;
	v11 =	vadd.f32 v19, v17;
	v12 =	vpop (erf);
	(erf) = vpow2.f32 v13  }
0x3a5: {  	s0 =	smul.u32 $0xAB, s1;
	v4 =	vmul.f32 v10, v4;
	v18 =	vadd.f32 $2.885390040e+00, v18;
	v13 =	vmul.f32 v23, v25;
	v17 =	vpop (erf)  }
0x3a6: {  	v16 =	vmul.f32 v16, v25;
	v22 =	vadd.f32 v52, v24;
	v11 =	vmul.f32 v11, v25;
	v19 =	vpop (erf)  }
0x3a7: {  	s3 =	sshrl.u32 s0, $0xC;
	v14 =	vadd.f32 v14, v27;
	v21 =	vand.u32 $0x7FFFFF, v13;
	v17 =	vadd.f32 v17, v26;
	v23 =	vpop (erf)  }
0x3a8: {  	s1 =	sand.u32 $0xF, s3;
	v26 =	vand.u32 $0x7FFFFF, v16;
	v21 =	vor.u32 $0x3F800000, v21;
	v24 =	vand.u32 $0x7FFFFF, v11;
	v25 =	vpop (erf)  }
0x3a9: {  	s28 =	smul.u32 $0x18, s1;
	v10 =	vld [tilespmem:s31+$0x18000];
	v9 =	vadd.f32 v9, v4;
	[tilespmem:$0x19C00] =	vst v22;
	v53 =	vadd.f32 $1.000000000e+00, v21;
	v24 =	vor.u32 $0x3F800000, v24;
	v27 =	vpop (erf)  }
0x3aa: {  	v3 =	vmul.f32 v18, v3;
	[tilespmem:$0x19A00] =	vst v14;
	v19 =	vadd.f32 v20, v19;
	v54 =	vadd.f32 $1.000000000e+00, v24;
	v55 =	vpop (erf)  }
0x3ab: {  	s1 =	sshrl.u32 s1, $0x3;
	s3 =	ssub.s32 $0x2, s28;
	v20 =	vor.u32 $0x3F800000, v26;
	[tilespmem:$0x19D00] =	vst v17;
	(erf) = vrcp.f32 v53;
	v18 =	vadd.f32 v27, v25;
	v26 =	vpop (erf)  }
0x3ac: {  	s1 =	smul.u32 $0xC00, s1;
	s28 =	sshll.u32 s3, $0x7;
	v3 =	vadd.f32 v6, v3;
	[tilespmem:$0x19A80] =	vst v19;
	(erf) = vrcp.f32 v54;
	v23 =	vadd.f32 v55, v23;
	v25 =	vpop (erf)  }
0x3ad: {  	s0 =	sshrl.u32 s0, $0x5;
	s28 =	sand.u32 $0xC00, s28;
	v27 =	vadd.f32 $1.000000000e+00, v20;
	[tilespmem:$0x19B80] =	vst v18;
	v4 =	vpop (erf);
	v8 =	vadd.f32 v26, v25  }
0x3ae: {  	s0 =	sand.u32 $0x380, s0;
	s3 =	sshll.u32 s3, $0x4;
	s1 =	sadd.s32 s28, s1;
	v16 =	vshra.s32 v16, $0x17;
	[tilespmem:$0x19D80] =	vst v23;
	v6 =	vadd.f32 v4, v12;
	v4 =	vmax.f32 v15, $-2.325349620e+01  }
0x3af: {  	s3 =	sand.u32 $0x70, s3;
	s0 =	sor.u32 s0, s1;
	v13 =	vshra.s32 v13, $0x17;
	(erf) = vrcp.f32 v27;
	v4 =	vadd.f32 v4, v7;
	[tilespmem:$0x19C80] =	vst v8  }
0x3b0: {  	s1 =	sor.u32 s3, s0;
	v7 =	vmax.f32 v9, $-2.325349620e+01;
	v9 =	vmax.f32 v3, $-2.325349620e+01;
	v8 =	vadd.f32 v8, v22;
	[tilespmem:$0x19B00] =	vst v6  }
0x3b1: {  	v3 =	vadd.f32 v7, v5;
	v2 =	vadd.f32 v9, v2;
	v5 =	vshra.s32 v11, $0x17;
	v15 =	vld [tilespmem:s1+$0x6C00]  }
0x3b2: {  	v9 =	vshll.u32 v10, $0x6;
	v10 =	vadd.f32 v19, v14;
	v11 =	vadd.f32 v23, v17;
	v17 =	vld [tilespmem:s1+$0xB400]  }
0x3b3: {  	v16 =	vadd.s32 $0xFFFFFF81, v16;
	v7 =	vadd.f32 $-1.000000000e+00, v24;
	v18 =	vadd.f32 v18, v6;
	v22 =	vld [tilespmem:s1+$0x6000]  }
0x3b4: {  	v19 =	vadd.f32 $-1.000000000e+00, v21;
	v6 =	vcvt.s32.f32 v16;
	v14 =	vadd.s32 $0xFFFFFF81, v5;
	v26 =	vld [tilespmem:s1+$0x5400];
	v5 =	vpop (erf)  }
0x3b5: {  	v57 =	vld [tilespmem:s1+$0x1800];
	v24 =	vadd.f32 v11, v8;
	v10 =	vadd.f32 v18, v10;
	v25 =	vcvt.s32.f32 v14;
	v21 =	vpop (erf)  }
0x3b6: {  	v13 =	vadd.s32 $0xFFFFFF81, v13;
	v12 =	vld [tilespmem:s1+$0x18000];
	v21 =	vmul.f32 v21, v7;
	v7 =	vmul.f32 v5, v19  }
0x3b7: {  	v10 =	vadd.f32 v24, v10;
	v5 =	vcvt.s32.f32 v13;
	v19 =	vld [tilespmem:s1+$0x9000];
	v15 =	vmul.f32 $1.442695020e+00, v15  }
0x3b8: {  	v24 =	vld [tilespmem:s1+$0x2400];
	v13 =	vadd.f32 $-1.000000000e+00, v20;
	v22 =	vmul.f32 $1.442695020e+00, v22;
	v27 =	vmul.f32 $1.442695020e+00, v17  }
0x3b9: {  	v20 =	vld [tilespmem:s1+$0xA800];
	v16 =	vpop (erf);
	v26 =	vmul.f32 $1.442695020e+00, v26;
	v23 =	vmul.f32 v21, v21  }
0x3ba: {  	v29 =	vmul.f32 $1.442695020e+00, v57;
	v8 =	vmul.f32 v16, v13;
	v13 =	vld [tilespmem:s1+$0x0]  }
0x3bb: {  	v18 =	vand.u32 $0xFFFFFF80, v9;
	v17 =	vld [tilespmem:s1+$0x3000];
	(erf) = vpow2.f32 v15;
	v14 =	vmul.f32 $4.121985730e-01, v23  }
0x3bc: {  	v9 =	vand.u32 $0xFFFFFF00, v9;
	v11 =	vmul.f32 v8, v8;
	v15 =	vmul.f32 $1.442695020e+00, v19;
	v19 =	vld [tilespmem:s1+$0xC00]  }
0x3bd: {  	v59 =	vxor.u32 $0x100, v9;
	v16 =	vld [tilespmem:s1+$0x9C00];
	(erf) = vrcp.f32 v10;
	v9 =	vmul.f32 $1.442695020e+00, v24  }
0x3be: {  	v20 =	vmul.f32 $1.442695020e+00, v20;
	(erf) = vpow2.f32 v22;
	v14 =	vadd.f32 $5.770780440e-01, v14  }
0x3bf: {  	v56 =	vxor.u32 v1, v18;
	v58 =	vmul.f32 $4.121985730e-01, v11;
	v10 =	vmul.f32 $1.442695020e+00, v13;
	v13 =	vld [tilespmem:s1+$0x4800]  }
0x3c0: {  	v18 =	vor.u32 v0, v18;
	v17 =	vmul.f32 $1.442695020e+00, v17;
	(erf) = vpow2.f32 v15  }
0x3c1: {  	v31 =	vor.u32 v1, v59;
	v14 =	vmul.f32 v14, v23;
	v15 =	vmul.f32 $1.442695020e+00, v19  }
0x3c2: {  	v60 =	vld [tilespmem:s1+$0x8400];
	v12 =	vshll.u32 v12, $0x6;
	v16 =	vmul.f32 $1.442695020e+00, v16;
	(erf) = vpow2.f32 v10  }
0x3c3: {  	v22 =	vld [tilespmem:s1+$0x3C00];
	v19 =	vor.u32 v0, v59;
	v10 =	vadd.f32 $9.617967000e-01, v14;
	(erf) = vpow2.f32 v15  }
0x3c4: {  	v61 =	vld [tilespmem:s1+$0x7800];
	v13 =	vmul.f32 $1.442695020e+00, v13;
	v15 =	vadd.f32 $5.770780440e-01, v58;
	(erf) = vpow2.f32 v9  }
0x3c5: {  	v24 =	vld.idx.msk [tilespmem:v56+s24+$0x0], $0xffff;
	v23 =	vmul.f32 v10, v23;
	v10 =	vand.u32 $0xFFFFFF00, v12;
	(erf) = vpow2.f32 v17  }
0x3c6: {  	v14 =	vld.idx.msk [tilespmem:v18+s24+$0x0], $0xffff;
	v9 =	vand.u32 $0xFFFFFF80, v12;
	v12 =	vmul.f32 v7, v7;
	(erf) = vpow2.f32 v16  }
0x3c7: {  	v62 =	vpop (erf);
	v15 =	vmul.f32 v15, v11;
	(erf) = vpow2.f32 v29  }
0x3c8: {  	v18 =	vpop (erf);
	v17 =	vmul.f32 $1.442695020e+00, v22;
	v63 =	vld.idx.msk [tilespmem:v19+s24+$0x0], $0xffff;
	v19 =	vadd.f32 $2.885390040e+00, v23;
	(erf) = vpow2.f32 v20  }
0x3c9: {  	v22 =	vmul.f32 $1.442695020e+00, v60;
	v16 =	vadd.f32 $9.617967000e-01, v15;
	v20 =	vpop (erf);
	(erf) = vpow2.f32 v13  }
0x3ca: {  	v15 =	vmul.f32 v19, v21;
	v13 =	vadd.f32 v62, v20;
	v20 =	vpop (erf);
	(erf) = vpow2.f32 v26  }
0x3cb: {  	v24 =	vadd.f32 v24, v14;
	v19 =	vld.idx.msk [tilespmem:v31+s24+$0x0], $0xffff;
	v26 =	vmul.f32 $1.442695020e+00, v61;
	v23 =	vpop (erf);
	(erf) = vpow2.f32 v27  }
0x3cc: {  	v21 =	vmul.f32 $4.121985730e-01, v12;
	v15 =	vadd.f32 v25, v15;
	v25 =	vpop (erf);
	(erf) = vpow2.f32 v22  }
0x3cd: {  	s31 =	simm.s32 $0x3;
	[tilespmem:$0x19C00] =	vst v13;
	v22 =	vadd.f32 v25, v23;
	v23 =	vpop (erf);
	(erf) = vpow2.f32 v26;
	v25 =	vadd.f32 v63, v24  }
.LBB2_10:
0x3ce: {  	s0 =	smul.u32 $0xAB, s31  }
0x3cf: {  	p0 =	sne.s32 s31, $0xBF;
	v26 =	vpop (erf);
	(erf) = vpow2.f32 v17;
	v14 =	vmul.f32 v14, v18;
	v15 =	vmax.f32 v15, $-2.325349620e+01;
	s1 =	smov.u32 s31;
	s31 =	sadd.s32 $0x1, s31  }
0x3d0: {  	v24 =	vmul.f32 v24, v18;
	[tilespmem:$0x19A00] =	vst v22;
	v17 =	vpop (erf);
	v19 =	vadd.f32 v19, v25;
	v4 =	vadd.f32 v15, v4  }
0x3d1: {  	v11 =	vmul.f32 v16, v11;
	s3 =	sshrl.u32 s0, $0xC;
	s0 =	sshrl.u32 s0, $0x5;
	v15 =	vadd.f32 v17, v20;
	v17 =	vpop (erf);
	v20 =	vand.u32 $0x7FFFFF, v14  }
0x3d2: {  	s3 =	sand.u32 $0xF, s3;
	v16 =	vadd.f32 v23, v17;
	v17 =	vpop (erf);
	v18 =	vmul.f32 v19, v18;
	v19 =	vand.u32 $0x7FFFFF, v24  }
0x3d3: {  	v21 =	vadd.f32 $5.770780440e-01, v21;
	v20 =	vor.u32 $0x3F800000, v20;
	s28 =	smul.u32 $0x18, s3;
	s3 =	sshrl.u32 s3, $0x3;
	[tilespmem:$0x19D00] =	vst v15;
	v23 =	vpop (erf);
	v19 =	vor.u32 $0x3F800000, v19  }
0x3d4: {  	[tilespmem:$0x19A80] =	vst v16;
	v16 =	vadd.f32 v16, v22;
	v22 =	vpop (erf);
	v25 =	vand.u32 $0x7FFFFF, v18;
	v29 =	vadd.f32 $1.000000000e+00, v19  }
0x3d5: {  	v21 =	vmul.f32 v21, v12;
	s1 =	ssub.s32 s1, s28;
	v22 =	vadd.f32 v22, v23;
	v23 =	vpop (erf);
	v25 =	vor.u32 $0x3F800000, v25  }
0x3d6: {  	s3 =	smul.u32 $0xC00, s3;
	s28 =	sshll.u32 s1, $0x4;
	s1 =	sshll.u32 s1, $0x7;
	v30 =	vadd.f32 v23, v17;
	v23 =	vpop (erf);
	v28 =	vadd.f32 $1.000000000e+00, v25;
	(erf) = vrcp.f32 v29  }
0x3d7: {  	v21 =	vadd.f32 $9.617967000e-01, v21;
	v18 =	vshra.s32 v18, $0x17;
	v29 =	vadd.f32 $1.000000000e+00, v20;
	s1 =	sand.u32 $0xC00, s1;
	[tilespmem:$0x19B80] =	vst v22;
	v27 =	vpop (erf)  }
0x3d8: {  	v11 =	vadd.f32 $2.885390040e+00, v11;
	s0 =	sand.u32 $0x380, s0;
	s1 =	sadd.s32 s1, s3;
	[tilespmem:$0x19D80] =	vst v30;
	v15 =	vadd.f32 v30, v15;
	v17 =	vpop (erf);
	(erf) = vrcp.f32 v28  }
0x3d9: {  	v12 =	vmul.f32 v21, v12;
	s3 =	sand.u32 $0x70, s28;
	v23 =	vadd.f32 v23, v27;
	s0 =	sor.u32 s0, s1;
	v17 =	vadd.f32 v17, v26  }
0x3da: {  	v8 =	vmul.f32 v11, v8;
	v18 =	vadd.s32 $0xFFFFFF81, v18;
	s1 =	sor.u32 s3, s0;
	(erf) = vrcp.f32 v29  }
0x3db: {  	v12 =	vadd.f32 $2.885390040e+00, v12;
	v11 =	vadd.f32 v23, v13;
	v13 =	vshra.s32 v14, $0x17;
	[tilespmem:$0x19B00] =	vst v17  }
0x3dc: {  	v6 =	vadd.f32 v6, v8;
	v14 =	vadd.f32 v22, v17;
	v13 =	vadd.s32 $0xFFFFFF81, v13;
	[tilespmem:$0x19C80] =	vst v23  }
0x3dd: {  	v7 =	vmul.f32 v12, v7;
	v11 =	vadd.f32 v15, v11;
	v15 =	vshra.s32 v24, $0x17;
	v8 =	vld [tilespmem:s1+$0x18000]  }
0x3de: {  	v6 =	vmax.f32 v6, $-2.325349620e+01;
	v14 =	vadd.f32 v14, v16;
	v16 =	vadd.f32 $-1.000000000e+00, v19;
	v12 =	vld [tilespmem:s1+$0xB400]  }
0x3df: {  	v3 =	vadd.f32 v6, v3;
	v21 =	vadd.f32 v5, v7;
	v23 =	vadd.s32 $0xFFFFFF81, v15;
	v17 =	vld [tilespmem:s1+$0xA800];
	v19 =	vpop (erf)  }
0x3e0: {  	v6 =	vadd.f32 $-1.000000000e+00, v25;
	v14 =	vadd.f32 v11, v14;
	v22 =	vld [tilespmem:s1+$0x6C00];
	v7 =	vmul.f32 v19, v16  }
0x3e1: {  	v5 =	vcvt.s32.f32 v23;
	v11 =	vadd.f32 $-1.000000000e+00, v20;
	v19 =	vmax.f32 v21, $-2.325349620e+01;
	v16 =	vld [tilespmem:s1+$0x4800];
	v15 =	vpop (erf)  }
0x3e2: {  	v2 =	vadd.f32 v19, v2;
	v20 =	vld [tilespmem:s1+$0x6000];
	v24 =	vshll.u32 v8, $0x6;
	v15 =	vmul.f32 v15, v6  }
0x3e3: {  	v6 =	vcvt.s32.f32 v13;
	v19 =	vld [tilespmem:s1+$0x9000];
	v21 =	vand.u32 $0xFFFFFF80, v24;
	v23 =	vand.u32 $0xFFFFFF00, v24;
	v8 =	vpop (erf)  }
0x3e4: {  	v24 =	vxor.u32 $0x100, v10;
	v13 =	vld [tilespmem:s1+$0x9C00];
	v25 =	vmul.f32 v15, v15;
	v8 =	vmul.f32 v8, v11;
	v10 =	vmovc v23  }
0x3e5: {  	v27 =	vcvt.s32.f32 v18;
	v26 =	vxor.u32 v1, v9;
	v23 =	vld [tilespmem:s1+$0x0];
	v22 =	vmul.f32 $1.442695020e+00, v22  }
0x3e6: {  	v28 =	vor.u32 v1, v24;
	v18 =	vld [tilespmem:s1+$0x2400];
	v29 =	vmul.f32 $4.121985730e-01, v25;
	v11 =	vmul.f32 v8, v8  }
0x3e7: {  	v30 =	vld [tilespmem:s1+$0x5400];
	v20 =	vmul.f32 $1.442695020e+00, v20;
	(erf) = vpow2.f32 v22;
	v22 =	vor.u32 v0, v24  }
0x3e8: {  	v31 =	vmul.f32 $1.442695020e+00, v17;
	v24 =	vld [tilespmem:s1+$0xC00];
	v19 =	vmul.f32 $1.442695020e+00, v19;
	v17 =	vadd.f32 $5.770780440e-01, v29  }
0x3e9: {  	v32 =	vmul.f32 $1.442695020e+00, v12;
	v29 =	vld [tilespmem:s1+$0x3000];
	(erf) = vrcp.f32 v14  }
0x3ea: {  	v12 =	vmul.f32 $1.442695020e+00, v23;
	v23 =	vld.idx.msk [tilespmem:v26+s24+$0x0], $0xffff;
	v14 =	vmul.f32 v17, v25  }
0x3eb: {  	v33 =	vmul.f32 $4.121985730e-01, v11;
	v13 =	vmul.f32 $1.442695020e+00, v13;
	v26 =	vor.u32 v0, v9;
	v9 =	vmovc v21;
	v17 =	vld [tilespmem:s1+$0x1800]  }
0x3ec: {  	v21 =	vmul.f32 $1.442695020e+00, v30;
	(erf) = vpow2.f32 v20;
	v30 =	vld.idx.msk [tilespmem:v22+s24+$0x0], $0xffff;
	v14 =	vadd.f32 $9.617967000e-01, v14  }
0x3ed: {  	v18 =	vmul.f32 $1.442695020e+00, v18;
	v20 =	vadd.f32 $5.770780440e-01, v33;
	(erf) = vpow2.f32 v19;
	v19 =	vld.idx.msk [tilespmem:v28+s24+$0x0], $0xffff  }
0x3ee: {  	v33 =	vmul.f32 $1.442695020e+00, v24;
	v22 =	vld [tilespmem:s1+$0x3C00];
	v28 =	vmul.f32 $1.442695020e+00, v29  }
0x3ef: {  	v29 =	vmul.f32 $1.442695020e+00, v16;
	(erf) = vpow2.f32 v12  }
0x3f0: {  	v16 =	vld [tilespmem:s1+$0x8400];
	v12 =	vmul.f32 $1.442695020e+00, v17;
	(erf) = vpow2.f32 v33;
	v24 =	vpop (erf)  }
0x3f1: {  	v25 =	vmul.f32 v14, v25;
	v33 =	vld [tilespmem:s1+$0x7800];
	(erf) = vpow2.f32 v18  }
0x3f2: {  	v20 =	vmul.f32 v20, v11;
	(erf) = vpow2.f32 v28;
	v14 =	vld.idx.msk [tilespmem:v26+s24+$0x0], $0xffff;
	v18 =	vpop (erf)  }
0x3f3: {  	v17 =	vmul.f32 $1.442695020e+00, v22;
	(erf) = vpow2.f32 v13  }
0x3f4: {  	v22 =	vadd.f32 $2.885390040e+00, v25;
	(erf) = vpow2.f32 v12;
	v12 =	vmul.f32 v7, v7  }
0x3f5: {  	v25 =	vmul.f32 $1.442695020e+00, v16;
	v13 =	vpop (erf);
	(erf) = vpow2.f32 v31;
	v16 =	vadd.f32 $9.617967000e-01, v20  }
.Ltmp4:
0x3f6: {  	v15 =	vmul.f32 v22, v15;
	v13 =	vadd.f32 v24, v13;
	(erf) = vpow2.f32 v29;
	v20 =	vpop (erf);
	(pc) =	sbr.rel @p0 .LBB2_10-.Ltmp4, $4  }
0x3f7: {  	v26 =	vmul.f32 $1.442695020e+00, v33;
	(erf) = vpow2.f32 v21  }
0x3f8: {  	v24 =	vadd.f32 v23, v14;
	v15 =	vadd.f32 v27, v15;
	[tilespmem:$0x19C00] =	vst v13;
	v22 =	vpop (erf);
	(erf) = vpow2.f32 v32  }
0x3f9: {  	v21 =	vmul.f32 $4.121985730e-01, v12;
	v23 =	vpop (erf);
	(erf) = vpow2.f32 v25  }
0x3fa: {  	v25 =	vadd.f32 v30, v24;
	v22 =	vadd.f32 v23, v22;
	v23 =	vpop (erf);
	(erf) = vpow2.f32 v26  }
0x3fb: {  	v26 =	vpop (erf);
	(erf) = vpow2.f32 v17  }
0x3fc: {  	v27 =	vpop (erf)  }
0x3fd: {  	v28 =	vpop (erf)  }
0x3fe: {  	v29 =	vpop (erf)  }
0x3ff: {  	v30 =	vpop (erf)  }
0x400: {  	v17 =	vmul.f32 v14, v18;
	v14 =	vmul.f32 v24, v18;
	v24 =	vpop (erf)  }
0x401: {  	v19 =	vadd.f32 v19, v25;
	v25 =	vpop (erf)  }
0x402: {  	v45 =	vxor.u32 v1, v9;
	v9 =	vor.u32 v0, v9;
	v10 =	vxor.u32 $0x100, v10;
	v33 =	vpop (erf)  }
0x403: {  	v27 =	vadd.f32 v27, v20;
	v23 =	vadd.f32 v23, v28;
	v20 =	vmul.f32 v19, v18;
	v18 =	vpop (erf)  }
0x404: {  	v32 =	vand.u32 $0x7FFFFF, v14;
	v19 =	vadd.f32 v24, v30;
	v24 =	vadd.f32 v25, v29;
	v25 =	vpop (erf)  }
0x405: {  	[tilespmem:$0x19A00] =	vst v22;
	v43 =	vor.u32 $0x3F800000, v32;
	v18 =	vadd.f32 v33, v18;
	v25 =	vadd.f32 v25, v26  }
0x406: {  	[tilespmem:$0x19D00] =	vst v27;
	v44 =	vand.u32 $0x7FFFFF, v20;
	v22 =	vadd.f32 v23, v22;
	v27 =	vadd.f32 v24, v27  }
0x407: {  	[tilespmem:$0x19A80] =	vst v23;
	v26 =	vor.u32 $0x3F800000, v44;
	v13 =	vadd.f32 v18, v13;
	v23 =	vadd.f32 v19, v25  }
0x408: {  	v31 =	vand.u32 $0x7FFFFF, v17;
	v46 =	vadd.f32 $1.000000000e+00, v43;
	[tilespmem:$0x19B80] =	vst v19;
	v47 =	vadd.f32 $1.000000000e+00, v26  }
0x409: {  	v31 =	vor.u32 $0x3F800000, v31;
	[tilespmem:$0x19D80] =	vst v24;
	v13 =	vadd.f32 v27, v13;
	v19 =	vadd.f32 v23, v22  }
0x40a: {  	(erf) = vrcp.f32 v46;
	[tilespmem:$0x19C80] =	vst v18;
	v22 =	vadd.f32 $1.000000000e+00, v31;
	v23 =	vor.u32 v0, v10  }
0x40b: {  	[tilespmem:$0x19B00] =	vst v25;
	(erf) = vrcp.f32 v47;
	v13 =	vadd.f32 v13, v19  }
0x40c: {  	v18 =	vld.idx.msk [tilespmem:v45+s24+$0x0], $0xffff;
	v10 =	vor.u32 v1, v10;
	(erf) = vrcp.f32 v22  }
0x40d: {  	v9 =	vld.idx.msk [tilespmem:v9+s24+$0x0], $0xffff;
	(erf) = vrcp.f32 v13;
	_ =	sdelay $0x1  }
0x40e: {  	v13 =	vld.idx.msk [tilespmem:v23+s24+$0x0], $0xffff;
	_ =	sdelay $0x1  }
0x40f: {  	v10 =	vld.idx.msk [tilespmem:v10+s24+$0x0], $0xffff  }
0x410: {  	v18 =	vadd.f32 v18, v9  }
0x411: {  	v24 =	vpop (erf)  }
0x412: {  	v25 =	vpop (erf);
	v13 =	vadd.f32 v13, v18  }
0x413: {  	v27 =	vpop (erf)  }
0x414: {  	v13 =	vadd.f32 v10, v13;
	v19 =	vpop (erf)  }
0x415: {  	v10 =	vmul.f32 v18, v19  }
0x416: {  	v13 =	vmul.f32 v13, v19  }
0x417: {  	v9 =	vmul.f32 v9, v19;
	v18 =	vand.u32 $0x7FFFFF, v10  }
0x418: {  	v19 =	vand.u32 $0x7FFFFF, v13;
	v18 =	vor.u32 $0x3F800000, v18  }
0x419: {  	v22 =	vand.u32 $0x7FFFFF, v9;
	v48 =	vor.u32 $0x3F800000, v19;
	v23 =	vadd.f32 $1.000000000e+00, v18  }
0x41a: {  	v22 =	vor.u32 $0x3F800000, v22;
	v19 =	vadd.f32 $1.000000000e+00, v48  }
0x41b: {  	(erf) = vrcp.f32 v23;
	v23 =	vadd.f32 $1.000000000e+00, v22  }
0x41c: {  	(erf) = vrcp.f32 v19  }
0x41d: {  	(erf) = vrcp.f32 v23;
	_ =	sdelay $0x2  }
0x41e: {  	s0 =	simm.s32 $0x0  }
0x41f: {  	s0 =	smul.u32 $0xAB, s0;
	_ =	sdelay $0x1  }
0x420: {  	s1 =	sshrl.u32 s0, $0xC  }
0x421: {  	s1 =	sand.u32 $0xF, s1;
	v19 =	vpop (erf)  }
0x422: {  	s3 =	smul.u32 $0x18, s1;
	v49 =	vpop (erf)  }
0x423: {  	v21 =	vadd.f32 $5.770780440e-01, v21;
	s0 =	sshrl.u32 s0, $0x5;
	v23 =	vpop (erf)  }
0x424: {  	s1 =	sshrl.u32 s1, $0x3;
	s3 =	ssub.s32 $0x0, s3;
	_ =	swait.ge [sflag:s25], $0xC000  }
0x425: {  	v21 =	vmul.f32 v21, v12;
	s1 =	smul.u32 $0xC00, s1;
	s28 =	sshll.u32 s3, $0x7;
	[sflag:s25] =	ssyncset.done $0x0  }
0x426: {  	s0 =	sand.u32 $0x380, s0;
	s28 =	sand.u32 $0xC00, s28;
	[sflag:s25] =	ssyncadd.s32 $0xFFFF4000  }
0x427: {  	v21 =	vadd.f32 $9.617967000e-01, v21;
	s3 =	sshll.u32 s3, $0x4;
	s1 =	sadd.s32 s28, s1;
	_ =	swait.ge [sflag:s26], $0xC00  }
0x428: {  	s3 =	sand.u32 $0x70, s3;
	s0 =	sor.u32 s0, s1;
	[sflag:s26] =	ssyncset.done $0x0  }
0x429: {  	v11 =	vmul.f32 v16, v11;
	v12 =	vmul.f32 v21, v12;
	s1 =	sor.u32 s3, s0;
	[sflag:s26] =	ssyncadd.s32 $0xFFFFF400  }
0x42a: {  	v16 =	vadd.f32 $-1.000000000e+00, v26;
	v21 =	vld [tilespmem:s1+$0x12C00]  }
0x42b: {  	v11 =	vadd.f32 $2.885390040e+00, v11;
	v12 =	vadd.f32 $2.885390040e+00, v12;
	v26 =	vld [tilespmem:s1+$0x12000]  }
0x42c: {  	v28 =	vadd.f32 $-1.000000000e+00, v43;
	v16 =	vmul.f32 v25, v16;
	v25 =	vld [tilespmem:s1+$0x15000]  }
0x42d: {  	v11 =	vmul.f32 v11, v8;
	v50 =	vmul.f32 v12, v7;
	v7 =	vadd.f32 $-1.000000000e+00, v31;
	v51 =	vld [tilespmem:s1+$0xC000]  }
0x42e: {  	v8 =	vmul.f32 v24, v28;
	v24 =	vmul.f32 v16, v16;
	v52 =	vld [tilespmem:s1+$0xCC00]  }
0x42f: {  	v12 =	vmul.f32 v27, v7;
	v27 =	vld [tilespmem:s1+$0xE400];
	v7 =	vmul.f32 $1.442695020e+00, v21  }
0x430: {  	v56 =	vld [tilespmem:s1+$0x14400];
	v21 =	vmul.f32 $4.121985730e-01, v24;
	v26 =	vmul.f32 $1.442695020e+00, v26  }
0x431: {  	(erf) = vpow2.f32 v7;
	v7 =	vmul.f32 $1.442695020e+00, v25;
	v25 =	vld [tilespmem:s1+$0xF000]  }
0x432: {  	v53 =	vld [tilespmem:s1+$0x15C00];
	v31 =	vmul.f32 $1.442695020e+00, v51;
	(erf) = vpow2.f32 v26  }
0x433: {  	v55 =	vld [tilespmem:s1+$0x16800];
	(erf) = vpow2.f32 v7;
	v7 =	vmul.f32 $1.442695020e+00, v52  }
0x434: {  	v54 =	vmul.f32 v12, v12;
	v26 =	vld [tilespmem:s1+$0xD800];
	(erf) = vpow2.f32 v31  }
0x435: {  	v34 =	vld [tilespmem:s1+$0x10800];
	v21 =	vadd.f32 $5.770780440e-01, v21;
	(erf) = vpow2.f32 v7;
	v7 =	vmul.f32 $1.442695020e+00, v27  }
0x436: {  	v33 =	vmul.f32 $1.442695020e+00, v56;
	v25 =	vmul.f32 $1.442695020e+00, v25  }
0x437: {  	v21 =	vmul.f32 v21, v24;
	v27 =	vld [tilespmem:s1+$0x11400];
	(erf) = vpow2.f32 v7  }
0x438: {  	v15 =	vmax.f32 v15, $-2.325349620e+01;
	v7 =	vmul.f32 $1.442695020e+00, v53;
	(erf) = vpow2.f32 v25;
	v25 =	vld [tilespmem:s1+$0x17400]  }
0x439: {  	v14 =	vshra.s32 v14, $0x17;
	v31 =	vmul.f32 $1.442695020e+00, v55;
	v26 =	vmul.f32 $1.442695020e+00, v26  }
0x43a: {  	(erf) = vpow2.f32 v7;
	v7 =	vadd.f32 v15, v4;
	v4 =	vmul.f32 $1.442695020e+00, v34;
	v15 =	vld [tilespmem:s1+$0x13800]  }
0x43b: {  	v6 =	vadd.f32 v6, v11;
	(erf) = vpow2.f32 v26;
	v26 =	vmul.f32 $4.121985730e-01, v54  }
0x43c: {  	v11 =	vadd.f32 v5, v50;
	v27 =	vmul.f32 $1.442695020e+00, v27;
	(erf) = vpow2.f32 v31  }
0x43d: {  	v21 =	vadd.f32 $9.617967000e-01, v21;
	(erf) = vpow2.f32 v4;
	v25 =	vmul.f32 $1.442695020e+00, v25  }
0x43e: {  	v57 =	vld [tilespmem:s1+$0xFC00];
	v4 =	vshra.s32 v17, $0x17;
	v17 =	vmul.f32 v8, v8;
	(erf) = vpow2.f32 v27  }
0x43f: {  	v58 =	vpop (erf);
	v5 =	vmul.f32 $1.442695020e+00, v15;
	v15 =	vadd.f32 $5.770780440e-01, v26;
	(erf) = vpow2.f32 v25  }
0x440: {  	v14 =	vadd.s32 $0xFFFFFF81, v14;
	v27 =	vpop (erf);
	v25 =	vmul.f32 $4.121985730e-01, v17;
	(erf) = vpow2.f32 v33  }
0x441: {  	v35 =	vadd.s32 $0xFFFFFF81, v4;
	v26 =	vpop (erf);
	v4 =	vmul.f32 v15, v54;
	v15 =	vmul.f32 v21, v24  }
0x442: {  	v59 =	vpop (erf);
	v21 =	vadd.f32 $-1.000000000e+00, v48;
	(erf) = vpow2.f32 v5;
	v5 =	vadd.f32 $5.770780440e-01, v25  }
0x443: {  	v14 =	vcvt.s32.f32 v14;
	v20 =	vshra.s32 v20, $0x17;
	v31 =	vmul.f32 $1.442695020e+00, v57;
	v60 =	vpop (erf)  }
0x444: {  	v24 =	vpop (erf);
	v61 =	vmul.f32 v5, v17;
	v5 =	vmax.f32 v6, $-2.325349620e+01;
	v6 =	vadd.f32 $2.885390040e+00, v15  }
0x445: {  	s3 =	simm.s32 $0x1;
	(erf) = vpow2.f32 v31;
	v4 =	vadd.f32 $9.617967000e-01, v4;
	v25 =	vpop (erf);
	v15 =	vmul.f32 v49, v21  }
0x446: {  	s0 =	smul.u32 $0xAB, s3;
	v18 =	vadd.f32 $-1.000000000e+00, v18;
	v21 =	vpop (erf);
	v16 =	vmul.f32 v6, v16;
	v6 =	vadd.f32 $-1.000000000e+00, v22  }
0x447: {  	v5 =	vadd.f32 v5, v3;
	v3 =	vmul.f32 v4, v54;
	v62 =	vpop (erf);
	v22 =	vmul.f32 v15, v15  }
0x448: {  	v20 =	vadd.s32 $0xFFFFFF81, v20;
	s28 =	sshrl.u32 s0, $0xC;
	v27 =	vadd.f32 v58, v27;
	v4 =	vadd.f32 $9.617967000e-01, v61;
	v63 =	vpop (erf)  }
0x449: {  	s28 =	sand.u32 $0xF, s28;
	v32 =	vadd.f32 v60, v59;
	v36 =	vadd.f32 $2.885390040e+00, v3;
	v37 =	vpop (erf);
	v3 =	vmul.f32 $4.121985730e-01, v22  }
0x44a: {  	s3 =	smul.u32 $0x18, s28;
	v21 =	vadd.f32 v21, v26;
	v17 =	vmul.f32 v4, v17;
	v4 =	vmul.f32 v23, v6;
	v23 =	vld [tilespmem:s1+$0x18C00];
	[tilespmem:$0x19C00] =	vst v27;
	v6 =	vpop (erf)  }
0x44b: {  	v20 =	vcvt.s32.f32 v20;
	v24 =	vadd.f32 v24, v62;
	[tilespmem:$0x19A00] =	vst v32;
	v38 =	vadd.f32 $5.770780440e-01, v3;
	v26 =	vpop (erf)  }
0x44c: {  	s3 =	ssub.s32 $0x1, s3;
	s1 =	sshrl.u32 s28, $0x3;
	[tilespmem:$0x19D00] =	vst v21;
	v3 =	vmul.f32 v19, v18;
	v18 =	vmul.f32 v4, v4;
	v19 =	vadd.f32 v6, v37;
	v39 =	vpop (erf)  }
0x44d: {  	v10 =	vshra.s32 v10, $0x17;
	s28 =	sshll.u32 s3, $0x7;
	[tilespmem:$0x19A80] =	vst v24;
	s1 =	smul.u32 $0xC00, s1;
	v40 =	vmul.f32 v38, v22;
	v26 =	vadd.f32 v26, v63;
	v6 =	vpop (erf)  }
0x44e: {  	s0 =	sshrl.u32 s0, $0x5;
	v9 =	vshra.s32 v9, $0x17;
	s3 =	sshll.u32 s3, $0x4;
	s28 =	sand.u32 $0xC00, s28;
	v43 =	vmul.f32 $4.121985730e-01, v18;
	[tilespmem:$0x19B80] =	vst v19;
	v41 =	vpop (erf);
	v28 =	vadd.f32 v39, v6  }
0x44f: {  	s0 =	sand.u32 $0x380, s0;
	v9 =	vadd.s32 $0xFFFFFF81, v9;
	s3 =	sand.u32 $0x70, s3;
	s1 =	sadd.s32 s28, s1;
	v31 =	vadd.f32 $9.617967000e-01, v40;
	[tilespmem:$0x19D80] =	vst v26;
	v25 =	vadd.f32 v41, v25  }
0x450: {  	v17 =	vadd.f32 $2.885390040e+00, v17;
	s0 =	sor.u32 s0, s1;
	v6 =	vshra.s32 v13, $0x17;
	v13 =	vadd.f32 $5.770780440e-01, v43;
	[tilespmem:$0x19C80] =	vst v28  }
0x451: {  	v9 =	vcvt.s32.f32 v9;
	s31 =	sor.u32 s3, s0;
	v44 =	vadd.s32 $0xFFFFFF81, v6;
	v6 =	vmul.f32 v31, v22;
	[tilespmem:$0x19B00] =	vst v25  }
0x452: {  	v10 =	vadd.s32 $0xFFFFFF81, v10;
	v8 =	vmul.f32 v17, v8;
	v13 =	vmul.f32 v13, v18;
	v17 =	vld [tilespmem:s31+$0x17400]  }
0x453: {  	v42 =	vcvt.s32.f32 v35;
	v16 =	vadd.f32 v20, v16;
	v45 =	vadd.f32 $2.885390040e+00, v6;
	v47 =	vld [tilespmem:s31+$0x16800]  }
0x454: {  	v6 =	vcvt.s32.f32 v10;
	v10 =	vadd.f32 $9.617967000e-01, v13;
	v13 =	vadd.f32 v24, v32;
	v24 =	vld [tilespmem:s31+$0x12C00]  }
0x455: {  	v21 =	vadd.f32 v26, v21;
	v22 =	vmul.f32 v3, v3;
	v27 =	vadd.f32 v28, v27;
	v26 =	vld [tilespmem:s31+$0x10800]  }
0x456: {  	v12 =	vmul.f32 v36, v12;
	v23 =	vshll.u32 v23, $0x6;
	v19 =	vadd.f32 v19, v25;
	v25 =	vld [tilespmem:s31+$0x12000]  }
0x457: {  	v29 =	vcvt.s32.f32 v44;
	v46 =	vmul.f32 $4.121985730e-01, v22;
	v20 =	vld [tilespmem:s31+$0x15000];
	v21 =	vadd.f32 v21, v27  }
0x458: {  	v27 =	vand.u32 $0xFFFFFF80, v23;
	v23 =	vand.u32 $0xFFFFFF00, v23;
	v49 =	vld [tilespmem:s31+$0xE400];
	v13 =	vadd.f32 v19, v13  }
0x459: {  	v31 =	vadd.f32 $5.770780440e-01, v46;
	v10 =	vmul.f32 v10, v18;
	v19 =	vld [tilespmem:s31+$0xC000];
	v24 =	vmul.f32 $1.442695020e+00, v24  }
0x45a: {  	v48 =	vld [tilespmem:s31+$0xCC00];
	v13 =	vadd.f32 v21, v13;
	v21 =	vxor.u32 $0x100, v23;
	v23 =	vxor.u32 v1, v27  }
0x45b: {  	v50 =	vld [tilespmem:s31+$0xF000];
	v25 =	vmul.f32 $1.442695020e+00, v25;
	(erf) = vpow2.f32 v24;
	v24 =	vor.u32 v0, v21  }
0x45c: {  	v18 =	vmul.f32 v31, v22;
	v27 =	vor.u32 v0, v27;
	(erf) = vrcp.f32 v13;
	v13 =	vld [tilespmem:s31+$0x15C00]  }
0x45d: {  	v11 =	vmax.f32 v11, $-2.325349620e+01;
	v20 =	vmul.f32 $1.442695020e+00, v20;
	(erf) = vpow2.f32 v25;
	v25 =	vld [tilespmem:s31+$0xD800]  }
0x45e: {  	v2 =	vadd.f32 v11, v2;
	v11 =	vld [tilespmem:s31+$0x11400];
	v51 =	vmul.f32 $1.442695020e+00, v49;
	v19 =	vmul.f32 $1.442695020e+00, v19  }
0x45f: {  	v16 =	vmax.f32 v16, $-2.325349620e+01;
	v23 =	vld.idx.msk [tilespmem:v23+s24+$0x0], $0xffff;
	(erf) = vpow2.f32 v20;
	v20 =	vmul.f32 $1.442695020e+00, v48  }
0x460: {  	(erf) = vpow2.f32 v19;
	v19 =	vor.u32 v1, v21;
	v21 =	vld.idx.msk [tilespmem:v24+s24+$0x0], $0xffff;
	v24 =	vmul.f32 $1.442695020e+00, v50  }
0x461: {  	v7 =	vadd.f32 v16, v7;
	v16 =	vld.idx.msk [tilespmem:v27+s24+$0x0], $0xffff;
	(erf) = vpow2.f32 v20;
	v13 =	vmul.f32 $1.442695020e+00, v13  }
0x462: {  	v20 =	vld [tilespmem:s31+$0x14400];
	(erf) = vpow2.f32 v51;
	v25 =	vmul.f32 $1.442695020e+00, v25  }
0x463: {  	v12 =	vadd.f32 v42, v12;
	(erf) = vpow2.f32 v24;
	v24 =	vmul.f32 $1.442695020e+00, v47  }
0x464: {  	v26 =	vmul.f32 $1.442695020e+00, v26;
	v27 =	vld [tilespmem:s31+$0x13800];
	(erf) = vpow2.f32 v13  }
0x465: {  	v12 =	vmax.f32 v12, $-2.325349620e+01;
	v11 =	vmul.f32 $1.442695020e+00, v11;
	v13 =	vld [tilespmem:s31+$0xFC00];
	v52 =	vpop (erf);
	(erf) = vpow2.f32 v25  }
0x466: {  	v8 =	vadd.f32 v14, v8;
	v17 =	vmul.f32 $1.442695020e+00, v17;
	(erf) = vpow2.f32 v24;
	v25 =	vpop (erf)  }
0x467: {  	v23 =	vadd.f32 v23, v16;
	v19 =	vld.idx.msk [tilespmem:v19+s24+$0x0], $0xffff;
	v20 =	vmul.f32 $1.442695020e+00, v20;
	(erf) = vpow2.f32 v26;
	v24 =	vpop (erf)  }
0x468: {  	v15 =	vmul.f32 v45, v15;
	v18 =	vadd.f32 $9.617967000e-01, v18;
	(erf) = vpow2.f32 v11;
	v26 =	vpop (erf)  }
0x469: {  	v11 =	vmul.f32 $1.442695020e+00, v27;
	(erf) = vpow2.f32 v17;
	v17 =	vadd.f32 v21, v23;
	v27 =	vpop (erf)  }
0x46a: {  	v12 =	vadd.f32 v12, v5;
	v13 =	vmul.f32 $1.442695020e+00, v13;
	v14 =	vpop (erf);
	(erf) = vpow2.f32 v20  }
0x46b: {  	v10 =	vadd.f32 $2.885390040e+00, v10;
	v18 =	vmul.f32 v18, v22;
	v20 =	vpop (erf);
	(erf) = vpow2.f32 v11  }
0x46c: {  	s1 =	simm.s32 $0x2;
	v15 =	vadd.f32 v29, v15;
	v11 =	vadd.f32 v19, v17;
	v5 =	vpop (erf);
	(erf) = vpow2.f32 v13  }
0x46d: {  	s0 =	smul.u32 $0xAB, s1;
	v4 =	vmul.f32 v10, v4;
	v18 =	vadd.f32 $2.885390040e+00, v18;
	v13 =	vmul.f32 v23, v25;
	v17 =	vpop (erf)  }
0x46e: {  	v16 =	vmul.f32 v16, v25;
	v22 =	vadd.f32 v52, v24;
	v11 =	vmul.f32 v11, v25;
	v19 =	vpop (erf)  }
0x46f: {  	s3 =	sshrl.u32 s0, $0xC;
	v14 =	vadd.f32 v14, v27;
	v21 =	vand.u32 $0x7FFFFF, v13;
	v17 =	vadd.f32 v17, v26;
	v23 =	vpop (erf)  }
0x470: {  	s1 =	sand.u32 $0xF, s3;
	v26 =	vand.u32 $0x7FFFFF, v16;
	v21 =	vor.u32 $0x3F800000, v21;
	v24 =	vand.u32 $0x7FFFFF, v11;
	v25 =	vpop (erf)  }
0x471: {  	s28 =	smul.u32 $0x18, s1;
	v10 =	vld [tilespmem:s31+$0x18C00];
	v4 =	vadd.f32 v9, v4;
	[tilespmem:$0x19C00] =	vst v22;
	v53 =	vadd.f32 $1.000000000e+00, v21;
	v24 =	vor.u32 $0x3F800000, v24;
	v27 =	vpop (erf)  }
0x472: {  	v3 =	vmul.f32 v18, v3;
	[tilespmem:$0x19A00] =	vst v14;
	v19 =	vadd.f32 v20, v19;
	v54 =	vadd.f32 $1.000000000e+00, v24;
	v55 =	vpop (erf)  }
0x473: {  	s1 =	sshrl.u32 s1, $0x3;
	s3 =	ssub.s32 $0x2, s28;
	v20 =	vor.u32 $0x3F800000, v26;
	[tilespmem:$0x19D00] =	vst v17;
	(erf) = vrcp.f32 v53;
	v18 =	vadd.f32 v27, v25;
	v26 =	vpop (erf)  }
0x474: {  	s1 =	smul.u32 $0xC00, s1;
	s28 =	sshll.u32 s3, $0x7;
	v3 =	vadd.f32 v6, v3;
	[tilespmem:$0x19A80] =	vst v19;
	(erf) = vrcp.f32 v54;
	v9 =	vadd.f32 v55, v23;
	v25 =	vpop (erf)  }
0x475: {  	s0 =	sshrl.u32 s0, $0x5;
	v8 =	vmax.f32 v8, $-2.325349620e+01;
	s28 =	sand.u32 $0xC00, s28;
	v27 =	vadd.f32 $1.000000000e+00, v20;
	[tilespmem:$0x19B80] =	vst v18;
	v23 =	vpop (erf);
	v6 =	vadd.f32 v26, v25  }
0x476: {  	s0 =	sand.u32 $0x380, s0;
	v2 =	vadd.f32 v8, v2;
	s3 =	sshll.u32 s3, $0x4;
	s1 =	sadd.s32 s28, s1;
	v4 =	vmax.f32 v4, $-2.325349620e+01;
	[tilespmem:$0x19D80] =	vst v9;
	v23 =	vadd.f32 v23, v5  }
0x477: {  	s3 =	sand.u32 $0x70, s3;
	s0 =	sor.u32 s0, s1;
	(erf) = vrcp.f32 v27;
	v8 =	vadd.f32 v9, v17;
	v5 =	vmax.f32 v15, $-2.325349620e+01;
	[tilespmem:$0x19C80] =	vst v6  }
0x478: {  	s1 =	sor.u32 s3, s0;
	v17 =	vadd.f32 $-1.000000000e+00, v21;
	v5 =	vadd.f32 v5, v7;
	v7 =	vmax.f32 v3, $-2.325349620e+01;
	[tilespmem:$0x19B00] =	vst v23  }
0x479: {  	v3 =	vadd.f32 v4, v12;
	v12 =	vadd.f32 v19, v14;
	v4 =	vshra.s32 v11, $0x17;
	v15 =	vld [tilespmem:s1+$0x12C00]  }
0x47a: {  	v14 =	vadd.f32 v6, v22;
	v2 =	vadd.f32 v7, v2;
	v7 =	vshra.s32 v16, $0x17;
	v16 =	vld [tilespmem:s1+$0x17400]  }
0x47b: {  	v13 =	vshra.s32 v13, $0x17;
	v6 =	vadd.f32 $-1.000000000e+00, v24;
	v18 =	vadd.f32 v18, v23;
	v21 =	vld [tilespmem:s1+$0x12000]  }
0x47c: {  	v11 =	vadd.s32 $0xFFFFFF81, v4;
	v7 =	vadd.s32 $0xFFFFFF81, v7;
	v14 =	vadd.f32 v8, v14;
	v26 =	vld [tilespmem:s1+$0x11400];
	v4 =	vpop (erf)  }
0x47d: {  	v24 =	vcvt.s32.f32 v11;
	v7 =	vcvt.s32.f32 v7;
	v12 =	vadd.f32 v18, v12;
	v18 =	vld [tilespmem:s1+$0x15C00];
	v19 =	vpop (erf)  }
0x47e: {  	v13 =	vadd.s32 $0xFFFFFF81, v13;
	v9 =	vld [tilespmem:s1+$0x18C00];
	v19 =	vmul.f32 v19, v6;
	v6 =	vmul.f32 v4, v17  }
0x47f: {  	v12 =	vadd.f32 v14, v12;
	v4 =	vcvt.s32.f32 v13;
	v17 =	vld [tilespmem:s1+$0x15000];
	v15 =	vmul.f32 $1.442695020e+00, v15  }
0x480: {  	v14 =	vld [tilespmem:s1+$0xE400];
	v13 =	vadd.f32 $-1.000000000e+00, v20;
	v21 =	vmul.f32 $1.442695020e+00, v21;
	v27 =	vmul.f32 $1.442695020e+00, v16  }
0x481: {  	v10 =	vshll.u32 v10, $0x6;
	v20 =	vld [tilespmem:s1+$0x16800];
	v22 =	vpop (erf);
	v26 =	vmul.f32 $1.442695020e+00, v26;
	v23 =	vmul.f32 v19, v19  }
0x482: {  	v25 =	vand.u32 $0xFFFFFF80, v10;
	v16 =	vld [tilespmem:s1+$0xF000];
	v8 =	vmul.f32 v22, v13;
	v57 =	vmul.f32 $1.442695020e+00, v18  }
0x483: {  	v10 =	vand.u32 $0xFFFFFF00, v10;
	v13 =	vld [tilespmem:s1+$0xC000];
	(erf) = vpow2.f32 v15;
	v22 =	vmul.f32 $4.121985730e-01, v23  }
0x484: {  	v59 =	vxor.u32 $0x100, v10;
	v11 =	vmul.f32 v8, v8;
	v15 =	vmul.f32 $1.442695020e+00, v17;
	v17 =	vld [tilespmem:s1+$0xCC00]  }
0x485: {  	v18 =	vshll.u32 v9, $0x6;
	v9 =	vld [tilespmem:s1+$0xD800];
	(erf) = vrcp.f32 v12;
	v10 =	vmul.f32 $1.442695020e+00, v14  }
0x486: {  	v20 =	vmul.f32 $1.442695020e+00, v20;
	(erf) = vpow2.f32 v21;
	v21 =	vld [tilespmem:s1+$0xFC00]  }
0x487: {  	v22 =	vadd.f32 $5.770780440e-01, v22;
	v58 =	vmul.f32 $4.121985730e-01, v11;
	v16 =	vmul.f32 $1.442695020e+00, v16  }
0x488: {  	v56 =	vxor.u32 v1, v25;
	v12 =	vmul.f32 $1.442695020e+00, v13;
	(erf) = vpow2.f32 v15  }
0x489: {  	v14 =	vor.u32 v0, v25;
	v22 =	vmul.f32 v22, v23;
	v15 =	vmul.f32 $1.442695020e+00, v17  }
0x48a: {  	v13 =	vld [tilespmem:s1+$0x10800];
	v60 =	vmul.f32 $1.442695020e+00, v9;
	v9 =	vand.u32 $0xFFFFFF80, v18;
	(erf) = vpow2.f32 v12  }
0x48b: {  	v61 =	vld [tilespmem:s1+$0x13800];
	v17 =	vor.u32 v0, v59;
	v12 =	vadd.f32 $9.617967000e-01, v22;
	(erf) = vpow2.f32 v15  }
0x48c: {  	v22 =	vld [tilespmem:s1+$0x14400];
	v21 =	vmul.f32 $1.442695020e+00, v21;
	v15 =	vadd.f32 $5.770780440e-01, v58;
	(erf) = vpow2.f32 v10  }
0x48d: {  	v25 =	vld.idx.msk [tilespmem:v56+s24+$0x0], $0xffff;
	v12 =	vmul.f32 v12, v23;
	v10 =	vand.u32 $0xFFFFFF00, v18;
	(erf) = vpow2.f32 v16  }
0x48e: {  	v18 =	vld.idx.msk [tilespmem:v14+s24+$0x0], $0xffff;
	v14 =	vmul.f32 v15, v11;
	v15 =	vor.u32 v1, v59;
	(erf) = vpow2.f32 v57  }
0x48f: {  	v13 =	vmul.f32 $1.442695020e+00, v13;
	v23 =	vpop (erf);
	(erf) = vpow2.f32 v60  }
0x490: {  	v16 =	vpop (erf);
	v62 =	vld.idx.msk [tilespmem:v17+s24+$0x0], $0xffff;
	v17 =	vadd.f32 $2.885390040e+00, v12;
	v12 =	vmul.f32 v6, v6;
	(erf) = vpow2.f32 v20  }
0x491: {  	v14 =	vadd.f32 $9.617967000e-01, v14;
	v20 =	vmul.f32 $1.442695020e+00, v22;
	v22 =	vpop (erf);
	(erf) = vpow2.f32 v13  }
0x492: {  	v19 =	vmul.f32 v17, v19;
	v13 =	vadd.f32 v23, v22;
	v22 =	vpop (erf);
	(erf) = vpow2.f32 v26  }
0x493: {  	v23 =	vadd.f32 v25, v18;
	v26 =	vmul.f32 $1.442695020e+00, v61;
	v63 =	vpop (erf);
	v17 =	vld.idx.msk [tilespmem:v15+s24+$0x0], $0xffff;
	(erf) = vpow2.f32 v27  }
0x494: {  	v19 =	vadd.f32 v24, v19;
	v15 =	vmul.f32 $4.121985730e-01, v12;
	v24 =	vpop (erf);
	(erf) = vpow2.f32 v20  }
0x495: {  	s31 =	simm.s32 $0x3;
	[tilespmem:$0x19C00] =	vst v13;
	v25 =	vadd.f32 v62, v23;
	v20 =	vadd.f32 v24, v63;
	v24 =	vpop (erf);
	(erf) = vpow2.f32 v26  }
.LBB2_12:
0x496: {  	s0 =	smul.u32 $0xAB, s31  }
0x497: {  	p0 =	sne.s32 s31, $0xBF;
	v26 =	vpop (erf);
	(erf) = vpow2.f32 v21;
	v18 =	vmul.f32 v18, v16;
	v19 =	vmax.f32 v19, $-2.325349620e+01;
	s1 =	smov.u32 s31;
	s31 =	sadd.s32 $0x1, s31  }
0x498: {  	v23 =	vmul.f32 v23, v16;
	[tilespmem:$0x19A00] =	vst v20;
	v21 =	vpop (erf);
	v17 =	vadd.f32 v17, v25;
	v5 =	vadd.f32 v19, v5  }
0x499: {  	v11 =	vmul.f32 v14, v11;
	s3 =	sshrl.u32 s0, $0xC;
	s0 =	sshrl.u32 s0, $0x5;
	v19 =	vadd.f32 v21, v22;
	v21 =	vpop (erf);
	v22 =	vand.u32 $0x7FFFFF, v18  }
0x49a: {  	s3 =	sand.u32 $0xF, s3;
	v14 =	vadd.f32 v24, v21;
	v21 =	vpop (erf);
	v16 =	vmul.f32 v17, v16;
	v17 =	vand.u32 $0x7FFFFF, v23  }
0x49b: {  	v15 =	vadd.f32 $5.770780440e-01, v15;
	v22 =	vor.u32 $0x3F800000, v22;
	s28 =	smul.u32 $0x18, s3;
	s3 =	sshrl.u32 s3, $0x3;
	[tilespmem:$0x19D00] =	vst v19;
	v24 =	vpop (erf);
	v17 =	vor.u32 $0x3F800000, v17  }
0x49c: {  	[tilespmem:$0x19A80] =	vst v14;
	v14 =	vadd.f32 v14, v20;
	v20 =	vpop (erf);
	v25 =	vand.u32 $0x7FFFFF, v16;
	v29 =	vadd.f32 $1.000000000e+00, v17  }
0x49d: {  	v15 =	vmul.f32 v15, v12;
	s1 =	ssub.s32 s1, s28;
	v20 =	vadd.f32 v20, v24;
	v24 =	vpop (erf);
	v25 =	vor.u32 $0x3F800000, v25  }
0x49e: {  	s3 =	smul.u32 $0xC00, s3;
	s28 =	sshll.u32 s1, $0x4;
	s1 =	sshll.u32 s1, $0x7;
	v30 =	vadd.f32 v24, v21;
	v24 =	vpop (erf);
	v28 =	vadd.f32 $1.000000000e+00, v25;
	(erf) = vrcp.f32 v29  }
0x49f: {  	v15 =	vadd.f32 $9.617967000e-01, v15;
	v16 =	vshra.s32 v16, $0x17;
	v29 =	vadd.f32 $1.000000000e+00, v22;
	s1 =	sand.u32 $0xC00, s1;
	[tilespmem:$0x19B80] =	vst v20;
	v27 =	vpop (erf)  }
0x4a0: {  	v11 =	vadd.f32 $2.885390040e+00, v11;
	s0 =	sand.u32 $0x380, s0;
	s1 =	sadd.s32 s1, s3;
	[tilespmem:$0x19D80] =	vst v30;
	v19 =	vadd.f32 v30, v19;
	v21 =	vpop (erf);
	(erf) = vrcp.f32 v28  }
0x4a1: {  	v12 =	vmul.f32 v15, v12;
	s3 =	sand.u32 $0x70, s28;
	v24 =	vadd.f32 v24, v27;
	s0 =	sor.u32 s0, s1;
	v21 =	vadd.f32 v21, v26  }
0x4a2: {  	v8 =	vmul.f32 v11, v8;
	v15 =	vadd.s32 $0xFFFFFF81, v16;
	s1 =	sor.u32 s3, s0;
	(erf) = vrcp.f32 v29  }
0x4a3: {  	v12 =	vadd.f32 $2.885390040e+00, v12;
	v11 =	vadd.f32 v24, v13;
	v13 =	vshra.s32 v18, $0x17;
	[tilespmem:$0x19B00] =	vst v21  }
0x4a4: {  	v7 =	vadd.f32 v7, v8;
	v16 =	vadd.f32 v20, v21;
	v13 =	vadd.s32 $0xFFFFFF81, v13;
	[tilespmem:$0x19C80] =	vst v24  }
0x4a5: {  	v6 =	vmul.f32 v12, v6;
	v18 =	vshra.s32 v23, $0x17;
	v11 =	vadd.f32 v19, v11;
	v8 =	vld [tilespmem:s1+$0x18C00]  }
0x4a6: {  	v7 =	vmax.f32 v7, $-2.325349620e+01;
	v14 =	vadd.f32 v16, v14;
	v16 =	vadd.f32 $-1.000000000e+00, v17;
	v12 =	vld [tilespmem:s1+$0x17400]  }
0x4a7: {  	v3 =	vadd.f32 v7, v3;
	v23 =	vadd.s32 $0xFFFFFF81, v18;
	v20 =	vadd.f32 v4, v6;
	v17 =	vld [tilespmem:s1+$0x16800];
	v19 =	vpop (erf)  }
0x4a8: {  	v7 =	vadd.f32 $-1.000000000e+00, v25;
	v14 =	vadd.f32 v11, v14;
	v21 =	vld [tilespmem:s1+$0x12C00];
	v6 =	vmul.f32 v19, v16  }
0x4a9: {  	v4 =	vcvt.s32.f32 v23;
	v11 =	vadd.f32 $-1.000000000e+00, v22;
	v19 =	vmax.f32 v20, $-2.325349620e+01;
	v16 =	vld [tilespmem:s1+$0x10800];
	v18 =	vpop (erf)  }
0x4aa: {  	v2 =	vadd.f32 v19, v2;
	v20 =	vld [tilespmem:s1+$0x12000];
	v24 =	vshll.u32 v8, $0x6;
	v23 =	vmul.f32 v18, v7  }
0x4ab: {  	v7 =	vcvt.s32.f32 v13;
	v18 =	vld [tilespmem:s1+$0x15000];
	v19 =	vand.u32 $0xFFFFFF80, v24;
	v22 =	vand.u32 $0xFFFFFF00, v24;
	v8 =	vpop (erf)  }
0x4ac: {  	v24 =	vxor.u32 $0x100, v10;
	v13 =	vld [tilespmem:s1+$0x15C00];
	v25 =	vmul.f32 v23, v23;
	v8 =	vmul.f32 v8, v11;
	v10 =	vmovc v22  }
0x4ad: {  	v15 =	vcvt.s32.f32 v15;
	v26 =	vxor.u32 v1, v9;
	v22 =	vld [tilespmem:s1+$0xC000];
	v21 =	vmul.f32 $1.442695020e+00, v21  }
0x4ae: {  	v28 =	vor.u32 v1, v24;
	v27 =	vld [tilespmem:s1+$0xE400];
	v29 =	vmul.f32 $4.121985730e-01, v25;
	v11 =	vmul.f32 v8, v8  }
0x4af: {  	v30 =	vld [tilespmem:s1+$0x11400];
	v20 =	vmul.f32 $1.442695020e+00, v20;
	(erf) = vpow2.f32 v21;
	v21 =	vor.u32 v0, v24  }
0x4b0: {  	v31 =	vmul.f32 $1.442695020e+00, v17;
	v24 =	vld [tilespmem:s1+$0xCC00];
	v18 =	vmul.f32 $1.442695020e+00, v18;
	v17 =	vadd.f32 $5.770780440e-01, v29  }
0x4b1: {  	v32 =	vmul.f32 $1.442695020e+00, v12;
	v29 =	vld [tilespmem:s1+$0xF000];
	(erf) = vrcp.f32 v14  }
0x4b2: {  	v12 =	vmul.f32 $1.442695020e+00, v22;
	v26 =	vld.idx.msk [tilespmem:v26+s24+$0x0], $0xffff;
	v14 =	vmul.f32 v17, v25  }
0x4b3: {  	v33 =	vor.u32 v0, v9;
	v9 =	vmovc v19;
	v34 =	vmul.f32 $4.121985730e-01, v11;
	v13 =	vmul.f32 $1.442695020e+00, v13;
	v22 =	vld [tilespmem:s1+$0xD800]  }
0x4b4: {  	v19 =	vmul.f32 $1.442695020e+00, v30;
	(erf) = vpow2.f32 v20;
	v30 =	vld.idx.msk [tilespmem:v21+s24+$0x0], $0xffff;
	v14 =	vadd.f32 $9.617967000e-01, v14  }
0x4b5: {  	v20 =	vmul.f32 $1.442695020e+00, v27;
	v21 =	vadd.f32 $5.770780440e-01, v34;
	(erf) = vpow2.f32 v18;
	v17 =	vld.idx.msk [tilespmem:v28+s24+$0x0], $0xffff  }
0x4b6: {  	v18 =	vmul.f32 $1.442695020e+00, v24;
	v27 =	vld [tilespmem:s1+$0xFC00];
	v24 =	vmul.f32 $1.442695020e+00, v29  }
0x4b7: {  	v28 =	vmul.f32 $1.442695020e+00, v16;
	(erf) = vpow2.f32 v12  }
0x4b8: {  	v29 =	vld [tilespmem:s1+$0x14400];
	v12 =	vmul.f32 $1.442695020e+00, v22;
	(erf) = vpow2.f32 v18;
	v22 =	vpop (erf)  }
0x4b9: {  	v14 =	vmul.f32 v14, v25;
	v34 =	vld [tilespmem:s1+$0x13800];
	(erf) = vpow2.f32 v20  }
0x4ba: {  	v20 =	vmul.f32 v21, v11;
	(erf) = vpow2.f32 v24;
	v18 =	vld.idx.msk [tilespmem:v33+s24+$0x0], $0xffff;
	v16 =	vpop (erf)  }
0x4bb: {  	v21 =	vmul.f32 $1.442695020e+00, v27;
	(erf) = vpow2.f32 v13  }
0x4bc: {  	v24 =	vadd.f32 $2.885390040e+00, v14;
	(erf) = vpow2.f32 v12;
	v12 =	vmul.f32 v6, v6  }
0x4bd: {  	v14 =	vadd.f32 $9.617967000e-01, v20;
	v25 =	vmul.f32 $1.442695020e+00, v29;
	v13 =	vpop (erf);
	(erf) = vpow2.f32 v31  }
.Ltmp5:
0x4be: {  	v13 =	vadd.f32 v22, v13;
	(erf) = vpow2.f32 v28;
	v22 =	vpop (erf);
	v28 =	vmul.f32 v24, v23;
	(pc) =	sbr.rel @p0 .LBB2_12-.Ltmp5, $4  }
0x4bf: {  	v27 =	vmul.f32 $1.442695020e+00, v34;
	(erf) = vpow2.f32 v19  }
0x4c0: {  	v23 =	vadd.f32 v26, v18;
	[tilespmem:$0x19C00] =	vst v13;
	v24 =	vpop (erf);
	(erf) = vpow2.f32 v32;
	v19 =	vadd.f32 v15, v28  }
0x4c1: {  	v15 =	vmul.f32 $4.121985730e-01, v12;
	v20 =	vpop (erf);
	(erf) = vpow2.f32 v25  }
0x4c2: {  	v25 =	vadd.f32 v30, v23;
	v20 =	vadd.f32 v20, v24;
	v24 =	vpop (erf);
	(erf) = vpow2.f32 v27  }
0x4c3: {  	v26 =	vpop (erf);
	(erf) = vpow2.f32 v21  }
0x4c4: {  	v60 =	vpop (erf)  }
0x4c5: {  	v27 =	vpop (erf)  }
0x4c6: {  	v28 =	vpop (erf)  }
0x4c7: {  	v29 =	vpop (erf)  }
0x4c8: {  	v30 =	vpop (erf)  }
0x4c9: {  	v18 =	vmul.f32 v18, v16;
	v23 =	vmul.f32 v23, v16;
	v42 =	vxor.u32 v1, v9;
	v61 =	vpop (erf)  }
0x4ca: {  	v44 =	vor.u32 v0, v9;
	v10 =	vxor.u32 $0x100, v10;
	v17 =	vadd.f32 v17, v25;
	v62 =	vpop (erf)  }
0x4cb: {  	v21 =	vadd.f32 v60, v22;
	v35 =	vand.u32 $0x7FFFFF, v23;
	v24 =	vadd.f32 v24, v27;
	v31 =	vpop (erf)  }
0x4cc: {  	v63 =	vmul.f32 v17, v16;
	v34 =	vadd.f32 v30, v29;
	v25 =	vadd.f32 v61, v28;
	v33 =	vpop (erf)  }
0x4cd: {  	[tilespmem:$0x19A00] =	vst v20;
	v36 =	vor.u32 $0x3F800000, v35;
	v17 =	vadd.f32 v62, v31;
	v22 =	vadd.f32 v33, v26  }
0x4ce: {  	[tilespmem:$0x19D00] =	vst v21;
	v39 =	vadd.f32 v24, v20;
	v40 =	vand.u32 $0x7FFFFF, v63;
	v37 =	vadd.f32 v25, v21  }
0x4cf: {  	[tilespmem:$0x19A80] =	vst v24;
	v27 =	vor.u32 $0x3F800000, v40;
	v13 =	vadd.f32 v17, v13;
	v41 =	vadd.f32 v34, v22  }
0x4d0: {  	v32 =	vand.u32 $0x7FFFFF, v18;
	v43 =	vadd.f32 $1.000000000e+00, v36;
	v45 =	vadd.f32 $1.000000000e+00, v27;
	[tilespmem:$0x19B80] =	vst v34  }
0x4d1: {  	v38 =	vor.u32 $0x3F800000, v32;
	[tilespmem:$0x19D80] =	vst v25;
	v13 =	vadd.f32 v37, v13;
	v20 =	vadd.f32 v41, v39  }
0x4d2: {  	v47 =	vor.u32 v0, v10;
	v46 =	vadd.f32 $1.000000000e+00, v38;
	(erf) = vrcp.f32 v43;
	[tilespmem:$0x19C80] =	vst v17  }
0x4d3: {  	(erf) = vrcp.f32 v45;
	[tilespmem:$0x19B00] =	vst v22;
	v13 =	vadd.f32 v13, v20  }
0x4d4: {  	v10 =	vor.u32 v1, v10;
	(erf) = vrcp.f32 v46;
	v17 =	vld.idx.msk [tilespmem:v42+s24+$0x0], $0xffff  }
0x4d5: {  	v9 =	vld.idx.msk [tilespmem:v44+s24+$0x0], $0xffff;
	(erf) = vrcp.f32 v13;
	_ =	sdelay $0x1  }
0x4d6: {  	v48 =	vld.idx.msk [tilespmem:v47+s24+$0x0], $0xffff  }
0x4d7: {  	v15 =	vadd.f32 $5.770780440e-01, v15  }
0x4d8: {  	v10 =	vld.idx.msk [tilespmem:v10+s24+$0x0], $0xffff  }
0x4d9: {  	v19 =	vmax.f32 v19, $-2.325349620e+01;
	v15 =	vmul.f32 v15, v12;
	v17 =	vadd.f32 v17, v9  }
0x4da: {  	v11 =	vmul.f32 v14, v11;
	v5 =	vadd.f32 v19, v5;
	v49 =	vpop (erf)  }
0x4db: {  	v18 =	vshra.s32 v18, $0x17;
	v15 =	vadd.f32 $9.617967000e-01, v15;
	v50 =	vpop (erf);
	v13 =	vadd.f32 v48, v17  }
0x4dc: {  	v11 =	vadd.f32 $2.885390040e+00, v11;
	v18 =	vadd.s32 $0xFFFFFF81, v18;
	v32 =	vshra.s32 v23, $0x17;
	v52 =	vpop (erf)  }
0x4dd: {  	v16 =	vshra.s32 v63, $0x17;
	v55 =	vmul.f32 v15, v12;
	v10 =	vadd.f32 v10, v13;
	v53 =	vpop (erf)  }
0x4de: {  	v8 =	vmul.f32 v11, v8;
	v56 =	vadd.s32 $0xFFFFFF81, v16;
	v14 =	vmul.f32 v17, v53  }
0x4df: {  	v51 =	vadd.f32 $-1.000000000e+00, v27;
	v12 =	vadd.f32 $2.885390040e+00, v55;
	v10 =	vmul.f32 v10, v53  }
0x4e0: {  	v21 =	vadd.f32 $-1.000000000e+00, v38;
	v9 =	vmul.f32 v9, v53;
	v58 =	vand.u32 $0x7FFFFF, v14  }
0x4e1: {  	v54 =	vmul.f32 v50, v51;
	v59 =	vand.u32 $0x7FFFFF, v10;
	v16 =	vor.u32 $0x3F800000, v58  }
0x4e2: {  	v62 =	vand.u32 $0x7FFFFF, v9;
	v17 =	vor.u32 $0x3F800000, v59;
	v60 =	vadd.f32 $1.000000000e+00, v16  }
0x4e3: {  	v57 =	vmul.f32 v54, v54;
	v25 =	vor.u32 $0x3F800000, v62;
	v63 =	vadd.f32 $1.000000000e+00, v17  }
0x4e4: {  	v6 =	vmul.f32 v12, v6;
	v30 =	vadd.f32 $1.000000000e+00, v25;
	(erf) = vrcp.f32 v60  }
0x4e5: {  	v7 =	vadd.f32 v7, v8;
	v61 =	vmul.f32 $4.121985730e-01, v57;
	(erf) = vrcp.f32 v63  }
0x4e6: {  	v34 =	vadd.f32 $-1.000000000e+00, v36;
	v19 =	vmul.f32 v52, v21;
	(erf) = vrcp.f32 v30  }
0x4e7: {  	v18 =	vcvt.s32.f32 v18;
	v7 =	vmax.f32 v7, $-2.325349620e+01;
	v29 =	vadd.f32 $5.770780440e-01, v61  }
0x4e8: {  	v4 =	vadd.f32 v4, v6;
	v36 =	vmul.f32 v49, v34;
	v33 =	vmul.f32 v19, v19  }
0x4e9: {  	v15 =	vcvt.s32.f32 v56;
	v3 =	vadd.f32 v7, v3;
	v31 =	vmul.f32 v29, v57  }
0x4ea: {  	v4 =	vmax.f32 v4, $-2.325349620e+01;
	v39 =	vmul.f32 v36, v36;
	v35 =	vmul.f32 $4.121985730e-01, v33  }
0x4eb: {  	v2 =	vadd.f32 v4, v2;
	v21 =	vadd.s32 $0xFFFFFF81, v32;
	v8 =	vadd.f32 $9.617967000e-01, v31  }
0x4ec: {  	v42 =	vmul.f32 $4.121985730e-01, v39;
	v6 =	vadd.f32 $5.770780440e-01, v35;
	v16 =	vadd.f32 $-1.000000000e+00, v16  }
0x4ed: {  	v37 =	vcvt.s32.f32 v21;
	v8 =	vmul.f32 v8, v57;
	v17 =	vadd.f32 $-1.000000000e+00, v17;
	v38 =	vpop (erf)  }
0x4ee: {  	v6 =	vmul.f32 v6, v33;
	v41 =	vadd.f32 $-1.000000000e+00, v25;
	v40 =	vpop (erf);
	v16 =	vmul.f32 v38, v16  }
0x4ef: {  	v45 =	vadd.f32 $5.770780440e-01, v42;
	v8 =	vadd.f32 $2.885390040e+00, v8;
	v17 =	vmul.f32 v40, v17;
	v43 =	vpop (erf)  }
0x4f0: {  	v6 =	vadd.f32 $9.617967000e-01, v6;
	v13 =	vmul.f32 v43, v41;
	v46 =	vmul.f32 v16, v16  }
0x4f1: {  	v10 =	vshra.s32 v10, $0x17;
	v8 =	vmul.f32 v8, v54;
	v44 =	vmul.f32 v17, v17  }
0x4f2: {  	v9 =	vshra.s32 v9, $0x17;
	v48 =	vmul.f32 v13, v13;
	v49 =	vmul.f32 $4.121985730e-01, v46  }
0x4f3: {  	v14 =	vshra.s32 v14, $0x17;
	v8 =	vadd.f32 v15, v8;
	v47 =	vmul.f32 $4.121985730e-01, v44  }
0x4f4: {  	v15 =	vmul.f32 v45, v39;
	v51 =	vmul.f32 $4.121985730e-01, v48;
	v53 =	vadd.f32 $5.770780440e-01, v49  }
0x4f5: {  	v10 =	vadd.s32 $0xFFFFFF81, v10;
	v8 =	vmax.f32 v8, $-2.325349620e+01;
	v50 =	vadd.f32 $5.770780440e-01, v47  }
0x4f6: {  	v52 =	vadd.f32 $9.617967000e-01, v15;
	v22 =	vadd.f32 $5.770780440e-01, v51;
	v15 =	vmul.f32 v53, v46  }
0x4f7: {  	v9 =	vadd.s32 $0xFFFFFF81, v9;
	v5 =	vadd.f32 v8, v5;
	v8 =	vmul.f32 v50, v44  }
0x4f8: {  	v12 =	vmul.f32 v52, v39;
	v54 =	vmul.f32 v22, v48;
	v15 =	vadd.f32 $9.617967000e-01, v15  }
0x4f9: {  	v56 =	vadd.s32 $0xFFFFFF81, v14;
	v6 =	vmul.f32 v6, v33;
	v8 =	vadd.f32 $9.617967000e-01, v8  }
0x4fa: {  	v12 =	vadd.f32 $2.885390040e+00, v12;
	v55 =	vadd.f32 $9.617967000e-01, v54;
	v15 =	vmul.f32 v15, v46  }
0x4fb: {  	v10 =	vcvt.s32.f32 v10;
	v6 =	vadd.f32 $2.885390040e+00, v6;
	v4 =	vmul.f32 v8, v44  }
0x4fc: {  	v7 =	vmul.f32 v12, v36;
	v8 =	vmul.f32 v55, v48;
	v57 =	vadd.f32 $2.885390040e+00, v15  }
0x4fd: {  	v58 =	vcvt.s32.f32 v56;
	v6 =	vmul.f32 v6, v19;
	v4 =	vadd.f32 $2.885390040e+00, v4  }
0x4fe: {  	v7 =	vadd.f32 v37, v7;
	v8 =	vadd.f32 $2.885390040e+00, v8;
	v59 =	vmul.f32 v57, v16  }
0x4ff: {  	v9 =	vcvt.s32.f32 v9;
	v6 =	vadd.f32 v18, v6;
	v4 =	vmul.f32 v4, v17  }
0x500: {  	v7 =	vmax.f32 v7, $-2.325349620e+01;
	v8 =	vmul.f32 v8, v13;
	v60 =	vadd.f32 v58, v59  }
0x501: {  	v2 =	vadd.f32 v7, v2;
	v4 =	vadd.f32 v10, v4  }
0x502: {  	v6 =	vmax.f32 v6, $-2.325349620e+01;
	v61 =	vadd.f32 v9, v8;
	v62 =	vmax.f32 v60, $-2.325349620e+01  }
0x503: {  	v3 =	vadd.f32 v6, v3;
	v4 =	vmax.f32 v4, $-2.325349620e+01;
	v2 =	vadd.f32 v62, v2  }
0x504: {  	v4 =	vadd.f32 v4, v5;
	v63 =	vmax.f32 v61, $-2.325349620e+01  }
0x505: {  	s30 =	sadd.s32 $0x1, s30;
	v3 =	vadd.f32 v63, v3;
	[tilespmem:$0x19880] =	vst v2  }
0x506: {  	p0 =	sne.s32 s30, s16;
	[tilespmem:$0x19800] =	vst v4  }
.Ltmp6:
0x507: {  	s0 =	simm.s32 $0x19800;
	[tilespmem:$0x19900] =	vst v3;
	(pc) =	sbr.rel @p0 .LBB2_1-.Ltmp6, $4  }
0x508: {  	[hbm4b:s15+s2] =	stream.linear.scatter [tilespmem:s0], [sflag:$0x5], $0x180, $0x38;
	[tilespmem:$0x19E00] =	vst v63  }
0x509: {  	_ =	swait.ge [sflag:s29], $0x180  }
0x50a: {  	[sflag:s29] =	ssyncset.done $0x0  }
0x50b: {  	[sflag:s29] =	ssyncadd.s32 $0xFFFFFE80  }
0x50c: {  	_ =	sfence.sel $0x180000  }
0x50d: {  	[bflag:$0x0] =	sbarrier.arrive $0xFFFF  }
0x50e: {  	_ =	strace $0x90000047  }
0x50f: {  	s0 =	stileid.u32;
	[bflag:$0x2] =	sbarrier.arrive $0xFFFF  }
0x510: {  	p0 =	sne.s32 s0, $0x0;
	s0 =	rddreg [dreg:$0x3]  }
0x511: {  	s0 =	sadd.s32 @!p0 $0x100000, s0  }
0x512: {  	[sflag:s0] =	ssyncadd.tile.s32 @!p0 $0x1;
	_ =	shalt  }
.Lfunc_end2:
_tile_overlayer_lowered:
.L_overlay_start_2:
0x513: {  	(tag) =	ssettag $0x2  }
0x514: {  	s0 =	rddreg [dreg:$0x0];
	s2 =	stileid.u32  }
0x515: {  	s1 =	rddreg [dreg:$0x1];
	p0 =	sne.s32 s2, $0x0  }
0x516: {  	s3 =	rddreg [dreg:$0x2];
	[bflag:$0x3] =	sbarrier.arrive $0xFFFF;
	s2 =	simm.s32 @!p0 $0x1C05  }
0x517: {  	[timem:s3], [sflag:s2] =	dma.local @!p0 [hbm:s0], s1  }
0x518: {  	s0 =	simm.s32 @!p0 $0x5  }
0x519: {  	_ =	swait.ge @!p0 [sflag:s0], s1  }
0x51a: {  	s1 =	ssub.s32 @!p0 $0x0, s1;
	[sflag:s0] =	ssyncset.done @!p0 $0x0  }
0x51b: {  	[sflag:s0] =	ssyncadd.s32 @!p0 s1  }
0x51c: {  	[bflag:$0x3] =	sbarrier.arrive $0xFFFF  }
0x51d: {  	_ =	shalt  }

</sc_bundles>
